<compile_context>
chip_gen: v7x
topology: tpu7x:2x2x1
jax: 0.10.2.dev20260603
libtpu: 0.0.44.dev20260713+nightly
codegen_flags: <defaults>
</compile_context>

<pallas_src>
import functools

import jax
import jax.numpy as jnp
from jax import lax
from jax.experimental import pallas as pl
from jax.experimental.pallas import tpu as pltpu
from jax.experimental.pallas import tpu_sc as plsc

D = 64
ED = 16
PE = 20
G = 256
NLAYER = 3

TILES = 16
CH = 8
BN = 1000
BE = 2048


def _embed_body(xb, tab, out):
    ids = xb[...]
    iota = lax.broadcasted_iota(jnp.int32, (BN, 32), 1)
    oh = (ids == iota).astype(jnp.float32)
    out[...] = jnp.dot(oh, tab[...], preferred_element_type=jnp.float32)


def _edge_body(ea, w, out):
    for q in range(4):
        out[0, q] = jnp.dot(ea[...], w[0, q],
                            preferred_element_type=jnp.float32)


def _mlp_body(h, a0, a1, a2, a3, scale, w1, b1, w2, b2, out):
    hb = h[...]
    t = scale[0, 0] * jnp.dot(hb, w1[...], preferred_element_type=jnp.float32)
    for q, aq in enumerate((a0, a1, a2, a3)):
        t += jnp.dot(aq[0], w1[16 * q:16 * (q + 1), :],
                     preferred_element_type=jnp.float32)
    t = jnp.maximum(t + b1[...], 0.0)
    out[...] = hb + jnp.dot(t, w2[...], preferred_element_type=jnp.float32) + b2[...]


def _pool_body(bid, h, peb, posw, posb, w1, b1, w2, b2, out, acc_h, acc_p):
    b = pl.program_id(0)

    @pl.when(b == 0)
    def _():
        acc_h[...] = jnp.zeros_like(acc_h)
        acc_p[...] = jnp.zeros_like(acc_p)

    gi = lax.broadcasted_iota(jnp.int32, (G, BN), 0)
    oh = (gi == bid[0]).astype(jnp.float32)
    acc_h[...] += jnp.dot(oh, h[...], preferred_element_type=jnp.float32)
    acc_p[...] += jnp.dot(oh, peb[...], preferred_element_type=jnp.float32)

    @pl.when(b == pl.num_programs(0) - 1)
    def _():
        ap = acc_p[...]
        pos = jnp.dot(ap[:, :PE], posw[...], preferred_element_type=jnp.float32)
        pos += ap[:, PE:PE + 1] * posb[...]
        r = jnp.dot(acc_h[...], w1[:D, :], preferred_element_type=jnp.float32)
        r += jnp.dot(pos, w1[D:, :], preferred_element_type=jnp.float32)
        r = jnp.maximum(r + b1[...], 0.0)
        out[...] = jnp.dot(r, w2[...], preferred_element_type=jnp.float32) + b2[...]


def _sc_body(l, nchunk, ipt, rpt, h4, e3, srcg, dstg, zer, out, idxs, idxd, m,
             aggsh, sem):
    c = lax.axis_index("c")
    s = lax.axis_index("s")
    for q in range(2):
        qq = 2 * c + q
        pltpu.sync_copy(zer.at[pl.ds(s * ipt, ipt)],
                        aggsh.at[pl.ds(s * ipt, ipt)])
        plsc.subcore_barrier()

        def chunk(i, carry):
            r0 = s * rpt + i * CH
            pltpu.sync_copy(srcg.at[qq, pl.ds(r0, CH)], idxs)
            pltpu.sync_copy(dstg.at[pl.ds(r0, CH)], idxd)
            pltpu.sync_copy(e3.at[l, qq, pl.ds(r0 * 128, CH * 128)], m)
            cps = [
                pltpu.async_copy(h4.at[idxs.at[j]], m.at[pl.ds(j * 128, 128)],
                                 sem, add=True)
                for j in range(CH)
            ]
            for cp in cps:
                cp.wait()

            @plsc.parallel_loop(0, CH * 128, step=1, unroll=8)
            def relu(r):
                m[r, pl.ds(0, 16)] = jnp.maximum(m[r, pl.ds(0, 16)], 0.0)

            for j in range(CH):
                pltpu.sync_copy(m.at[pl.ds(j * 128, 128)],
                                aggsh.at[idxd.at[j]], add=True)
            return carry

        lax.fori_loop(0, nchunk, chunk, 0)
        plsc.subcore_barrier()
        pltpu.sync_copy(aggsh.at[pl.ds(s * ipt, ipt)],
                        out.at[qq, pl.ds(s * ipt, ipt)])


@functools.lru_cache(maxsize=None)
def _build(n, e):
    rows = -(-e // (128 * TILES * CH)) * (TILES * CH)
    epad = rows * 128
    npad = -(-(n + 1) // 128) * 128
    ipt = npad // TILES
    rpt = rows // TILES
    nchunk = rpt // CH
    nb = n // BN

    embed_call = pl.pallas_call(
        _embed_body,
        grid=(nb,),
        in_specs=[pl.BlockSpec((BN, 1), lambda b: (b, 0)),
                  pl.BlockSpec((32, D), lambda b: (0, 0))],
        out_specs=pl.BlockSpec((BN, D), lambda b: (b, 0)),
        out_shape=jax.ShapeDtypeStruct((n, D), jnp.float32),
    )

    xrows = epad // 8
    edge_call = pl.pallas_call(
        _edge_body,
        grid=(NLAYER, xrows // BE),
        in_specs=[pl.BlockSpec((BE, 8 * (ED + 1)), lambda l, b: (b, 0)),
                  pl.BlockSpec((1, 4, 8 * (ED + 1), 128),
                               lambda l, b: (l, 0, 0, 0))],
        out_specs=pl.BlockSpec((1, 4, BE, 128), lambda l, b: (l, 0, b, 0)),
        out_shape=jax.ShapeDtypeStruct((NLAYER, 4, xrows, 128), jnp.float32),
    )

    mlp_call = pl.pallas_call(
        _mlp_body,
        grid=(nb,),
        in_specs=[pl.BlockSpec((BN, D), lambda b: (b, 0)),
                  pl.BlockSpec((1, BN, 16), lambda b: (0, b, 0)),
                  pl.BlockSpec((1, BN, 16), lambda b: (1, b, 0)),
                  pl.BlockSpec((1, BN, 16), lambda b: (2, b, 0)),
                  pl.BlockSpec((1, BN, 16), lambda b: (3, b, 0)),
                  pl.BlockSpec((1, 1), lambda b: (0, 0)),
                  pl.BlockSpec((D, 2 * D), lambda b: (0, 0)),
                  pl.BlockSpec((1, 2 * D), lambda b: (0, 0)),
                  pl.BlockSpec((2 * D, D), lambda b: (0, 0)),
                  pl.BlockSpec((1, D), lambda b: (0, 0))],
        out_specs=pl.BlockSpec((BN, D), lambda b: (b, 0)),
        out_shape=jax.ShapeDtypeStruct((n, D), jnp.float32),
    )

    dh = D + PE
    pool_call = pl.pallas_call(
        _pool_body,
        grid=(nb,),
        in_specs=[pl.BlockSpec((1, 1, BN), lambda b: (b, 0, 0)),
                  pl.BlockSpec((BN, D), lambda b: (b, 0)),
                  pl.BlockSpec((BN, PE + 1), lambda b: (b, 0)),
                  pl.BlockSpec((PE, PE), lambda b: (0, 0)),
                  pl.BlockSpec((1, PE), lambda b: (0, 0)),
                  pl.BlockSpec((dh, dh // 2), lambda b: (0, 0)),
                  pl.BlockSpec((1, dh // 2), lambda b: (0, 0)),
                  pl.BlockSpec((dh // 2, 1), lambda b: (0, 0)),
                  pl.BlockSpec((1, 1), lambda b: (0, 0))],
        out_specs=pl.BlockSpec((G, 1), lambda b: (0, 0)),
        out_shape=jax.ShapeDtypeStruct((G, 1), jnp.float32),
        scratch_shapes=[pltpu.VMEM((G, D), jnp.float32),
                        pltpu.VMEM((G, PE + 1), jnp.float32)],
    )

    sc_calls = [
        pl.kernel(
            functools.partial(_sc_body, l, nchunk, ipt, rpt),
            out_type=jax.ShapeDtypeStruct((4, npad, 16), jnp.float32),
            mesh=plsc.VectorSubcoreMesh(core_axis_name="c",
                                        subcore_axis_name="s"),
            compiler_params=pltpu.CompilerParams(use_tc_tiling_on_sc=False),
            scratch_types=[pltpu.VMEM((CH, 128), jnp.int32),
                           pltpu.VMEM((CH, 128), jnp.int32),
                           pltpu.VMEM((CH * 128, 16), jnp.float32),
                           pltpu.VMEM_SHARED((npad, 16), jnp.float32),
                           pltpu.SemaphoreType.DMA],
        )
        for l in range(NLAYER)
    ]

    return embed_call, edge_call, mlp_call, pool_call, sc_calls, epad, npad


def kernel(x, edge_index, edge_attr, pe, batch_ids, params):
    f32 = jnp.float32
    n = x.shape[0]
    e = edge_index.shape[1]
    embed_call, edge_call, mlp_call, pool_call, sc_calls, epad, npad = _build(n, e)

    src = edge_index[0].astype(jnp.int32)
    dst = edge_index[1].astype(jnp.int32)
    pad = epad - e
    dump = n
    src_p = jnp.concatenate([src, jnp.zeros((pad,), jnp.int32)])
    dst_p = jnp.concatenate([dst, jnp.full((pad,), dump, jnp.int32)])
    src4 = src_p * 4
    srcg = jnp.stack([src4 + qq for qq in range(4)]).reshape(4, epad // 128, 128)
    dstg = dst_p.reshape(epad // 128, 128)

    ea = jnp.concatenate([edge_attr.astype(f32),
                          jnp.zeros((pad, ED), f32)], axis=0)
    ea_aug = jnp.concatenate([ea, jnp.ones((epad, 1), f32)], axis=1)
    ea8 = ea_aug.reshape(epad // 8, 8 * (ED + 1))
    eye8 = jnp.eye(8, dtype=f32)
    w8 = jnp.stack([
        jnp.stack([
            jnp.kron(eye8, jnp.concatenate(
                [lp['edge_W'], lp['edge_b'][None, :]],
                axis=0)[:, 16 * q:16 * (q + 1)])
            for q in range(4)
        ])
        for lp in params['layers']
    ])
    zer = jnp.zeros((npad, 16), f32)
    tab = jnp.concatenate([params['atom_table'],
                           jnp.zeros((32 - 21, D), f32)], axis=0)
    x_i = x.astype(jnp.int32)[:, None]

    h = embed_call(x_i, tab)
    e_sc = edge_call(ea8, w8).reshape(NLAYER, 4, epad, 16)

    for l in range(NLAYER):
        lp = params['layers'][l]
        agg = sc_calls[l](h.reshape(4 * n, 16), e_sc, srcg, dstg, zer)
        scale = (1.0 + lp['eps']).astype(f32).reshape(1, 1)
        h = mlp_call(h, agg, agg, agg, agg, scale, lp['W1'],
                     lp['b1'].reshape(1, 2 * D), lp['W2'],
                     lp['b2'].reshape(1, D))

    pe_aug = jnp.concatenate([pe.astype(f32), jnp.ones((n, 1), f32)], axis=1)
    bid = batch_ids.astype(jnp.int32).reshape(n // BN, 1, BN)
    out = pool_call(bid, h, pe_aug, params['pos_W'],
                    params['pos_b'].reshape(1, PE), params['head_W1'],
                    params['head_b1'].reshape(1, (D + PE) // 2),
                    params['head_W2'], params['head_b2'].reshape(1, 1))
    return out

# --- scband reference (transcript-rebuilt; emitter-appended) ---
"""Pipeline reference for scband-ginetransfer-19069654794755 (READ-ONLY COPY).

The authoritative reference and input builder live on the scoring server;
editing this copy changes nothing except your own understanding.
"""

import jax, jax.numpy as jnp
import numpy as np

N = 50000        # nodes
E = 800000       # edges
D = 64           # atom_dim
ED = 16          # bond_dim (edge feature dim)
PE_DIM = 20      # WavePE positional-encoding dim
L = 3            # num_layer
G = 256          # graphs in the batch (for global_add_pool)


def _lin(k, fan_in, fan_out):
    return jax.random.normal(k, (fan_in, fan_out), dtype=jnp.float32) / np.sqrt(fan_in)


def setup_inputs(seed: int = 0) -> dict:
    key = jax.random.key(seed)
    ks = jax.random.split(key, 16)
    x = jax.random.randint(ks[0], (N,), 0, 21)                       # zinc atom ids, Embedding(21, D)
    edge_index = jax.random.randint(ks[1], (2, E), 0, N)
    edge_attr = jax.random.normal(ks[2], (E, ED), dtype=jnp.float32)
    pe = jax.random.normal(ks[3], (N, PE_DIM), dtype=jnp.float32)    # raw wavelet PE features
    batch_ids = jnp.sort(jax.random.randint(ks[4], (N,), 0, G))

    layers = []
    for i in range(L):
        lk = jax.random.split(jax.random.fold_in(key, 100 + i), 4)
        layers.append({
            'eps': jnp.zeros((), jnp.float32),
            'edge_W': _lin(lk[0], ED, D), 'edge_b': jnp.zeros((D,), jnp.float32),
            'W1': _lin(lk[1], D, 2 * D), 'b1': jnp.zeros((2 * D,), jnp.float32),
            'W2': _lin(lk[2], 2 * D, D), 'b2': jnp.zeros((D,), jnp.float32),
        })
    DH = D + PE_DIM
    params = {
        'atom_table': jax.random.normal(ks[5], (21, D), dtype=jnp.float32) * 0.02,
        'pos_W': _lin(ks[6], PE_DIM, PE_DIM), 'pos_b': jnp.zeros((PE_DIM,), jnp.float32),
        'layers': layers,
        'head_W1': _lin(ks[7], DH, DH // 2), 'head_b1': jnp.zeros((DH // 2,), jnp.float32),
        'head_W2': _lin(ks[8], DH // 2, 1), 'head_b2': jnp.zeros((1,), jnp.float32),
    }
    return {'x': x, 'edge_index': edge_index, 'edge_attr': edge_attr,
            'pe': pe, 'batch_ids': batch_ids, 'params': params}


def reference(x, edge_index, edge_attr, pe, batch_ids, params):
    # atom_encoder: Embedding(21, atom_dim)
    h = params['atom_table'][x]
    # WavePE_Encoder: linear encoding of wavelet PE -> batch.pos (dim 20)
    pos = pe @ params['pos_W'] + params['pos_b']
    src = edge_index[0]
    dst = edge_index[1]
    # num_layer GINEConv_v2 layers (eps-weighted self + sum of relu(x_j + lin(edge_attr)))
    for lp in params['layers']:
        e = edge_attr @ lp['edge_W'] + lp['edge_b']
        m = jax.nn.relu(h[src] + e)                                  # gather over src nodes
        agg = jax.ops.segment_sum(m, dst, num_segments=N)            # scatter-add to dst nodes
        z = (1.0 + lp['eps']) * h + agg
        z = jax.nn.relu(z @ lp['W1'] + lp['b1']) @ lp['W2'] + lp['b2']
        h = h + z                                                    # residual=True (dropout=0 at eval)
    # concat node features with positional encodings, global_add_pool, predict
    hcat = jnp.concatenate([h, pos], axis=-1)
    g = jax.ops.segment_sum(hcat, batch_ids, num_segments=G)
    out = jax.nn.relu(g @ params['head_W1'] + params['head_b1']) @ params['head_W2'] + params['head_b2']
    return out

if __name__ == "__main__":
    import jax
    _d = setup_inputs()
    print(jax.jit(kernel)(*tuple(_d.values())))

</pallas_src>

<mosaic_0001>
#map = affine_map<(d0, d1) -> (0, 0)>
#map1 = affine_map<(d0, d1) -> (0, 0, 0, 0)>
#map2 = affine_map<(d0, d1) -> (0, 0, 0)>
module attributes {stable_mosaic.version = 14 : i64} {
  func.func @_sc_body(%arg0: i32, %arg1: i32, %arg2: memref<200000x16xf32, #tpu.memory_space<hbm>>, %arg3: memref<3x4x802816x16xf32, #tpu.memory_space<hbm>>, %arg4: memref<4x6272x128xi32, #tpu.memory_space<hbm>>, %arg5: memref<6272x128xi32, #tpu.memory_space<hbm>>, %arg6: memref<50048x16xf32, #tpu.memory_space<hbm>>, %arg7: memref<4x50048x16xf32, #tpu.memory_space<hbm>>, %arg8: memref<8x128xi32, #tpu.memory_space<vmem>>, %arg9: memref<8x128xi32, #tpu.memory_space<vmem>>, %arg10: memref<1024x16xf32, #tpu.memory_space<vmem>>, %arg11: memref<50048x16xf32, #tpu.memory_space<vmem_shared>>, %arg12: memref<!tpu.dma_semaphore, #tpu.memory_space<semaphore_mem>>) attributes {dimension_semantics = [#tpu.dimension_semantics<core_parallel>, #tpu.dimension_semantics<subcore_parallel>], iteration_bounds = array<i64: 2, 16>, scalar_prefetch = 0 : i64, scratch_operands = 5 : i64, tpu.core_type = #tpu.core_type<sc_vector_subcore>, window_params = [{transform_indices = #map}, {transform_indices = #map1}, {transform_indices = #map2}, {transform_indices = #map}, {transform_indices = #map}, {transform_indices = #map2}]} {
    %mul3A = arith.constant 2 : i32
    %mul3A_0 = arith.muli %mul3A, %arg0 : i32
    %add3A = arith.constant 0 : i32
    %add3A_1 = arith.addi %mul3A_0, %add3A : i32
    %mul3A_2 = arith.constant 3128 : i32
    %mul3A_3 = arith.muli %arg1, %mul3A_2 : i32
    %mul3A_4 = arith.constant 3128 : i32
    %mul3A_5 = arith.muli %arg1, %mul3A_4 : i32
    "tpu.region"() ({
      %run_scoped3A = tpu.sem_alloc : memref<!tpu.dma_semaphore, #tpu.memory_space<semaphore_mem>>
      %dma_start3A = arith.constant 0 : i32
      %dma_start3A_36 = tpu.memref_slice %arg11[%mul3A_5, %dma_start3A] : memref<50048x16xf32, #tpu.memory_space<vmem_shared>> -> memref<3128x16xf32, #tpu.memory_space<vmem_shared>>
      %dma_start3A_37 = arith.constant 0 : i32
      %dma_start3A_38 = tpu.memref_slice %arg6[%mul3A_3, %dma_start3A_37] : memref<50048x16xf32, #tpu.memory_space<hbm>> -> memref<3128x16xf32, #tpu.memory_space<hbm>>
      tpu.enqueue_dma source(%dma_start3A_38 : memref<3128x16xf32, #tpu.memory_space<hbm>>) target(%dma_start3A_36 : memref<3128x16xf32, #tpu.memory_space<vmem_shared>>) target_semaphore(%run_scoped3A : memref<!tpu.dma_semaphore, #tpu.memory_space<semaphore_mem>>)
      %dma_wait3A = arith.constant 0 : i32
      %dma_wait3A_39 = tpu.memref_slice %arg11[%mul3A_5, %dma_wait3A] : memref<50048x16xf32, #tpu.memory_space<vmem_shared>> -> memref<3128x16xf32, #tpu.memory_space<vmem_shared>>
      %dma_wait3A_40 = arith.constant 0 : i32
      %dma_wait3A_41 = tpu.memref_slice %arg6[%mul3A_3, %dma_wait3A_40] : memref<50048x16xf32, #tpu.memory_space<hbm>> -> memref<3128x16xf32, #tpu.memory_space<hbm>>
      tpu.wait_dma2 semaphore(%run_scoped3A : memref<!tpu.dma_semaphore, #tpu.memory_space<semaphore_mem>>) src(%dma_wait3A_41 : memref<3128x16xf32, #tpu.memory_space<hbm>>) dst(%dma_wait3A_39 : memref<3128x16xf32, #tpu.memory_space<vmem_shared>>)
      tpu.yield
    }) : () -> ()
    %barrier3A = arith.constant 0 : index
    tpu.barrier barrier_id(%barrier3A)
    %scan3A = arith.constant 0 : i32
    %scan3A_6 = arith.constant 0 : i32
    %scan3A_7 = arith.constant 49 : i32
    %scan3A_8 = arith.addi %scan3A_6, %scan3A_7 : i32
    %scan3A_9 = arith.constant 1 : i32
    scf.for %scan3A_36 = %scan3A_6 to %scan3A_8 step %scan3A_9  : i32 {
      %mul3A_37 = arith.constant 392 : i32
      %mul3A_38 = arith.muli %arg1, %mul3A_37 : i32
      %mul3A_39 = arith.constant 8 : i32
      %mul3A_40 = arith.muli %scan3A_36, %mul3A_39 : i32
      %add3A_41 = arith.addi %mul3A_38, %mul3A_40 : i32
      "tpu.region"() ({
        %run_scoped3A_212 = tpu.sem_alloc : memref<!tpu.dma_semaphore, #tpu.memory_space<semaphore_mem>>
        %dma_start3A_213 = arith.constant 0 : i32
        %dma_start3A_214 = tpu.memref_slice %arg4[%add3A_1, %add3A_41, %dma_start3A_213] : memref<4x6272x128xi32, #tpu.memory_space<hbm>> -> memref<1x8x128xi32, #tpu.memory_space<hbm>>
        %dma_start3A_215 = tpu.memref_squeeze %dma_start3A_214 : memref<1x8x128xi32, #tpu.memory_space<hbm>> -> memref<8x128xi32, #tpu.memory_space<hbm>>
        %dma_start3A_216 = arith.constant 0 : i32
        %dma_start3A_217 = tpu.memref_slice %arg4[%add3A_1, %add3A_41, %dma_start3A_216] : memref<4x6272x128xi32, #tpu.memory_space<hbm>> -> memref<1x8x128xi32, #tpu.memory_space<hbm>>
        %dma_start3A_218 = tpu.memref_squeeze %dma_start3A_217 : memref<1x8x128xi32, #tpu.memory_space<hbm>> -> memref<8x128xi32, #tpu.memory_space<hbm>>
        tpu.enqueue_dma source(%dma_start3A_218 : memref<8x128xi32, #tpu.memory_space<hbm>>) target(%arg8 : memref<8x128xi32, #tpu.memory_space<vmem>>) target_semaphore(%run_scoped3A_212 : memref<!tpu.dma_semaphore, #tpu.memory_space<semaphore_mem>>)
        %dma_wait3A_219 = arith.constant 0 : i32
        %dma_wait3A_220 = tpu.memref_slice %arg4[%add3A_1, %add3A_41, %dma_wait3A_219] : memref<4x6272x128xi32, #tpu.memory_space<hbm>> -> memref<1x8x128xi32, #tpu.memory_space<hbm>>
        %dma_wait3A_221 = tpu.memref_squeeze %dma_wait3A_220 : memref<1x8x128xi32, #tpu.memory_space<hbm>> -> memref<8x128xi32, #tpu.memory_space<hbm>>
        %dma_wait3A_222 = arith.constant 0 : i32
        %dma_wait3A_223 = tpu.memref_slice %arg4[%add3A_1, %add3A_41, %dma_wait3A_222] : memref<4x6272x128xi32, #tpu.memory_space<hbm>> -> memref<1x8x128xi32, #tpu.memory_space<hbm>>
        %dma_wait3A_224 = tpu.memref_squeeze %dma_wait3A_223 : memref<1x8x128xi32, #tpu.memory_space<hbm>> -> memref<8x128xi32, #tpu.memory_space<hbm>>
        tpu.wait_dma2 semaphore(%run_scoped3A_212 : memref<!tpu.dma_semaphore, #tpu.memory_space<semaphore_mem>>) src(%dma_wait3A_224 : memref<8x128xi32, #tpu.memory_space<hbm>>) dst(%arg8 : memref<8x128xi32, #tpu.memory_space<vmem>>)
        tpu.yield
      }) : () -> ()
      "tpu.region"() ({
        %run_scoped3A_212 = tpu.sem_alloc : memref<!tpu.dma_semaphore, #tpu.memory_space<semaphore_mem>>
        %dma_start3A_213 = arith.constant 0 : i32
        %dma_start3A_214 = tpu.memref_slice %arg5[%add3A_41, %dma_start3A_213] : memref<6272x128xi32, #tpu.memory_space<hbm>> -> memref<8x128xi32, #tpu.memory_space<hbm>>
        %dma_start3A_215 = arith.constant 0 : i32
        %dma_start3A_216 = tpu.memref_slice %arg5[%add3A_41, %dma_start3A_215] : memref<6272x128xi32, #tpu.memory_space<hbm>> -> memref<8x128xi32, #tpu.memory_space<hbm>>
        tpu.enqueue_dma source(%dma_start3A_216 : memref<8x128xi32, #tpu.memory_space<hbm>>) target(%arg9 : memref<8x128xi32, #tpu.memory_space<vmem>>) target_semaphore(%run_scoped3A_212 : memref<!tpu.dma_semaphore, #tpu.memory_space<semaphore_mem>>)
        %dma_wait3A_217 = arith.constant 0 : i32
        %dma_wait3A_218 = tpu.memref_slice %arg5[%add3A_41, %dma_wait3A_217] : memref<6272x128xi32, #tpu.memory_space<hbm>> -> memref<8x128xi32, #tpu.memory_space<hbm>>
        %dma_wait3A_219 = arith.constant 0 : i32
        %dma_wait3A_220 = tpu.memref_slice %arg5[%add3A_41, %dma_wait3A_219] : memref<6272x128xi32, #tpu.memory_space<hbm>> -> memref<8x128xi32, #tpu.memory_space<hbm>>
        tpu.wait_dma2 semaphore(%run_scoped3A_212 : memref<!tpu.dma_semaphore, #tpu.memory_space<semaphore_mem>>) src(%dma_wait3A_220 : memref<8x128xi32, #tpu.memory_space<hbm>>) dst(%arg9 : memref<8x128xi32, #tpu.memory_space<vmem>>)
        tpu.yield
      }) : () -> ()
      %mul3A_42 = arith.constant 128 : i32
      %mul3A_43 = arith.muli %add3A_41, %mul3A_42 : i32
      %run_scoped3A = arith.constant 0 : i32
      "tpu.region"() ({
        %run_scoped3A_212 = tpu.sem_alloc : memref<!tpu.dma_semaphore, #tpu.memory_space<semaphore_mem>>
        %dma_start3A_213 = arith.constant 0 : i32
        %dma_start3A_214 = tpu.memref_slice %arg3[%run_scoped3A, %add3A_1, %mul3A_43, %dma_start3A_213] : memref<3x4x802816x16xf32, #tpu.memory_space<hbm>> -> memref<1x1x1024x16xf32, #tpu.memory_space<hbm>>
        %dma_start3A_215 = tpu.memref_squeeze %dma_start3A_214 : memref<1x1x1024x16xf32, #tpu.memory_space<hbm>> -> memref<1024x16xf32, #tpu.memory_space<hbm>>
        %dma_start3A_216 = arith.constant 0 : i32
        %dma_start3A_217 = tpu.memref_slice %arg3[%run_scoped3A, %add3A_1, %mul3A_43, %dma_start3A_216] : memref<3x4x802816x16xf32, #tpu.memory_space<hbm>> -> memref<1x1x1024x16xf32, #tpu.memory_space<hbm>>
        %dma_start3A_218 = tpu.memref_squeeze %dma_start3A_217 : memref<1x1x1024x16xf32, #tpu.memory_space<hbm>> -> memref<1024x16xf32, #tpu.memory_space<hbm>>
        tpu.enqueue_dma source(%dma_start3A_218 : memref<1024x16xf32, #tpu.memory_space<hbm>>) target(%arg10 : memref<1024x16xf32, #tpu.memory_space<vmem>>) target_semaphore(%run_scoped3A_212 : memref<!tpu.dma_semaphore, #tpu.memory_space<semaphore_mem>>)
        %dma_wait3A_219 = arith.constant 0 : i32
        %dma_wait3A_220 = tpu.memref_slice %arg3[%run_scoped3A, %add3A_1, %mul3A_43, %dma_wait3A_219] : memref<3x4x802816x16xf32, #tpu.memory_space<hbm>> -> memref<1x1x1024x16xf32, #tpu.memory_space<hbm>>
        %dma_wait3A_221 = tpu.memref_squeeze %dma_wait3A_220 : memref<1x1x1024x16xf32, #tpu.memory_space<hbm>> -> memref<1024x16xf32, #tpu.memory_space<hbm>>
        %dma_wait3A_222 = arith.constant 0 : i32
        %dma_wait3A_223 = tpu.memref_slice %arg3[%run_scoped3A, %add3A_1, %mul3A_43, %dma_wait3A_222] : memref<3x4x802816x16xf32, #tpu.memory_space<hbm>> -> memref<1x1x1024x16xf32, #tpu.memory_space<hbm>>
        %dma_wait3A_224 = tpu.memref_squeeze %dma_wait3A_223 : memref<1x1x1024x16xf32, #tpu.memory_space<hbm>> -> memref<1024x16xf32, #tpu.memory_space<hbm>>
        tpu.wait_dma2 semaphore(%run_scoped3A_212 : memref<!tpu.dma_semaphore, #tpu.memory_space<semaphore_mem>>) src(%dma_wait3A_224 : memref<1024x16xf32, #tpu.memory_space<hbm>>) dst(%arg10 : memref<1024x16xf32, #tpu.memory_space<vmem>>)
        tpu.yield
      }) : () -> ()
      %dma_start3A = arith.constant 0 : i32
      %dma_start3A_44 = arith.constant 0 : i32
      %dma_start3A_45 = arith.constant 0 : i32
      %dma_start3A_46 = tpu.memref_slice %arg10[%dma_start3A_44, %dma_start3A_45] : memref<1024x16xf32, #tpu.memory_space<vmem>> -> memref<128x16xf32, #tpu.memory_space<vmem>>
      %dma_start3A_47 = arith.constant 0 : i32
      %dma_start3A_48 = tpu.memref_slice %arg8[%dma_start3A, %dma_start3A_47] : memref<8x128xi32, #tpu.memory_space<vmem>> -> memref<1x128xi32, #tpu.memory_space<vmem>>
      %dma_start3A_49 = tpu.memref_squeeze %dma_start3A_48 : memref<1x128xi32, #tpu.memory_space<vmem>> -> memref<128xi32, #tpu.memory_space<vmem>>
      %dma_start3A_50 = arith.constant 0 : i32
      %dma_start3A_51 = arith.constant 0 : i32
      %dma_start3A_52 = tpu.memref_slice %arg2[%dma_start3A_50, %dma_start3A_51] : memref<200000x16xf32, #tpu.memory_space<hbm>> -> memref<200000x16xf32, #tpu.memory_space<hbm>>
      tpu.enqueue_indirect_dma source(%dma_start3A_52 : memref<200000x16xf32, #tpu.memory_space<hbm>>) target(%dma_start3A_46 : memref<128x16xf32, #tpu.memory_space<vmem>>) offsets(%dma_start3A_49 : memref<128xi32, #tpu.memory_space<vmem>>) semaphore(%arg12 : memref<!tpu.dma_semaphore, #tpu.memory_space<semaphore_mem>>) {add = true}
      %dma_start3A_53 = arith.constant 1 : i32
      %dma_start3A_54 = arith.constant 128 : i32
      %dma_start3A_55 = arith.constant 0 : i32
      %dma_start3A_56 = tpu.memref_slice %arg10[%dma_start3A_54, %dma_start3A_55] : memref<1024x16xf32, #tpu.memory_space<vmem>> -> memref<128x16xf32, #tpu.memory_space<vmem>>
      %dma_start3A_57 = arith.constant 0 : i32
      %dma_start3A_58 = tpu.memref_slice %arg8[%dma_start3A_53, %dma_start3A_57] : memref<8x128xi32, #tpu.memory_space<vmem>> -> memref<1x128xi32, #tpu.memory_space<vmem>>
      %dma_start3A_59 = tpu.memref_squeeze %dma_start3A_58 : memref<1x128xi32, #tpu.memory_space<vmem>> -> memref<128xi32, #tpu.memory_space<vmem>>
      %dma_start3A_60 = arith.constant 0 : i32
      %dma_start3A_61 = arith.constant 0 : i32
      %dma_start3A_62 = tpu.memref_slice %arg2[%dma_start3A_60, %dma_start3A_61] : memref<200000x16xf32, #tpu.memory_space<hbm>> -> memref<200000x16xf32, #tpu.memory_space<hbm>>
      tpu.enqueue_indirect_dma source(%dma_start3A_62 : memref<200000x16xf32, #tpu.memory_space<hbm>>) target(%dma_start3A_56 : memref<128x16xf32, #tpu.memory_space<vmem>>) offsets(%dma_start3A_59 : memref<128xi32, #tpu.memory_space<vmem>>) semaphore(%arg12 : memref<!tpu.dma_semaphore, #tpu.memory_space<semaphore_mem>>) {add = true}
      %dma_start3A_63 = arith.constant 2 : i32
      %dma_start3A_64 = arith.constant 256 : i32
      %dma_start3A_65 = arith.constant 0 : i32
      %dma_start3A_66 = tpu.memref_slice %arg10[%dma_start3A_64, %dma_start3A_65] : memref<1024x16xf32, #tpu.memory_space<vmem>> -> memref<128x16xf32, #tpu.memory_space<vmem>>
      %dma_start3A_67 = arith.constant 0 : i32
      %dma_start3A_68 = tpu.memref_slice %arg8[%dma_start3A_63, %dma_start3A_67] : memref<8x128xi32, #tpu.memory_space<vmem>> -> memref<1x128xi32, #tpu.memory_space<vmem>>
      %dma_start3A_69 = tpu.memref_squeeze %dma_start3A_68 : memref<1x128xi32, #tpu.memory_space<vmem>> -> memref<128xi32, #tpu.memory_space<vmem>>
      %dma_start3A_70 = arith.constant 0 : i32
      %dma_start3A_71 = arith.constant 0 : i32
      %dma_start3A_72 = tpu.memref_slice %arg2[%dma_start3A_70, %dma_start3A_71] : memref<200000x16xf32, #tpu.memory_space<hbm>> -> memref<200000x16xf32, #tpu.memory_space<hbm>>
      tpu.enqueue_indirect_dma source(%dma_start3A_72 : memref<200000x16xf32, #tpu.memory_space<hbm>>) target(%dma_start3A_66 : memref<128x16xf32, #tpu.memory_space<vmem>>) offsets(%dma_start3A_69 : memref<128xi32, #tpu.memory_space<vmem>>) semaphore(%arg12 : memref<!tpu.dma_semaphore, #tpu.memory_space<semaphore_mem>>) {add = true}
      %dma_start3A_73 = arith.constant 3 : i32
      %dma_start3A_74 = arith.constant 384 : i32
      %dma_start3A_75 = arith.constant 0 : i32
      %dma_start3A_76 = tpu.memref_slice %arg10[%dma_start3A_74, %dma_start3A_75] : memref<1024x16xf32, #tpu.memory_space<vmem>> -> memref<128x16xf32, #tpu.memory_space<vmem>>
      %dma_start3A_77 = arith.constant 0 : i32
      %dma_start3A_78 = tpu.memref_slice %arg8[%dma_start3A_73, %dma_start3A_77] : memref<8x128xi32, #tpu.memory_space<vmem>> -> memref<1x128xi32, #tpu.memory_space<vmem>>
      %dma_start3A_79 = tpu.memref_squeeze %dma_start3A_78 : memref<1x128xi32, #tpu.memory_space<vmem>> -> memref<128xi32, #tpu.memory_space<vmem>>
      %dma_start3A_80 = arith.constant 0 : i32
      %dma_start3A_81 = arith.constant 0 : i32
      %dma_start3A_82 = tpu.memref_slice %arg2[%dma_start3A_80, %dma_start3A_81] : memref<200000x16xf32, #tpu.memory_space<hbm>> -> memref<200000x16xf32, #tpu.memory_space<hbm>>
      tpu.enqueue_indirect_dma source(%dma_start3A_82 : memref<200000x16xf32, #tpu.memory_space<hbm>>) target(%dma_start3A_76 : memref<128x16xf32, #tpu.memory_space<vmem>>) offsets(%dma_start3A_79 : memref<128xi32, #tpu.memory_space<vmem>>) semaphore(%arg12 : memref<!tpu.dma_semaphore, #tpu.memory_space<semaphore_mem>>) {add = true}
      %dma_start3A_83 = arith.constant 4 : i32
      %dma_start3A_84 = arith.constant 512 : i32
      %dma_start3A_85 = arith.constant 0 : i32
      %dma_start3A_86 = tpu.memref_slice %arg10[%dma_start3A_84, %dma_start3A_85] : memref<1024x16xf32, #tpu.memory_space<vmem>> -> memref<128x16xf32, #tpu.memory_space<vmem>>
      %dma_start3A_87 = arith.constant 0 : i32
      %dma_start3A_88 = tpu.memref_slice %arg8[%dma_start3A_83, %dma_start3A_87] : memref<8x128xi32, #tpu.memory_space<vmem>> -> memref<1x128xi32, #tpu.memory_space<vmem>>
      %dma_start3A_89 = tpu.memref_squeeze %dma_start3A_88 : memref<1x128xi32, #tpu.memory_space<vmem>> -> memref<128xi32, #tpu.memory_space<vmem>>
      %dma_start3A_90 = arith.constant 0 : i32
      %dma_start3A_91 = arith.constant 0 : i32
      %dma_start3A_92 = tpu.memref_slice %arg2[%dma_start3A_90, %dma_start3A_91] : memref<200000x16xf32, #tpu.memory_space<hbm>> -> memref<200000x16xf32, #tpu.memory_space<hbm>>
      tpu.enqueue_indirect_dma source(%dma_start3A_92 : memref<200000x16xf32, #tpu.memory_space<hbm>>) target(%dma_start3A_86 : memref<128x16xf32, #tpu.memory_space<vmem>>) offsets(%dma_start3A_89 : memref<128xi32, #tpu.memory_space<vmem>>) semaphore(%arg12 : memref<!tpu.dma_semaphore, #tpu.memory_space<semaphore_mem>>) {add = true}
      %dma_start3A_93 = arith.constant 5 : i32
      %dma_start3A_94 = arith.constant 640 : i32
      %dma_start3A_95 = arith.constant 0 : i32
      %dma_start3A_96 = tpu.memref_slice %arg10[%dma_start3A_94, %dma_start3A_95] : memref<1024x16xf32, #tpu.memory_space<vmem>> -> memref<128x16xf32, #tpu.memory_space<vmem>>
      %dma_start3A_97 = arith.constant 0 : i32
      %dma_start3A_98 = tpu.memref_slice %arg8[%dma_start3A_93, %dma_start3A_97] : memref<8x128xi32, #tpu.memory_space<vmem>> -> memref<1x128xi32, #tpu.memory_space<vmem>>
      %dma_start3A_99 = tpu.memref_squeeze %dma_start3A_98 : memref<1x128xi32, #tpu.memory_space<vmem>> -> memref<128xi32, #tpu.memory_space<vmem>>
      %dma_start3A_100 = arith.constant 0 : i32
      %dma_start3A_101 = arith.constant 0 : i32
      %dma_start3A_102 = tpu.memref_slice %arg2[%dma_start3A_100, %dma_start3A_101] : memref<200000x16xf32, #tpu.memory_space<hbm>> -> memref<200000x16xf32, #tpu.memory_space<hbm>>
      tpu.enqueue_indirect_dma source(%dma_start3A_102 : memref<200000x16xf32, #tpu.memory_space<hbm>>) target(%dma_start3A_96 : memref<128x16xf32, #tpu.memory_space<vmem>>) offsets(%dma_start3A_99 : memref<128xi32, #tpu.memory_space<vmem>>) semaphore(%arg12 : memref<!tpu.dma_semaphore, #tpu.memory_space<semaphore_mem>>) {add = true}
      %dma_start3A_103 = arith.constant 6 : i32
      %dma_start3A_104 = arith.constant 768 : i32
      %dma_start3A_105 = arith.constant 0 : i32
      %dma_start3A_106 = tpu.memref_slice %arg10[%dma_start3A_104, %dma_start3A_105] : memref<1024x16xf32, #tpu.memory_space<vmem>> -> memref<128x16xf32, #tpu.memory_space<vmem>>
      %dma_start3A_107 = arith.constant 0 : i32
      %dma_start3A_108 = tpu.memref_slice %arg8[%dma_start3A_103, %dma_start3A_107] : memref<8x128xi32, #tpu.memory_space<vmem>> -> memref<1x128xi32, #tpu.memory_space<vmem>>
      %dma_start3A_109 = tpu.memref_squeeze %dma_start3A_108 : memref<1x128xi32, #tpu.memory_space<vmem>> -> memref<128xi32, #tpu.memory_space<vmem>>
      %dma_start3A_110 = arith.constant 0 : i32
      %dma_start3A_111 = arith.constant 0 : i32
      %dma_start3A_112 = tpu.memref_slice %arg2[%dma_start3A_110, %dma_start3A_111] : memref<200000x16xf32, #tpu.memory_space<hbm>> -> memref<200000x16xf32, #tpu.memory_space<hbm>>
      tpu.enqueue_indirect_dma source(%dma_start3A_112 : memref<200000x16xf32, #tpu.memory_space<hbm>>) target(%dma_start3A_106 : memref<128x16xf32, #tpu.memory_space<vmem>>) offsets(%dma_start3A_109 : memref<128xi32, #tpu.memory_space<vmem>>) semaphore(%arg12 : memref<!tpu.dma_semaphore, #tpu.memory_space<semaphore_mem>>) {add = true}
      %dma_start3A_113 = arith.constant 7 : i32
      %dma_start3A_114 = arith.constant 896 : i32
      %dma_start3A_115 = arith.constant 0 : i32
      %dma_start3A_116 = tpu.memref_slice %arg10[%dma_start3A_114, %dma_start3A_115] : memref<1024x16xf32, #tpu.memory_space<vmem>> -> memref<128x16xf32, #tpu.memory_space<vmem>>
      %dma_start3A_117 = arith.constant 0 : i32
      %dma_start3A_118 = tpu.memref_slice %arg8[%dma_start3A_113, %dma_start3A_117] : memref<8x128xi32, #tpu.memory_space<vmem>> -> memref<1x128xi32, #tpu.memory_space<vmem>>
      %dma_start3A_119 = tpu.memref_squeeze %dma_start3A_118 : memref<1x128xi32, #tpu.memory_space<vmem>> -> memref<128xi32, #tpu.memory_space<vmem>>
      %dma_start3A_120 = arith.constant 0 : i32
      %dma_start3A_121 = arith.constant 0 : i32
      %dma_start3A_122 = tpu.memref_slice %arg2[%dma_start3A_120, %dma_start3A_121] : memref<200000x16xf32, #tpu.memory_space<hbm>> -> memref<200000x16xf32, #tpu.memory_space<hbm>>
      tpu.enqueue_indirect_dma source(%dma_start3A_122 : memref<200000x16xf32, #tpu.memory_space<hbm>>) target(%dma_start3A_116 : memref<128x16xf32, #tpu.memory_space<vmem>>) offsets(%dma_start3A_119 : memref<128xi32, #tpu.memory_space<vmem>>) semaphore(%arg12 : memref<!tpu.dma_semaphore, #tpu.memory_space<semaphore_mem>>) {add = true}
      %dma_wait3A = arith.constant 0 : i32
      %dma_wait3A_123 = arith.constant 0 : i32
      %dma_wait3A_124 = arith.constant 0 : i32
      %dma_wait3A_125 = tpu.memref_slice %arg10[%dma_wait3A_123, %dma_wait3A_124] : memref<1024x16xf32, #tpu.memory_space<vmem>> -> memref<128x16xf32, #tpu.memory_space<vmem>>
      %dma_wait3A_126 = arith.constant 0 : i32
      %dma_wait3A_127 = tpu.memref_slice %arg8[%dma_wait3A, %dma_wait3A_126] : memref<8x128xi32, #tpu.memory_space<vmem>> -> memref<1x128xi32, #tpu.memory_space<vmem>>
      %dma_wait3A_128 = tpu.memref_squeeze %dma_wait3A_127 : memref<1x128xi32, #tpu.memory_space<vmem>> -> memref<128xi32, #tpu.memory_space<vmem>>
      %dma_wait3A_129 = arith.constant 0 : i32
      %dma_wait3A_130 = arith.constant 0 : i32
      %dma_wait3A_131 = tpu.memref_slice %arg2[%dma_wait3A_129, %dma_wait3A_130] : memref<200000x16xf32, #tpu.memory_space<hbm>> -> memref<200000x16xf32, #tpu.memory_space<hbm>>
      tpu.wait_indirect_dma semaphore(%arg12 : memref<!tpu.dma_semaphore, #tpu.memory_space<semaphore_mem>>) src(%dma_wait3A_131 : memref<200000x16xf32, #tpu.memory_space<hbm>>) dst(%dma_wait3A_125 : memref<128x16xf32, #tpu.memory_space<vmem>>)
      %dma_wait3A_132 = arith.constant 1 : i32
      %dma_wait3A_133 = arith.constant 128 : i32
      %dma_wait3A_134 = arith.constant 0 : i32
      %dma_wait3A_135 = tpu.memref_slice %arg10[%dma_wait3A_133, %dma_wait3A_134] : memref<1024x16xf32, #tpu.memory_space<vmem>> -> memref<128x16xf32, #tpu.memory_space<vmem>>
      %dma_wait3A_136 = arith.constant 0 : i32
      %dma_wait3A_137 = tpu.memref_slice %arg8[%dma_wait3A_132, %dma_wait3A_136] : memref<8x128xi32, #tpu.memory_space<vmem>> -> memref<1x128xi32, #tpu.memory_space<vmem>>
      %dma_wait3A_138 = tpu.memref_squeeze %dma_wait3A_137 : memref<1x128xi32, #tpu.memory_space<vmem>> -> memref<128xi32, #tpu.memory_space<vmem>>
      %dma_wait3A_139 = arith.constant 0 : i32
      %dma_wait3A_140 = arith.constant 0 : i32
      %dma_wait3A_141 = tpu.memref_slice %arg2[%dma_wait3A_139, %dma_wait3A_140] : memref<200000x16xf32, #tpu.memory_space<hbm>> -> memref<200000x16xf32, #tpu.memory_space<hbm>>
      tpu.wait_indirect_dma semaphore(%arg12 : memref<!tpu.dma_semaphore, #tpu.memory_space<semaphore_mem>>) src(%dma_wait3A_141 : memref<200000x16xf32, #tpu.memory_space<hbm>>) dst(%dma_wait3A_135 : memref<128x16xf32, #tpu.memory_space<vmem>>)
      %dma_wait3A_142 = arith.constant 2 : i32
      %dma_wait3A_143 = arith.constant 256 : i32
      %dma_wait3A_144 = arith.constant 0 : i32
      %dma_wait3A_145 = tpu.memref_slice %arg10[%dma_wait3A_143, %dma_wait3A_144] : memref<1024x16xf32, #tpu.memory_space<vmem>> -> memref<128x16xf32, #tpu.memory_space<vmem>>
      %dma_wait3A_146 = arith.constant 0 : i32
      %dma_wait3A_147 = tpu.memref_slice %arg8[%dma_wait3A_142, %dma_wait3A_146] : memref<8x128xi32, #tpu.memory_space<vmem>> -> memref<1x128xi32, #tpu.memory_space<vmem>>
      %dma_wait3A_148 = tpu.memref_squeeze %dma_wait3A_147 : memref<1x128xi32, #tpu.memory_space<vmem>> -> memref<128xi32, #tpu.memory_space<vmem>>
      %dma_wait3A_149 = arith.constant 0 : i32
      %dma_wait3A_150 = arith.constant 0 : i32
      %dma_wait3A_151 = tpu.memref_slice %arg2[%dma_wait3A_149, %dma_wait3A_150] : memref<200000x16xf32, #tpu.memory_space<hbm>> -> memref<200000x16xf32, #tpu.memory_space<hbm>>
      tpu.wait_indirect_dma semaphore(%arg12 : memref<!tpu.dma_semaphore, #tpu.memory_space<semaphore_mem>>) src(%dma_wait3A_151 : memref<200000x16xf32, #tpu.memory_space<hbm>>) dst(%dma_wait3A_145 : memref<128x16xf32, #tpu.memory_space<vmem>>)
      %dma_wait3A_152 = arith.constant 3 : i32
      %dma_wait3A_153 = arith.constant 384 : i32
      %dma_wait3A_154 = arith.constant 0 : i32
      %dma_wait3A_155 = tpu.memref_slice %arg10[%dma_wait3A_153, %dma_wait3A_154] : memref<1024x16xf32, #tpu.memory_space<vmem>> -> memref<128x16xf32, #tpu.memory_space<vmem>>
      %dma_wait3A_156 = arith.constant 0 : i32
      %dma_wait3A_157 = tpu.memref_slice %arg8[%dma_wait3A_152, %dma_wait3A_156] : memref<8x128xi32, #tpu.memory_space<vmem>> -> memref<1x128xi32, #tpu.memory_space<vmem>>
      %dma_wait3A_158 = tpu.memref_squeeze %dma_wait3A_157 : memref<1x128xi32, #tpu.memory_space<vmem>> -> memref<128xi32, #tpu.memory_space<vmem>>
      %dma_wait3A_159 = arith.constant 0 : i32
      %dma_wait3A_160 = arith.constant 0 : i32
      %dma_wait3A_161 = tpu.memref_slice %arg2[%dma_wait3A_159, %dma_wait3A_160] : memref<200000x16xf32, #tpu.memory_space<hbm>> -> memref<200000x16xf32, #tpu.memory_space<hbm>>
      tpu.wait_indirect_dma semaphore(%arg12 : memref<!tpu.dma_semaphore, #tpu.memory_space<semaphore_mem>>) src(%dma_wait3A_161 : memref<200000x16xf32, #tpu.memory_space<hbm>>) dst(%dma_wait3A_155 : memref<128x16xf32, #tpu.memory_space<vmem>>)
      %dma_wait3A_162 = arith.constant 4 : i32
      %dma_wait3A_163 = arith.constant 512 : i32
      %dma_wait3A_164 = arith.constant 0 : i32
      %dma_wait3A_165 = tpu.memref_slice %arg10[%dma_wait3A_163, %dma_wait3A_164] : memref<1024x16xf32, #tpu.memory_space<vmem>> -> memref<128x16xf32, #tpu.memory_space<vmem>>
      %dma_wait3A_166 = arith.constant 0 : i32
      %dma_wait3A_167 = tpu.memref_slice %arg8[%dma_wait3A_162, %dma_wait3A_166] : memref<8x128xi32, #tpu.memory_space<vmem>> -> memref<1x128xi32, #tpu.memory_space<vmem>>
      %dma_wait3A_168 = tpu.memref_squeeze %dma_wait3A_167 : memref<1x128xi32, #tpu.memory_space<vmem>> -> memref<128xi32, #tpu.memory_space<vmem>>
      %dma_wait3A_169 = arith.constant 0 : i32
      %dma_wait3A_170 = arith.constant 0 : i32
      %dma_wait3A_171 = tpu.memref_slice %arg2[%dma_wait3A_169, %dma_wait3A_170] : memref<200000x16xf32, #tpu.memory_space<hbm>> -> memref<200000x16xf32, #tpu.memory_space<hbm>>
      tpu.wait_indirect_dma semaphore(%arg12 : memref<!tpu.dma_semaphore, #tpu.memory_space<semaphore_mem>>) src(%dma_wait3A_171 : memref<200000x16xf32, #tpu.memory_space<hbm>>) dst(%dma_wait3A_165 : memref<128x16xf32, #tpu.memory_space<vmem>>)
      %dma_wait3A_172 = arith.constant 5 : i32
      %dma_wait3A_173 = arith.constant 640 : i32
      %dma_wait3A_174 = arith.constant 0 : i32
      %dma_wait3A_175 = tpu.memref_slice %arg10[%dma_wait3A_173, %dma_wait3A_174] : memref<1024x16xf32, #tpu.memory_space<vmem>> -> memref<128x16xf32, #tpu.memory_space<vmem>>
      %dma_wait3A_176 = arith.constant 0 : i32
      %dma_wait3A_177 = tpu.memref_slice %arg8[%dma_wait3A_172, %dma_wait3A_176] : memref<8x128xi32, #tpu.memory_space<vmem>> -> memref<1x128xi32, #tpu.memory_space<vmem>>
      %dma_wait3A_178 = tpu.memref_squeeze %dma_wait3A_177 : memref<1x128xi32, #tpu.memory_space<vmem>> -> memref<128xi32, #tpu.memory_space<vmem>>
      %dma_wait3A_179 = arith.constant 0 : i32
      %dma_wait3A_180 = arith.constant 0 : i32
      %dma_wait3A_181 = tpu.memref_slice %arg2[%dma_wait3A_179, %dma_wait3A_180] : memref<200000x16xf32, #tpu.memory_space<hbm>> -> memref<200000x16xf32, #tpu.memory_space<hbm>>
      tpu.wait_indirect_dma semaphore(%arg12 : memref<!tpu.dma_semaphore, #tpu.memory_space<semaphore_mem>>) src(%dma_wait3A_181 : memref<200000x16xf32, #tpu.memory_space<hbm>>) dst(%dma_wait3A_175 : memref<128x16xf32, #tpu.memory_space<vmem>>)
      %dma_wait3A_182 = arith.constant 6 : i32
      %dma_wait3A_183 = arith.constant 768 : i32
      %dma_wait3A_184 = arith.constant 0 : i32
      %dma_wait3A_185 = tpu.memref_slice %arg10[%dma_wait3A_183, %dma_wait3A_184] : memref<1024x16xf32, #tpu.memory_space<vmem>> -> memref<128x16xf32, #tpu.memory_space<vmem>>
      %dma_wait3A_186 = arith.constant 0 : i32
      %dma_wait3A_187 = tpu.memref_slice %arg8[%dma_wait3A_182, %dma_wait3A_186] : memref<8x128xi32, #tpu.memory_space<vmem>> -> memref<1x128xi32, #tpu.memory_space<vmem>>
      %dma_wait3A_188 = tpu.memref_squeeze %dma_wait3A_187 : memref<1x128xi32, #tpu.memory_space<vmem>> -> memref<128xi32, #tpu.memory_space<vmem>>
      %dma_wait3A_189 = arith.constant 0 : i32
      %dma_wait3A_190 = arith.constant 0 : i32
      %dma_wait3A_191 = tpu.memref_slice %arg2[%dma_wait3A_189, %dma_wait3A_190] : memref<200000x16xf32, #tpu.memory_space<hbm>> -> memref<200000x16xf32, #tpu.memory_space<hbm>>
      tpu.wait_indirect_dma semaphore(%arg12 : memref<!tpu.dma_semaphore, #tpu.memory_space<semaphore_mem>>) src(%dma_wait3A_191 : memref<200000x16xf32, #tpu.memory_space<hbm>>) dst(%dma_wait3A_185 : memref<128x16xf32, #tpu.memory_space<vmem>>)
      %dma_wait3A_192 = arith.constant 7 : i32
      %dma_wait3A_193 = arith.constant 896 : i32
      %dma_wait3A_194 = arith.constant 0 : i32
      %dma_wait3A_195 = tpu.memref_slice %arg10[%dma_wait3A_193, %dma_wait3A_194] : memref<1024x16xf32, #tpu.memory_space<vmem>> -> memref<128x16xf32, #tpu.memory_space<vmem>>
      %dma_wait3A_196 = arith.constant 0 : i32
      %dma_wait3A_197 = tpu.memref_slice %arg8[%dma_wait3A_192, %dma_wait3A_196] : memref<8x128xi32, #tpu.memory_space<vmem>> -> memref<1x128xi32, #tpu.memory_space<vmem>>
      %dma_wait3A_198 = tpu.memref_squeeze %dma_wait3A_197 : memref<1x128xi32, #tpu.memory_space<vmem>> -> memref<128xi32, #tpu.memory_space<vmem>>
      %dma_wait3A_199 = arith.constant 0 : i32
      %dma_wait3A_200 = arith.constant 0 : i32
      %dma_wait3A_201 = tpu.memref_slice %arg2[%dma_wait3A_199, %dma_wait3A_200] : memref<200000x16xf32, #tpu.memory_space<hbm>> -> memref<200000x16xf32, #tpu.memory_space<hbm>>
      tpu.wait_indirect_dma semaphore(%arg12 : memref<!tpu.dma_semaphore, #tpu.memory_space<semaphore_mem>>) src(%dma_wait3A_201 : memref<200000x16xf32, #tpu.memory_space<hbm>>) dst(%dma_wait3A_195 : memref<128x16xf32, #tpu.memory_space<vmem>>)
      %parallel_loop3A = arith.constant 0 : i32
      %parallel_loop3A_202 = arith.constant 1024 : i32
      %parallel_loop3A_203 = arith.constant 1 : i32
      scf.for %parallel_loop3A_212 = %parallel_loop3A to %parallel_loop3A_202 step %parallel_loop3A_203  : i32 {
        %parallel_loop3A_213 = arith.index_cast %parallel_loop3A_212 : i32 to index
        %parallel_loop3A_214 = arith.constant 0 : index
        %parallel_loop3A_215 = tpu.vector_load %arg10[%parallel_loop3A_213, %parallel_loop3A_214] {strides = array<i32>} : memref<1024x16xf32, #tpu.memory_space<vmem>>, vector<1x16xf32>,
        %parallel_loop3A_216 = vector.shape_cast %parallel_loop3A_215 : vector<1x16xf32> to vector<16xf32>
        %parallel_loop3A_217 = arith.constant 0.000000e+00 : f32
        %parallel_loop3A_218 = vector.broadcast %parallel_loop3A_217 : f32 to vector<16xf32>
        %parallel_loop3A_219 = arith.maximumf %parallel_loop3A_216, %parallel_loop3A_218 : vector<16xf32>
        %parallel_loop3A_220 = arith.index_cast %parallel_loop3A_212 : i32 to index
        %parallel_loop3A_221 = arith.constant 0 : index
        %parallel_loop3A_222 = tpu.vector_load %arg10[%parallel_loop3A_220, %parallel_loop3A_221] {strides = array<i32>} : memref<1024x16xf32, #tpu.memory_space<vmem>>, vector<1x16xf32>,
        %parallel_loop3A_223 = vector.shape_cast %parallel_loop3A_222 : vector<1x16xf32> to vector<16xf32>
        %parallel_loop3A_224 = vector.shape_cast %parallel_loop3A_219 : vector<16xf32> to vector<1x16xf32>
        tpu.vector_store %arg10[%parallel_loop3A_220, %parallel_loop3A_221], %parallel_loop3A_224 {strides = array<i32>} : memref<1024x16xf32, #tpu.memory_space<vmem>>, vector<1x16xf32>,
      } {sc.loop_unroll_factor = 8 : i64, sc.parallel_access}
      %run_scoped3A_204 = arith.constant 0 : i32
      "tpu.region"() ({
        %run_scoped3A_212 = tpu.sem_alloc : memref<!tpu.dma_semaphore, #tpu.memory_space<semaphore_mem>>
        %dma_start3A_213 = arith.constant 0 : i32
        %dma_start3A_214 = arith.constant 0 : i32
        %dma_start3A_215 = tpu.memref_slice %arg10[%dma_start3A_213, %dma_start3A_214] : memref<1024x16xf32, #tpu.memory_space<vmem>> -> memref<128x16xf32, #tpu.memory_space<vmem>>
        %dma_start3A_216 = arith.constant 0 : i32
        %dma_start3A_217 = tpu.memref_slice %arg9[%run_scoped3A_204, %dma_start3A_216] : memref<8x128xi32, #tpu.memory_space<vmem>> -> memref<1x128xi32, #tpu.memory_space<vmem>>
        %dma_start3A_218 = tpu.memref_squeeze %dma_start3A_217 : memref<1x128xi32, #tpu.memory_space<vmem>> -> memref<128xi32, #tpu.memory_space<vmem>>
        %dma_start3A_219 = arith.constant 0 : i32
        %dma_start3A_220 = arith.constant 0 : i32
        %dma_start3A_221 = tpu.memref_slice %arg11[%dma_start3A_219, %dma_start3A_220] : memref<50048x16xf32, #tpu.memory_space<vmem_shared>> -> memref<50048x16xf32, #tpu.memory_space<vmem_shared>>
        tpu.enqueue_indirect_dma source(%dma_start3A_215 : memref<128x16xf32, #tpu.memory_space<vmem>>) target(%dma_start3A_221 : memref<50048x16xf32, #tpu.memory_space<vmem_shared>>) offsets(%dma_start3A_218 : memref<128xi32, #tpu.memory_space<vmem>>) semaphore(%run_scoped3A_212 : memref<!tpu.dma_semaphore, #tpu.memory_space<semaphore_mem>>) {add = true}
        %dma_wait3A_222 = arith.constant 0 : i32
        %dma_wait3A_223 = arith.constant 0 : i32
        %dma_wait3A_224 = tpu.memref_slice %arg10[%dma_wait3A_222, %dma_wait3A_223] : memref<1024x16xf32, #tpu.memory_space<vmem>> -> memref<128x16xf32, #tpu.memory_space<vmem>>
        %dma_wait3A_225 = arith.constant 0 : i32
        %dma_wait3A_226 = tpu.memref_slice %arg9[%run_scoped3A_204, %dma_wait3A_225] : memref<8x128xi32, #tpu.memory_space<vmem>> -> memref<1x128xi32, #tpu.memory_space<vmem>>
        %dma_wait3A_227 = tpu.memref_squeeze %dma_wait3A_226 : memref<1x128xi32, #tpu.memory_space<vmem>> -> memref<128xi32, #tpu.memory_space<vmem>>
        %dma_wait3A_228 = arith.constant 0 : i32
        %dma_wait3A_229 = arith.constant 0 : i32
        %dma_wait3A_230 = tpu.memref_slice %arg11[%dma_wait3A_228, %dma_wait3A_229] : memref<50048x16xf32, #tpu.memory_space<vmem_shared>> -> memref<50048x16xf32, #tpu.memory_space<vmem_shared>>
        tpu.wait_indirect_dma semaphore(%run_scoped3A_212 : memref<!tpu.dma_semaphore, #tpu.memory_space<semaphore_mem>>) src(%dma_wait3A_224 : memref<128x16xf32, #tpu.memory_space<vmem>>) dst(%dma_wait3A_230 : memref<50048x16xf32, #tpu.memory_space<vmem_shared>>)
        tpu.yield
      }) : () -> ()
      %run_scoped3A_205 = arith.constant 1 : i32
      "tpu.region"() ({
        %run_scoped3A_212 = tpu.sem_alloc : memref<!tpu.dma_semaphore, #tpu.memory_space<semaphore_mem>>
        %dma_start3A_213 = arith.constant 128 : i32
        %dma_start3A_214 = arith.constant 0 : i32
        %dma_start3A_215 = tpu.memref_slice %arg10[%dma_start3A_213, %dma_start3A_214] : memref<1024x16xf32, #tpu.memory_space<vmem>> -> memref<128x16xf32, #tpu.memory_space<vmem>>
        %dma_start3A_216 = arith.constant 0 : i32
        %dma_start3A_217 = tpu.memref_slice %arg9[%run_scoped3A_205, %dma_start3A_216] : memref<8x128xi32, #tpu.memory_space<vmem>> -> memref<1x128xi32, #tpu.memory_space<vmem>>
        %dma_start3A_218 = tpu.memref_squeeze %dma_start3A_217 : memref<1x128xi32, #tpu.memory_space<vmem>> -> memref<128xi32, #tpu.memory_space<vmem>>
        %dma_start3A_219 = arith.constant 0 : i32
        %dma_start3A_220 = arith.constant 0 : i32
        %dma_start3A_221 = tpu.memref_slice %arg11[%dma_start3A_219, %dma_start3A_220] : memref<50048x16xf32, #tpu.memory_space<vmem_shared>> -> memref<50048x16xf32, #tpu.memory_space<vmem_shared>>
        tpu.enqueue_indirect_dma source(%dma_start3A_215 : memref<128x16xf32, #tpu.memory_space<vmem>>) target(%dma_start3A_221 : memref<50048x16xf32, #tpu.memory_space<vmem_shared>>) offsets(%dma_start3A_218 : memref<128xi32, #tpu.memory_space<vmem>>) semaphore(%run_scoped3A_212 : memref<!tpu.dma_semaphore, #tpu.memory_space<semaphore_mem>>) {add = true}
        %dma_wait3A_222 = arith.constant 128 : i32
        %dma_wait3A_223 = arith.constant 0 : i32
        %dma_wait3A_224 = tpu.memref_slice %arg10[%dma_wait3A_222, %dma_wait3A_223] : memref<1024x16xf32, #tpu.memory_space<vmem>> -> memref<128x16xf32, #tpu.memory_space<vmem>>
        %dma_wait3A_225 = arith.constant 0 : i32
        %dma_wait3A_226 = tpu.memref_slice %arg9[%run_scoped3A_205, %dma_wait3A_225] : memref<8x128xi32, #tpu.memory_space<vmem>> -> memref<1x128xi32, #tpu.memory_space<vmem>>
        %dma_wait3A_227 = tpu.memref_squeeze %dma_wait3A_226 : memref<1x128xi32, #tpu.memory_space<vmem>> -> memref<128xi32, #tpu.memory_space<vmem>>
        %dma_wait3A_228 = arith.constant 0 : i32
        %dma_wait3A_229 = arith.constant 0 : i32
        %dma_wait3A_230 = tpu.memref_slice %arg11[%dma_wait3A_228, %dma_wait3A_229] : memref<50048x16xf32, #tpu.memory_space<vmem_shared>> -> memref<50048x16xf32, #tpu.memory_space<vmem_shared>>
        tpu.wait_indirect_dma semaphore(%run_scoped3A_212 : memref<!tpu.dma_semaphore, #tpu.memory_space<semaphore_mem>>) src(%dma_wait3A_224 : memref<128x16xf32, #tpu.memory_space<vmem>>) dst(%dma_wait3A_230 : memref<50048x16xf32, #tpu.memory_space<vmem_shared>>)
        tpu.yield
      }) : () -> ()
      %run_scoped3A_206 = arith.constant 2 : i32
      "tpu.region"() ({
        %run_scoped3A_212 = tpu.sem_alloc : memref<!tpu.dma_semaphore, #tpu.memory_space<semaphore_mem>>
        %dma_start3A_213 = arith.constant 256 : i32
        %dma_start3A_214 = arith.constant 0 : i32
        %dma_start3A_215 = tpu.memref_slice %arg10[%dma_start3A_213, %dma_start3A_214] : memref<1024x16xf32, #tpu.memory_space<vmem>> -> memref<128x16xf32, #tpu.memory_space<vmem>>
        %dma_start3A_216 = arith.constant 0 : i32
        %dma_start3A_217 = tpu.memref_slice %arg9[%run_scoped3A_206, %dma_start3A_216] : memref<8x128xi32, #tpu.memory_space<vmem>> -> memref<1x128xi32, #tpu.memory_space<vmem>>
        %dma_start3A_218 = tpu.memref_squeeze %dma_start3A_217 : memref<1x128xi32, #tpu.memory_space<vmem>> -> memref<128xi32, #tpu.memory_space<vmem>>
        %dma_start3A_219 = arith.constant 0 : i32
        %dma_start3A_220 = arith.constant 0 : i32
        %dma_start3A_221 = tpu.memref_slice %arg11[%dma_start3A_219, %dma_start3A_220] : memref<50048x16xf32, #tpu.memory_space<vmem_shared>> -> memref<50048x16xf32, #tpu.memory_space<vmem_shared>>
        tpu.enqueue_indirect_dma source(%dma_start3A_215 : memref<128x16xf32, #tpu.memory_space<vmem>>) target(%dma_start3A_221 : memref<50048x16xf32, #tpu.memory_space<vmem_shared>>) offsets(%dma_start3A_218 : memref<128xi32, #tpu.memory_space<vmem>>) semaphore(%run_scoped3A_212 : memref<!tpu.dma_semaphore, #tpu.memory_space<semaphore_mem>>) {add = true}
        %dma_wait3A_222 = arith.constant 256 : i32
        %dma_wait3A_223 = arith.constant 0 : i32
        %dma_wait3A_224 = tpu.memref_slice %arg10[%dma_wait3A_222, %dma_wait3A_223] : memref<1024x16xf32, #tpu.memory_space<vmem>> -> memref<128x16xf32, #tpu.memory_space<vmem>>
        %dma_wait3A_225 = arith.constant 0 : i32
        %dma_wait3A_226 = tpu.memref_slice %arg9[%run_scoped3A_206, %dma_wait3A_225] : memref<8x128xi32, #tpu.memory_space<vmem>> -> memref<1x128xi32, #tpu.memory_space<vmem>>
        %dma_wait3A_227 = tpu.memref_squeeze %dma_wait3A_226 : memref<1x128xi32, #tpu.memory_space<vmem>> -> memref<128xi32, #tpu.memory_space<vmem>>
        %dma_wait3A_228 = arith.constant 0 : i32
        %dma_wait3A_229 = arith.constant 0 : i32
        %dma_wait3A_230 = tpu.memref_slice %arg11[%dma_wait3A_228, %dma_wait3A_229] : memref<50048x16xf32, #tpu.memory_space<vmem_shared>> -> memref<50048x16xf32, #tpu.memory_space<vmem_shared>>
        tpu.wait_indirect_dma semaphore(%run_scoped3A_212 : memref<!tpu.dma_semaphore, #tpu.memory_space<semaphore_mem>>) src(%dma_wait3A_224 : memref<128x16xf32, #tpu.memory_space<vmem>>) dst(%dma_wait3A_230 : memref<50048x16xf32, #tpu.memory_space<vmem_shared>>)
        tpu.yield
      }) : () -> ()
      %run_scoped3A_207 = arith.constant 3 : i32
      "tpu.region"() ({
        %run_scoped3A_212 = tpu.sem_alloc : memref<!tpu.dma_semaphore, #tpu.memory_space<semaphore_mem>>
        %dma_start3A_213 = arith.constant 384 : i32
        %dma_start3A_214 = arith.constant 0 : i32
        %dma_start3A_215 = tpu.memref_slice %arg10[%dma_start3A_213, %dma_start3A_214] : memref<1024x16xf32, #tpu.memory_space<vmem>> -> memref<128x16xf32, #tpu.memory_space<vmem>>
        %dma_start3A_216 = arith.constant 0 : i32
        %dma_start3A_217 = tpu.memref_slice %arg9[%run_scoped3A_207, %dma_start3A_216] : memref<8x128xi32, #tpu.memory_space<vmem>> -> memref<1x128xi32, #tpu.memory_space<vmem>>
        %dma_start3A_218 = tpu.memref_squeeze %dma_start3A_217 : memref<1x128xi32, #tpu.memory_space<vmem>> -> memref<128xi32, #tpu.memory_space<vmem>>
        %dma_start3A_219 = arith.constant 0 : i32
        %dma_start3A_220 = arith.constant 0 : i32
        %dma_start3A_221 = tpu.memref_slice %arg11[%dma_start3A_219, %dma_start3A_220] : memref<50048x16xf32, #tpu.memory_space<vmem_shared>> -> memref<50048x16xf32, #tpu.memory_space<vmem_shared>>
        tpu.enqueue_indirect_dma source(%dma_start3A_215 : memref<128x16xf32, #tpu.memory_space<vmem>>) target(%dma_start3A_221 : memref<50048x16xf32, #tpu.memory_space<vmem_shared>>) offsets(%dma_start3A_218 : memref<128xi32, #tpu.memory_space<vmem>>) semaphore(%run_scoped3A_212 : memref<!tpu.dma_semaphore, #tpu.memory_space<semaphore_mem>>) {add = true}
        %dma_wait3A_222 = arith.constant 384 : i32
        %dma_wait3A_223 = arith.constant 0 : i32
        %dma_wait3A_224 = tpu.memref_slice %arg10[%dma_wait3A_222, %dma_wait3A_223] : memref<1024x16xf32, #tpu.memory_space<vmem>> -> memref<128x16xf32, #tpu.memory_space<vmem>>
        %dma_wait3A_225 = arith.constant 0 : i32
        %dma_wait3A_226 = tpu.memref_slice %arg9[%run_scoped3A_207, %dma_wait3A_225] : memref<8x128xi32, #tpu.memory_space<vmem>> -> memref<1x128xi32, #tpu.memory_space<vmem>>
        %dma_wait3A_227 = tpu.memref_squeeze %dma_wait3A_226 : memref<1x128xi32, #tpu.memory_space<vmem>> -> memref<128xi32, #tpu.memory_space<vmem>>
        %dma_wait3A_228 = arith.constant 0 : i32
        %dma_wait3A_229 = arith.constant 0 : i32
        %dma_wait3A_230 = tpu.memref_slice %arg11[%dma_wait3A_228, %dma_wait3A_229] : memref<50048x16xf32, #tpu.memory_space<vmem_shared>> -> memref<50048x16xf32, #tpu.memory_space<vmem_shared>>
        tpu.wait_indirect_dma semaphore(%run_scoped3A_212 : memref<!tpu.dma_semaphore, #tpu.memory_space<semaphore_mem>>) src(%dma_wait3A_224 : memref<128x16xf32, #tpu.memory_space<vmem>>) dst(%dma_wait3A_230 : memref<50048x16xf32, #tpu.memory_space<vmem_shared>>)
        tpu.yield
      }) : () -> ()
      %run_scoped3A_208 = arith.constant 4 : i32
      "tpu.region"() ({
        %run_scoped3A_212 = tpu.sem_alloc : memref<!tpu.dma_semaphore, #tpu.memory_space<semaphore_mem>>
        %dma_start3A_213 = arith.constant 512 : i32
        %dma_start3A_214 = arith.constant 0 : i32
        %dma_start3A_215 = tpu.memref_slice %arg10[%dma_start3A_213, %dma_start3A_214] : memref<1024x16xf32, #tpu.memory_space<vmem>> -> memref<128x16xf32, #tpu.memory_space<vmem>>
        %dma_start3A_216 = arith.constant 0 : i32
        %dma_start3A_217 = tpu.memref_slice %arg9[%run_scoped3A_208, %dma_start3A_216] : memref<8x128xi32, #tpu.memory_space<vmem>> -> memref<1x128xi32, #tpu.memory_space<vmem>>
        %dma_start3A_218 = tpu.memref_squeeze %dma_start3A_217 : memref<1x128xi32, #tpu.memory_space<vmem>> -> memref<128xi32, #tpu.memory_space<vmem>>
        %dma_start3A_219 = arith.constant 0 : i32
        %dma_start3A_220 = arith.constant 0 : i32
        %dma_start3A_221 = tpu.memref_slice %arg11[%dma_start3A_219, %dma_start3A_220] : memref<50048x16xf32, #tpu.memory_space<vmem_shared>> -> memref<50048x16xf32, #tpu.memory_space<vmem_shared>>
        tpu.enqueue_indirect_dma source(%dma_start3A_215 : memref<128x16xf32, #tpu.memory_space<vmem>>) target(%dma_start3A_221 : memref<50048x16xf32, #tpu.memory_space<vmem_shared>>) offsets(%dma_start3A_218 : memref<128xi32, #tpu.memory_space<vmem>>) semaphore(%run_scoped3A_212 : memref<!tpu.dma_semaphore, #tpu.memory_space<semaphore_mem>>) {add = true}
        %dma_wait3A_222 = arith.constant 512 : i32
        %dma_wait3A_223 = arith.constant 0 : i32
        %dma_wait3A_224 = tpu.memref_slice %arg10[%dma_wait3A_222, %dma_wait3A_223] : memref<1024x16xf32, #tpu.memory_space<vmem>> -> memref<128x16xf32, #tpu.memory_space<vmem>>
        %dma_wait3A_225 = arith.constant 0 : i32
        %dma_wait3A_226 = tpu.memref_slice %arg9[%run_scoped3A_208, %dma_wait3A_225] : memref<8x128xi32, #tpu.memory_space<vmem>> -> memref<1x128xi32, #tpu.memory_space<vmem>>
        %dma_wait3A_227 = tpu.memref_squeeze %dma_wait3A_226 : memref<1x128xi32, #tpu.memory_space<vmem>> -> memref<128xi32, #tpu.memory_space<vmem>>
        %dma_wait3A_228 = arith.constant 0 : i32
        %dma_wait3A_229 = arith.constant 0 : i32
        %dma_wait3A_230 = tpu.memref_slice %arg11[%dma_wait3A_228, %dma_wait3A_229] : memref<50048x16xf32, #tpu.memory_space<vmem_shared>> -> memref<50048x16xf32, #tpu.memory_space<vmem_shared>>
        tpu.wait_indirect_dma semaphore(%run_scoped3A_212 : memref<!tpu.dma_semaphore, #tpu.memory_space<semaphore_mem>>) src(%dma_wait3A_224 : memref<128x16xf32, #tpu.memory_space<vmem>>) dst(%dma_wait3A_230 : memref<50048x16xf32, #tpu.memory_space<vmem_shared>>)
        tpu.yield
      }) : () -> ()
      %run_scoped3A_209 = arith.constant 5 : i32
      "tpu.region"() ({
        %run_scoped3A_212 = tpu.sem_alloc : memref<!tpu.dma_semaphore, #tpu.memory_space<semaphore_mem>>
        %dma_start3A_213 = arith.constant 640 : i32
        %dma_start3A_214 = arith.constant 0 : i32
        %dma_start3A_215 = tpu.memref_slice %arg10[%dma_start3A_213, %dma_start3A_214] : memref<1024x16xf32, #tpu.memory_space<vmem>> -> memref<128x16xf32, #tpu.memory_space<vmem>>
        %dma_start3A_216 = arith.constant 0 : i32
        %dma_start3A_217 = tpu.memref_slice %arg9[%run_scoped3A_209, %dma_start3A_216] : memref<8x128xi32, #tpu.memory_space<vmem>> -> memref<1x128xi32, #tpu.memory_space<vmem>>
        %dma_start3A_218 = tpu.memref_squeeze %dma_start3A_217 : memref<1x128xi32, #tpu.memory_space<vmem>> -> memref<128xi32, #tpu.memory_space<vmem>>
        %dma_start3A_219 = arith.constant 0 : i32
        %dma_start3A_220 = arith.constant 0 : i32
        %dma_start3A_221 = tpu.memref_slice %arg11[%dma_start3A_219, %dma_start3A_220] : memref<50048x16xf32, #tpu.memory_space<vmem_shared>> -> memref<50048x16xf32, #tpu.memory_space<vmem_shared>>
        tpu.enqueue_indirect_dma source(%dma_start3A_215 : memref<128x16xf32, #tpu.memory_space<vmem>>) target(%dma_start3A_221 : memref<50048x16xf32, #tpu.memory_space<vmem_shared>>) offsets(%dma_start3A_218 : memref<128xi32, #tpu.memory_space<vmem>>) semaphore(%run_scoped3A_212 : memref<!tpu.dma_semaphore, #tpu.memory_space<semaphore_mem>>) {add = true}
        %dma_wait3A_222 = arith.constant 640 : i32
        %dma_wait3A_223 = arith.constant 0 : i32
        %dma_wait3A_224 = tpu.memref_slice %arg10[%dma_wait3A_222, %dma_wait3A_223] : memref<1024x16xf32, #tpu.memory_space<vmem>> -> memref<128x16xf32, #tpu.memory_space<vmem>>
        %dma_wait3A_225 = arith.constant 0 : i32
        %dma_wait3A_226 = tpu.memref_slice %arg9[%run_scoped3A_209, %dma_wait3A_225] : memref<8x128xi32, #tpu.memory_space<vmem>> -> memref<1x128xi32, #tpu.memory_space<vmem>>
        %dma_wait3A_227 = tpu.memref_squeeze %dma_wait3A_226 : memref<1x128xi32, #tpu.memory_space<vmem>> -> memref<128xi32, #tpu.memory_space<vmem>>
        %dma_wait3A_228 = arith.constant 0 : i32
        %dma_wait3A_229 = arith.constant 0 : i32
        %dma_wait3A_230 = tpu.memref_slice %arg11[%dma_wait3A_228, %dma_wait3A_229] : memref<50048x16xf32, #tpu.memory_space<vmem_shared>> -> memref<50048x16xf32, #tpu.memory_space<vmem_shared>>
        tpu.wait_indirect_dma semaphore(%run_scoped3A_212 : memref<!tpu.dma_semaphore, #tpu.memory_space<semaphore_mem>>) src(%dma_wait3A_224 : memref<128x16xf32, #tpu.memory_space<vmem>>) dst(%dma_wait3A_230 : memref<50048x16xf32, #tpu.memory_space<vmem_shared>>)
        tpu.yield
      }) : () -> ()
      %run_scoped3A_210 = arith.constant 6 : i32
      "tpu.region"() ({
        %run_scoped3A_212 = tpu.sem_alloc : memref<!tpu.dma_semaphore, #tpu.memory_space<semaphore_mem>>
        %dma_start3A_213 = arith.constant 768 : i32
        %dma_start3A_214 = arith.constant 0 : i32
        %dma_start3A_215 = tpu.memref_slice %arg10[%dma_start3A_213, %dma_start3A_214] : memref<1024x16xf32, #tpu.memory_space<vmem>> -> memref<128x16xf32, #tpu.memory_space<vmem>>
        %dma_start3A_216 = arith.constant 0 : i32
        %dma_start3A_217 = tpu.memref_slice %arg9[%run_scoped3A_210, %dma_start3A_216] : memref<8x128xi32, #tpu.memory_space<vmem>> -> memref<1x128xi32, #tpu.memory_space<vmem>>
        %dma_start3A_218 = tpu.memref_squeeze %dma_start3A_217 : memref<1x128xi32, #tpu.memory_space<vmem>> -> memref<128xi32, #tpu.memory_space<vmem>>
        %dma_start3A_219 = arith.constant 0 : i32
        %dma_start3A_220 = arith.constant 0 : i32
        %dma_start3A_221 = tpu.memref_slice %arg11[%dma_start3A_219, %dma_start3A_220] : memref<50048x16xf32, #tpu.memory_space<vmem_shared>> -> memref<50048x16xf32, #tpu.memory_space<vmem_shared>>
        tpu.enqueue_indirect_dma source(%dma_start3A_215 : memref<128x16xf32, #tpu.memory_space<vmem>>) target(%dma_start3A_221 : memref<50048x16xf32, #tpu.memory_space<vmem_shared>>) offsets(%dma_start3A_218 : memref<128xi32, #tpu.memory_space<vmem>>) semaphore(%run_scoped3A_212 : memref<!tpu.dma_semaphore, #tpu.memory_space<semaphore_mem>>) {add = true}
        %dma_wait3A_222 = arith.constant 768 : i32
        %dma_wait3A_223 = arith.constant 0 : i32
        %dma_wait3A_224 = tpu.memref_slice %arg10[%dma_wait3A_222, %dma_wait3A_223] : memref<1024x16xf32, #tpu.memory_space<vmem>> -> memref<128x16xf32, #tpu.memory_space<vmem>>
        %dma_wait3A_225 = arith.constant 0 : i32
        %dma_wait3A_226 = tpu.memref_slice %arg9[%run_scoped3A_210, %dma_wait3A_225] : memref<8x128xi32, #tpu.memory_space<vmem>> -> memref<1x128xi32, #tpu.memory_space<vmem>>
        %dma_wait3A_227 = tpu.memref_squeeze %dma_wait3A_226 : memref<1x128xi32, #tpu.memory_space<vmem>> -> memref<128xi32, #tpu.memory_space<vmem>>
        %dma_wait3A_228 = arith.constant 0 : i32
        %dma_wait3A_229 = arith.constant 0 : i32
        %dma_wait3A_230 = tpu.memref_slice %arg11[%dma_wait3A_228, %dma_wait3A_229] : memref<50048x16xf32, #tpu.memory_space<vmem_shared>> -> memref<50048x16xf32, #tpu.memory_space<vmem_shared>>
        tpu.wait_indirect_dma semaphore(%run_scoped3A_212 : memref<!tpu.dma_semaphore, #tpu.memory_space<semaphore_mem>>) src(%dma_wait3A_224 : memref<128x16xf32, #tpu.memory_space<vmem>>) dst(%dma_wait3A_230 : memref<50048x16xf32, #tpu.memory_space<vmem_shared>>)
        tpu.yield
      }) : () -> ()
      %run_scoped3A_211 = arith.constant 7 : i32
      "tpu.region"() ({
        %run_scoped3A_212 = tpu.sem_alloc : memref<!tpu.dma_semaphore, #tpu.memory_space<semaphore_mem>>
        %dma_start3A_213 = arith.constant 896 : i32
        %dma_start3A_214 = arith.constant 0 : i32
        %dma_start3A_215 = tpu.memref_slice %arg10[%dma_start3A_213, %dma_start3A_214] : memref<1024x16xf32, #tpu.memory_space<vmem>> -> memref<128x16xf32, #tpu.memory_space<vmem>>
        %dma_start3A_216 = arith.constant 0 : i32
        %dma_start3A_217 = tpu.memref_slice %arg9[%run_scoped3A_211, %dma_start3A_216] : memref<8x128xi32, #tpu.memory_space<vmem>> -> memref<1x128xi32, #tpu.memory_space<vmem>>
        %dma_start3A_218 = tpu.memref_squeeze %dma_start3A_217 : memref<1x128xi32, #tpu.memory_space<vmem>> -> memref<128xi32, #tpu.memory_space<vmem>>
        %dma_start3A_219 = arith.constant 0 : i32
        %dma_start3A_220 = arith.constant 0 : i32
        %dma_start3A_221 = tpu.memref_slice %arg11[%dma_start3A_219, %dma_start3A_220] : memref<50048x16xf32, #tpu.memory_space<vmem_shared>> -> memref<50048x16xf32, #tpu.memory_space<vmem_shared>>
        tpu.enqueue_indirect_dma source(%dma_start3A_215 : memref<128x16xf32, #tpu.memory_space<vmem>>) target(%dma_start3A_221 : memref<50048x16xf32, #tpu.memory_space<vmem_shared>>) offsets(%dma_start3A_218 : memref<128xi32, #tpu.memory_space<vmem>>) semaphore(%run_scoped3A_212 : memref<!tpu.dma_semaphore, #tpu.memory_space<semaphore_mem>>) {add = true}
        %dma_wait3A_222 = arith.constant 896 : i32
        %dma_wait3A_223 = arith.constant 0 : i32
        %dma_wait3A_224 = tpu.memref_slice %arg10[%dma_wait3A_222, %dma_wait3A_223] : memref<1024x16xf32, #tpu.memory_space<vmem>> -> memref<128x16xf32, #tpu.memory_space<vmem>>
        %dma_wait3A_225 = arith.constant 0 : i32
        %dma_wait3A_226 = tpu.memref_slice %arg9[%run_scoped3A_211, %dma_wait3A_225] : memref<8x128xi32, #tpu.memory_space<vmem>> -> memref<1x128xi32, #tpu.memory_space<vmem>>
        %dma_wait3A_227 = tpu.memref_squeeze %dma_wait3A_226 : memref<1x128xi32, #tpu.memory_space<vmem>> -> memref<128xi32, #tpu.memory_space<vmem>>
        %dma_wait3A_228 = arith.constant 0 : i32
        %dma_wait3A_229 = arith.constant 0 : i32
        %dma_wait3A_230 = tpu.memref_slice %arg11[%dma_wait3A_228, %dma_wait3A_229] : memref<50048x16xf32, #tpu.memory_space<vmem_shared>> -> memref<50048x16xf32, #tpu.memory_space<vmem_shared>>
        tpu.wait_indirect_dma semaphore(%run_scoped3A_212 : memref<!tpu.dma_semaphore, #tpu.memory_space<semaphore_mem>>) src(%dma_wait3A_224 : memref<128x16xf32, #tpu.memory_space<vmem>>) dst(%dma_wait3A_230 : memref<50048x16xf32, #tpu.memory_space<vmem_shared>>)
        tpu.yield
      }) : () -> ()
    }
    %scan3A_10 = arith.constant 49 : i32
    %barrier3A_11 = arith.constant 0 : index
    tpu.barrier barrier_id(%barrier3A_11)
    %mul3A_12 = arith.constant 3128 : i32
    %mul3A_13 = arith.muli %arg1, %mul3A_12 : i32
    %mul3A_14 = arith.constant 3128 : i32
    %mul3A_15 = arith.muli %arg1, %mul3A_14 : i32
    "tpu.region"() ({
      %run_scoped3A = tpu.sem_alloc : memref<!tpu.dma_semaphore, #tpu.memory_space<semaphore_mem>>
      %dma_start3A = arith.constant 0 : i32
      %dma_start3A_36 = tpu.memref_slice %arg7[%add3A_1, %mul3A_15, %dma_start3A] : memref<4x50048x16xf32, #tpu.memory_space<hbm>> -> memref<1x3128x16xf32, #tpu.memory_space<hbm>>
      %dma_start3A_37 = tpu.memref_squeeze %dma_start3A_36 : memref<1x3128x16xf32, #tpu.memory_space<hbm>> -> memref<3128x16xf32, #tpu.memory_space<hbm>>
      %dma_start3A_38 = arith.constant 0 : i32
      %dma_start3A_39 = tpu.memref_slice %arg11[%mul3A_13, %dma_start3A_38] : memref<50048x16xf32, #tpu.memory_space<vmem_shared>> -> memref<3128x16xf32, #tpu.memory_space<vmem_shared>>
      tpu.enqueue_dma source(%dma_start3A_39 : memref<3128x16xf32, #tpu.memory_space<vmem_shared>>) target(%dma_start3A_37 : memref<3128x16xf32, #tpu.memory_space<hbm>>) target_semaphore(%run_scoped3A : memref<!tpu.dma_semaphore, #tpu.memory_space<semaphore_mem>>)
      %dma_wait3A = arith.constant 0 : i32
      %dma_wait3A_40 = tpu.memref_slice %arg7[%add3A_1, %mul3A_15, %dma_wait3A] : memref<4x50048x16xf32, #tpu.memory_space<hbm>> -> memref<1x3128x16xf32, #tpu.memory_space<hbm>>
      %dma_wait3A_41 = tpu.memref_squeeze %dma_wait3A_40 : memref<1x3128x16xf32, #tpu.memory_space<hbm>> -> memref<3128x16xf32, #tpu.memory_space<hbm>>
      %dma_wait3A_42 = arith.constant 0 : i32
      %dma_wait3A_43 = tpu.memref_slice %arg11[%mul3A_13, %dma_wait3A_42] : memref<50048x16xf32, #tpu.memory_space<vmem_shared>> -> memref<3128x16xf32, #tpu.memory_space<vmem_shared>>
      tpu.wait_dma2 semaphore(%run_scoped3A : memref<!tpu.dma_semaphore, #tpu.memory_space<semaphore_mem>>) src(%dma_wait3A_43 : memref<3128x16xf32, #tpu.memory_space<vmem_shared>>) dst(%dma_wait3A_41 : memref<3128x16xf32, #tpu.memory_space<hbm>>)
      tpu.yield
    }) : () -> ()
    %mul3A_16 = arith.constant 2 : i32
    %mul3A_17 = arith.muli %mul3A_16, %arg0 : i32
    %add3A_18 = arith.constant 1 : i32
    %add3A_19 = arith.addi %mul3A_17, %add3A_18 : i32
    %mul3A_20 = arith.constant 3128 : i32
    %mul3A_21 = arith.muli %arg1, %mul3A_20 : i32
    %mul3A_22 = arith.constant 3128 : i32
    %mul3A_23 = arith.muli %arg1, %mul3A_22 : i32
    "tpu.region"() ({
      %run_scoped3A = tpu.sem_alloc : memref<!tpu.dma_semaphore, #tpu.memory_space<semaphore_mem>>
      %dma_start3A = arith.constant 0 : i32
      %dma_start3A_36 = tpu.memref_slice %arg11[%mul3A_23, %dma_start3A] : memref<50048x16xf32, #tpu.memory_space<vmem_shared>> -> memref<3128x16xf32, #tpu.memory_space<vmem_shared>>
      %dma_start3A_37 = arith.constant 0 : i32
      %dma_start3A_38 = tpu.memref_slice %arg6[%mul3A_21, %dma_start3A_37] : memref<50048x16xf32, #tpu.memory_space<hbm>> -> memref<3128x16xf32, #tpu.memory_space<hbm>>
      tpu.enqueue_dma source(%dma_start3A_38 : memref<3128x16xf32, #tpu.memory_space<hbm>>) target(%dma_start3A_36 : memref<3128x16xf32, #tpu.memory_space<vmem_shared>>) target_semaphore(%run_scoped3A : memref<!tpu.dma_semaphore, #tpu.memory_space<semaphore_mem>>)
      %dma_wait3A = arith.constant 0 : i32
      %dma_wait3A_39 = tpu.memref_slice %arg11[%mul3A_23, %dma_wait3A] : memref<50048x16xf32, #tpu.memory_space<vmem_shared>> -> memref<3128x16xf32, #tpu.memory_space<vmem_shared>>
      %dma_wait3A_40 = arith.constant 0 : i32
      %dma_wait3A_41 = tpu.memref_slice %arg6[%mul3A_21, %dma_wait3A_40] : memref<50048x16xf32, #tpu.memory_space<hbm>> -> memref<3128x16xf32, #tpu.memory_space<hbm>>
      tpu.wait_dma2 semaphore(%run_scoped3A : memref<!tpu.dma_semaphore, #tpu.memory_space<semaphore_mem>>) src(%dma_wait3A_41 : memref<3128x16xf32, #tpu.memory_space<hbm>>) dst(%dma_wait3A_39 : memref<3128x16xf32, #tpu.memory_space<vmem_shared>>)
      tpu.yield
    }) : () -> ()
    %barrier3A_24 = arith.constant 0 : index
    tpu.barrier barrier_id(%barrier3A_24)
    %scan3A_25 = arith.constant 0 : i32
    %scan3A_26 = arith.constant 0 : i32
    %scan3A_27 = arith.constant 49 : i32
    %scan3A_28 = arith.addi %scan3A_26, %scan3A_27 : i32
    %scan3A_29 = arith.constant 1 : i32
    scf.for %scan3A_36 = %scan3A_26 to %scan3A_28 step %scan3A_29  : i32 {
      %mul3A_37 = arith.constant 392 : i32
      %mul3A_38 = arith.muli %arg1, %mul3A_37 : i32
      %mul3A_39 = arith.constant 8 : i32
      %mul3A_40 = arith.muli %scan3A_36, %mul3A_39 : i32
      %add3A_41 = arith.addi %mul3A_38, %mul3A_40 : i32
      "tpu.region"() ({
        %run_scoped3A_212 = tpu.sem_alloc : memref<!tpu.dma_semaphore, #tpu.memory_space<semaphore_mem>>
        %dma_start3A_213 = arith.constant 0 : i32
        %dma_start3A_214 = tpu.memref_slice %arg4[%add3A_19, %add3A_41, %dma_start3A_213] : memref<4x6272x128xi32, #tpu.memory_space<hbm>> -> memref<1x8x128xi32, #tpu.memory_space<hbm>>
        %dma_start3A_215 = tpu.memref_squeeze %dma_start3A_214 : memref<1x8x128xi32, #tpu.memory_space<hbm>> -> memref<8x128xi32, #tpu.memory_space<hbm>>
        %dma_start3A_216 = arith.constant 0 : i32
        %dma_start3A_217 = tpu.memref_slice %arg4[%add3A_19, %add3A_41, %dma_start3A_216] : memref<4x6272x128xi32, #tpu.memory_space<hbm>> -> memref<1x8x128xi32, #tpu.memory_space<hbm>>
        %dma_start3A_218 = tpu.memref_squeeze %dma_start3A_217 : memref<1x8x128xi32, #tpu.memory_space<hbm>> -> memref<8x128xi32, #tpu.memory_space<hbm>>
        tpu.enqueue_dma source(%dma_start3A_218 : memref<8x128xi32, #tpu.memory_space<hbm>>) target(%arg8 : memref<8x128xi32, #tpu.memory_space<vmem>>) target_semaphore(%run_scoped3A_212 : memref<!tpu.dma_semaphore, #tpu.memory_space<semaphore_mem>>)
        %dma_wait3A_219 = arith.constant 0 : i32
        %dma_wait3A_220 = tpu.memref_slice %arg4[%add3A_19, %add3A_41, %dma_wait3A_219] : memref<4x6272x128xi32, #tpu.memory_space<hbm>> -> memref<1x8x128xi32, #tpu.memory_space<hbm>>
        %dma_wait3A_221 = tpu.memref_squeeze %dma_wait3A_220 : memref<1x8x128xi32, #tpu.memory_space<hbm>> -> memref<8x128xi32, #tpu.memory_space<hbm>>
        %dma_wait3A_222 = arith.constant 0 : i32
        %dma_wait3A_223 = tpu.memref_slice %arg4[%add3A_19, %add3A_41, %dma_wait3A_222] : memref<4x6272x128xi32, #tpu.memory_space<hbm>> -> memref<1x8x128xi32, #tpu.memory_space<hbm>>
        %dma_wait3A_224 = tpu.memref_squeeze %dma_wait3A_223 : memref<1x8x128xi32, #tpu.memory_space<hbm>> -> memref<8x128xi32, #tpu.memory_space<hbm>>
        tpu.wait_dma2 semaphore(%run_scoped3A_212 : memref<!tpu.dma_semaphore, #tpu.memory_space<semaphore_mem>>) src(%dma_wait3A_224 : memref<8x128xi32, #tpu.memory_space<hbm>>) dst(%arg8 : memref<8x128xi32, #tpu.memory_space<vmem>>)
        tpu.yield
      }) : () -> ()
      "tpu.region"() ({
        %run_scoped3A_212 = tpu.sem_alloc : memref<!tpu.dma_semaphore, #tpu.memory_space<semaphore_mem>>
        %dma_start3A_213 = arith.constant 0 : i32
        %dma_start3A_214 = tpu.memref_slice %arg5[%add3A_41, %dma_start3A_213] : memref<6272x128xi32, #tpu.memory_space<hbm>> -> memref<8x128xi32, #tpu.memory_space<hbm>>
        %dma_start3A_215 = arith.constant 0 : i32
        %dma_start3A_216 = tpu.memref_slice %arg5[%add3A_41, %dma_start3A_215] : memref<6272x128xi32, #tpu.memory_space<hbm>> -> memref<8x128xi32, #tpu.memory_space<hbm>>
        tpu.enqueue_dma source(%dma_start3A_216 : memref<8x128xi32, #tpu.memory_space<hbm>>) target(%arg9 : memref<8x128xi32, #tpu.memory_space<vmem>>) target_semaphore(%run_scoped3A_212 : memref<!tpu.dma_semaphore, #tpu.memory_space<semaphore_mem>>)
        %dma_wait3A_217 = arith.constant 0 : i32
        %dma_wait3A_218 = tpu.memref_slice %arg5[%add3A_41, %dma_wait3A_217] : memref<6272x128xi32, #tpu.memory_space<hbm>> -> memref<8x128xi32, #tpu.memory_space<hbm>>
        %dma_wait3A_219 = arith.constant 0 : i32
        %dma_wait3A_220 = tpu.memref_slice %arg5[%add3A_41, %dma_wait3A_219] : memref<6272x128xi32, #tpu.memory_space<hbm>> -> memref<8x128xi32, #tpu.memory_space<hbm>>
        tpu.wait_dma2 semaphore(%run_scoped3A_212 : memref<!tpu.dma_semaphore, #tpu.memory_space<semaphore_mem>>) src(%dma_wait3A_220 : memref<8x128xi32, #tpu.memory_space<hbm>>) dst(%arg9 : memref<8x128xi32, #tpu.memory_space<vmem>>)
        tpu.yield
      }) : () -> ()
      %mul3A_42 = arith.constant 128 : i32
      %mul3A_43 = arith.muli %add3A_41, %mul3A_42 : i32
      %run_scoped3A = arith.constant 0 : i32
      "tpu.region"() ({
        %run_scoped3A_212 = tpu.sem_alloc : memref<!tpu.dma_semaphore, #tpu.memory_space<semaphore_mem>>
        %dma_start3A_213 = arith.constant 0 : i32
        %dma_start3A_214 = tpu.memref_slice %arg3[%run_scoped3A, %add3A_19, %mul3A_43, %dma_start3A_213] : memref<3x4x802816x16xf32, #tpu.memory_space<hbm>> -> memref<1x1x1024x16xf32, #tpu.memory_space<hbm>>
        %dma_start3A_215 = tpu.memref_squeeze %dma_start3A_214 : memref<1x1x1024x16xf32, #tpu.memory_space<hbm>> -> memref<1024x16xf32, #tpu.memory_space<hbm>>
        %dma_start3A_216 = arith.constant 0 : i32
        %dma_start3A_217 = tpu.memref_slice %arg3[%run_scoped3A, %add3A_19, %mul3A_43, %dma_start3A_216] : memref<3x4x802816x16xf32, #tpu.memory_space<hbm>> -> memref<1x1x1024x16xf32, #tpu.memory_space<hbm>>
        %dma_start3A_218 = tpu.memref_squeeze %dma_start3A_217 : memref<1x1x1024x16xf32, #tpu.memory_space<hbm>> -> memref<1024x16xf32, #tpu.memory_space<hbm>>
        tpu.enqueue_dma source(%dma_start3A_218 : memref<1024x16xf32, #tpu.memory_space<hbm>>) target(%arg10 : memref<1024x16xf32, #tpu.memory_space<vmem>>) target_semaphore(%run_scoped3A_212 : memref<!tpu.dma_semaphore, #tpu.memory_space<semaphore_mem>>)
        %dma_wait3A_219 = arith.constant 0 : i32
        %dma_wait3A_220 = tpu.memref_slice %arg3[%run_scoped3A, %add3A_19, %mul3A_43, %dma_wait3A_219] : memref<3x4x802816x16xf32, #tpu.memory_space<hbm>> -> memref<1x1x1024x16xf32, #tpu.memory_space<hbm>>
        %dma_wait3A_221 = tpu.memref_squeeze %dma_wait3A_220 : memref<1x1x1024x16xf32, #tpu.memory_space<hbm>> -> memref<1024x16xf32, #tpu.memory_space<hbm>>
        %dma_wait3A_222 = arith.constant 0 : i32
        %dma_wait3A_223 = tpu.memref_slice %arg3[%run_scoped3A, %add3A_19, %mul3A_43, %dma_wait3A_222] : memref<3x4x802816x16xf32, #tpu.memory_space<hbm>> -> memref<1x1x1024x16xf32, #tpu.memory_space<hbm>>
        %dma_wait3A_224 = tpu.memref_squeeze %dma_wait3A_223 : memref<1x1x1024x16xf32, #tpu.memory_space<hbm>> -> memref<1024x16xf32, #tpu.memory_space<hbm>>
        tpu.wait_dma2 semaphore(%run_scoped3A_212 : memref<!tpu.dma_semaphore, #tpu.memory_space<semaphore_mem>>) src(%dma_wait3A_224 : memref<1024x16xf32, #tpu.memory_space<hbm>>) dst(%arg10 : memref<1024x16xf32, #tpu.memory_space<vmem>>)
        tpu.yield
      }) : () -> ()
      %dma_start3A = arith.constant 0 : i32
      %dma_start3A_44 = arith.constant 0 : i32
      %dma_start3A_45 = arith.constant 0 : i32
      %dma_start3A_46 = tpu.memref_slice %arg10[%dma_start3A_44, %dma_start3A_45] : memref<1024x16xf32, #tpu.memory_space<vmem>> -> memref<128x16xf32, #tpu.memory_space<vmem>>
      %dma_start3A_47 = arith.constant 0 : i32
      %dma_start3A_48 = tpu.memref_slice %arg8[%dma_start3A, %dma_start3A_47] : memref<8x128xi32, #tpu.memory_space<vmem>> -> memref<1x128xi32, #tpu.memory_space<vmem>>
      %dma_start3A_49 = tpu.memref_squeeze %dma_start3A_48 : memref<1x128xi32, #tpu.memory_space<vmem>> -> memref<128xi32, #tpu.memory_space<vmem>>
      %dma_start3A_50 = arith.constant 0 : i32
      %dma_start3A_51 = arith.constant 0 : i32
      %dma_start3A_52 = tpu.memref_slice %arg2[%dma_start3A_50, %dma_start3A_51] : memref<200000x16xf32, #tpu.memory_space<hbm>> -> memref<200000x16xf32, #tpu.memory_space<hbm>>
      tpu.enqueue_indirect_dma source(%dma_start3A_52 : memref<200000x16xf32, #tpu.memory_space<hbm>>) target(%dma_start3A_46 : memref<128x16xf32, #tpu.memory_space<vmem>>) offsets(%dma_start3A_49 : memref<128xi32, #tpu.memory_space<vmem>>) semaphore(%arg12 : memref<!tpu.dma_semaphore, #tpu.memory_space<semaphore_mem>>) {add = true}
      %dma_start3A_53 = arith.constant 1 : i32
      %dma_start3A_54 = arith.constant 128 : i32
      %dma_start3A_55 = arith.constant 0 : i32
      %dma_start3A_56 = tpu.memref_slice %arg10[%dma_start3A_54, %dma_start3A_55] : memref<1024x16xf32, #tpu.memory_space<vmem>> -> memref<128x16xf32, #tpu.memory_space<vmem>>
      %dma_start3A_57 = arith.constant 0 : i32
      %dma_start3A_58 = tpu.memref_slice %arg8[%dma_start3A_53, %dma_start3A_57] : memref<8x128xi32, #tpu.memory_space<vmem>> -> memref<1x128xi32, #tpu.memory_space<vmem>>
      %dma_start3A_59 = tpu.memref_squeeze %dma_start3A_58 : memref<1x128xi32, #tpu.memory_space<vmem>> -> memref<128xi32, #tpu.memory_space<vmem>>
      %dma_start3A_60 = arith.constant 0 : i32
      %dma_start3A_61 = arith.constant 0 : i32
      %dma_start3A_62 = tpu.memref_slice %arg2[%dma_start3A_60, %dma_start3A_61] : memref<200000x16xf32, #tpu.memory_space<hbm>> -> memref<200000x16xf32, #tpu.memory_space<hbm>>
      tpu.enqueue_indirect_dma source(%dma_start3A_62 : memref<200000x16xf32, #tpu.memory_space<hbm>>) target(%dma_start3A_56 : memref<128x16xf32, #tpu.memory_space<vmem>>) offsets(%dma_start3A_59 : memref<128xi32, #tpu.memory_space<vmem>>) semaphore(%arg12 : memref<!tpu.dma_semaphore, #tpu.memory_space<semaphore_mem>>) {add = true}
      %dma_start3A_63 = arith.constant 2 : i32
      %dma_start3A_64 = arith.constant 256 : i32
      %dma_start3A_65 = arith.constant 0 : i32
      %dma_start3A_66 = tpu.memref_slice %arg10[%dma_start3A_64, %dma_start3A_65] : memref<1024x16xf32, #tpu.memory_space<vmem>> -> memref<128x16xf32, #tpu.memory_space<vmem>>
      %dma_start3A_67 = arith.constant 0 : i32
      %dma_start3A_68 = tpu.memref_slice %arg8[%dma_start3A_63, %dma_start3A_67] : memref<8x128xi32, #tpu.memory_space<vmem>> -> memref<1x128xi32, #tpu.memory_space<vmem>>
      %dma_start3A_69 = tpu.memref_squeeze %dma_start3A_68 : memref<1x128xi32, #tpu.memory_space<vmem>> -> memref<128xi32, #tpu.memory_space<vmem>>
      %dma_start3A_70 = arith.constant 0 : i32
      %dma_start3A_71 = arith.constant 0 : i32
      %dma_start3A_72 = tpu.memref_slice %arg2[%dma_start3A_70, %dma_start3A_71] : memref<200000x16xf32, #tpu.memory_space<hbm>> -> memref<200000x16xf32, #tpu.memory_space<hbm>>
      tpu.enqueue_indirect_dma source(%dma_start3A_72 : memref<200000x16xf32, #tpu.memory_space<hbm>>) target(%dma_start3A_66 : memref<128x16xf32, #tpu.memory_space<vmem>>) offsets(%dma_start3A_69 : memref<128xi32, #tpu.memory_space<vmem>>) semaphore(%arg12 : memref<!tpu.dma_semaphore, #tpu.memory_space<semaphore_mem>>) {add = true}
      %dma_start3A_73 = arith.constant 3 : i32
      %dma_start3A_74 = arith.constant 384 : i32
      %dma_start3A_75 = arith.constant 0 : i32
      %dma_start3A_76 = tpu.memref_slice %arg10[%dma_start3A_74, %dma_start3A_75] : memref<1024x16xf32, #tpu.memory_space<vmem>> -> memref<128x16xf32, #tpu.memory_space<vmem>>
      %dma_start3A_77 = arith.constant 0 : i32
      %dma_start3A_78 = tpu.memref_slice %arg8[%dma_start3A_73, %dma_start3A_77] : memref<8x128xi32, #tpu.memory_space<vmem>> -> memref<1x128xi32, #tpu.memory_space<vmem>>
      %dma_start3A_79 = tpu.memref_squeeze %dma_start3A_78 : memref<1x128xi32, #tpu.memory_space<vmem>> -> memref<128xi32, #tpu.memory_space<vmem>>
      %dma_start3A_80 = arith.constant 0 : i32
      %dma_start3A_81 = arith.constant 0 : i32
      %dma_start3A_82 = tpu.memref_slice %arg2[%dma_start3A_80, %dma_start3A_81] : memref<200000x16xf32, #tpu.memory_space<hbm>> -> memref<200000x16xf32, #tpu.memory_space<hbm>>
      tpu.enqueue_indirect_dma source(%dma_start3A_82 : memref<200000x16xf32, #tpu.memory_space<hbm>>) target(%dma_start3A_76 : memref<128x16xf32, #tpu.memory_space<vmem>>) offsets(%dma_start3A_79 : memref<128xi32, #tpu.memory_space<vmem>>) semaphore(%arg12 : memref<!tpu.dma_semaphore, #tpu.memory_space<semaphore_mem>>) {add = true}
      %dma_start3A_83 = arith.constant 4 : i32
      %dma_start3A_84 = arith.constant 512 : i32
      %dma_start3A_85 = arith.constant 0 : i32
      %dma_start3A_86 = tpu.memref_slice %arg10[%dma_start3A_84, %dma_start3A_85] : memref<1024x16xf32, #tpu.memory_space<vmem>> -> memref<128x16xf32, #tpu.memory_space<vmem>>
      %dma_start3A_87 = arith.constant 0 : i32
      %dma_start3A_88 = tpu.memref_slice %arg8[%dma_start3A_83, %dma_start3A_87] : memref<8x128xi32, #tpu.memory_space<vmem>> -> memref<1x128xi32, #tpu.memory_space<vmem>>
      %dma_start3A_89 = tpu.memref_squeeze %dma_start3A_88 : memref<1x128xi32, #tpu.memory_space<vmem>> -> memref<128xi32, #tpu.memory_space<vmem>>
      %dma_start3A_90 = arith.constant 0 : i32
      %dma_start3A_91 = arith.constant 0 : i32
      %dma_start3A_92 = tpu.memref_slice %arg2[%dma_start3A_90, %dma_start3A_91] : memref<200000x16xf32, #tpu.memory_space<hbm>> -> memref<200000x16xf32, #tpu.memory_space<hbm>>
      tpu.enqueue_indirect_dma source(%dma_start3A_92 : memref<200000x16xf32, #tpu.memory_space<hbm>>) target(%dma_start3A_86 : memref<128x16xf32, #tpu.memory_space<vmem>>) offsets(%dma_start3A_89 : memref<128xi32, #tpu.memory_space<vmem>>) semaphore(%arg12 : memref<!tpu.dma_semaphore, #tpu.memory_space<semaphore_mem>>) {add = true}
      %dma_start3A_93 = arith.constant 5 : i32
      %dma_start3A_94 = arith.constant 640 : i32
      %dma_start3A_95 = arith.constant 0 : i32
      %dma_start3A_96 = tpu.memref_slice %arg10[%dma_start3A_94, %dma_start3A_95] : memref<1024x16xf32, #tpu.memory_space<vmem>> -> memref<128x16xf32, #tpu.memory_space<vmem>>
      %dma_start3A_97 = arith.constant 0 : i32
      %dma_start3A_98 = tpu.memref_slice %arg8[%dma_start3A_93, %dma_start3A_97] : memref<8x128xi32, #tpu.memory_space<vmem>> -> memref<1x128xi32, #tpu.memory_space<vmem>>
      %dma_start3A_99 = tpu.memref_squeeze %dma_start3A_98 : memref<1x128xi32, #tpu.memory_space<vmem>> -> memref<128xi32, #tpu.memory_space<vmem>>
      %dma_start3A_100 = arith.constant 0 : i32
      %dma_start3A_101 = arith.constant 0 : i32
      %dma_start3A_102 = tpu.memref_slice %arg2[%dma_start3A_100, %dma_start3A_101] : memref<200000x16xf32, #tpu.memory_space<hbm>> -> memref<200000x16xf32, #tpu.memory_space<hbm>>
      tpu.enqueue_indirect_dma source(%dma_start3A_102 : memref<200000x16xf32, #tpu.memory_space<hbm>>) target(%dma_start3A_96 : memref<128x16xf32, #tpu.memory_space<vmem>>) offsets(%dma_start3A_99 : memref<128xi32, #tpu.memory_space<vmem>>) semaphore(%arg12 : memref<!tpu.dma_semaphore, #tpu.memory_space<semaphore_mem>>) {add = true}
      %dma_start3A_103 = arith.constant 6 : i32
      %dma_start3A_104 = arith.constant 768 : i32
      %dma_start3A_105 = arith.constant 0 : i32
      %dma_start3A_106 = tpu.memref_slice %arg10[%dma_start3A_104, %dma_start3A_105] : memref<1024x16xf32, #tpu.memory_space<vmem>> -> memref<128x16xf32, #tpu.memory_space<vmem>>
      %dma_start3A_107 = arith.constant 0 : i32
      %dma_start3A_108 = tpu.memref_slice %arg8[%dma_start3A_103, %dma_start3A_107] : memref<8x128xi32, #tpu.memory_space<vmem>> -> memref<1x128xi32, #tpu.memory_space<vmem>>
      %dma_start3A_109 = tpu.memref_squeeze %dma_start3A_108 : memref<1x128xi32, #tpu.memory_space<vmem>> -> memref<128xi32, #tpu.memory_space<vmem>>
      %dma_start3A_110 = arith.constant 0 : i32
      %dma_start3A_111 = arith.constant 0 : i32
      %dma_start3A_112 = tpu.memref_slice %arg2[%dma_start3A_110, %dma_start3A_111] : memref<200000x16xf32, #tpu.memory_space<hbm>> -> memref<200000x16xf32, #tpu.memory_space<hbm>>
      tpu.enqueue_indirect_dma source(%dma_start3A_112 : memref<200000x16xf32, #tpu.memory_space<hbm>>) target(%dma_start3A_106 : memref<128x16xf32, #tpu.memory_space<vmem>>) offsets(%dma_start3A_109 : memref<128xi32, #tpu.memory_space<vmem>>) semaphore(%arg12 : memref<!tpu.dma_semaphore, #tpu.memory_space<semaphore_mem>>) {add = true}
      %dma_start3A_113 = arith.constant 7 : i32
      %dma_start3A_114 = arith.constant 896 : i32
      %dma_start3A_115 = arith.constant 0 : i32
      %dma_start3A_116 = tpu.memref_slice %arg10[%dma_start3A_114, %dma_start3A_115] : memref<1024x16xf32, #tpu.memory_space<vmem>> -> memref<128x16xf32, #tpu.memory_space<vmem>>
      %dma_start3A_117 = arith.constant 0 : i32
      %dma_start3A_118 = tpu.memref_slice %arg8[%dma_start3A_113, %dma_start3A_117] : memref<8x128xi32, #tpu.memory_space<vmem>> -> memref<1x128xi32, #tpu.memory_space<vmem>>
      %dma_start3A_119 = tpu.memref_squeeze %dma_start3A_118 : memref<1x128xi32, #tpu.memory_space<vmem>> -> memref<128xi32, #tpu.memory_space<vmem>>
      %dma_start3A_120 = arith.constant 0 : i32
      %dma_start3A_121 = arith.constant 0 : i32
      %dma_start3A_122 = tpu.memref_slice %arg2[%dma_start3A_120, %dma_start3A_121] : memref<200000x16xf32, #tpu.memory_space<hbm>> -> memref<200000x16xf32, #tpu.memory_space<hbm>>
      tpu.enqueue_indirect_dma source(%dma_start3A_122 : memref<200000x16xf32, #tpu.memory_space<hbm>>) target(%dma_start3A_116 : memref<128x16xf32, #tpu.memory_space<vmem>>) offsets(%dma_start3A_119 : memref<128xi32, #tpu.memory_space<vmem>>) semaphore(%arg12 : memref<!tpu.dma_semaphore, #tpu.memory_space<semaphore_mem>>) {add = true}
      %dma_wait3A = arith.constant 0 : i32
      %dma_wait3A_123 = arith.constant 0 : i32
      %dma_wait3A_124 = arith.constant 0 : i32
      %dma_wait3A_125 = tpu.memref_slice %arg10[%dma_wait3A_123, %dma_wait3A_124] : memref<1024x16xf32, #tpu.memory_space<vmem>> -> memref<128x16xf32, #tpu.memory_space<vmem>>
      %dma_wait3A_126 = arith.constant 0 : i32
      %dma_wait3A_127 = tpu.memref_slice %arg8[%dma_wait3A, %dma_wait3A_126] : memref<8x128xi32, #tpu.memory_space<vmem>> -> memref<1x128xi32, #tpu.memory_space<vmem>>
      %dma_wait3A_128 = tpu.memref_squeeze %dma_wait3A_127 : memref<1x128xi32, #tpu.memory_space<vmem>> -> memref<128xi32, #tpu.memory_space<vmem>>
      %dma_wait3A_129 = arith.constant 0 : i32
      %dma_wait3A_130 = arith.constant 0 : i32
      %dma_wait3A_131 = tpu.memref_slice %arg2[%dma_wait3A_129, %dma_wait3A_130] : memref<200000x16xf32, #tpu.memory_space<hbm>> -> memref<200000x16xf32, #tpu.memory_space<hbm>>
      tpu.wait_indirect_dma semaphore(%arg12 : memref<!tpu.dma_semaphore, #tpu.memory_space<semaphore_mem>>) src(%dma_wait3A_131 : memref<200000x16xf32, #tpu.memory_space<hbm>>) dst(%dma_wait3A_125 : memref<128x16xf32, #tpu.memory_space<vmem>>)
      %dma_wait3A_132 = arith.constant 1 : i32
      %dma_wait3A_133 = arith.constant 128 : i32
      %dma_wait3A_134 = arith.constant 0 : i32
      %dma_wait3A_135 = tpu.memref_slice %arg10[%dma_wait3A_133, %dma_wait3A_134] : memref<1024x16xf32, #tpu.memory_space<vmem>> -> memref<128x16xf32, #tpu.memory_space<vmem>>
      %dma_wait3A_136 = arith.constant 0 : i32
      %dma_wait3A_137 = tpu.memref_slice %arg8[%dma_wait3A_132, %dma_wait3A_136] : memref<8x128xi32, #tpu.memory_space<vmem>> -> memref<1x128xi32, #tpu.memory_space<vmem>>
      %dma_wait3A_138 = tpu.memref_squeeze %dma_wait3A_137 : memref<1x128xi32, #tpu.memory_space<vmem>> -> memref<128xi32, #tpu.memory_space<vmem>>
      %dma_wait3A_139 = arith.constant 0 : i32
      %dma_wait3A_140 = arith.constant 0 : i32
      %dma_wait3A_141 = tpu.memref_slice %arg2[%dma_wait3A_139, %dma_wait3A_140] : memref<200000x16xf32, #tpu.memory_space<hbm>> -> memref<200000x16xf32, #tpu.memory_space<hbm>>
      tpu.wait_indirect_dma semaphore(%arg12 : memref<!tpu.dma_semaphore, #tpu.memory_space<semaphore_mem>>) src(%dma_wait3A_141 : memref<200000x16xf32, #tpu.memory_space<hbm>>) dst(%dma_wait3A_135 : memref<128x16xf32, #tpu.memory_space<vmem>>)
      %dma_wait3A_142 = arith.constant 2 : i32
      %dma_wait3A_143 = arith.constant 256 : i32
      %dma_wait3A_144 = arith.constant 0 : i32
      %dma_wait3A_145 = tpu.memref_slice %arg10[%dma_wait3A_143, %dma_wait3A_144] : memref<1024x16xf32, #tpu.memory_space<vmem>> -> memref<128x16xf32, #tpu.memory_space<vmem>>
      %dma_wait3A_146 = arith.constant 0 : i32
      %dma_wait3A_147 = tpu.memref_slice %arg8[%dma_wait3A_142, %dma_wait3A_146] : memref<8x128xi32, #tpu.memory_space<vmem>> -> memref<1x128xi32, #tpu.memory_space<vmem>>
      %dma_wait3A_148 = tpu.memref_squeeze %dma_wait3A_147 : memref<1x128xi32, #tpu.memory_space<vmem>> -> memref<128xi32, #tpu.memory_space<vmem>>
      %dma_wait3A_149 = arith.constant 0 : i32
      %dma_wait3A_150 = arith.constant 0 : i32
      %dma_wait3A_151 = tpu.memref_slice %arg2[%dma_wait3A_149, %dma_wait3A_150] : memref<200000x16xf32, #tpu.memory_space<hbm>> -> memref<200000x16xf32, #tpu.memory_space<hbm>>
      tpu.wait_indirect_dma semaphore(%arg12 : memref<!tpu.dma_semaphore, #tpu.memory_space<semaphore_mem>>) src(%dma_wait3A_151 : memref<200000x16xf32, #tpu.memory_space<hbm>>) dst(%dma_wait3A_145 : memref<128x16xf32, #tpu.memory_space<vmem>>)
      %dma_wait3A_152 = arith.constant 3 : i32
      %dma_wait3A_153 = arith.constant 384 : i32
      %dma_wait3A_154 = arith.constant 0 : i32
      %dma_wait3A_155 = tpu.memref_slice %arg10[%dma_wait3A_153, %dma_wait3A_154] : memref<1024x16xf32, #tpu.memory_space<vmem>> -> memref<128x16xf32, #tpu.memory_space<vmem>>
      %dma_wait3A_156 = arith.constant 0 : i32
      %dma_wait3A_157 = tpu.memref_slice %arg8[%dma_wait3A_152, %dma_wait3A_156] : memref<8x128xi32, #tpu.memory_space<vmem>> -> memref<1x128xi32, #tpu.memory_space<vmem>>
      %dma_wait3A_158 = tpu.memref_squeeze %dma_wait3A_157 : memref<1x128xi32, #tpu.memory_space<vmem>> -> memref<128xi32, #tpu.memory_space<vmem>>
      %dma_wait3A_159 = arith.constant 0 : i32
      %dma_wait3A_160 = arith.constant 0 : i32
      %dma_wait3A_161 = tpu.memref_slice %arg2[%dma_wait3A_159, %dma_wait3A_160] : memref<200000x16xf32, #tpu.memory_space<hbm>> -> memref<200000x16xf32, #tpu.memory_space<hbm>>
      tpu.wait_indirect_dma semaphore(%arg12 : memref<!tpu.dma_semaphore, #tpu.memory_space<semaphore_mem>>) src(%dma_wait3A_161 : memref<200000x16xf32, #tpu.memory_space<hbm>>) dst(%dma_wait3A_155 : memref<128x16xf32, #tpu.memory_space<vmem>>)
      %dma_wait3A_162 = arith.constant 4 : i32
      %dma_wait3A_163 = arith.constant 512 : i32
      %dma_wait3A_164 = arith.constant 0 : i32
      %dma_wait3A_165 = tpu.memref_slice %arg10[%dma_wait3A_163, %dma_wait3A_164] : memref<1024x16xf32, #tpu.memory_space<vmem>> -> memref<128x16xf32, #tpu.memory_space<vmem>>
      %dma_wait3A_166 = arith.constant 0 : i32
      %dma_wait3A_167 = tpu.memref_slice %arg8[%dma_wait3A_162, %dma_wait3A_166] : memref<8x128xi32, #tpu.memory_space<vmem>> -> memref<1x128xi32, #tpu.memory_space<vmem>>
      %dma_wait3A_168 = tpu.memref_squeeze %dma_wait3A_167 : memref<1x128xi32, #tpu.memory_space<vmem>> -> memref<128xi32, #tpu.memory_space<vmem>>
      %dma_wait3A_169 = arith.constant 0 : i32
      %dma_wait3A_170 = arith.constant 0 : i32
      %dma_wait3A_171 = tpu.memref_slice %arg2[%dma_wait3A_169, %dma_wait3A_170] : memref<200000x16xf32, #tpu.memory_space<hbm>> -> memref<200000x16xf32, #tpu.memory_space<hbm>>
      tpu.wait_indirect_dma semaphore(%arg12 : memref<!tpu.dma_semaphore, #tpu.memory_space<semaphore_mem>>) src(%dma_wait3A_171 : memref<200000x16xf32, #tpu.memory_space<hbm>>) dst(%dma_wait3A_165 : memref<128x16xf32, #tpu.memory_space<vmem>>)
      %dma_wait3A_172 = arith.constant 5 : i32
      %dma_wait3A_173 = arith.constant 640 : i32
      %dma_wait3A_174 = arith.constant 0 : i32
      %dma_wait3A_175 = tpu.memref_slice %arg10[%dma_wait3A_173, %dma_wait3A_174] : memref<1024x16xf32, #tpu.memory_space<vmem>> -> memref<128x16xf32, #tpu.memory_space<vmem>>
      %dma_wait3A_176 = arith.constant 0 : i32
      %dma_wait3A_177 = tpu.memref_slice %arg8[%dma_wait3A_172, %dma_wait3A_176] : memref<8x128xi32, #tpu.memory_space<vmem>> -> memref<1x128xi32, #tpu.memory_space<vmem>>
      %dma_wait3A_178 = tpu.memref_squeeze %dma_wait3A_177 : memref<1x128xi32, #tpu.memory_space<vmem>> -> memref<128xi32, #tpu.memory_space<vmem>>
      %dma_wait3A_179 = arith.constant 0 : i32
      %dma_wait3A_180 = arith.constant 0 : i32
      %dma_wait3A_181 = tpu.memref_slice %arg2[%dma_wait3A_179, %dma_wait3A_180] : memref<200000x16xf32, #tpu.memory_space<hbm>> -> memref<200000x16xf32, #tpu.memory_space<hbm>>
      tpu.wait_indirect_dma semaphore(%arg12 : memref<!tpu.dma_semaphore, #tpu.memory_space<semaphore_mem>>) src(%dma_wait3A_181 : memref<200000x16xf32, #tpu.memory_space<hbm>>) dst(%dma_wait3A_175 : memref<128x16xf32, #tpu.memory_space<vmem>>)
      %dma_wait3A_182 = arith.constant 6 : i32
      %dma_wait3A_183 = arith.constant 768 : i32
      %dma_wait3A_184 = arith.constant 0 : i32
      %dma_wait3A_185 = tpu.memref_slice %arg10[%dma_wait3A_183, %dma_wait3A_184] : memref<1024x16xf32, #tpu.memory_space<vmem>> -> memref<128x16xf32, #tpu.memory_space<vmem>>
      %dma_wait3A_186 = arith.constant 0 : i32
      %dma_wait3A_187 = tpu.memref_slice %arg8[%dma_wait3A_182, %dma_wait3A_186] : memref<8x128xi32, #tpu.memory_space<vmem>> -> memref<1x128xi32, #tpu.memory_space<vmem>>
      %dma_wait3A_188 = tpu.memref_squeeze %dma_wait3A_187 : memref<1x128xi32, #tpu.memory_space<vmem>> -> memref<128xi32, #tpu.memory_space<vmem>>
      %dma_wait3A_189 = arith.constant 0 : i32
      %dma_wait3A_190 = arith.constant 0 : i32
      %dma_wait3A_191 = tpu.memref_slice %arg2[%dma_wait3A_189, %dma_wait3A_190] : memref<200000x16xf32, #tpu.memory_space<hbm>> -> memref<200000x16xf32, #tpu.memory_space<hbm>>
      tpu.wait_indirect_dma semaphore(%arg12 : memref<!tpu.dma_semaphore, #tpu.memory_space<semaphore_mem>>) src(%dma_wait3A_191 : memref<200000x16xf32, #tpu.memory_space<hbm>>) dst(%dma_wait3A_185 : memref<128x16xf32, #tpu.memory_space<vmem>>)
      %dma_wait3A_192 = arith.constant 7 : i32
      %dma_wait3A_193 = arith.constant 896 : i32
      %dma_wait3A_194 = arith.constant 0 : i32
      %dma_wait3A_195 = tpu.memref_slice %arg10[%dma_wait3A_193, %dma_wait3A_194] : memref<1024x16xf32, #tpu.memory_space<vmem>> -> memref<128x16xf32, #tpu.memory_space<vmem>>
      %dma_wait3A_196 = arith.constant 0 : i32
      %dma_wait3A_197 = tpu.memref_slice %arg8[%dma_wait3A_192, %dma_wait3A_196] : memref<8x128xi32, #tpu.memory_space<vmem>> -> memref<1x128xi32, #tpu.memory_space<vmem>>
      %dma_wait3A_198 = tpu.memref_squeeze %dma_wait3A_197 : memref<1x128xi32, #tpu.memory_space<vmem>> -> memref<128xi32, #tpu.memory_space<vmem>>
      %dma_wait3A_199 = arith.constant 0 : i32
      %dma_wait3A_200 = arith.constant 0 : i32
      %dma_wait3A_201 = tpu.memref_slice %arg2[%dma_wait3A_199, %dma_wait3A_200] : memref<200000x16xf32, #tpu.memory_space<hbm>> -> memref<200000x16xf32, #tpu.memory_space<hbm>>
      tpu.wait_indirect_dma semaphore(%arg12 : memref<!tpu.dma_semaphore, #tpu.memory_space<semaphore_mem>>) src(%dma_wait3A_201 : memref<200000x16xf32, #tpu.memory_space<hbm>>) dst(%dma_wait3A_195 : memref<128x16xf32, #tpu.memory_space<vmem>>)
      %parallel_loop3A = arith.constant 0 : i32
      %parallel_loop3A_202 = arith.constant 1024 : i32
      %parallel_loop3A_203 = arith.constant 1 : i32
      scf.for %parallel_loop3A_212 = %parallel_loop3A to %parallel_loop3A_202 step %parallel_loop3A_203  : i32 {
        %parallel_loop3A_213 = arith.index_cast %parallel_loop3A_212 : i32 to index
        %parallel_loop3A_214 = arith.constant 0 : index
        %parallel_loop3A_215 = tpu.vector_load %arg10[%parallel_loop3A_213, %parallel_loop3A_214] {strides = array<i32>} : memref<1024x16xf32, #tpu.memory_space<vmem>>, vector<1x16xf32>,
        %parallel_loop3A_216 = vector.shape_cast %parallel_loop3A_215 : vector<1x16xf32> to vector<16xf32>
        %parallel_loop3A_217 = arith.constant 0.000000e+00 : f32
        %parallel_loop3A_218 = vector.broadcast %parallel_loop3A_217 : f32 to vector<16xf32>
        %parallel_loop3A_219 = arith.maximumf %parallel_loop3A_216, %parallel_loop3A_218 : vector<16xf32>
        %parallel_loop3A_220 = arith.index_cast %parallel_loop3A_212 : i32 to index
        %parallel_loop3A_221 = arith.constant 0 : index
        %parallel_loop3A_222 = tpu.vector_load %arg10[%parallel_loop3A_220, %parallel_loop3A_221] {strides = array<i32>} : memref<1024x16xf32, #tpu.memory_space<vmem>>, vector<1x16xf32>,
        %parallel_loop3A_223 = vector.shape_cast %parallel_loop3A_222 : vector<1x16xf32> to vector<16xf32>
        %parallel_loop3A_224 = vector.shape_cast %parallel_loop3A_219 : vector<16xf32> to vector<1x16xf32>
        tpu.vector_store %arg10[%parallel_loop3A_220, %parallel_loop3A_221], %parallel_loop3A_224 {strides = array<i32>} : memref<1024x16xf32, #tpu.memory_space<vmem>>, vector<1x16xf32>,
      } {sc.loop_unroll_factor = 8 : i64, sc.parallel_access}
      %run_scoped3A_204 = arith.constant 0 : i32
      "tpu.region"() ({
        %run_scoped3A_212 = tpu.sem_alloc : memref<!tpu.dma_semaphore, #tpu.memory_space<semaphore_mem>>
        %dma_start3A_213 = arith.constant 0 : i32
        %dma_start3A_214 = arith.constant 0 : i32
        %dma_start3A_215 = tpu.memref_slice %arg10[%dma_start3A_213, %dma_start3A_214] : memref<1024x16xf32, #tpu.memory_space<vmem>> -> memref<128x16xf32, #tpu.memory_space<vmem>>
        %dma_start3A_216 = arith.constant 0 : i32
        %dma_start3A_217 = tpu.memref_slice %arg9[%run_scoped3A_204, %dma_start3A_216] : memref<8x128xi32, #tpu.memory_space<vmem>> -> memref<1x128xi32, #tpu.memory_space<vmem>>
        %dma_start3A_218 = tpu.memref_squeeze %dma_start3A_217 : memref<1x128xi32, #tpu.memory_space<vmem>> -> memref<128xi32, #tpu.memory_space<vmem>>
        %dma_start3A_219 = arith.constant 0 : i32
        %dma_start3A_220 = arith.constant 0 : i32
        %dma_start3A_221 = tpu.memref_slice %arg11[%dma_start3A_219, %dma_start3A_220] : memref<50048x16xf32, #tpu.memory_space<vmem_shared>> -> memref<50048x16xf32, #tpu.memory_space<vmem_shared>>
        tpu.enqueue_indirect_dma source(%dma_start3A_215 : memref<128x16xf32, #tpu.memory_space<vmem>>) target(%dma_start3A_221 : memref<50048x16xf32, #tpu.memory_space<vmem_shared>>) offsets(%dma_start3A_218 : memref<128xi32, #tpu.memory_space<vmem>>) semaphore(%run_scoped3A_212 : memref<!tpu.dma_semaphore, #tpu.memory_space<semaphore_mem>>) {add = true}
        %dma_wait3A_222 = arith.constant 0 : i32
        %dma_wait3A_223 = arith.constant 0 : i32
        %dma_wait3A_224 = tpu.memref_slice %arg10[%dma_wait3A_222, %dma_wait3A_223] : memref<1024x16xf32, #tpu.memory_space<vmem>> -> memref<128x16xf32, #tpu.memory_space<vmem>>
        %dma_wait3A_225 = arith.constant 0 : i32
        %dma_wait3A_226 = tpu.memref_slice %arg9[%run_scoped3A_204, %dma_wait3A_225] : memref<8x128xi32, #tpu.memory_space<vmem>> -> memref<1x128xi32, #tpu.memory_space<vmem>>
        %dma_wait3A_227 = tpu.memref_squeeze %dma_wait3A_226 : memref<1x128xi32, #tpu.memory_space<vmem>> -> memref<128xi32, #tpu.memory_space<vmem>>
        %dma_wait3A_228 = arith.constant 0 : i32
        %dma_wait3A_229 = arith.constant 0 : i32
        %dma_wait3A_230 = tpu.memref_slice %arg11[%dma_wait3A_228, %dma_wait3A_229] : memref<50048x16xf32, #tpu.memory_space<vmem_shared>> -> memref<50048x16xf32, #tpu.memory_space<vmem_shared>>
        tpu.wait_indirect_dma semaphore(%run_scoped3A_212 : memref<!tpu.dma_semaphore, #tpu.memory_space<semaphore_mem>>) src(%dma_wait3A_224 : memref<128x16xf32, #tpu.memory_space<vmem>>) dst(%dma_wait3A_230 : memref<50048x16xf32, #tpu.memory_space<vmem_shared>>)
        tpu.yield
      }) : () -> ()
      %run_scoped3A_205 = arith.constant 1 : i32
      "tpu.region"() ({
        %run_scoped3A_212 = tpu.sem_alloc : memref<!tpu.dma_semaphore, #tpu.memory_space<semaphore_mem>>
        %dma_start3A_213 = arith.constant 128 : i32
        %dma_start3A_214 = arith.constant 0 : i32
        %dma_start3A_215 = tpu.memref_slice %arg10[%dma_start3A_213, %dma_start3A_214] : memref<1024x16xf32, #tpu.memory_space<vmem>> -> memref<128x16xf32, #tpu.memory_space<vmem>>
        %dma_start3A_216 = arith.constant 0 : i32
        %dma_start3A_217 = tpu.memref_slice %arg9[%run_scoped3A_205, %dma_start3A_216] : memref<8x128xi32, #tpu.memory_space<vmem>> -> memref<1x128xi32, #tpu.memory_space<vmem>>
        %dma_start3A_218 = tpu.memref_squeeze %dma_start3A_217 : memref<1x128xi32, #tpu.memory_space<vmem>> -> memref<128xi32, #tpu.memory_space<vmem>>
        %dma_start3A_219 = arith.constant 0 : i32
        %dma_start3A_220 = arith.constant 0 : i32
        %dma_start3A_221 = tpu.memref_slice %arg11[%dma_start3A_219, %dma_start3A_220] : memref<50048x16xf32, #tpu.memory_space<vmem_shared>> -> memref<50048x16xf32, #tpu.memory_space<vmem_shared>>
        tpu.enqueue_indirect_dma source(%dma_start3A_215 : memref<128x16xf32, #tpu.memory_space<vmem>>) target(%dma_start3A_221 : memref<50048x16xf32, #tpu.memory_space<vmem_shared>>) offsets(%dma_start3A_218 : memref<128xi32, #tpu.memory_space<vmem>>) semaphore(%run_scoped3A_212 : memref<!tpu.dma_semaphore, #tpu.memory_space<semaphore_mem>>) {add = true}
        %dma_wait3A_222 = arith.constant 128 : i32
        %dma_wait3A_223 = arith.constant 0 : i32
        %dma_wait3A_224 = tpu.memref_slice %arg10[%dma_wait3A_222, %dma_wait3A_223] : memref<1024x16xf32, #tpu.memory_space<vmem>> -> memref<128x16xf32, #tpu.memory_space<vmem>>
        %dma_wait3A_225 = arith.constant 0 : i32
        %dma_wait3A_226 = tpu.memref_slice %arg9[%run_scoped3A_205, %dma_wait3A_225] : memref<8x128xi32, #tpu.memory_space<vmem>> -> memref<1x128xi32, #tpu.memory_space<vmem>>
        %dma_wait3A_227 = tpu.memref_squeeze %dma_wait3A_226 : memref<1x128xi32, #tpu.memory_space<vmem>> -> memref<128xi32, #tpu.memory_space<vmem>>
        %dma_wait3A_228 = arith.constant 0 : i32
        %dma_wait3A_229 = arith.constant 0 : i32
        %dma_wait3A_230 = tpu.memref_slice %arg11[%dma_wait3A_228, %dma_wait3A_229] : memref<50048x16xf32, #tpu.memory_space<vmem_shared>> -> memref<50048x16xf32, #tpu.memory_space<vmem_shared>>
        tpu.wait_indirect_dma semaphore(%run_scoped3A_212 : memref<!tpu.dma_semaphore, #tpu.memory_space<semaphore_mem>>) src(%dma_wait3A_224 : memref<128x16xf32, #tpu.memory_space<vmem>>) dst(%dma_wait3A_230 : memref<50048x16xf32, #tpu.memory_space<vmem_shared>>)
        tpu.yield
      }) : () -> ()
      %run_scoped3A_206 = arith.constant 2 : i32
      "tpu.region"() ({
        %run_scoped3A_212 = tpu.sem_alloc : memref<!tpu.dma_semaphore, #tpu.memory_space<semaphore_mem>>
        %dma_start3A_213 = arith.constant 256 : i32
        %dma_start3A_214 = arith.constant 0 : i32
        %dma_start3A_215 = tpu.memref_slice %arg10[%dma_start3A_213, %dma_start3A_214] : memref<1024x16xf32, #tpu.memory_space<vmem>> -> memref<128x16xf32, #tpu.memory_space<vmem>>
        %dma_start3A_216 = arith.constant 0 : i32
        %dma_start3A_217 = tpu.memref_slice %arg9[%run_scoped3A_206, %dma_start3A_216] : memref<8x128xi32, #tpu.memory_space<vmem>> -> memref<1x128xi32, #tpu.memory_space<vmem>>
        %dma_start3A_218 = tpu.memref_squeeze %dma_start3A_217 : memref<1x128xi32, #tpu.memory_space<vmem>> -> memref<128xi32, #tpu.memory_space<vmem>>
        %dma_start3A_219 = arith.constant 0 : i32
        %dma_start3A_220 = arith.constant 0 : i32
        %dma_start3A_221 = tpu.memref_slice %arg11[%dma_start3A_219, %dma_start3A_220] : memref<50048x16xf32, #tpu.memory_space<vmem_shared>> -> memref<50048x16xf32, #tpu.memory_space<vmem_shared>>
        tpu.enqueue_indirect_dma source(%dma_start3A_215 : memref<128x16xf32, #tpu.memory_space<vmem>>) target(%dma_start3A_221 : memref<50048x16xf32, #tpu.memory_space<vmem_shared>>) offsets(%dma_start3A_218 : memref<128xi32, #tpu.memory_space<vmem>>) semaphore(%run_scoped3A_212 : memref<!tpu.dma_semaphore, #tpu.memory_space<semaphore_mem>>) {add = true}
        %dma_wait3A_222 = arith.constant 256 : i32
        %dma_wait3A_223 = arith.constant 0 : i32
        %dma_wait3A_224 = tpu.memref_slice %arg10[%dma_wait3A_222, %dma_wait3A_223] : memref<1024x16xf32, #tpu.memory_space<vmem>> -> memref<128x16xf32, #tpu.memory_space<vmem>>
        %dma_wait3A_225 = arith.constant 0 : i32
        %dma_wait3A_226 = tpu.memref_slice %arg9[%run_scoped3A_206, %dma_wait3A_225] : memref<8x128xi32, #tpu.memory_space<vmem>> -> memref<1x128xi32, #tpu.memory_space<vmem>>
        %dma_wait3A_227 = tpu.memref_squeeze %dma_wait3A_226 : memref<1x128xi32, #tpu.memory_space<vmem>> -> memref<128xi32, #tpu.memory_space<vmem>>
        %dma_wait3A_228 = arith.constant 0 : i32
        %dma_wait3A_229 = arith.constant 0 : i32
        %dma_wait3A_230 = tpu.memref_slice %arg11[%dma_wait3A_228, %dma_wait3A_229] : memref<50048x16xf32, #tpu.memory_space<vmem_shared>> -> memref<50048x16xf32, #tpu.memory_space<vmem_shared>>
        tpu.wait_indirect_dma semaphore(%run_scoped3A_212 : memref<!tpu.dma_semaphore, #tpu.memory_space<semaphore_mem>>) src(%dma_wait3A_224 : memref<128x16xf32, #tpu.memory_space<vmem>>) dst(%dma_wait3A_230 : memref<50048x16xf32, #tpu.memory_space<vmem_shared>>)
        tpu.yield
      }) : () -> ()
      %run_scoped3A_207 = arith.constant 3 : i32
      "tpu.region"() ({
        %run_scoped3A_212 = tpu.sem_alloc : memref<!tpu.dma_semaphore, #tpu.memory_space<semaphore_mem>>
        %dma_start3A_213 = arith.constant 384 : i32
        %dma_start3A_214 = arith.constant 0 : i32
        %dma_start3A_215 = tpu.memref_slice %arg10[%dma_start3A_213, %dma_start3A_214] : memref<1024x16xf32, #tpu.memory_space<vmem>> -> memref<128x16xf32, #tpu.memory_space<vmem>>
        %dma_start3A_216 = arith.constant 0 : i32
        %dma_start3A_217 = tpu.memref_slice %arg9[%run_scoped3A_207, %dma_start3A_216] : memref<8x128xi32, #tpu.memory_space<vmem>> -> memref<1x128xi32, #tpu.memory_space<vmem>>
        %dma_start3A_218 = tpu.memref_squeeze %dma_start3A_217 : memref<1x128xi32, #tpu.memory_space<vmem>> -> memref<128xi32, #tpu.memory_space<vmem>>
        %dma_start3A_219 = arith.constant 0 : i32
        %dma_start3A_220 = arith.constant 0 : i32
        %dma_start3A_221 = tpu.memref_slice %arg11[%dma_start3A_219, %dma_start3A_220] : memref<50048x16xf32, #tpu.memory_space<vmem_shared>> -> memref<50048x16xf32, #tpu.memory_space<vmem_shared>>
        tpu.enqueue_indirect_dma source(%dma_start3A_215 : memref<128x16xf32, #tpu.memory_space<vmem>>) target(%dma_start3A_221 : memref<50048x16xf32, #tpu.memory_space<vmem_shared>>) offsets(%dma_start3A_218 : memref<128xi32, #tpu.memory_space<vmem>>) semaphore(%run_scoped3A_212 : memref<!tpu.dma_semaphore, #tpu.memory_space<semaphore_mem>>) {add = true}
        %dma_wait3A_222 = arith.constant 384 : i32
        %dma_wait3A_223 = arith.constant 0 : i32
        %dma_wait3A_224 = tpu.memref_slice %arg10[%dma_wait3A_222, %dma_wait3A_223] : memref<1024x16xf32, #tpu.memory_space<vmem>> -> memref<128x16xf32, #tpu.memory_space<vmem>>
        %dma_wait3A_225 = arith.constant 0 : i32
        %dma_wait3A_226 = tpu.memref_slice %arg9[%run_scoped3A_207, %dma_wait3A_225] : memref<8x128xi32, #tpu.memory_space<vmem>> -> memref<1x128xi32, #tpu.memory_space<vmem>>
        %dma_wait3A_227 = tpu.memref_squeeze %dma_wait3A_226 : memref<1x128xi32, #tpu.memory_space<vmem>> -> memref<128xi32, #tpu.memory_space<vmem>>
        %dma_wait3A_228 = arith.constant 0 : i32
        %dma_wait3A_229 = arith.constant 0 : i32
        %dma_wait3A_230 = tpu.memref_slice %arg11[%dma_wait3A_228, %dma_wait3A_229] : memref<50048x16xf32, #tpu.memory_space<vmem_shared>> -> memref<50048x16xf32, #tpu.memory_space<vmem_shared>>
        tpu.wait_indirect_dma semaphore(%run_scoped3A_212 : memref<!tpu.dma_semaphore, #tpu.memory_space<semaphore_mem>>) src(%dma_wait3A_224 : memref<128x16xf32, #tpu.memory_space<vmem>>) dst(%dma_wait3A_230 : memref<50048x16xf32, #tpu.memory_space<vmem_shared>>)
        tpu.yield
      }) : () -> ()
      %run_scoped3A_208 = arith.constant 4 : i32
      "tpu.region"() ({
        %run_scoped3A_212 = tpu.sem_alloc : memref<!tpu.dma_semaphore, #tpu.memory_space<semaphore_mem>>
        %dma_start3A_213 = arith.constant 512 : i32
        %dma_start3A_214 = arith.constant 0 : i32
        %dma_start3A_215 = tpu.memref_slice %arg10[%dma_start3A_213, %dma_start3A_214] : memref<1024x16xf32, #tpu.memory_space<vmem>> -> memref<128x16xf32, #tpu.memory_space<vmem>>
        %dma_start3A_216 = arith.constant 0 : i32
        %dma_start3A_217 = tpu.memref_slice %arg9[%run_scoped3A_208, %dma_start3A_216] : memref<8x128xi32, #tpu.memory_space<vmem>> -> memref<1x128xi32, #tpu.memory_space<vmem>>
        %dma_start3A_218 = tpu.memref_squeeze %dma_start3A_217 : memref<1x128xi32, #tpu.memory_space<vmem>> -> memref<128xi32, #tpu.memory_space<vmem>>
        %dma_start3A_219 = arith.constant 0 : i32
        %dma_start3A_220 = arith.constant 0 : i32
        %dma_start3A_221 = tpu.memref_slice %arg11[%dma_start3A_219, %dma_start3A_220] : memref<50048x16xf32, #tpu.memory_space<vmem_shared>> -> memref<50048x16xf32, #tpu.memory_space<vmem_shared>>
        tpu.enqueue_indirect_dma source(%dma_start3A_215 : memref<128x16xf32, #tpu.memory_space<vmem>>) target(%dma_start3A_221 : memref<50048x16xf32, #tpu.memory_space<vmem_shared>>) offsets(%dma_start3A_218 : memref<128xi32, #tpu.memory_space<vmem>>) semaphore(%run_scoped3A_212 : memref<!tpu.dma_semaphore, #tpu.memory_space<semaphore_mem>>) {add = true}
        %dma_wait3A_222 = arith.constant 512 : i32
        %dma_wait3A_223 = arith.constant 0 : i32
        %dma_wait3A_224 = tpu.memref_slice %arg10[%dma_wait3A_222, %dma_wait3A_223] : memref<1024x16xf32, #tpu.memory_space<vmem>> -> memref<128x16xf32, #tpu.memory_space<vmem>>
        %dma_wait3A_225 = arith.constant 0 : i32
        %dma_wait3A_226 = tpu.memref_slice %arg9[%run_scoped3A_208, %dma_wait3A_225] : memref<8x128xi32, #tpu.memory_space<vmem>> -> memref<1x128xi32, #tpu.memory_space<vmem>>
        %dma_wait3A_227 = tpu.memref_squeeze %dma_wait3A_226 : memref<1x128xi32, #tpu.memory_space<vmem>> -> memref<128xi32, #tpu.memory_space<vmem>>
        %dma_wait3A_228 = arith.constant 0 : i32
        %dma_wait3A_229 = arith.constant 0 : i32
        %dma_wait3A_230 = tpu.memref_slice %arg11[%dma_wait3A_228, %dma_wait3A_229] : memref<50048x16xf32, #tpu.memory_space<vmem_shared>> -> memref<50048x16xf32, #tpu.memory_space<vmem_shared>>
        tpu.wait_indirect_dma semaphore(%run_scoped3A_212 : memref<!tpu.dma_semaphore, #tpu.memory_space<semaphore_mem>>) src(%dma_wait3A_224 : memref<128x16xf32, #tpu.memory_space<vmem>>) dst(%dma_wait3A_230 : memref<50048x16xf32, #tpu.memory_space<vmem_shared>>)
        tpu.yield
      }) : () -> ()
      %run_scoped3A_209 = arith.constant 5 : i32
      "tpu.region"() ({
        %run_scoped3A_212 = tpu.sem_alloc : memref<!tpu.dma_semaphore, #tpu.memory_space<semaphore_mem>>
        %dma_start3A_213 = arith.constant 640 : i32
        %dma_start3A_214 = arith.constant 0 : i32
        %dma_start3A_215 = tpu.memref_slice %arg10[%dma_start3A_213, %dma_start3A_214] : memref<1024x16xf32, #tpu.memory_space<vmem>> -> memref<128x16xf32, #tpu.memory_space<vmem>>
        %dma_start3A_216 = arith.constant 0 : i32
        %dma_start3A_217 = tpu.memref_slice %arg9[%run_scoped3A_209, %dma_start3A_216] : memref<8x128xi32, #tpu.memory_space<vmem>> -> memref<1x128xi32, #tpu.memory_space<vmem>>
        %dma_start3A_218 = tpu.memref_squeeze %dma_start3A_217 : memref<1x128xi32, #tpu.memory_space<vmem>> -> memref<128xi32, #tpu.memory_space<vmem>>
        %dma_start3A_219 = arith.constant 0 : i32
        %dma_start3A_220 = arith.constant 0 : i32
        %dma_start3A_221 = tpu.memref_slice %arg11[%dma_start3A_219, %dma_start3A_220] : memref<50048x16xf32, #tpu.memory_space<vmem_shared>> -> memref<50048x16xf32, #tpu.memory_space<vmem_shared>>
        tpu.enqueue_indirect_dma source(%dma_start3A_215 : memref<128x16xf32, #tpu.memory_space<vmem>>) target(%dma_start3A_221 : memref<50048x16xf32, #tpu.memory_space<vmem_shared>>) offsets(%dma_start3A_218 : memref<128xi32, #tpu.memory_space<vmem>>) semaphore(%run_scoped3A_212 : memref<!tpu.dma_semaphore, #tpu.memory_space<semaphore_mem>>) {add = true}
        %dma_wait3A_222 = arith.constant 640 : i32
        %dma_wait3A_223 = arith.constant 0 : i32
        %dma_wait3A_224 = tpu.memref_slice %arg10[%dma_wait3A_222, %dma_wait3A_223] : memref<1024x16xf32, #tpu.memory_space<vmem>> -> memref<128x16xf32, #tpu.memory_space<vmem>>
        %dma_wait3A_225 = arith.constant 0 : i32
        %dma_wait3A_226 = tpu.memref_slice %arg9[%run_scoped3A_209, %dma_wait3A_225] : memref<8x128xi32, #tpu.memory_space<vmem>> -> memref<1x128xi32, #tpu.memory_space<vmem>>
        %dma_wait3A_227 = tpu.memref_squeeze %dma_wait3A_226 : memref<1x128xi32, #tpu.memory_space<vmem>> -> memref<128xi32, #tpu.memory_space<vmem>>
        %dma_wait3A_228 = arith.constant 0 : i32
        %dma_wait3A_229 = arith.constant 0 : i32
        %dma_wait3A_230 = tpu.memref_slice %arg11[%dma_wait3A_228, %dma_wait3A_229] : memref<50048x16xf32, #tpu.memory_space<vmem_shared>> -> memref<50048x16xf32, #tpu.memory_space<vmem_shared>>
        tpu.wait_indirect_dma semaphore(%run_scoped3A_212 : memref<!tpu.dma_semaphore, #tpu.memory_space<semaphore_mem>>) src(%dma_wait3A_224 : memref<128x16xf32, #tpu.memory_space<vmem>>) dst(%dma_wait3A_230 : memref<50048x16xf32, #tpu.memory_space<vmem_shared>>)
        tpu.yield
      }) : () -> ()
      %run_scoped3A_210 = arith.constant 6 : i32
      "tpu.region"() ({
        %run_scoped3A_212 = tpu.sem_alloc : memref<!tpu.dma_semaphore, #tpu.memory_space<semaphore_mem>>
        %dma_start3A_213 = arith.constant 768 : i32
        %dma_start3A_214 = arith.constant 0 : i32
        %dma_start3A_215 = tpu.memref_slice %arg10[%dma_start3A_213, %dma_start3A_214] : memref<1024x16xf32, #tpu.memory_space<vmem>> -> memref<128x16xf32, #tpu.memory_space<vmem>>
        %dma_start3A_216 = arith.constant 0 : i32
        %dma_start3A_217 = tpu.memref_slice %arg9[%run_scoped3A_210, %dma_start3A_216] : memref<8x128xi32, #tpu.memory_space<vmem>> -> memref<1x128xi32, #tpu.memory_space<vmem>>
        %dma_start3A_218 = tpu.memref_squeeze %dma_start3A_217 : memref<1x128xi32, #tpu.memory_space<vmem>> -> memref<128xi32, #tpu.memory_space<vmem>>
        %dma_start3A_219 = arith.constant 0 : i32
        %dma_start3A_220 = arith.constant 0 : i32
        %dma_start3A_221 = tpu.memref_slice %arg11[%dma_start3A_219, %dma_start3A_220] : memref<50048x16xf32, #tpu.memory_space<vmem_shared>> -> memref<50048x16xf32, #tpu.memory_space<vmem_shared>>
        tpu.enqueue_indirect_dma source(%dma_start3A_215 : memref<128x16xf32, #tpu.memory_space<vmem>>) target(%dma_start3A_221 : memref<50048x16xf32, #tpu.memory_space<vmem_shared>>) offsets(%dma_start3A_218 : memref<128xi32, #tpu.memory_space<vmem>>) semaphore(%run_scoped3A_212 : memref<!tpu.dma_semaphore, #tpu.memory_space<semaphore_mem>>) {add = true}
        %dma_wait3A_222 = arith.constant 768 : i32
        %dma_wait3A_223 = arith.constant 0 : i32
        %dma_wait3A_224 = tpu.memref_slice %arg10[%dma_wait3A_222, %dma_wait3A_223] : memref<1024x16xf32, #tpu.memory_space<vmem>> -> memref<128x16xf32, #tpu.memory_space<vmem>>
        %dma_wait3A_225 = arith.constant 0 : i32
        %dma_wait3A_226 = tpu.memref_slice %arg9[%run_scoped3A_210, %dma_wait3A_225] : memref<8x128xi32, #tpu.memory_space<vmem>> -> memref<1x128xi32, #tpu.memory_space<vmem>>
        %dma_wait3A_227 = tpu.memref_squeeze %dma_wait3A_226 : memref<1x128xi32, #tpu.memory_space<vmem>> -> memref<128xi32, #tpu.memory_space<vmem>>
        %dma_wait3A_228 = arith.constant 0 : i32
        %dma_wait3A_229 = arith.constant 0 : i32
        %dma_wait3A_230 = tpu.memref_slice %arg11[%dma_wait3A_228, %dma_wait3A_229] : memref<50048x16xf32, #tpu.memory_space<vmem_shared>> -> memref<50048x16xf32, #tpu.memory_space<vmem_shared>>
        tpu.wait_indirect_dma semaphore(%run_scoped3A_212 : memref<!tpu.dma_semaphore, #tpu.memory_space<semaphore_mem>>) src(%dma_wait3A_224 : memref<128x16xf32, #tpu.memory_space<vmem>>) dst(%dma_wait3A_230 : memref<50048x16xf32, #tpu.memory_space<vmem_shared>>)
        tpu.yield
      }) : () -> ()
      %run_scoped3A_211 = arith.constant 7 : i32
      "tpu.region"() ({
        %run_scoped3A_212 = tpu.sem_alloc : memref<!tpu.dma_semaphore, #tpu.memory_space<semaphore_mem>>
        %dma_start3A_213 = arith.constant 896 : i32
        %dma_start3A_214 = arith.constant 0 : i32
        %dma_start3A_215 = tpu.memref_slice %arg10[%dma_start3A_213, %dma_start3A_214] : memref<1024x16xf32, #tpu.memory_space<vmem>> -> memref<128x16xf32, #tpu.memory_space<vmem>>
        %dma_start3A_216 = arith.constant 0 : i32
        %dma_start3A_217 = tpu.memref_slice %arg9[%run_scoped3A_211, %dma_start3A_216] : memref<8x128xi32, #tpu.memory_space<vmem>> -> memref<1x128xi32, #tpu.memory_space<vmem>>
        %dma_start3A_218 = tpu.memref_squeeze %dma_start3A_217 : memref<1x128xi32, #tpu.memory_space<vmem>> -> memref<128xi32, #tpu.memory_space<vmem>>
        %dma_start3A_219 = arith.constant 0 : i32
        %dma_start3A_220 = arith.constant 0 : i32
        %dma_start3A_221 = tpu.memref_slice %arg11[%dma_start3A_219, %dma_start3A_220] : memref<50048x16xf32, #tpu.memory_space<vmem_shared>> -> memref<50048x16xf32, #tpu.memory_space<vmem_shared>>
        tpu.enqueue_indirect_dma source(%dma_start3A_215 : memref<128x16xf32, #tpu.memory_space<vmem>>) target(%dma_start3A_221 : memref<50048x16xf32, #tpu.memory_space<vmem_shared>>) offsets(%dma_start3A_218 : memref<128xi32, #tpu.memory_space<vmem>>) semaphore(%run_scoped3A_212 : memref<!tpu.dma_semaphore, #tpu.memory_space<semaphore_mem>>) {add = true}
        %dma_wait3A_222 = arith.constant 896 : i32
        %dma_wait3A_223 = arith.constant 0 : i32
        %dma_wait3A_224 = tpu.memref_slice %arg10[%dma_wait3A_222, %dma_wait3A_223] : memref<1024x16xf32, #tpu.memory_space<vmem>> -> memref<128x16xf32, #tpu.memory_space<vmem>>
        %dma_wait3A_225 = arith.constant 0 : i32
        %dma_wait3A_226 = tpu.memref_slice %arg9[%run_scoped3A_211, %dma_wait3A_225] : memref<8x128xi32, #tpu.memory_space<vmem>> -> memref<1x128xi32, #tpu.memory_space<vmem>>
        %dma_wait3A_227 = tpu.memref_squeeze %dma_wait3A_226 : memref<1x128xi32, #tpu.memory_space<vmem>> -> memref<128xi32, #tpu.memory_space<vmem>>
        %dma_wait3A_228 = arith.constant 0 : i32
        %dma_wait3A_229 = arith.constant 0 : i32
        %dma_wait3A_230 = tpu.memref_slice %arg11[%dma_wait3A_228, %dma_wait3A_229] : memref<50048x16xf32, #tpu.memory_space<vmem_shared>> -> memref<50048x16xf32, #tpu.memory_space<vmem_shared>>
        tpu.wait_indirect_dma semaphore(%run_scoped3A_212 : memref<!tpu.dma_semaphore, #tpu.memory_space<semaphore_mem>>) src(%dma_wait3A_224 : memref<128x16xf32, #tpu.memory_space<vmem>>) dst(%dma_wait3A_230 : memref<50048x16xf32, #tpu.memory_space<vmem_shared>>)
        tpu.yield
      }) : () -> ()
    }
    %scan3A_30 = arith.constant 49 : i32
    %barrier3A_31 = arith.constant 0 : index
    tpu.barrier barrier_id(%barrier3A_31)
    %mul3A_32 = arith.constant 3128 : i32
    %mul3A_33 = arith.muli %arg1, %mul3A_32 : i32
    %mul3A_34 = arith.constant 3128 : i32
    %mul3A_35 = arith.muli %arg1, %mul3A_34 : i32
    "tpu.region"() ({
      %run_scoped3A = tpu.sem_alloc : memref<!tpu.dma_semaphore, #tpu.memory_space<semaphore_mem>>
      %dma_start3A = arith.constant 0 : i32
      %dma_start3A_36 = tpu.memref_slice %arg7[%add3A_19, %mul3A_35, %dma_start3A] : memref<4x50048x16xf32, #tpu.memory_space<hbm>> -> memref<1x3128x16xf32, #tpu.memory_space<hbm>>
      %dma_start3A_37 = tpu.memref_squeeze %dma_start3A_36 : memref<1x3128x16xf32, #tpu.memory_space<hbm>> -> memref<3128x16xf32, #tpu.memory_space<hbm>>
      %dma_start3A_38 = arith.constant 0 : i32
      %dma_start3A_39 = tpu.memref_slice %arg11[%mul3A_33, %dma_start3A_38] : memref<50048x16xf32, #tpu.memory_space<vmem_shared>> -> memref<3128x16xf32, #tpu.memory_space<vmem_shared>>
      tpu.enqueue_dma source(%dma_start3A_39 : memref<3128x16xf32, #tpu.memory_space<vmem_shared>>) target(%dma_start3A_37 : memref<3128x16xf32, #tpu.memory_space<hbm>>) target_semaphore(%run_scoped3A : memref<!tpu.dma_semaphore, #tpu.memory_space<semaphore_mem>>)
      %dma_wait3A = arith.constant 0 : i32
      %dma_wait3A_40 = tpu.memref_slice %arg7[%add3A_19, %mul3A_35, %dma_wait3A] : memref<4x50048x16xf32, #tpu.memory_space<hbm>> -> memref<1x3128x16xf32, #tpu.memory_space<hbm>>
      %dma_wait3A_41 = tpu.memref_squeeze %dma_wait3A_40 : memref<1x3128x16xf32, #tpu.memory_space<hbm>> -> memref<3128x16xf32, #tpu.memory_space<hbm>>
      %dma_wait3A_42 = arith.constant 0 : i32
      %dma_wait3A_43 = tpu.memref_slice %arg11[%mul3A_33, %dma_wait3A_42] : memref<50048x16xf32, #tpu.memory_space<vmem_shared>> -> memref<3128x16xf32, #tpu.memory_space<vmem_shared>>
      tpu.wait_dma2 semaphore(%run_scoped3A : memref<!tpu.dma_semaphore, #tpu.memory_space<semaphore_mem>>) src(%dma_wait3A_43 : memref<3128x16xf32, #tpu.memory_space<vmem_shared>>) dst(%dma_wait3A_41 : memref<3128x16xf32, #tpu.memory_space<hbm>>)
      tpu.yield
    }) : () -> ()
    return
  }
}

#map = affine_map<(d0, d1) -> (0, 0)>
#map1 = affine_map<(d0, d1) -> (0, 0, 0, 0)>
#map2 = affine_map<(d0, d1) -> (0, 0, 0)>
module attributes {stable_mosaic.version = 14 : i64} {
  func.func @_sc_body(%arg0: i32, %arg1: i32, %arg2: memref<200000x16xf32, #tpu.memory_space<hbm>>, %arg3: memref<3x4x802816x16xf32, #tpu.memory_space<hbm>>, %arg4: memref<4x6272x128xi32, #tpu.memory_space<hbm>>, %arg5: memref<6272x128xi32, #tpu.memory_space<hbm>>, %arg6: memref<50048x16xf32, #tpu.memory_space<hbm>>, %arg7: memref<4x50048x16xf32, #tpu.memory_space<hbm>>, %arg8: memref<8x128xi32, #tpu.memory_space<vmem>>, %arg9: memref<8x128xi32, #tpu.memory_space<vmem>>, %arg10: memref<1024x16xf32, #tpu.memory_space<vmem>>, %arg11: memref<50048x16xf32, #tpu.memory_space<vmem_shared>>, %arg12: memref<!tpu.dma_semaphore, #tpu.memory_space<semaphore_mem>>) attributes {dimension_semantics = [#tpu.dimension_semantics<core_parallel>, #tpu.dimension_semantics<subcore_parallel>], iteration_bounds = array<i64: 2, 16>, scalar_prefetch = 0 : i64, scratch_operands = 5 : i64, tpu.core_type = #tpu.core_type<sc_vector_subcore>, window_params = [{transform_indices = #map}, {transform_indices = #map1}, {transform_indices = #map2}, {transform_indices = #map}, {transform_indices = #map}, {transform_indices = #map2}]} {
    %mul3A = arith.constant 2 : i32
    %mul3A_0 = arith.muli %mul3A, %arg0 : i32
    %add3A = arith.constant 0 : i32
    %add3A_1 = arith.addi %mul3A_0, %add3A : i32
    %mul3A_2 = arith.constant 3128 : i32
    %mul3A_3 = arith.muli %arg1, %mul3A_2 : i32
    %mul3A_4 = arith.constant 3128 : i32
    %mul3A_5 = arith.muli %arg1, %mul3A_4 : i32
    "tpu.region"() ({
      %run_scoped3A = tpu.sem_alloc : memref<!tpu.dma_semaphore, #tpu.memory_space<semaphore_mem>>
      %dma_start3A = arith.constant 0 : i32
      %dma_start3A_36 = tpu.memref_slice %arg11[%mul3A_5, %dma_start3A] : memref<50048x16xf32, #tpu.memory_space<vmem_shared>> -> memref<3128x16xf32, #tpu.memory_space<vmem_shared>>
      %dma_start3A_37 = arith.constant 0 : i32
      %dma_start3A_38 = tpu.memref_slice %arg6[%mul3A_3, %dma_start3A_37] : memref<50048x16xf32, #tpu.memory_space<hbm>> -> memref<3128x16xf32, #tpu.memory_space<hbm>>
      tpu.enqueue_dma source(%dma_start3A_38 : memref<3128x16xf32, #tpu.memory_space<hbm>>) target(%dma_start3A_36 : memref<3128x16xf32, #tpu.memory_space<vmem_shared>>) target_semaphore(%run_scoped3A : memref<!tpu.dma_semaphore, #tpu.memory_space<semaphore_mem>>)
      %dma_wait3A = arith.constant 0 : i32
      %dma_wait3A_39 = tpu.memref_slice %arg11[%mul3A_5, %dma_wait3A] : memref<50048x16xf32, #tpu.memory_space<vmem_shared>> -> memref<3128x16xf32, #tpu.memory_space<vmem_shared>>
      %dma_wait3A_40 = arith.constant 0 : i32
      %dma_wait3A_41 = tpu.memref_slice %arg6[%mul3A_3, %dma_wait3A_40] : memref<50048x16xf32, #tpu.memory_space<hbm>> -> memref<3128x16xf32, #tpu.memory_space<hbm>>
      tpu.wait_dma2 semaphore(%run_scoped3A : memref<!tpu.dma_semaphore, #tpu.memory_space<semaphore_mem>>) src(%dma_wait3A_41 : memref<3128x16xf32, #tpu.memory_space<hbm>>) dst(%dma_wait3A_39 : memref<3128x16xf32, #tpu.memory_space<vmem_shared>>)
      tpu.yield
    }) : () -> ()
    %barrier3A = arith.constant 0 : index
    tpu.barrier barrier_id(%barrier3A)
    %scan3A = arith.constant 0 : i32
    %scan3A_6 = arith.constant 0 : i32
    %scan3A_7 = arith.constant 49 : i32
    %scan3A_8 = arith.addi %scan3A_6, %scan3A_7 : i32
    %scan3A_9 = arith.constant 1 : i32
    scf.for %scan3A_36 = %scan3A_6 to %scan3A_8 step %scan3A_9  : i32 {
      %mul3A_37 = arith.constant 392 : i32
      %mul3A_38 = arith.muli %arg1, %mul3A_37 : i32
      %mul3A_39 = arith.constant 8 : i32
      %mul3A_40 = arith.muli %scan3A_36, %mul3A_39 : i32
      %add3A_41 = arith.addi %mul3A_38, %mul3A_40 : i32
      "tpu.region"() ({
        %run_scoped3A_212 = tpu.sem_alloc : memref<!tpu.dma_semaphore, #tpu.memory_space<semaphore_mem>>
        %dma_start3A_213 = arith.constant 0 : i32
        %dma_start3A_214 = tpu.memref_slice %arg4[%add3A_1, %add3A_41, %dma_start3A_213] : memref<4x6272x128xi32, #tpu.memory_space<hbm>> -> memref<1x8x128xi32, #tpu.memory_space<hbm>>
        %dma_start3A_215 = tpu.memref_squeeze %dma_start3A_214 : memref<1x8x128xi32, #tpu.memory_space<hbm>> -> memref<8x128xi32, #tpu.memory_space<hbm>>
        %dma_start3A_216 = arith.constant 0 : i32
        %dma_start3A_217 = tpu.memref_slice %arg4[%add3A_1, %add3A_41, %dma_start3A_216] : memref<4x6272x128xi32, #tpu.memory_space<hbm>> -> memref<1x8x128xi32, #tpu.memory_space<hbm>>
        %dma_start3A_218 = tpu.memref_squeeze %dma_start3A_217 : memref<1x8x128xi32, #tpu.memory_space<hbm>> -> memref<8x128xi32, #tpu.memory_space<hbm>>
        tpu.enqueue_dma source(%dma_start3A_218 : memref<8x128xi32, #tpu.memory_space<hbm>>) target(%arg8 : memref<8x128xi32, #tpu.memory_space<vmem>>) target_semaphore(%run_scoped3A_212 : memref<!tpu.dma_semaphore, #tpu.memory_space<semaphore_mem>>)
        %dma_wait3A_219 = arith.constant 0 : i32
        %dma_wait3A_220 = tpu.memref_slice %arg4[%add3A_1, %add3A_41, %dma_wait3A_219] : memref<4x6272x128xi32, #tpu.memory_space<hbm>> -> memref<1x8x128xi32, #tpu.memory_space<hbm>>
        %dma_wait3A_221 = tpu.memref_squeeze %dma_wait3A_220 : memref<1x8x128xi32, #tpu.memory_space<hbm>> -> memref<8x128xi32, #tpu.memory_space<hbm>>
        %dma_wait3A_222 = arith.constant 0 : i32
        %dma_wait3A_223 = tpu.memref_slice %arg4[%add3A_1, %add3A_41, %dma_wait3A_222] : memref<4x6272x128xi32, #tpu.memory_space<hbm>> -> memref<1x8x128xi32, #tpu.memory_space<hbm>>
        %dma_wait3A_224 = tpu.memref_squeeze %dma_wait3A_223 : memref<1x8x128xi32, #tpu.memory_space<hbm>> -> memref<8x128xi32, #tpu.memory_space<hbm>>
        tpu.wait_dma2 semaphore(%run_scoped3A_212 : memref<!tpu.dma_semaphore, #tpu.memory_space<semaphore_mem>>) src(%dma_wait3A_224 : memref<8x128xi32, #tpu.memory_space<hbm>>) dst(%arg8 : memref<8x128xi32, #tpu.memory_space<vmem>>)
        tpu.yield
      }) : () -> ()
      "tpu.region"() ({
        %run_scoped3A_212 = tpu.sem_alloc : memref<!tpu.dma_semaphore, #tpu.memory_space<semaphore_mem>>
        %dma_start3A_213 = arith.constant 0 : i32
        %dma_start3A_214 = tpu.memref_slice %arg5[%add3A_41, %dma_start3A_213] : memref<6272x128xi32, #tpu.memory_space<hbm>> -> memref<8x128xi32, #tpu.memory_space<hbm>>
        %dma_start3A_215 = arith.constant 0 : i32
        %dma_start3A_216 = tpu.memref_slice %arg5[%add3A_41, %dma_start3A_215] : memref<6272x128xi32, #tpu.memory_space<hbm>> -> memref<8x128xi32, #tpu.memory_space<hbm>>
        tpu.enqueue_dma source(%dma_start3A_216 : memref<8x128xi32, #tpu.memory_space<hbm>>) target(%arg9 : memref<8x128xi32, #tpu.memory_space<vmem>>) target_semaphore(%run_scoped3A_212 : memref<!tpu.dma_semaphore, #tpu.memory_space<semaphore_mem>>)
        %dma_wait3A_217 = arith.constant 0 : i32
        %dma_wait3A_218 = tpu.memref_slice %arg5[%add3A_41, %dma_wait3A_217] : memref<6272x128xi32, #tpu.memory_space<hbm>> -> memref<8x128xi32, #tpu.memory_space<hbm>>
        %dma_wait3A_219 = arith.constant 0 : i32
        %dma_wait3A_220 = tpu.memref_slice %arg5[%add3A_41, %dma_wait3A_219] : memref<6272x128xi32, #tpu.memory_space<hbm>> -> memref<8x128xi32, #tpu.memory_space<hbm>>
        tpu.wait_dma2 semaphore(%run_scoped3A_212 : memref<!tpu.dma_semaphore, #tpu.memory_space<semaphore_mem>>) src(%dma_wait3A_220 : memref<8x128xi32, #tpu.memory_space<hbm>>) dst(%arg9 : memref<8x128xi32, #tpu.memory_space<vmem>>)
        tpu.yield
      }) : () -> ()
      %mul3A_42 = arith.constant 128 : i32
      %mul3A_43 = arith.muli %add3A_41, %mul3A_42 : i32
      %run_scoped3A = arith.constant 1 : i32
      "tpu.region"() ({
        %run_scoped3A_212 = tpu.sem_alloc : memref<!tpu.dma_semaphore, #tpu.memory_space<semaphore_mem>>
        %dma_start3A_213 = arith.constant 0 : i32
        %dma_start3A_214 = tpu.memref_slice %arg3[%run_scoped3A, %add3A_1, %mul3A_43, %dma_start3A_213] : memref<3x4x802816x16xf32, #tpu.memory_space<hbm>> -> memref<1x1x1024x16xf32, #tpu.memory_space<hbm>>
        %dma_start3A_215 = tpu.memref_squeeze %dma_start3A_214 : memref<1x1x1024x16xf32, #tpu.memory_space<hbm>> -> memref<1024x16xf32, #tpu.memory_space<hbm>>
        %dma_start3A_216 = arith.constant 0 : i32
        %dma_start3A_217 = tpu.memref_slice %arg3[%run_scoped3A, %add3A_1, %mul3A_43, %dma_start3A_216] : memref<3x4x802816x16xf32, #tpu.memory_space<hbm>> -> memref<1x1x1024x16xf32, #tpu.memory_space<hbm>>
        %dma_start3A_218 = tpu.memref_squeeze %dma_start3A_217 : memref<1x1x1024x16xf32, #tpu.memory_space<hbm>> -> memref<1024x16xf32, #tpu.memory_space<hbm>>
        tpu.enqueue_dma source(%dma_start3A_218 : memref<1024x16xf32, #tpu.memory_space<hbm>>) target(%arg10 : memref<1024x16xf32, #tpu.memory_space<vmem>>) target_semaphore(%run_scoped3A_212 : memref<!tpu.dma_semaphore, #tpu.memory_space<semaphore_mem>>)
        %dma_wait3A_219 = arith.constant 0 : i32
        %dma_wait3A_220 = tpu.memref_slice %arg3[%run_scoped3A, %add3A_1, %mul3A_43, %dma_wait3A_219] : memref<3x4x802816x16xf32, #tpu.memory_space<hbm>> -> memref<1x1x1024x16xf32, #tpu.memory_space<hbm>>
        %dma_wait3A_221 = tpu.memref_squeeze %dma_wait3A_220 : memref<1x1x1024x16xf32, #tpu.memory_space<hbm>> -> memref<1024x16xf32, #tpu.memory_space<hbm>>
        %dma_wait3A_222 = arith.constant 0 : i32
        %dma_wait3A_223 = tpu.memref_slice %arg3[%run_scoped3A, %add3A_1, %mul3A_43, %dma_wait3A_222] : memref<3x4x802816x16xf32, #tpu.memory_space<hbm>> -> memref<1x1x1024x16xf32, #tpu.memory_space<hbm>>
        %dma_wait3A_224 = tpu.memref_squeeze %dma_wait3A_223 : memref<1x1x1024x16xf32, #tpu.memory_space<hbm>> -> memref<1024x16xf32, #tpu.memory_space<hbm>>
        tpu.wait_dma2 semaphore(%run_scoped3A_212 : memref<!tpu.dma_semaphore, #tpu.memory_space<semaphore_mem>>) src(%dma_wait3A_224 : memref<1024x16xf32, #tpu.memory_space<hbm>>) dst(%arg10 : memref<1024x16xf32, #tpu.memory_space<vmem>>)
        tpu.yield
      }) : () -> ()
      %dma_start3A = arith.constant 0 : i32
      %dma_start3A_44 = arith.constant 0 : i32
      %dma_start3A_45 = arith.constant 0 : i32
      %dma_start3A_46 = tpu.memref_slice %arg10[%dma_start3A_44, %dma_start3A_45] : memref<1024x16xf32, #tpu.memory_space<vmem>> -> memref<128x16xf32, #tpu.memory_space<vmem>>
      %dma_start3A_47 = arith.constant 0 : i32
      %dma_start3A_48 = tpu.memref_slice %arg8[%dma_start3A, %dma_start3A_47] : memref<8x128xi32, #tpu.memory_space<vmem>> -> memref<1x128xi32, #tpu.memory_space<vmem>>
      %dma_start3A_49 = tpu.memref_squeeze %dma_start3A_48 : memref<1x128xi32, #tpu.memory_space<vmem>> -> memref<128xi32, #tpu.memory_space<vmem>>
      %dma_start3A_50 = arith.constant 0 : i32
      %dma_start3A_51 = arith.constant 0 : i32
      %dma_start3A_52 = tpu.memref_slice %arg2[%dma_start3A_50, %dma_start3A_51] : memref<200000x16xf32, #tpu.memory_space<hbm>> -> memref<200000x16xf32, #tpu.memory_space<hbm>>
      tpu.enqueue_indirect_dma source(%dma_start3A_52 : memref<200000x16xf32, #tpu.memory_space<hbm>>) target(%dma_start3A_46 : memref<128x16xf32, #tpu.memory_space<vmem>>) offsets(%dma_start3A_49 : memref<128xi32, #tpu.memory_space<vmem>>) semaphore(%arg12 : memref<!tpu.dma_semaphore, #tpu.memory_space<semaphore_mem>>) {add = true}
      %dma_start3A_53 = arith.constant 1 : i32
      %dma_start3A_54 = arith.constant 128 : i32
      %dma_start3A_55 = arith.constant 0 : i32
      %dma_start3A_56 = tpu.memref_slice %arg10[%dma_start3A_54, %dma_start3A_55] : memref<1024x16xf32, #tpu.memory_space<vmem>> -> memref<128x16xf32, #tpu.memory_space<vmem>>
      %dma_start3A_57 = arith.constant 0 : i32
      %dma_start3A_58 = tpu.memref_slice %arg8[%dma_start3A_53, %dma_start3A_57] : memref<8x128xi32, #tpu.memory_space<vmem>> -> memref<1x128xi32, #tpu.memory_space<vmem>>
      %dma_start3A_59 = tpu.memref_squeeze %dma_start3A_58 : memref<1x128xi32, #tpu.memory_space<vmem>> -> memref<128xi32, #tpu.memory_space<vmem>>
      %dma_start3A_60 = arith.constant 0 : i32
      %dma_start3A_61 = arith.constant 0 : i32
      %dma_start3A_62 = tpu.memref_slice %arg2[%dma_start3A_60, %dma_start3A_61] : memref<200000x16xf32, #tpu.memory_space<hbm>> -> memref<200000x16xf32, #tpu.memory_space<hbm>>
      tpu.enqueue_indirect_dma source(%dma_start3A_62 : memref<200000x16xf32, #tpu.memory_space<hbm>>) target(%dma_start3A_56 : memref<128x16xf32, #tpu.memory_space<vmem>>) offsets(%dma_start3A_59 : memref<128xi32, #tpu.memory_space<vmem>>) semaphore(%arg12 : memref<!tpu.dma_semaphore, #tpu.memory_space<semaphore_mem>>) {add = true}
      %dma_start3A_63 = arith.constant 2 : i32
      %dma_start3A_64 = arith.constant 256 : i32
      %dma_start3A_65 = arith.constant 0 : i32
      %dma_start3A_66 = tpu.memref_slice %arg10[%dma_start3A_64, %dma_start3A_65] : memref<1024x16xf32, #tpu.memory_space<vmem>> -> memref<128x16xf32, #tpu.memory_space<vmem>>
      %dma_start3A_67 = arith.constant 0 : i32
      %dma_start3A_68 = tpu.memref_slice %arg8[%dma_start3A_63, %dma_start3A_67] : memref<8x128xi32, #tpu.memory_space<vmem>> -> memref<1x128xi32, #tpu.memory_space<vmem>>
      %dma_start3A_69 = tpu.memref_squeeze %dma_start3A_68 : memref<1x128xi32, #tpu.memory_space<vmem>> -> memref<128xi32, #tpu.memory_space<vmem>>
      %dma_start3A_70 = arith.constant 0 : i32
      %dma_start3A_71 = arith.constant 0 : i32
      %dma_start3A_72 = tpu.memref_slice %arg2[%dma_start3A_70, %dma_start3A_71] : memref<200000x16xf32, #tpu.memory_space<hbm>> -> memref<200000x16xf32, #tpu.memory_space<hbm>>
      tpu.enqueue_indirect_dma source(%dma_start3A_72 : memref<200000x16xf32, #tpu.memory_space<hbm>>) target(%dma_start3A_66 : memref<128x16xf32, #tpu.memory_space<vmem>>) offsets(%dma_start3A_69 : memref<128xi32, #tpu.memory_space<vmem>>) semaphore(%arg12 : memref<!tpu.dma_semaphore, #tpu.memory_space<semaphore_mem>>) {add = true}
      %dma_start3A_73 = arith.constant 3 : i32
      %dma_start3A_74 = arith.constant 384 : i32
      %dma_start3A_75 = arith.constant 0 : i32
      %dma_start3A_76 = tpu.memref_slice %arg10[%dma_start3A_74, %dma_start3A_75] : memref<1024x16xf32, #tpu.memory_space<vmem>> -> memref<128x16xf32, #tpu.memory_space<vmem>>
      %dma_start3A_77 = arith.constant 0 : i32
      %dma_start3A_78 = tpu.memref_slice %arg8[%dma_start3A_73, %dma_start3A_77] : memref<8x128xi32, #tpu.memory_space<vmem>> -> memref<1x128xi32, #tpu.memory_space<vmem>>
      %dma_start3A_79 = tpu.memref_squeeze %dma_start3A_78 : memref<1x128xi32, #tpu.memory_space<vmem>> -> memref<128xi32, #tpu.memory_space<vmem>>
      %dma_start3A_80 = arith.constant 0 : i32
      %dma_start3A_81 = arith.constant 0 : i32
      %dma_start3A_82 = tpu.memref_slice %arg2[%dma_start3A_80, %dma_start3A_81] : memref<200000x16xf32, #tpu.memory_space<hbm>> -> memref<200000x16xf32, #tpu.memory_space<hbm>>
      tpu.enqueue_indirect_dma source(%dma_start3A_82 : memref<200000x16xf32, #tpu.memory_space<hbm>>) target(%dma_start3A_76 : memref<128x16xf32, #tpu.memory_space<vmem>>) offsets(%dma_start3A_79 : memref<128xi32, #tpu.memory_space<vmem>>) semaphore(%arg12 : memref<!tpu.dma_semaphore, #tpu.memory_space<semaphore_mem>>) {add = true}
      %dma_start3A_83 = arith.constant 4 : i32
      %dma_start3A_84 = arith.constant 512 : i32
      %dma_start3A_85 = arith.constant 0 : i32
      %dma_start3A_86 = tpu.memref_slice %arg10[%dma_start3A_84, %dma_start3A_85] : memref<1024x16xf32, #tpu.memory_space<vmem>> -> memref<128x16xf32, #tpu.memory_space<vmem>>
      %dma_start3A_87 = arith.constant 0 : i32
      %dma_start3A_88 = tpu.memref_slice %arg8[%dma_start3A_83, %dma_start3A_87] : memref<8x128xi32, #tpu.memory_space<vmem>> -> memref<1x128xi32, #tpu.memory_space<vmem>>
      %dma_start3A_89 = tpu.memref_squeeze %dma_start3A_88 : memref<1x128xi32, #tpu.memory_space<vmem>> -> memref<128xi32, #tpu.memory_space<vmem>>
      %dma_start3A_90 = arith.constant 0 : i32
      %dma_start3A_91 = arith.constant 0 : i32
      %dma_start3A_92 = tpu.memref_slice %arg2[%dma_start3A_90, %dma_start3A_91] : memref<200000x16xf32, #tpu.memory_space<hbm>> -> memref<200000x16xf32, #tpu.memory_space<hbm>>
      tpu.enqueue_indirect_dma source(%dma_start3A_92 : memref<200000x16xf32, #tpu.memory_space<hbm>>) target(%dma_start3A_86 : memref<128x16xf32, #tpu.memory_space<vmem>>) offsets(%dma_start3A_89 : memref<128xi32, #tpu.memory_space<vmem>>) semaphore(%arg12 : memref<!tpu.dma_semaphore, #tpu.memory_space<semaphore_mem>>) {add = true}
      %dma_start3A_93 = arith.constant 5 : i32
      %dma_start3A_94 = arith.constant 640 : i32
      %dma_start3A_95 = arith.constant 0 : i32
      %dma_start3A_96 = tpu.memref_slice %arg10[%dma_start3A_94, %dma_start3A_95] : memref<1024x16xf32, #tpu.memory_space<vmem>> -> memref<128x16xf32, #tpu.memory_space<vmem>>
      %dma_start3A_97 = arith.constant 0 : i32
      %dma_start3A_98 = tpu.memref_slice %arg8[%dma_start3A_93, %dma_start3A_97] : memref<8x128xi32, #tpu.memory_space<vmem>> -> memref<1x128xi32, #tpu.memory_space<vmem>>
      %dma_start3A_99 = tpu.memref_squeeze %dma_start3A_98 : memref<1x128xi32, #tpu.memory_space<vmem>> -> memref<128xi32, #tpu.memory_space<vmem>>
      %dma_start3A_100 = arith.constant 0 : i32
      %dma_start3A_101 = arith.constant 0 : i32
      %dma_start3A_102 = tpu.memref_slice %arg2[%dma_start3A_100, %dma_start3A_101] : memref<200000x16xf32, #tpu.memory_space<hbm>> -> memref<200000x16xf32, #tpu.memory_space<hbm>>
      tpu.enqueue_indirect_dma source(%dma_start3A_102 : memref<200000x16xf32, #tpu.memory_space<hbm>>) target(%dma_start3A_96 : memref<128x16xf32, #tpu.memory_space<vmem>>) offsets(%dma_start3A_99 : memref<128xi32, #tpu.memory_space<vmem>>) semaphore(%arg12 : memref<!tpu.dma_semaphore, #tpu.memory_space<semaphore_mem>>) {add = true}
      %dma_start3A_103 = arith.constant 6 : i32
      %dma_start3A_104 = arith.constant 768 : i32
      %dma_start3A_105 = arith.constant 0 : i32
      %dma_start3A_106 = tpu.memref_slice %arg10[%dma_start3A_104, %dma_start3A_105] : memref<1024x16xf32, #tpu.memory_space<vmem>> -> memref<128x16xf32, #tpu.memory_space<vmem>>
      %dma_start3A_107 = arith.constant 0 : i32
      %dma_start3A_108 = tpu.memref_slice %arg8[%dma_start3A_103, %dma_start3A_107] : memref<8x128xi32, #tpu.memory_space<vmem>> -> memref<1x128xi32, #tpu.memory_space<vmem>>
      %dma_start3A_109 = tpu.memref_squeeze %dma_start3A_108 : memref<1x128xi32, #tpu.memory_space<vmem>> -> memref<128xi32, #tpu.memory_space<vmem>>
      %dma_start3A_110 = arith.constant 0 : i32
      %dma_start3A_111 = arith.constant 0 : i32
      %dma_start3A_112 = tpu.memref_slice %arg2[%dma_start3A_110, %dma_start3A_111] : memref<200000x16xf32, #tpu.memory_space<hbm>> -> memref<200000x16xf32, #tpu.memory_space<hbm>>
      tpu.enqueue_indirect_dma source(%dma_start3A_112 : memref<200000x16xf32, #tpu.memory_space<hbm>>) target(%dma_start3A_106 : memref<128x16xf32, #tpu.memory_space<vmem>>) offsets(%dma_start3A_109 : memref<128xi32, #tpu.memory_space<vmem>>) semaphore(%arg12 : memref<!tpu.dma_semaphore, #tpu.memory_space<semaphore_mem>>) {add = true}
      %dma_start3A_113 = arith.constant 7 : i32
      %dma_start3A_114 = arith.constant 896 : i32
      %dma_start3A_115 = arith.constant 0 : i32
      %dma_start3A_116 = tpu.memref_slice %arg10[%dma_start3A_114, %dma_start3A_115] : memref<1024x16xf32, #tpu.memory_space<vmem>> -> memref<128x16xf32, #tpu.memory_space<vmem>>
      %dma_start3A_117 = arith.constant 0 : i32
      %dma_start3A_118 = tpu.memref_slice %arg8[%dma_start3A_113, %dma_start3A_117] : memref<8x128xi32, #tpu.memory_space<vmem>> -> memref<1x128xi32, #tpu.memory_space<vmem>>
      %dma_start3A_119 = tpu.memref_squeeze %dma_start3A_118 : memref<1x128xi32, #tpu.memory_space<vmem>> -> memref<128xi32, #tpu.memory_space<vmem>>
      %dma_start3A_120 = arith.constant 0 : i32
      %dma_start3A_121 = arith.constant 0 : i32
      %dma_start3A_122 = tpu.memref_slice %arg2[%dma_start3A_120, %dma_start3A_121] : memref<200000x16xf32, #tpu.memory_space<hbm>> -> memref<200000x16xf32, #tpu.memory_space<hbm>>
      tpu.enqueue_indirect_dma source(%dma_start3A_122 : memref<200000x16xf32, #tpu.memory_space<hbm>>) target(%dma_start3A_116 : memref<128x16xf32, #tpu.memory_space<vmem>>) offsets(%dma_start3A_119 : memref<128xi32, #tpu.memory_space<vmem>>) semaphore(%arg12 : memref<!tpu.dma_semaphore, #tpu.memory_space<semaphore_mem>>) {add = true}
      %dma_wait3A = arith.constant 0 : i32
      %dma_wait3A_123 = arith.constant 0 : i32
      %dma_wait3A_124 = arith.constant 0 : i32
      %dma_wait3A_125 = tpu.memref_slice %arg10[%dma_wait3A_123, %dma_wait3A_124] : memref<1024x16xf32, #tpu.memory_space<vmem>> -> memref<128x16xf32, #tpu.memory_space<vmem>>
      %dma_wait3A_126 = arith.constant 0 : i32
      %dma_wait3A_127 = tpu.memref_slice %arg8[%dma_wait3A, %dma_wait3A_126] : memref<8x128xi32, #tpu.memory_space<vmem>> -> memref<1x128xi32, #tpu.memory_space<vmem>>
      %dma_wait3A_128 = tpu.memref_squeeze %dma_wait3A_127 : memref<1x128xi32, #tpu.memory_space<vmem>> -> memref<128xi32, #tpu.memory_space<vmem>>
      %dma_wait3A_129 = arith.constant 0 : i32
      %dma_wait3A_130 = arith.constant 0 : i32
      %dma_wait3A_131 = tpu.memref_slice %arg2[%dma_wait3A_129, %dma_wait3A_130] : memref<200000x16xf32, #tpu.memory_space<hbm>> -> memref<200000x16xf32, #tpu.memory_space<hbm>>
      tpu.wait_indirect_dma semaphore(%arg12 : memref<!tpu.dma_semaphore, #tpu.memory_space<semaphore_mem>>) src(%dma_wait3A_131 : memref<200000x16xf32, #tpu.memory_space<hbm>>) dst(%dma_wait3A_125 : memref<128x16xf32, #tpu.memory_space<vmem>>)
      %dma_wait3A_132 = arith.constant 1 : i32
      %dma_wait3A_133 = arith.constant 128 : i32
      %dma_wait3A_134 = arith.constant 0 : i32
      %dma_wait3A_135 = tpu.memref_slice %arg10[%dma_wait3A_133, %dma_wait3A_134] : memref<1024x16xf32, #tpu.memory_space<vmem>> -> memref<128x16xf32, #tpu.memory_space<vmem>>
      %dma_wait3A_136 = arith.constant 0 : i32
      %dma_wait3A_137 = tpu.memref_slice %arg8[%dma_wait3A_132, %dma_wait3A_136] : memref<8x128xi32, #tpu.memory_space<vmem>> -> memref<1x128xi32, #tpu.memory_space<vmem>>
      %dma_wait3A_138 = tpu.memref_squeeze %dma_wait3A_137 : memref<1x128xi32, #tpu.memory_space<vmem>> -> memref<128xi32, #tpu.memory_space<vmem>>
      %dma_wait3A_139 = arith.constant 0 : i32
      %dma_wait3A_140 = arith.constant 0 : i32
      %dma_wait3A_141 = tpu.memref_slice %arg2[%dma_wait3A_139, %dma_wait3A_140] : memref<200000x16xf32, #tpu.memory_space<hbm>> -> memref<200000x16xf32, #tpu.memory_space<hbm>>
      tpu.wait_indirect_dma semaphore(%arg12 : memref<!tpu.dma_semaphore, #tpu.memory_space<semaphore_mem>>) src(%dma_wait3A_141 : memref<200000x16xf32, #tpu.memory_space<hbm>>) dst(%dma_wait3A_135 : memref<128x16xf32, #tpu.memory_space<vmem>>)
      %dma_wait3A_142 = arith.constant 2 : i32
      %dma_wait3A_143 = arith.constant 256 : i32
      %dma_wait3A_144 = arith.constant 0 : i32
      %dma_wait3A_145 = tpu.memref_slice %arg10[%dma_wait3A_143, %dma_wait3A_144] : memref<1024x16xf32, #tpu.memory_space<vmem>> -> memref<128x16xf32, #tpu.memory_space<vmem>>
      %dma_wait3A_146 = arith.constant 0 : i32
      %dma_wait3A_147 = tpu.memref_slice %arg8[%dma_wait3A_142, %dma_wait3A_146] : memref<8x128xi32, #tpu.memory_space<vmem>> -> memref<1x128xi32, #tpu.memory_space<vmem>>
      %dma_wait3A_148 = tpu.memref_squeeze %dma_wait3A_147 : memref<1x128xi32, #tpu.memory_space<vmem>> -> memref<128xi32, #tpu.memory_space<vmem>>
      %dma_wait3A_149 = arith.constant 0 : i32
      %dma_wait3A_150 = arith.constant 0 : i32
      %dma_wait3A_151 = tpu.memref_slice %arg2[%dma_wait3A_149, %dma_wait3A_150] : memref<200000x16xf32, #tpu.memory_space<hbm>> -> memref<200000x16xf32, #tpu.memory_space<hbm>>
      tpu.wait_indirect_dma semaphore(%arg12 : memref<!tpu.dma_semaphore, #tpu.memory_space<semaphore_mem>>) src(%dma_wait3A_151 : memref<200000x16xf32, #tpu.memory_space<hbm>>) dst(%dma_wait3A_145 : memref<128x16xf32, #tpu.memory_space<vmem>>)
      %dma_wait3A_152 = arith.constant 3 : i32
      %dma_wait3A_153 = arith.constant 384 : i32
      %dma_wait3A_154 = arith.constant 0 : i32
      %dma_wait3A_155 = tpu.memref_slice %arg10[%dma_wait3A_153, %dma_wait3A_154] : memref<1024x16xf32, #tpu.memory_space<vmem>> -> memref<128x16xf32, #tpu.memory_space<vmem>>
      %dma_wait3A_156 = arith.constant 0 : i32
      %dma_wait3A_157 = tpu.memref_slice %arg8[%dma_wait3A_152, %dma_wait3A_156] : memref<8x128xi32, #tpu.memory_space<vmem>> -> memref<1x128xi32, #tpu.memory_space<vmem>>
      %dma_wait3A_158 = tpu.memref_squeeze %dma_wait3A_157 : memref<1x128xi32, #tpu.memory_space<vmem>> -> memref<128xi32, #tpu.memory_space<vmem>>
      %dma_wait3A_159 = arith.constant 0 : i32
      %dma_wait3A_160 = arith.constant 0 : i32
      %dma_wait3A_161 = tpu.memref_slice %arg2[%dma_wait3A_159, %dma_wait3A_160] : memref<200000x16xf32, #tpu.memory_space<hbm>> -> memref<200000x16xf32, #tpu.memory_space<hbm>>
      tpu.wait_indirect_dma semaphore(%arg12 : memref<!tpu.dma_semaphore, #tpu.memory_space<semaphore_mem>>) src(%dma_wait3A_161 : memref<200000x16xf32, #tpu.memory_space<hbm>>) dst(%dma_wait3A_155 : memref<128x16xf32, #tpu.memory_space<vmem>>)
      %dma_wait3A_162 = arith.constant 4 : i32
      %dma_wait3A_163 = arith.constant 512 : i32
      %dma_wait3A_164 = arith.constant 0 : i32
      %dma_wait3A_165 = tpu.memref_slice %arg10[%dma_wait3A_163, %dma_wait3A_164] : memref<1024x16xf32, #tpu.memory_space<vmem>> -> memref<128x16xf32, #tpu.memory_space<vmem>>
      %dma_wait3A_166 = arith.constant 0 : i32
      %dma_wait3A_167 = tpu.memref_slice %arg8[%dma_wait3A_162, %dma_wait3A_166] : memref<8x128xi32, #tpu.memory_space<vmem>> -> memref<1x128xi32, #tpu.memory_space<vmem>>
      %dma_wait3A_168 = tpu.memref_squeeze %dma_wait3A_167 : memref<1x128xi32, #tpu.memory_space<vmem>> -> memref<128xi32, #tpu.memory_space<vmem>>
      %dma_wait3A_169 = arith.constant 0 : i32
      %dma_wait3A_170 = arith.constant 0 : i32
      %dma_wait3A_171 = tpu.memref_slice %arg2[%dma_wait3A_169, %dma_wait3A_170] : memref<200000x16xf32, #tpu.memory_space<hbm>> -> memref<200000x16xf32, #tpu.memory_space<hbm>>
      tpu.wait_indirect_dma semaphore(%arg12 : memref<!tpu.dma_semaphore, #tpu.memory_space<semaphore_mem>>) src(%dma_wait3A_171 : memref<200000x16xf32, #tpu.memory_space<hbm>>) dst(%dma_wait3A_165 : memref<128x16xf32, #tpu.memory_space<vmem>>)
      %dma_wait3A_172 = arith.constant 5 : i32
      %dma_wait3A_173 = arith.constant 640 : i32
      %dma_wait3A_174 = arith.constant 0 : i32
      %dma_wait3A_175 = tpu.memref_slice %arg10[%dma_wait3A_173, %dma_wait3A_174] : memref<1024x16xf32, #tpu.memory_space<vmem>> -> memref<128x16xf32, #tpu.memory_space<vmem>>
      %dma_wait3A_176 = arith.constant 0 : i32
      %dma_wait3A_177 = tpu.memref_slice %arg8[%dma_wait3A_172, %dma_wait3A_176] : memref<8x128xi32, #tpu.memory_space<vmem>> -> memref<1x128xi32, #tpu.memory_space<vmem>>
      %dma_wait3A_178 = tpu.memref_squeeze %dma_wait3A_177 : memref<1x128xi32, #tpu.memory_space<vmem>> -> memref<128xi32, #tpu.memory_space<vmem>>
      %dma_wait3A_179 = arith.constant 0 : i32
      %dma_wait3A_180 = arith.constant 0 : i32
      %dma_wait3A_181 = tpu.memref_slice %arg2[%dma_wait3A_179, %dma_wait3A_180] : memref<200000x16xf32, #tpu.memory_space<hbm>> -> memref<200000x16xf32, #tpu.memory_space<hbm>>
      tpu.wait_indirect_dma semaphore(%arg12 : memref<!tpu.dma_semaphore, #tpu.memory_space<semaphore_mem>>) src(%dma_wait3A_181 : memref<200000x16xf32, #tpu.memory_space<hbm>>) dst(%dma_wait3A_175 : memref<128x16xf32, #tpu.memory_space<vmem>>)
      %dma_wait3A_182 = arith.constant 6 : i32
      %dma_wait3A_183 = arith.constant 768 : i32
      %dma_wait3A_184 = arith.constant 0 : i32
      %dma_wait3A_185 = tpu.memref_slice %arg10[%dma_wait3A_183, %dma_wait3A_184] : memref<1024x16xf32, #tpu.memory_space<vmem>> -> memref<128x16xf32, #tpu.memory_space<vmem>>
      %dma_wait3A_186 = arith.constant 0 : i32
      %dma_wait3A_187 = tpu.memref_slice %arg8[%dma_wait3A_182, %dma_wait3A_186] : memref<8x128xi32, #tpu.memory_space<vmem>> -> memref<1x128xi32, #tpu.memory_space<vmem>>
      %dma_wait3A_188 = tpu.memref_squeeze %dma_wait3A_187 : memref<1x128xi32, #tpu.memory_space<vmem>> -> memref<128xi32, #tpu.memory_space<vmem>>
      %dma_wait3A_189 = arith.constant 0 : i32
      %dma_wait3A_190 = arith.constant 0 : i32
      %dma_wait3A_191 = tpu.memref_slice %arg2[%dma_wait3A_189, %dma_wait3A_190] : memref<200000x16xf32, #tpu.memory_space<hbm>> -> memref<200000x16xf32, #tpu.memory_space<hbm>>
      tpu.wait_indirect_dma semaphore(%arg12 : memref<!tpu.dma_semaphore, #tpu.memory_space<semaphore_mem>>) src(%dma_wait3A_191 : memref<200000x16xf32, #tpu.memory_space<hbm>>) dst(%dma_wait3A_185 : memref<128x16xf32, #tpu.memory_space<vmem>>)
      %dma_wait3A_192 = arith.constant 7 : i32
      %dma_wait3A_193 = arith.constant 896 : i32
      %dma_wait3A_194 = arith.constant 0 : i32
      %dma_wait3A_195 = tpu.memref_slice %arg10[%dma_wait3A_193, %dma_wait3A_194] : memref<1024x16xf32, #tpu.memory_space<vmem>> -> memref<128x16xf32, #tpu.memory_space<vmem>>
      %dma_wait3A_196 = arith.constant 0 : i32
      %dma_wait3A_197 = tpu.memref_slice %arg8[%dma_wait3A_192, %dma_wait3A_196] : memref<8x128xi32, #tpu.memory_space<vmem>> -> memref<1x128xi32, #tpu.memory_space<vmem>>
      %dma_wait3A_198 = tpu.memref_squeeze %dma_wait3A_197 : memref<1x128xi32, #tpu.memory_space<vmem>> -> memref<128xi32, #tpu.memory_space<vmem>>
      %dma_wait3A_199 = arith.constant 0 : i32
      %dma_wait3A_200 = arith.constant 0 : i32
      %dma_wait3A_201 = tpu.memref_slice %arg2[%dma_wait3A_199, %dma_wait3A_200] : memref<200000x16xf32, #tpu.memory_space<hbm>> -> memref<200000x16xf32, #tpu.memory_space<hbm>>
      tpu.wait_indirect_dma semaphore(%arg12 : memref<!tpu.dma_semaphore, #tpu.memory_space<semaphore_mem>>) src(%dma_wait3A_201 : memref<200000x16xf32, #tpu.memory_space<hbm>>) dst(%dma_wait3A_195 : memref<128x16xf32, #tpu.memory_space<vmem>>)
      %parallel_loop3A = arith.constant 0 : i32
      %parallel_loop3A_202 = arith.constant 1024 : i32
      %parallel_loop3A_203 = arith.constant 1 : i32
      scf.for %parallel_loop3A_212 = %parallel_loop3A to %parallel_loop3A_202 step %parallel_loop3A_203  : i32 {
        %parallel_loop3A_213 = arith.index_cast %parallel_loop3A_212 : i32 to index
        %parallel_loop3A_214 = arith.constant 0 : index
        %parallel_loop3A_215 = tpu.vector_load %arg10[%parallel_loop3A_213, %parallel_loop3A_214] {strides = array<i32>} : memref<1024x16xf32, #tpu.memory_space<vmem>>, vector<1x16xf32>,
        %parallel_loop3A_216 = vector.shape_cast %parallel_loop3A_215 : vector<1x16xf32> to vector<16xf32>
        %parallel_loop3A_217 = arith.constant 0.000000e+00 : f32
        %parallel_loop3A_218 = vector.broadcast %parallel_loop3A_217 : f32 to vector<16xf32>
        %parallel_loop3A_219 = arith.maximumf %parallel_loop3A_216, %parallel_loop3A_218 : vector<16xf32>
        %parallel_loop3A_220 = arith.index_cast %parallel_loop3A_212 : i32 to index
        %parallel_loop3A_221 = arith.constant 0 : index
        %parallel_loop3A_222 = tpu.vector_load %arg10[%parallel_loop3A_220, %parallel_loop3A_221] {strides = array<i32>} : memref<1024x16xf32, #tpu.memory_space<vmem>>, vector<1x16xf32>,
        %parallel_loop3A_223 = vector.shape_cast %parallel_loop3A_222 : vector<1x16xf32> to vector<16xf32>
        %parallel_loop3A_224 = vector.shape_cast %parallel_loop3A_219 : vector<16xf32> to vector<1x16xf32>
        tpu.vector_store %arg10[%parallel_loop3A_220, %parallel_loop3A_221], %parallel_loop3A_224 {strides = array<i32>} : memref<1024x16xf32, #tpu.memory_space<vmem>>, vector<1x16xf32>,
      } {sc.loop_unroll_factor = 8 : i64, sc.parallel_access}
      %run_scoped3A_204 = arith.constant 0 : i32
      "tpu.region"() ({
        %run_scoped3A_212 = tpu.sem_alloc : memref<!tpu.dma_semaphore, #tpu.memory_space<semaphore_mem>>
        %dma_start3A_213 = arith.constant 0 : i32
        %dma_start3A_214 = arith.constant 0 : i32
        %dma_start3A_215 = tpu.memref_slice %arg10[%dma_start3A_213, %dma_start3A_214] : memref<1024x16xf32, #tpu.memory_space<vmem>> -> memref<128x16xf32, #tpu.memory_space<vmem>>
        %dma_start3A_216 = arith.constant 0 : i32
        %dma_start3A_217 = tpu.memref_slice %arg9[%run_scoped3A_204, %dma_start3A_216] : memref<8x128xi32, #tpu.memory_space<vmem>> -> memref<1x128xi32, #tpu.memory_space<vmem>>
        %dma_start3A_218 = tpu.memref_squeeze %dma_start3A_217 : memref<1x128xi32, #tpu.memory_space<vmem>> -> memref<128xi32, #tpu.memory_space<vmem>>
        %dma_start3A_219 = arith.constant 0 : i32
        %dma_start3A_220 = arith.constant 0 : i32
        %dma_start3A_221 = tpu.memref_slice %arg11[%dma_start3A_219, %dma_start3A_220] : memref<50048x16xf32, #tpu.memory_space<vmem_shared>> -> memref<50048x16xf32, #tpu.memory_space<vmem_shared>>
        tpu.enqueue_indirect_dma source(%dma_start3A_215 : memref<128x16xf32, #tpu.memory_space<vmem>>) target(%dma_start3A_221 : memref<50048x16xf32, #tpu.memory_space<vmem_shared>>) offsets(%dma_start3A_218 : memref<128xi32, #tpu.memory_space<vmem>>) semaphore(%run_scoped3A_212 : memref<!tpu.dma_semaphore, #tpu.memory_space<semaphore_mem>>) {add = true}
        %dma_wait3A_222 = arith.constant 0 : i32
        %dma_wait3A_223 = arith.constant 0 : i32
        %dma_wait3A_224 = tpu.memref_slice %arg10[%dma_wait3A_222, %dma_wait3A_223] : memref<1024x16xf32, #tpu.memory_space<vmem>> -> memref<128x16xf32, #tpu.memory_space<vmem>>
        %dma_wait3A_225 = arith.constant 0 : i32
        %dma_wait3A_226 = tpu.memref_slice %arg9[%run_scoped3A_204, %dma_wait3A_225] : memref<8x128xi32, #tpu.memory_space<vmem>> -> memref<1x128xi32, #tpu.memory_space<vmem>>
        %dma_wait3A_227 = tpu.memref_squeeze %dma_wait3A_226 : memref<1x128xi32, #tpu.memory_space<vmem>> -> memref<128xi32, #tpu.memory_space<vmem>>
        %dma_wait3A_228 = arith.constant 0 : i32
        %dma_wait3A_229 = arith.constant 0 : i32
        %dma_wait3A_230 = tpu.memref_slice %arg11[%dma_wait3A_228, %dma_wait3A_229] : memref<50048x16xf32, #tpu.memory_space<vmem_shared>> -> memref<50048x16xf32, #tpu.memory_space<vmem_shared>>
        tpu.wait_indirect_dma semaphore(%run_scoped3A_212 : memref<!tpu.dma_semaphore, #tpu.memory_space<semaphore_mem>>) src(%dma_wait3A_224 : memref<128x16xf32, #tpu.memory_space<vmem>>) dst(%dma_wait3A_230 : memref<50048x16xf32, #tpu.memory_space<vmem_shared>>)
        tpu.yield
      }) : () -> ()
      %run_scoped3A_205 = arith.constant 1 : i32
      "tpu.region"() ({
        %run_scoped3A_212 = tpu.sem_alloc : memref<!tpu.dma_semaphore, #tpu.memory_space<semaphore_mem>>
        %dma_start3A_213 = arith.constant 128 : i32
        %dma_start3A_214 = arith.constant 0 : i32
        %dma_start3A_215 = tpu.memref_slice %arg10[%dma_start3A_213, %dma_start3A_214] : memref<1024x16xf32, #tpu.memory_space<vmem>> -> memref<128x16xf32, #tpu.memory_space<vmem>>
        %dma_start3A_216 = arith.constant 0 : i32
        %dma_start3A_217 = tpu.memref_slice %arg9[%run_scoped3A_205, %dma_start3A_216] : memref<8x128xi32, #tpu.memory_space<vmem>> -> memref<1x128xi32, #tpu.memory_space<vmem>>
        %dma_start3A_218 = tpu.memref_squeeze %dma_start3A_217 : memref<1x128xi32, #tpu.memory_space<vmem>> -> memref<128xi32, #tpu.memory_space<vmem>>
        %dma_start3A_219 = arith.constant 0 : i32
        %dma_start3A_220 = arith.constant 0 : i32
        %dma_start3A_221 = tpu.memref_slice %arg11[%dma_start3A_219, %dma_start3A_220] : memref<50048x16xf32, #tpu.memory_space<vmem_shared>> -> memref<50048x16xf32, #tpu.memory_space<vmem_shared>>
        tpu.enqueue_indirect_dma source(%dma_start3A_215 : memref<128x16xf32, #tpu.memory_space<vmem>>) target(%dma_start3A_221 : memref<50048x16xf32, #tpu.memory_space<vmem_shared>>) offsets(%dma_start3A_218 : memref<128xi32, #tpu.memory_space<vmem>>) semaphore(%run_scoped3A_212 : memref<!tpu.dma_semaphore, #tpu.memory_space<semaphore_mem>>) {add = true}
        %dma_wait3A_222 = arith.constant 128 : i32
        %dma_wait3A_223 = arith.constant 0 : i32
        %dma_wait3A_224 = tpu.memref_slice %arg10[%dma_wait3A_222, %dma_wait3A_223] : memref<1024x16xf32, #tpu.memory_space<vmem>> -> memref<128x16xf32, #tpu.memory_space<vmem>>
        %dma_wait3A_225 = arith.constant 0 : i32
        %dma_wait3A_226 = tpu.memref_slice %arg9[%run_scoped3A_205, %dma_wait3A_225] : memref<8x128xi32, #tpu.memory_space<vmem>> -> memref<1x128xi32, #tpu.memory_space<vmem>>
        %dma_wait3A_227 = tpu.memref_squeeze %dma_wait3A_226 : memref<1x128xi32, #tpu.memory_space<vmem>> -> memref<128xi32, #tpu.memory_space<vmem>>
        %dma_wait3A_228 = arith.constant 0 : i32
        %dma_wait3A_229 = arith.constant 0 : i32
        %dma_wait3A_230 = tpu.memref_slice %arg11[%dma_wait3A_228, %dma_wait3A_229] : memref<50048x16xf32, #tpu.memory_space<vmem_shared>> -> memref<50048x16xf32, #tpu.memory_space<vmem_shared>>
        tpu.wait_indirect_dma semaphore(%run_scoped3A_212 : memref<!tpu.dma_semaphore, #tpu.memory_space<semaphore_mem>>) src(%dma_wait3A_224 : memref<128x16xf32, #tpu.memory_space<vmem>>) dst(%dma_wait3A_230 : memref<50048x16xf32, #tpu.memory_space<vmem_shared>>)
        tpu.yield
      }) : () -> ()
      %run_scoped3A_206 = arith.constant 2 : i32
      "tpu.region"() ({
        %run_scoped3A_212 = tpu.sem_alloc : memref<!tpu.dma_semaphore, #tpu.memory_space<semaphore_mem>>
        %dma_start3A_213 = arith.constant 256 : i32
        %dma_start3A_214 = arith.constant 0 : i32
        %dma_start3A_215 = tpu.memref_slice %arg10[%dma_start3A_213, %dma_start3A_214] : memref<1024x16xf32, #tpu.memory_space<vmem>> -> memref<128x16xf32, #tpu.memory_space<vmem>>
        %dma_start3A_216 = arith.constant 0 : i32
        %dma_start3A_217 = tpu.memref_slice %arg9[%run_scoped3A_206, %dma_start3A_216] : memref<8x128xi32, #tpu.memory_space<vmem>> -> memref<1x128xi32, #tpu.memory_space<vmem>>
        %dma_start3A_218 = tpu.memref_squeeze %dma_start3A_217 : memref<1x128xi32, #tpu.memory_space<vmem>> -> memref<128xi32, #tpu.memory_space<vmem>>
        %dma_start3A_219 = arith.constant 0 : i32
        %dma_start3A_220 = arith.constant 0 : i32
        %dma_start3A_221 = tpu.memref_slice %arg11[%dma_start3A_219, %dma_start3A_220] : memref<50048x16xf32, #tpu.memory_space<vmem_shared>> -> memref<50048x16xf32, #tpu.memory_space<vmem_shared>>
        tpu.enqueue_indirect_dma source(%dma_start3A_215 : memref<128x16xf32, #tpu.memory_space<vmem>>) target(%dma_start3A_221 : memref<50048x16xf32, #tpu.memory_space<vmem_shared>>) offsets(%dma_start3A_218 : memref<128xi32, #tpu.memory_space<vmem>>) semaphore(%run_scoped3A_212 : memref<!tpu.dma_semaphore, #tpu.memory_space<semaphore_mem>>) {add = true}
        %dma_wait3A_222 = arith.constant 256 : i32
        %dma_wait3A_223 = arith.constant 0 : i32
        %dma_wait3A_224 = tpu.memref_slice %arg10[%dma_wait3A_222, %dma_wait3A_223] : memref<1024x16xf32, #tpu.memory_space<vmem>> -> memref<128x16xf32, #tpu.memory_space<vmem>>
        %dma_wait3A_225 = arith.constant 0 : i32
        %dma_wait3A_226 = tpu.memref_slice %arg9[%run_scoped3A_206, %dma_wait3A_225] : memref<8x128xi32, #tpu.memory_space<vmem>> -> memref<1x128xi32, #tpu.memory_space<vmem>>
        %dma_wait3A_227 = tpu.memref_squeeze %dma_wait3A_226 : memref<1x128xi32, #tpu.memory_space<vmem>> -> memref<128xi32, #tpu.memory_space<vmem>>
        %dma_wait3A_228 = arith.constant 0 : i32
        %dma_wait3A_229 = arith.constant 0 : i32
        %dma_wait3A_230 = tpu.memref_slice %arg11[%dma_wait3A_228, %dma_wait3A_229] : memref<50048x16xf32, #tpu.memory_space<vmem_shared>> -> memref<50048x16xf32, #tpu.memory_space<vmem_shared>>
        tpu.wait_indirect_dma semaphore(%run_scoped3A_212 : memref<!tpu.dma_semaphore, #tpu.memory_space<semaphore_mem>>) src(%dma_wait3A_224 : memref<128x16xf32, #tpu.memory_space<vmem>>) dst(%dma_wait3A_230 : memref<50048x16xf32, #tpu.memory_space<vmem_shared>>)
        tpu.yield
      }) : () -> ()
      %run_scoped3A_207 = arith.constant 3 : i32
      "tpu.region"() ({
        %run_scoped3A_212 = tpu.sem_alloc : memref<!tpu.dma_semaphore, #tpu.memory_space<semaphore_mem>>
        %dma_start3A_213 = arith.constant 384 : i32
        %dma_start3A_214 = arith.constant 0 : i32
        %dma_start3A_215 = tpu.memref_slice %arg10[%dma_start3A_213, %dma_start3A_214] : memref<1024x16xf32, #tpu.memory_space<vmem>> -> memref<128x16xf32, #tpu.memory_space<vmem>>
        %dma_start3A_216 = arith.constant 0 : i32
        %dma_start3A_217 = tpu.memref_slice %arg9[%run_scoped3A_207, %dma_start3A_216] : memref<8x128xi32, #tpu.memory_space<vmem>> -> memref<1x128xi32, #tpu.memory_space<vmem>>
        %dma_start3A_218 = tpu.memref_squeeze %dma_start3A_217 : memref<1x128xi32, #tpu.memory_space<vmem>> -> memref<128xi32, #tpu.memory_space<vmem>>
        %dma_start3A_219 = arith.constant 0 : i32
        %dma_start3A_220 = arith.constant 0 : i32
        %dma_start3A_221 = tpu.memref_slice %arg11[%dma_start3A_219, %dma_start3A_220] : memref<50048x16xf32, #tpu.memory_space<vmem_shared>> -> memref<50048x16xf32, #tpu.memory_space<vmem_shared>>
        tpu.enqueue_indirect_dma source(%dma_start3A_215 : memref<128x16xf32, #tpu.memory_space<vmem>>) target(%dma_start3A_221 : memref<50048x16xf32, #tpu.memory_space<vmem_shared>>) offsets(%dma_start3A_218 : memref<128xi32, #tpu.memory_space<vmem>>) semaphore(%run_scoped3A_212 : memref<!tpu.dma_semaphore, #tpu.memory_space<semaphore_mem>>) {add = true}
        %dma_wait3A_222 = arith.constant 384 : i32
        %dma_wait3A_223 = arith.constant 0 : i32
        %dma_wait3A_224 = tpu.memref_slice %arg10[%dma_wait3A_222, %dma_wait3A_223] : memref<1024x16xf32, #tpu.memory_space<vmem>> -> memref<128x16xf32, #tpu.memory_space<vmem>>
        %dma_wait3A_225 = arith.constant 0 : i32
        %dma_wait3A_226 = tpu.memref_slice %arg9[%run_scoped3A_207, %dma_wait3A_225] : memref<8x128xi32, #tpu.memory_space<vmem>> -> memref<1x128xi32, #tpu.memory_space<vmem>>
        %dma_wait3A_227 = tpu.memref_squeeze %dma_wait3A_226 : memref<1x128xi32, #tpu.memory_space<vmem>> -> memref<128xi32, #tpu.memory_space<vmem>>
        %dma_wait3A_228 = arith.constant 0 : i32
        %dma_wait3A_229 = arith.constant 0 : i32
        %dma_wait3A_230 = tpu.memref_slice %arg11[%dma_wait3A_228, %dma_wait3A_229] : memref<50048x16xf32, #tpu.memory_space<vmem_shared>> -> memref<50048x16xf32, #tpu.memory_space<vmem_shared>>
        tpu.wait_indirect_dma semaphore(%run_scoped3A_212 : memref<!tpu.dma_semaphore, #tpu.memory_space<semaphore_mem>>) src(%dma_wait3A_224 : memref<128x16xf32, #tpu.memory_space<vmem>>) dst(%dma_wait3A_230 : memref<50048x16xf32, #tpu.memory_space<vmem_shared>>)
        tpu.yield
      }) : () -> ()
      %run_scoped3A_208 = arith.constant 4 : i32
      "tpu.region"() ({
        %run_scoped3A_212 = tpu.sem_alloc : memref<!tpu.dma_semaphore, #tpu.memory_space<semaphore_mem>>
        %dma_start3A_213 = arith.constant 512 : i32
        %dma_start3A_214 = arith.constant 0 : i32
        %dma_start3A_215 = tpu.memref_slice %arg10[%dma_start3A_213, %dma_start3A_214] : memref<1024x16xf32, #tpu.memory_space<vmem>> -> memref<128x16xf32, #tpu.memory_space<vmem>>
        %dma_start3A_216 = arith.constant 0 : i32
        %dma_start3A_217 = tpu.memref_slice %arg9[%run_scoped3A_208, %dma_start3A_216] : memref<8x128xi32, #tpu.memory_space<vmem>> -> memref<1x128xi32, #tpu.memory_space<vmem>>
        %dma_start3A_218 = tpu.memref_squeeze %dma_start3A_217 : memref<1x128xi32, #tpu.memory_space<vmem>> -> memref<128xi32, #tpu.memory_space<vmem>>
        %dma_start3A_219 = arith.constant 0 : i32
        %dma_start3A_220 = arith.constant 0 : i32
        %dma_start3A_221 = tpu.memref_slice %arg11[%dma_start3A_219, %dma_start3A_220] : memref<50048x16xf32, #tpu.memory_space<vmem_shared>> -> memref<50048x16xf32, #tpu.memory_space<vmem_shared>>
        tpu.enqueue_indirect_dma source(%dma_start3A_215 : memref<128x16xf32, #tpu.memory_space<vmem>>) target(%dma_start3A_221 : memref<50048x16xf32, #tpu.memory_space<vmem_shared>>) offsets(%dma_start3A_218 : memref<128xi32, #tpu.memory_space<vmem>>) semaphore(%run_scoped3A_212 : memref<!tpu.dma_semaphore, #tpu.memory_space<semaphore_mem>>) {add = true}
        %dma_wait3A_222 = arith.constant 512 : i32
        %dma_wait3A_223 = arith.constant 0 : i32
        %dma_wait3A_224 = tpu.memref_slice %arg10[%dma_wait3A_222, %dma_wait3A_223] : memref<1024x16xf32, #tpu.memory_space<vmem>> -> memref<128x16xf32, #tpu.memory_space<vmem>>
        %dma_wait3A_225 = arith.constant 0 : i32
        %dma_wait3A_226 = tpu.memref_slice %arg9[%run_scoped3A_208, %dma_wait3A_225] : memref<8x128xi32, #tpu.memory_space<vmem>> -> memref<1x128xi32, #tpu.memory_space<vmem>>
        %dma_wait3A_227 = tpu.memref_squeeze %dma_wait3A_226 : memref<1x128xi32, #tpu.memory_space<vmem>> -> memref<128xi32, #tpu.memory_space<vmem>>
        %dma_wait3A_228 = arith.constant 0 : i32
        %dma_wait3A_229 = arith.constant 0 : i32
        %dma_wait3A_230 = tpu.memref_slice %arg11[%dma_wait3A_228, %dma_wait3A_229] : memref<50048x16xf32, #tpu.memory_space<vmem_shared>> -> memref<50048x16xf32, #tpu.memory_space<vmem_shared>>
        tpu.wait_indirect_dma semaphore(%run_scoped3A_212 : memref<!tpu.dma_semaphore, #tpu.memory_space<semaphore_mem>>) src(%dma_wait3A_224 : memref<128x16xf32, #tpu.memory_space<vmem>>) dst(%dma_wait3A_230 : memref<50048x16xf32, #tpu.memory_space<vmem_shared>>)
        tpu.yield
      }) : () -> ()
      %run_scoped3A_209 = arith.constant 5 : i32
      "tpu.region"() ({
        %run_scoped3A_212 = tpu.sem_alloc : memref<!tpu.dma_semaphore, #tpu.memory_space<semaphore_mem>>
        %dma_start3A_213 = arith.constant 640 : i32
        %dma_start3A_214 = arith.constant 0 : i32
        %dma_start3A_215 = tpu.memref_slice %arg10[%dma_start3A_213, %dma_start3A_214] : memref<1024x16xf32, #tpu.memory_space<vmem>> -> memref<128x16xf32, #tpu.memory_space<vmem>>
        %dma_start3A_216 = arith.constant 0 : i32
        %dma_start3A_217 = tpu.memref_slice %arg9[%run_scoped3A_209, %dma_start3A_216] : memref<8x128xi32, #tpu.memory_space<vmem>> -> memref<1x128xi32, #tpu.memory_space<vmem>>
        %dma_start3A_218 = tpu.memref_squeeze %dma_start3A_217 : memref<1x128xi32, #tpu.memory_space<vmem>> -> memref<128xi32, #tpu.memory_space<vmem>>
        %dma_start3A_219 = arith.constant 0 : i32
        %dma_start3A_220 = arith.constant 0 : i32
        %dma_start3A_221 = tpu.memref_slice %arg11[%dma_start3A_219, %dma_start3A_220] : memref<50048x16xf32, #tpu.memory_space<vmem_shared>> -> memref<50048x16xf32, #tpu.memory_space<vmem_shared>>
        tpu.enqueue_indirect_dma source(%dma_start3A_215 : memref<128x16xf32, #tpu.memory_space<vmem>>) target(%dma_start3A_221 : memref<50048x16xf32, #tpu.memory_space<vmem_shared>>) offsets(%dma_start3A_218 : memref<128xi32, #tpu.memory_space<vmem>>) semaphore(%run_scoped3A_212 : memref<!tpu.dma_semaphore, #tpu.memory_space<semaphore_mem>>) {add = true}
        %dma_wait3A_222 = arith.constant 640 : i32
        %dma_wait3A_223 = arith.constant 0 : i32
        %dma_wait3A_224 = tpu.memref_slice %arg10[%dma_wait3A_222, %dma_wait3A_223] : memref<1024x16xf32, #tpu.memory_space<vmem>> -> memref<128x16xf32, #tpu.memory_space<vmem>>
        %dma_wait3A_225 = arith.constant 0 : i32
        %dma_wait3A_226 = tpu.memref_slice %arg9[%run_scoped3A_209, %dma_wait3A_225] : memref<8x128xi32, #tpu.memory_space<vmem>> -> memref<1x128xi32, #tpu.memory_space<vmem>>
        %dma_wait3A_227 = tpu.memref_squeeze %dma_wait3A_226 : memref<1x128xi32, #tpu.memory_space<vmem>> -> memref<128xi32, #tpu.memory_space<vmem>>
        %dma_wait3A_228 = arith.constant 0 : i32
        %dma_wait3A_229 = arith.constant 0 : i32
        %dma_wait3A_230 = tpu.memref_slice %arg11[%dma_wait3A_228, %dma_wait3A_229] : memref<50048x16xf32, #tpu.memory_space<vmem_shared>> -> memref<50048x16xf32, #tpu.memory_space<vmem_shared>>
        tpu.wait_indirect_dma semaphore(%run_scoped3A_212 : memref<!tpu.dma_semaphore, #tpu.memory_space<semaphore_mem>>) src(%dma_wait3A_224 : memref<128x16xf32, #tpu.memory_space<vmem>>) dst(%dma_wait3A_230 : memref<50048x16xf32, #tpu.memory_space<vmem_shared>>)
        tpu.yield
      }) : () -> ()
      %run_scoped3A_210 = arith.constant 6 : i32
      "tpu.region"() ({
        %run_scoped3A_212 = tpu.sem_alloc : memref<!tpu.dma_semaphore, #tpu.memory_space<semaphore_mem>>
        %dma_start3A_213 = arith.constant 768 : i32
        %dma_start3A_214 = arith.constant 0 : i32
        %dma_start3A_215 = tpu.memref_slice %arg10[%dma_start3A_213, %dma_start3A_214] : memref<1024x16xf32, #tpu.memory_space<vmem>> -> memref<128x16xf32, #tpu.memory_space<vmem>>
        %dma_start3A_216 = arith.constant 0 : i32
        %dma_start3A_217 = tpu.memref_slice %arg9[%run_scoped3A_210, %dma_start3A_216] : memref<8x128xi32, #tpu.memory_space<vmem>> -> memref<1x128xi32, #tpu.memory_space<vmem>>
        %dma_start3A_218 = tpu.memref_squeeze %dma_start3A_217 : memref<1x128xi32, #tpu.memory_space<vmem>> -> memref<128xi32, #tpu.memory_space<vmem>>
        %dma_start3A_219 = arith.constant 0 : i32
        %dma_start3A_220 = arith.constant 0 : i32
        %dma_start3A_221 = tpu.memref_slice %arg11[%dma_start3A_219, %dma_start3A_220] : memref<50048x16xf32, #tpu.memory_space<vmem_shared>> -> memref<50048x16xf32, #tpu.memory_space<vmem_shared>>
        tpu.enqueue_indirect_dma source(%dma_start3A_215 : memref<128x16xf32, #tpu.memory_space<vmem>>) target(%dma_start3A_221 : memref<50048x16xf32, #tpu.memory_space<vmem_shared>>) offsets(%dma_start3A_218 : memref<128xi32, #tpu.memory_space<vmem>>) semaphore(%run_scoped3A_212 : memref<!tpu.dma_semaphore, #tpu.memory_space<semaphore_mem>>) {add = true}
        %dma_wait3A_222 = arith.constant 768 : i32
        %dma_wait3A_223 = arith.constant 0 : i32
        %dma_wait3A_224 = tpu.memref_slice %arg10[%dma_wait3A_222, %dma_wait3A_223] : memref<1024x16xf32, #tpu.memory_space<vmem>> -> memref<128x16xf32, #tpu.memory_space<vmem>>
        %dma_wait3A_225 = arith.constant 0 : i32
        %dma_wait3A_226 = tpu.memref_slice %arg9[%run_scoped3A_210, %dma_wait3A_225] : memref<8x128xi32, #tpu.memory_space<vmem>> -> memref<1x128xi32, #tpu.memory_space<vmem>>
        %dma_wait3A_227 = tpu.memref_squeeze %dma_wait3A_226 : memref<1x128xi32, #tpu.memory_space<vmem>> -> memref<128xi32, #tpu.memory_space<vmem>>
        %dma_wait3A_228 = arith.constant 0 : i32
        %dma_wait3A_229 = arith.constant 0 : i32
        %dma_wait3A_230 = tpu.memref_slice %arg11[%dma_wait3A_228, %dma_wait3A_229] : memref<50048x16xf32, #tpu.memory_space<vmem_shared>> -> memref<50048x16xf32, #tpu.memory_space<vmem_shared>>
        tpu.wait_indirect_dma semaphore(%run_scoped3A_212 : memref<!tpu.dma_semaphore, #tpu.memory_space<semaphore_mem>>) src(%dma_wait3A_224 : memref<128x16xf32, #tpu.memory_space<vmem>>) dst(%dma_wait3A_230 : memref<50048x16xf32, #tpu.memory_space<vmem_shared>>)
        tpu.yield
      }) : () -> ()
      %run_scoped3A_211 = arith.constant 7 : i32
      "tpu.region"() ({
        %run_scoped3A_212 = tpu.sem_alloc : memref<!tpu.dma_semaphore, #tpu.memory_space<semaphore_mem>>
        %dma_start3A_213 = arith.constant 896 : i32
        %dma_start3A_214 = arith.constant 0 : i32
        %dma_start3A_215 = tpu.memref_slice %arg10[%dma_start3A_213, %dma_start3A_214] : memref<1024x16xf32, #tpu.memory_space<vmem>> -> memref<128x16xf32, #tpu.memory_space<vmem>>
        %dma_start3A_216 = arith.constant 0 : i32
        %dma_start3A_217 = tpu.memref_slice %arg9[%run_scoped3A_211, %dma_start3A_216] : memref<8x128xi32, #tpu.memory_space<vmem>> -> memref<1x128xi32, #tpu.memory_space<vmem>>
        %dma_start3A_218 = tpu.memref_squeeze %dma_start3A_217 : memref<1x128xi32, #tpu.memory_space<vmem>> -> memref<128xi32, #tpu.memory_space<vmem>>
        %dma_start3A_219 = arith.constant 0 : i32
        %dma_start3A_220 = arith.constant 0 : i32
        %dma_start3A_221 = tpu.memref_slice %arg11[%dma_start3A_219, %dma_start3A_220] : memref<50048x16xf32, #tpu.memory_space<vmem_shared>> -> memref<50048x16xf32, #tpu.memory_space<vmem_shared>>
        tpu.enqueue_indirect_dma source(%dma_start3A_215 : memref<128x16xf32, #tpu.memory_space<vmem>>) target(%dma_start3A_221 : memref<50048x16xf32, #tpu.memory_space<vmem_shared>>) offsets(%dma_start3A_218 : memref<128xi32, #tpu.memory_space<vmem>>) semaphore(%run_scoped3A_212 : memref<!tpu.dma_semaphore, #tpu.memory_space<semaphore_mem>>) {add = true}
        %dma_wait3A_222 = arith.constant 896 : i32
        %dma_wait3A_223 = arith.constant 0 : i32
        %dma_wait3A_224 = tpu.memref_slice %arg10[%dma_wait3A_222, %dma_wait3A_223] : memref<1024x16xf32, #tpu.memory_space<vmem>> -> memref<128x16xf32, #tpu.memory_space<vmem>>
        %dma_wait3A_225 = arith.constant 0 : i32
        %dma_wait3A_226 = tpu.memref_slice %arg9[%run_scoped3A_211, %dma_wait3A_225] : memref<8x128xi32, #tpu.memory_space<vmem>> -> memref<1x128xi32, #tpu.memory_space<vmem>>
        %dma_wait3A_227 = tpu.memref_squeeze %dma_wait3A_226 : memref<1x128xi32, #tpu.memory_space<vmem>> -> memref<128xi32, #tpu.memory_space<vmem>>
        %dma_wait3A_228 = arith.constant 0 : i32
        %dma_wait3A_229 = arith.constant 0 : i32
        %dma_wait3A_230 = tpu.memref_slice %arg11[%dma_wait3A_228, %dma_wait3A_229] : memref<50048x16xf32, #tpu.memory_space<vmem_shared>> -> memref<50048x16xf32, #tpu.memory_space<vmem_shared>>
        tpu.wait_indirect_dma semaphore(%run_scoped3A_212 : memref<!tpu.dma_semaphore, #tpu.memory_space<semaphore_mem>>) src(%dma_wait3A_224 : memref<128x16xf32, #tpu.memory_space<vmem>>) dst(%dma_wait3A_230 : memref<50048x16xf32, #tpu.memory_space<vmem_shared>>)
        tpu.yield
      }) : () -> ()
    }
    %scan3A_10 = arith.constant 49 : i32
    %barrier3A_11 = arith.constant 0 : index
    tpu.barrier barrier_id(%barrier3A_11)
    %mul3A_12 = arith.constant 3128 : i32
    %mul3A_13 = arith.muli %arg1, %mul3A_12 : i32
    %mul3A_14 = arith.constant 3128 : i32
    %mul3A_15 = arith.muli %arg1, %mul3A_14 : i32
    "tpu.region"() ({
      %run_scoped3A = tpu.sem_alloc : memref<!tpu.dma_semaphore, #tpu.memory_space<semaphore_mem>>
      %dma_start3A = arith.constant 0 : i32
      %dma_start3A_36 = tpu.memref_slice %arg7[%add3A_1, %mul3A_15, %dma_start3A] : memref<4x50048x16xf32, #tpu.memory_space<hbm>> -> memref<1x3128x16xf32, #tpu.memory_space<hbm>>
      %dma_start3A_37 = tpu.memref_squeeze %dma_start3A_36 : memref<1x3128x16xf32, #tpu.memory_space<hbm>> -> memref<3128x16xf32, #tpu.memory_space<hbm>>
      %dma_start3A_38 = arith.constant 0 : i32
      %dma_start3A_39 = tpu.memref_slice %arg11[%mul3A_13, %dma_start3A_38] : memref<50048x16xf32, #tpu.memory_space<vmem_shared>> -> memref<3128x16xf32, #tpu.memory_space<vmem_shared>>
      tpu.enqueue_dma source(%dma_start3A_39 : memref<3128x16xf32, #tpu.memory_space<vmem_shared>>) target(%dma_start3A_37 : memref<3128x16xf32, #tpu.memory_space<hbm>>) target_semaphore(%run_scoped3A : memref<!tpu.dma_semaphore, #tpu.memory_space<semaphore_mem>>)
      %dma_wait3A = arith.constant 0 : i32
      %dma_wait3A_40 = tpu.memref_slice %arg7[%add3A_1, %mul3A_15, %dma_wait3A] : memref<4x50048x16xf32, #tpu.memory_space<hbm>> -> memref<1x3128x16xf32, #tpu.memory_space<hbm>>
      %dma_wait3A_41 = tpu.memref_squeeze %dma_wait3A_40 : memref<1x3128x16xf32, #tpu.memory_space<hbm>> -> memref<3128x16xf32, #tpu.memory_space<hbm>>
      %dma_wait3A_42 = arith.constant 0 : i32
      %dma_wait3A_43 = tpu.memref_slice %arg11[%mul3A_13, %dma_wait3A_42] : memref<50048x16xf32, #tpu.memory_space<vmem_shared>> -> memref<3128x16xf32, #tpu.memory_space<vmem_shared>>
      tpu.wait_dma2 semaphore(%run_scoped3A : memref<!tpu.dma_semaphore, #tpu.memory_space<semaphore_mem>>) src(%dma_wait3A_43 : memref<3128x16xf32, #tpu.memory_space<vmem_shared>>) dst(%dma_wait3A_41 : memref<3128x16xf32, #tpu.memory_space<hbm>>)
      tpu.yield
    }) : () -> ()
    %mul3A_16 = arith.constant 2 : i32
    %mul3A_17 = arith.muli %mul3A_16, %arg0 : i32
    %add3A_18 = arith.constant 1 : i32
    %add3A_19 = arith.addi %mul3A_17, %add3A_18 : i32
    %mul3A_20 = arith.constant 3128 : i32
    %mul3A_21 = arith.muli %arg1, %mul3A_20 : i32
    %mul3A_22 = arith.constant 3128 : i32
    %mul3A_23 = arith.muli %arg1, %mul3A_22 : i32
    "tpu.region"() ({
      %run_scoped3A = tpu.sem_alloc : memref<!tpu.dma_semaphore, #tpu.memory_space<semaphore_mem>>
      %dma_start3A = arith.constant 0 : i32
      %dma_start3A_36 = tpu.memref_slice %arg11[%mul3A_23, %dma_start3A] : memref<50048x16xf32, #tpu.memory_space<vmem_shared>> -> memref<3128x16xf32, #tpu.memory_space<vmem_shared>>
      %dma_start3A_37 = arith.constant 0 : i32
      %dma_start3A_38 = tpu.memref_slice %arg6[%mul3A_21, %dma_start3A_37] : memref<50048x16xf32, #tpu.memory_space<hbm>> -> memref<3128x16xf32, #tpu.memory_space<hbm>>
      tpu.enqueue_dma source(%dma_start3A_38 : memref<3128x16xf32, #tpu.memory_space<hbm>>) target(%dma_start3A_36 : memref<3128x16xf32, #tpu.memory_space<vmem_shared>>) target_semaphore(%run_scoped3A : memref<!tpu.dma_semaphore, #tpu.memory_space<semaphore_mem>>)
      %dma_wait3A = arith.constant 0 : i32
      %dma_wait3A_39 = tpu.memref_slice %arg11[%mul3A_23, %dma_wait3A] : memref<50048x16xf32, #tpu.memory_space<vmem_shared>> -> memref<3128x16xf32, #tpu.memory_space<vmem_shared>>
      %dma_wait3A_40 = arith.constant 0 : i32
      %dma_wait3A_41 = tpu.memref_slice %arg6[%mul3A_21, %dma_wait3A_40] : memref<50048x16xf32, #tpu.memory_space<hbm>> -> memref<3128x16xf32, #tpu.memory_space<hbm>>
      tpu.wait_dma2 semaphore(%run_scoped3A : memref<!tpu.dma_semaphore, #tpu.memory_space<semaphore_mem>>) src(%dma_wait3A_41 : memref<3128x16xf32, #tpu.memory_space<hbm>>) dst(%dma_wait3A_39 : memref<3128x16xf32, #tpu.memory_space<vmem_shared>>)
      tpu.yield
    }) : () -> ()
    %barrier3A_24 = arith.constant 0 : index
    tpu.barrier barrier_id(%barrier3A_24)
    %scan3A_25 = arith.constant 0 : i32
    %scan3A_26 = arith.constant 0 : i32
    %scan3A_27 = arith.constant 49 : i32
    %scan3A_28 = arith.addi %scan3A_26, %scan3A_27 : i32
    %scan3A_29 = arith.constant 1 : i32
    scf.for %scan3A_36 = %scan3A_26 to %scan3A_28 step %scan3A_29  : i32 {
      %mul3A_37 = arith.constant 392 : i32
      %mul3A_38 = arith.muli %arg1, %mul3A_37 : i32
      %mul3A_39 = arith.constant 8 : i32
      %mul3A_40 = arith.muli %scan3A_36, %mul3A_39 : i32
      %add3A_41 = arith.addi %mul3A_38, %mul3A_40 : i32
      "tpu.region"() ({
        %run_scoped3A_212 = tpu.sem_alloc : memref<!tpu.dma_semaphore, #tpu.memory_space<semaphore_mem>>
        %dma_start3A_213 = arith.constant 0 : i32
        %dma_start3A_214 = tpu.memref_slice %arg4[%add3A_19, %add3A_41, %dma_start3A_213] : memref<4x6272x128xi32, #tpu.memory_space<hbm>> -> memref<1x8x128xi32, #tpu.memory_space<hbm>>
        %dma_start3A_215 = tpu.memref_squeeze %dma_start3A_214 : memref<1x8x128xi32, #tpu.memory_space<hbm>> -> memref<8x128xi32, #tpu.memory_space<hbm>>
        %dma_start3A_216 = arith.constant 0 : i32
        %dma_start3A_217 = tpu.memref_slice %arg4[%add3A_19, %add3A_41, %dma_start3A_216] : memref<4x6272x128xi32, #tpu.memory_space<hbm>> -> memref<1x8x128xi32, #tpu.memory_space<hbm>>
        %dma_start3A_218 = tpu.memref_squeeze %dma_start3A_217 : memref<1x8x128xi32, #tpu.memory_space<hbm>> -> memref<8x128xi32, #tpu.memory_space<hbm>>
        tpu.enqueue_dma source(%dma_start3A_218 : memref<8x128xi32, #tpu.memory_space<hbm>>) target(%arg8 : memref<8x128xi32, #tpu.memory_space<vmem>>) target_semaphore(%run_scoped3A_212 : memref<!tpu.dma_semaphore, #tpu.memory_space<semaphore_mem>>)
        %dma_wait3A_219 = arith.constant 0 : i32
        %dma_wait3A_220 = tpu.memref_slice %arg4[%add3A_19, %add3A_41, %dma_wait3A_219] : memref<4x6272x128xi32, #tpu.memory_space<hbm>> -> memref<1x8x128xi32, #tpu.memory_space<hbm>>
        %dma_wait3A_221 = tpu.memref_squeeze %dma_wait3A_220 : memref<1x8x128xi32, #tpu.memory_space<hbm>> -> memref<8x128xi32, #tpu.memory_space<hbm>>
        %dma_wait3A_222 = arith.constant 0 : i32
        %dma_wait3A_223 = tpu.memref_slice %arg4[%add3A_19, %add3A_41, %dma_wait3A_222] : memref<4x6272x128xi32, #tpu.memory_space<hbm>> -> memref<1x8x128xi32, #tpu.memory_space<hbm>>
        %dma_wait3A_224 = tpu.memref_squeeze %dma_wait3A_223 : memref<1x8x128xi32, #tpu.memory_space<hbm>> -> memref<8x128xi32, #tpu.memory_space<hbm>>
        tpu.wait_dma2 semaphore(%run_scoped3A_212 : memref<!tpu.dma_semaphore, #tpu.memory_space<semaphore_mem>>) src(%dma_wait3A_224 : memref<8x128xi32, #tpu.memory_space<hbm>>) dst(%arg8 : memref<8x128xi32, #tpu.memory_space<vmem>>)
        tpu.yield
      }) : () -> ()
      "tpu.region"() ({
        %run_scoped3A_212 = tpu.sem_alloc : memref<!tpu.dma_semaphore, #tpu.memory_space<semaphore_mem>>
        %dma_start3A_213 = arith.constant 0 : i32
        %dma_start3A_214 = tpu.memref_slice %arg5[%add3A_41, %dma_start3A_213] : memref<6272x128xi32, #tpu.memory_space<hbm>> -> memref<8x128xi32, #tpu.memory_space<hbm>>
        %dma_start3A_215 = arith.constant 0 : i32
        %dma_start3A_216 = tpu.memref_slice %arg5[%add3A_41, %dma_start3A_215] : memref<6272x128xi32, #tpu.memory_space<hbm>> -> memref<8x128xi32, #tpu.memory_space<hbm>>
        tpu.enqueue_dma source(%dma_start3A_216 : memref<8x128xi32, #tpu.memory_space<hbm>>) target(%arg9 : memref<8x128xi32, #tpu.memory_space<vmem>>) target_semaphore(%run_scoped3A_212 : memref<!tpu.dma_semaphore, #tpu.memory_space<semaphore_mem>>)
        %dma_wait3A_217 = arith.constant 0 : i32
        %dma_wait3A_218 = tpu.memref_slice %arg5[%add3A_41, %dma_wait3A_217] : memref<6272x128xi32, #tpu.memory_space<hbm>> -> memref<8x128xi32, #tpu.memory_space<hbm>>
        %dma_wait3A_219 = arith.constant 0 : i32
        %dma_wait3A_220 = tpu.memref_slice %arg5[%add3A_41, %dma_wait3A_219] : memref<6272x128xi32, #tpu.memory_space<hbm>> -> memref<8x128xi32, #tpu.memory_space<hbm>>
        tpu.wait_dma2 semaphore(%run_scoped3A_212 : memref<!tpu.dma_semaphore, #tpu.memory_space<semaphore_mem>>) src(%dma_wait3A_220 : memref<8x128xi32, #tpu.memory_space<hbm>>) dst(%arg9 : memref<8x128xi32, #tpu.memory_space<vmem>>)
        tpu.yield
      }) : () -> ()
      %mul3A_42 = arith.constant 128 : i32
      %mul3A_43 = arith.muli %add3A_41, %mul3A_42 : i32
      %run_scoped3A = arith.constant 1 : i32
      "tpu.region"() ({
        %run_scoped3A_212 = tpu.sem_alloc : memref<!tpu.dma_semaphore, #tpu.memory_space<semaphore_mem>>
        %dma_start3A_213 = arith.constant 0 : i32
        %dma_start3A_214 = tpu.memref_slice %arg3[%run_scoped3A, %add3A_19, %mul3A_43, %dma_start3A_213] : memref<3x4x802816x16xf32, #tpu.memory_space<hbm>> -> memref<1x1x1024x16xf32, #tpu.memory_space<hbm>>
        %dma_start3A_215 = tpu.memref_squeeze %dma_start3A_214 : memref<1x1x1024x16xf32, #tpu.memory_space<hbm>> -> memref<1024x16xf32, #tpu.memory_space<hbm>>
        %dma_start3A_216 = arith.constant 0 : i32
        %dma_start3A_217 = tpu.memref_slice %arg3[%run_scoped3A, %add3A_19, %mul3A_43, %dma_start3A_216] : memref<3x4x802816x16xf32, #tpu.memory_space<hbm>> -> memref<1x1x1024x16xf32, #tpu.memory_space<hbm>>
        %dma_start3A_218 = tpu.memref_squeeze %dma_start3A_217 : memref<1x1x1024x16xf32, #tpu.memory_space<hbm>> -> memref<1024x16xf32, #tpu.memory_space<hbm>>
        tpu.enqueue_dma source(%dma_start3A_218 : memref<1024x16xf32, #tpu.memory_space<hbm>>) target(%arg10 : memref<1024x16xf32, #tpu.memory_space<vmem>>) target_semaphore(%run_scoped3A_212 : memref<!tpu.dma_semaphore, #tpu.memory_space<semaphore_mem>>)
        %dma_wait3A_219 = arith.constant 0 : i32
        %dma_wait3A_220 = tpu.memref_slice %arg3[%run_scoped3A, %add3A_19, %mul3A_43, %dma_wait3A_219] : memref<3x4x802816x16xf32, #tpu.memory_space<hbm>> -> memref<1x1x1024x16xf32, #tpu.memory_space<hbm>>
        %dma_wait3A_221 = tpu.memref_squeeze %dma_wait3A_220 : memref<1x1x1024x16xf32, #tpu.memory_space<hbm>> -> memref<1024x16xf32, #tpu.memory_space<hbm>>
        %dma_wait3A_222 = arith.constant 0 : i32
        %dma_wait3A_223 = tpu.memref_slice %arg3[%run_scoped3A, %add3A_19, %mul3A_43, %dma_wait3A_222] : memref<3x4x802816x16xf32, #tpu.memory_space<hbm>> -> memref<1x1x1024x16xf32, #tpu.memory_space<hbm>>
        %dma_wait3A_224 = tpu.memref_squeeze %dma_wait3A_223 : memref<1x1x1024x16xf32, #tpu.memory_space<hbm>> -> memref<1024x16xf32, #tpu.memory_space<hbm>>
        tpu.wait_dma2 semaphore(%run_scoped3A_212 : memref<!tpu.dma_semaphore, #tpu.memory_space<semaphore_mem>>) src(%dma_wait3A_224 : memref<1024x16xf32, #tpu.memory_space<hbm>>) dst(%arg10 : memref<1024x16xf32, #tpu.memory_space<vmem>>)
        tpu.yield
      }) : () -> ()
      %dma_start3A = arith.constant 0 : i32
      %dma_start3A_44 = arith.constant 0 : i32
      %dma_start3A_45 = arith.constant 0 : i32
      %dma_start3A_46 = tpu.memref_slice %arg10[%dma_start3A_44, %dma_start3A_45] : memref<1024x16xf32, #tpu.memory_space<vmem>> -> memref<128x16xf32, #tpu.memory_space<vmem>>
      %dma_start3A_47 = arith.constant 0 : i32
      %dma_start3A_48 = tpu.memref_slice %arg8[%dma_start3A, %dma_start3A_47] : memref<8x128xi32, #tpu.memory_space<vmem>> -> memref<1x128xi32, #tpu.memory_space<vmem>>
      %dma_start3A_49 = tpu.memref_squeeze %dma_start3A_48 : memref<1x128xi32, #tpu.memory_space<vmem>> -> memref<128xi32, #tpu.memory_space<vmem>>
      %dma_start3A_50 = arith.constant 0 : i32
      %dma_start3A_51 = arith.constant 0 : i32
      %dma_start3A_52 = tpu.memref_slice %arg2[%dma_start3A_50, %dma_start3A_51] : memref<200000x16xf32, #tpu.memory_space<hbm>> -> memref<200000x16xf32, #tpu.memory_space<hbm>>
      tpu.enqueue_indirect_dma source(%dma_start3A_52 : memref<200000x16xf32, #tpu.memory_space<hbm>>) target(%dma_start3A_46 : memref<128x16xf32, #tpu.memory_space<vmem>>) offsets(%dma_start3A_49 : memref<128xi32, #tpu.memory_space<vmem>>) semaphore(%arg12 : memref<!tpu.dma_semaphore, #tpu.memory_space<semaphore_mem>>) {add = true}
      %dma_start3A_53 = arith.constant 1 : i32
      %dma_start3A_54 = arith.constant 128 : i32
      %dma_start3A_55 = arith.constant 0 : i32
      %dma_start3A_56 = tpu.memref_slice %arg10[%dma_start3A_54, %dma_start3A_55] : memref<1024x16xf32, #tpu.memory_space<vmem>> -> memref<128x16xf32, #tpu.memory_space<vmem>>
      %dma_start3A_57 = arith.constant 0 : i32
      %dma_start3A_58 = tpu.memref_slice %arg8[%dma_start3A_53, %dma_start3A_57] : memref<8x128xi32, #tpu.memory_space<vmem>> -> memref<1x128xi32, #tpu.memory_space<vmem>>
      %dma_start3A_59 = tpu.memref_squeeze %dma_start3A_58 : memref<1x128xi32, #tpu.memory_space<vmem>> -> memref<128xi32, #tpu.memory_space<vmem>>
      %dma_start3A_60 = arith.constant 0 : i32
      %dma_start3A_61 = arith.constant 0 : i32
      %dma_start3A_62 = tpu.memref_slice %arg2[%dma_start3A_60, %dma_start3A_61] : memref<200000x16xf32, #tpu.memory_space<hbm>> -> memref<200000x16xf32, #tpu.memory_space<hbm>>
      tpu.enqueue_indirect_dma source(%dma_start3A_62 : memref<200000x16xf32, #tpu.memory_space<hbm>>) target(%dma_start3A_56 : memref<128x16xf32, #tpu.memory_space<vmem>>) offsets(%dma_start3A_59 : memref<128xi32, #tpu.memory_space<vmem>>) semaphore(%arg12 : memref<!tpu.dma_semaphore, #tpu.memory_space<semaphore_mem>>) {add = true}
      %dma_start3A_63 = arith.constant 2 : i32
      %dma_start3A_64 = arith.constant 256 : i32
      %dma_start3A_65 = arith.constant 0 : i32
      %dma_start3A_66 = tpu.memref_slice %arg10[%dma_start3A_64, %dma_start3A_65] : memref<1024x16xf32, #tpu.memory_space<vmem>> -> memref<128x16xf32, #tpu.memory_space<vmem>>
      %dma_start3A_67 = arith.constant 0 : i32
      %dma_start3A_68 = tpu.memref_slice %arg8[%dma_start3A_63, %dma_start3A_67] : memref<8x128xi32, #tpu.memory_space<vmem>> -> memref<1x128xi32, #tpu.memory_space<vmem>>
      %dma_start3A_69 = tpu.memref_squeeze %dma_start3A_68 : memref<1x128xi32, #tpu.memory_space<vmem>> -> memref<128xi32, #tpu.memory_space<vmem>>
      %dma_start3A_70 = arith.constant 0 : i32
      %dma_start3A_71 = arith.constant 0 : i32
      %dma_start3A_72 = tpu.memref_slice %arg2[%dma_start3A_70, %dma_start3A_71] : memref<200000x16xf32, #tpu.memory_space<hbm>> -> memref<200000x16xf32, #tpu.memory_space<hbm>>
      tpu.enqueue_indirect_dma source(%dma_start3A_72 : memref<200000x16xf32, #tpu.memory_space<hbm>>) target(%dma_start3A_66 : memref<128x16xf32, #tpu.memory_space<vmem>>) offsets(%dma_start3A_69 : memref<128xi32, #tpu.memory_space<vmem>>) semaphore(%arg12 : memref<!tpu.dma_semaphore, #tpu.memory_space<semaphore_mem>>) {add = true}
      %dma_start3A_73 = arith.constant 3 : i32
      %dma_start3A_74 = arith.constant 384 : i32
      %dma_start3A_75 = arith.constant 0 : i32
      %dma_start3A_76 = tpu.memref_slice %arg10[%dma_start3A_74, %dma_start3A_75] : memref<1024x16xf32, #tpu.memory_space<vmem>> -> memref<128x16xf32, #tpu.memory_space<vmem>>
      %dma_start3A_77 = arith.constant 0 : i32
      %dma_start3A_78 = tpu.memref_slice %arg8[%dma_start3A_73, %dma_start3A_77] : memref<8x128xi32, #tpu.memory_space<vmem>> -> memref<1x128xi32, #tpu.memory_space<vmem>>
      %dma_start3A_79 = tpu.memref_squeeze %dma_start3A_78 : memref<1x128xi32, #tpu.memory_space<vmem>> -> memref<128xi32, #tpu.memory_space<vmem>>
      %dma_start3A_80 = arith.constant 0 : i32
      %dma_start3A_81 = arith.constant 0 : i32
      %dma_start3A_82 = tpu.memref_slice %arg2[%dma_start3A_80, %dma_start3A_81] : memref<200000x16xf32, #tpu.memory_space<hbm>> -> memref<200000x16xf32, #tpu.memory_space<hbm>>
      tpu.enqueue_indirect_dma source(%dma_start3A_82 : memref<200000x16xf32, #tpu.memory_space<hbm>>) target(%dma_start3A_76 : memref<128x16xf32, #tpu.memory_space<vmem>>) offsets(%dma_start3A_79 : memref<128xi32, #tpu.memory_space<vmem>>) semaphore(%arg12 : memref<!tpu.dma_semaphore, #tpu.memory_space<semaphore_mem>>) {add = true}
      %dma_start3A_83 = arith.constant 4 : i32
      %dma_start3A_84 = arith.constant 512 : i32
      %dma_start3A_85 = arith.constant 0 : i32
      %dma_start3A_86 = tpu.memref_slice %arg10[%dma_start3A_84, %dma_start3A_85] : memref<1024x16xf32, #tpu.memory_space<vmem>> -> memref<128x16xf32, #tpu.memory_space<vmem>>
      %dma_start3A_87 = arith.constant 0 : i32
      %dma_start3A_88 = tpu.memref_slice %arg8[%dma_start3A_83, %dma_start3A_87] : memref<8x128xi32, #tpu.memory_space<vmem>> -> memref<1x128xi32, #tpu.memory_space<vmem>>
      %dma_start3A_89 = tpu.memref_squeeze %dma_start3A_88 : memref<1x128xi32, #tpu.memory_space<vmem>> -> memref<128xi32, #tpu.memory_space<vmem>>
      %dma_start3A_90 = arith.constant 0 : i32
      %dma_start3A_91 = arith.constant 0 : i32
      %dma_start3A_92 = tpu.memref_slice %arg2[%dma_start3A_90, %dma_start3A_91] : memref<200000x16xf32, #tpu.memory_space<hbm>> -> memref<200000x16xf32, #tpu.memory_space<hbm>>
      tpu.enqueue_indirect_dma source(%dma_start3A_92 : memref<200000x16xf32, #tpu.memory_space<hbm>>) target(%dma_start3A_86 : memref<128x16xf32, #tpu.memory_space<vmem>>) offsets(%dma_start3A_89 : memref<128xi32, #tpu.memory_space<vmem>>) semaphore(%arg12 : memref<!tpu.dma_semaphore, #tpu.memory_space<semaphore_mem>>) {add = true}
      %dma_start3A_93 = arith.constant 5 : i32
      %dma_start3A_94 = arith.constant 640 : i32
      %dma_start3A_95 = arith.constant 0 : i32
      %dma_start3A_96 = tpu.memref_slice %arg10[%dma_start3A_94, %dma_start3A_95] : memref<1024x16xf32, #tpu.memory_space<vmem>> -> memref<128x16xf32, #tpu.memory_space<vmem>>
      %dma_start3A_97 = arith.constant 0 : i32
      %dma_start3A_98 = tpu.memref_slice %arg8[%dma_start3A_93, %dma_start3A_97] : memref<8x128xi32, #tpu.memory_space<vmem>> -> memref<1x128xi32, #tpu.memory_space<vmem>>
      %dma_start3A_99 = tpu.memref_squeeze %dma_start3A_98 : memref<1x128xi32, #tpu.memory_space<vmem>> -> memref<128xi32, #tpu.memory_space<vmem>>
      %dma_start3A_100 = arith.constant 0 : i32
      %dma_start3A_101 = arith.constant 0 : i32
      %dma_start3A_102 = tpu.memref_slice %arg2[%dma_start3A_100, %dma_start3A_101] : memref<200000x16xf32, #tpu.memory_space<hbm>> -> memref<200000x16xf32, #tpu.memory_space<hbm>>
      tpu.enqueue_indirect_dma source(%dma_start3A_102 : memref<200000x16xf32, #tpu.memory_space<hbm>>) target(%dma_start3A_96 : memref<128x16xf32, #tpu.memory_space<vmem>>) offsets(%dma_start3A_99 : memref<128xi32, #tpu.memory_space<vmem>>) semaphore(%arg12 : memref<!tpu.dma_semaphore, #tpu.memory_space<semaphore_mem>>) {add = true}
      %dma_start3A_103 = arith.constant 6 : i32
      %dma_start3A_104 = arith.constant 768 : i32
      %dma_start3A_105 = arith.constant 0 : i32
      %dma_start3A_106 = tpu.memref_slice %arg10[%dma_start3A_104, %dma_start3A_105] : memref<1024x16xf32, #tpu.memory_space<vmem>> -> memref<128x16xf32, #tpu.memory_space<vmem>>
      %dma_start3A_107 = arith.constant 0 : i32
      %dma_start3A_108 = tpu.memref_slice %arg8[%dma_start3A_103, %dma_start3A_107] : memref<8x128xi32, #tpu.memory_space<vmem>> -> memref<1x128xi32, #tpu.memory_space<vmem>>
      %dma_start3A_109 = tpu.memref_squeeze %dma_start3A_108 : memref<1x128xi32, #tpu.memory_space<vmem>> -> memref<128xi32, #tpu.memory_space<vmem>>
      %dma_start3A_110 = arith.constant 0 : i32
      %dma_start3A_111 = arith.constant 0 : i32
      %dma_start3A_112 = tpu.memref_slice %arg2[%dma_start3A_110, %dma_start3A_111] : memref<200000x16xf32, #tpu.memory_space<hbm>> -> memref<200000x16xf32, #tpu.memory_space<hbm>>
      tpu.enqueue_indirect_dma source(%dma_start3A_112 : memref<200000x16xf32, #tpu.memory_space<hbm>>) target(%dma_start3A_106 : memref<128x16xf32, #tpu.memory_space<vmem>>) offsets(%dma_start3A_109 : memref<128xi32, #tpu.memory_space<vmem>>) semaphore(%arg12 : memref<!tpu.dma_semaphore, #tpu.memory_space<semaphore_mem>>) {add = true}
      %dma_start3A_113 = arith.constant 7 : i32
      %dma_start3A_114 = arith.constant 896 : i32
      %dma_start3A_115 = arith.constant 0 : i32
      %dma_start3A_116 = tpu.memref_slice %arg10[%dma_start3A_114, %dma_start3A_115] : memref<1024x16xf32, #tpu.memory_space<vmem>> -> memref<128x16xf32, #tpu.memory_space<vmem>>
      %dma_start3A_117 = arith.constant 0 : i32
      %dma_start3A_118 = tpu.memref_slice %arg8[%dma_start3A_113, %dma_start3A_117] : memref<8x128xi32, #tpu.memory_space<vmem>> -> memref<1x128xi32, #tpu.memory_space<vmem>>
      %dma_start3A_119 = tpu.memref_squeeze %dma_start3A_118 : memref<1x128xi32, #tpu.memory_space<vmem>> -> memref<128xi32, #tpu.memory_space<vmem>>
      %dma_start3A_120 = arith.constant 0 : i32
      %dma_start3A_121 = arith.constant 0 : i32
      %dma_start3A_122 = tpu.memref_slice %arg2[%dma_start3A_120, %dma_start3A_121] : memref<200000x16xf32, #tpu.memory_space<hbm>> -> memref<200000x16xf32, #tpu.memory_space<hbm>>
      tpu.enqueue_indirect_dma source(%dma_start3A_122 : memref<200000x16xf32, #tpu.memory_space<hbm>>) target(%dma_start3A_116 : memref<128x16xf32, #tpu.memory_space<vmem>>) offsets(%dma_start3A_119 : memref<128xi32, #tpu.memory_space<vmem>>) semaphore(%arg12 : memref<!tpu.dma_semaphore, #tpu.memory_space<semaphore_mem>>) {add = true}
      %dma_wait3A = arith.constant 0 : i32
      %dma_wait3A_123 = arith.constant 0 : i32
      %dma_wait3A_124 = arith.constant 0 : i32
      %dma_wait3A_125 = tpu.memref_slice %arg10[%dma_wait3A_123, %dma_wait3A_124] : memref<1024x16xf32, #tpu.memory_space<vmem>> -> memref<128x16xf32, #tpu.memory_space<vmem>>
      %dma_wait3A_126 = arith.constant 0 : i32
      %dma_wait3A_127 = tpu.memref_slice %arg8[%dma_wait3A, %dma_wait3A_126] : memref<8x128xi32, #tpu.memory_space<vmem>> -> memref<1x128xi32, #tpu.memory_space<vmem>>
      %dma_wait3A_128 = tpu.memref_squeeze %dma_wait3A_127 : memref<1x128xi32, #tpu.memory_space<vmem>> -> memref<128xi32, #tpu.memory_space<vmem>>
      %dma_wait3A_129 = arith.constant 0 : i32
      %dma_wait3A_130 = arith.constant 0 : i32
      %dma_wait3A_131 = tpu.memref_slice %arg2[%dma_wait3A_129, %dma_wait3A_130] : memref<200000x16xf32, #tpu.memory_space<hbm>> -> memref<200000x16xf32, #tpu.memory_space<hbm>>
      tpu.wait_indirect_dma semaphore(%arg12 : memref<!tpu.dma_semaphore, #tpu.memory_space<semaphore_mem>>) src(%dma_wait3A_131 : memref<200000x16xf32, #tpu.memory_space<hbm>>) dst(%dma_wait3A_125 : memref<128x16xf32, #tpu.memory_space<vmem>>)
      %dma_wait3A_132 = arith.constant 1 : i32
      %dma_wait3A_133 = arith.constant 128 : i32
      %dma_wait3A_134 = arith.constant 0 : i32
      %dma_wait3A_135 = tpu.memref_slice %arg10[%dma_wait3A_133, %dma_wait3A_134] : memref<1024x16xf32, #tpu.memory_space<vmem>> -> memref<128x16xf32, #tpu.memory_space<vmem>>
      %dma_wait3A_136 = arith.constant 0 : i32
      %dma_wait3A_137 = tpu.memref_slice %arg8[%dma_wait3A_132, %dma_wait3A_136] : memref<8x128xi32, #tpu.memory_space<vmem>> -> memref<1x128xi32, #tpu.memory_space<vmem>>
      %dma_wait3A_138 = tpu.memref_squeeze %dma_wait3A_137 : memref<1x128xi32, #tpu.memory_space<vmem>> -> memref<128xi32, #tpu.memory_space<vmem>>
      %dma_wait3A_139 = arith.constant 0 : i32
      %dma_wait3A_140 = arith.constant 0 : i32
      %dma_wait3A_141 = tpu.memref_slice %arg2[%dma_wait3A_139, %dma_wait3A_140] : memref<200000x16xf32, #tpu.memory_space<hbm>> -> memref<200000x16xf32, #tpu.memory_space<hbm>>
      tpu.wait_indirect_dma semaphore(%arg12 : memref<!tpu.dma_semaphore, #tpu.memory_space<semaphore_mem>>) src(%dma_wait3A_141 : memref<200000x16xf32, #tpu.memory_space<hbm>>) dst(%dma_wait3A_135 : memref<128x16xf32, #tpu.memory_space<vmem>>)
      %dma_wait3A_142 = arith.constant 2 : i32
      %dma_wait3A_143 = arith.constant 256 : i32
      %dma_wait3A_144 = arith.constant 0 : i32
      %dma_wait3A_145 = tpu.memref_slice %arg10[%dma_wait3A_143, %dma_wait3A_144] : memref<1024x16xf32, #tpu.memory_space<vmem>> -> memref<128x16xf32, #tpu.memory_space<vmem>>
      %dma_wait3A_146 = arith.constant 0 : i32
      %dma_wait3A_147 = tpu.memref_slice %arg8[%dma_wait3A_142, %dma_wait3A_146] : memref<8x128xi32, #tpu.memory_space<vmem>> -> memref<1x128xi32, #tpu.memory_space<vmem>>
      %dma_wait3A_148 = tpu.memref_squeeze %dma_wait3A_147 : memref<1x128xi32, #tpu.memory_space<vmem>> -> memref<128xi32, #tpu.memory_space<vmem>>
      %dma_wait3A_149 = arith.constant 0 : i32
      %dma_wait3A_150 = arith.constant 0 : i32
      %dma_wait3A_151 = tpu.memref_slice %arg2[%dma_wait3A_149, %dma_wait3A_150] : memref<200000x16xf32, #tpu.memory_space<hbm>> -> memref<200000x16xf32, #tpu.memory_space<hbm>>
      tpu.wait_indirect_dma semaphore(%arg12 : memref<!tpu.dma_semaphore, #tpu.memory_space<semaphore_mem>>) src(%dma_wait3A_151 : memref<200000x16xf32, #tpu.memory_space<hbm>>) dst(%dma_wait3A_145 : memref<128x16xf32, #tpu.memory_space<vmem>>)
      %dma_wait3A_152 = arith.constant 3 : i32
      %dma_wait3A_153 = arith.constant 384 : i32
      %dma_wait3A_154 = arith.constant 0 : i32
      %dma_wait3A_155 = tpu.memref_slice %arg10[%dma_wait3A_153, %dma_wait3A_154] : memref<1024x16xf32, #tpu.memory_space<vmem>> -> memref<128x16xf32, #tpu.memory_space<vmem>>
      %dma_wait3A_156 = arith.constant 0 : i32
      %dma_wait3A_157 = tpu.memref_slice %arg8[%dma_wait3A_152, %dma_wait3A_156] : memref<8x128xi32, #tpu.memory_space<vmem>> -> memref<1x128xi32, #tpu.memory_space<vmem>>
      %dma_wait3A_158 = tpu.memref_squeeze %dma_wait3A_157 : memref<1x128xi32, #tpu.memory_space<vmem>> -> memref<128xi32, #tpu.memory_space<vmem>>
      %dma_wait3A_159 = arith.constant 0 : i32
      %dma_wait3A_160 = arith.constant 0 : i32
      %dma_wait3A_161 = tpu.memref_slice %arg2[%dma_wait3A_159, %dma_wait3A_160] : memref<200000x16xf32, #tpu.memory_space<hbm>> -> memref<200000x16xf32, #tpu.memory_space<hbm>>
      tpu.wait_indirect_dma semaphore(%arg12 : memref<!tpu.dma_semaphore, #tpu.memory_space<semaphore_mem>>) src(%dma_wait3A_161 : memref<200000x16xf32, #tpu.memory_space<hbm>>) dst(%dma_wait3A_155 : memref<128x16xf32, #tpu.memory_space<vmem>>)
      %dma_wait3A_162 = arith.constant 4 : i32
      %dma_wait3A_163 = arith.constant 512 : i32
      %dma_wait3A_164 = arith.constant 0 : i32
      %dma_wait3A_165 = tpu.memref_slice %arg10[%dma_wait3A_163, %dma_wait3A_164] : memref<1024x16xf32, #tpu.memory_space<vmem>> -> memref<128x16xf32, #tpu.memory_space<vmem>>
      %dma_wait3A_166 = arith.constant 0 : i32
      %dma_wait3A_167 = tpu.memref_slice %arg8[%dma_wait3A_162, %dma_wait3A_166] : memref<8x128xi32, #tpu.memory_space<vmem>> -> memref<1x128xi32, #tpu.memory_space<vmem>>
      %dma_wait3A_168 = tpu.memref_squeeze %dma_wait3A_167 : memref<1x128xi32, #tpu.memory_space<vmem>> -> memref<128xi32, #tpu.memory_space<vmem>>
      %dma_wait3A_169 = arith.constant 0 : i32
      %dma_wait3A_170 = arith.constant 0 : i32
      %dma_wait3A_171 = tpu.memref_slice %arg2[%dma_wait3A_169, %dma_wait3A_170] : memref<200000x16xf32, #tpu.memory_space<hbm>> -> memref<200000x16xf32, #tpu.memory_space<hbm>>
      tpu.wait_indirect_dma semaphore(%arg12 : memref<!tpu.dma_semaphore, #tpu.memory_space<semaphore_mem>>) src(%dma_wait3A_171 : memref<200000x16xf32, #tpu.memory_space<hbm>>) dst(%dma_wait3A_165 : memref<128x16xf32, #tpu.memory_space<vmem>>)
      %dma_wait3A_172 = arith.constant 5 : i32
      %dma_wait3A_173 = arith.constant 640 : i32
      %dma_wait3A_174 = arith.constant 0 : i32
      %dma_wait3A_175 = tpu.memref_slice %arg10[%dma_wait3A_173, %dma_wait3A_174] : memref<1024x16xf32, #tpu.memory_space<vmem>> -> memref<128x16xf32, #tpu.memory_space<vmem>>
      %dma_wait3A_176 = arith.constant 0 : i32
      %dma_wait3A_177 = tpu.memref_slice %arg8[%dma_wait3A_172, %dma_wait3A_176] : memref<8x128xi32, #tpu.memory_space<vmem>> -> memref<1x128xi32, #tpu.memory_space<vmem>>
      %dma_wait3A_178 = tpu.memref_squeeze %dma_wait3A_177 : memref<1x128xi32, #tpu.memory_space<vmem>> -> memref<128xi32, #tpu.memory_space<vmem>>
      %dma_wait3A_179 = arith.constant 0 : i32
      %dma_wait3A_180 = arith.constant 0 : i32
      %dma_wait3A_181 = tpu.memref_slice %arg2[%dma_wait3A_179, %dma_wait3A_180] : memref<200000x16xf32, #tpu.memory_space<hbm>> -> memref<200000x16xf32, #tpu.memory_space<hbm>>
      tpu.wait_indirect_dma semaphore(%arg12 : memref<!tpu.dma_semaphore, #tpu.memory_space<semaphore_mem>>) src(%dma_wait3A_181 : memref<200000x16xf32, #tpu.memory_space<hbm>>) dst(%dma_wait3A_175 : memref<128x16xf32, #tpu.memory_space<vmem>>)
      %dma_wait3A_182 = arith.constant 6 : i32
      %dma_wait3A_183 = arith.constant 768 : i32
      %dma_wait3A_184 = arith.constant 0 : i32
      %dma_wait3A_185 = tpu.memref_slice %arg10[%dma_wait3A_183, %dma_wait3A_184] : memref<1024x16xf32, #tpu.memory_space<vmem>> -> memref<128x16xf32, #tpu.memory_space<vmem>>
      %dma_wait3A_186 = arith.constant 0 : i32
      %dma_wait3A_187 = tpu.memref_slice %arg8[%dma_wait3A_182, %dma_wait3A_186] : memref<8x128xi32, #tpu.memory_space<vmem>> -> memref<1x128xi32, #tpu.memory_space<vmem>>
      %dma_wait3A_188 = tpu.memref_squeeze %dma_wait3A_187 : memref<1x128xi32, #tpu.memory_space<vmem>> -> memref<128xi32, #tpu.memory_space<vmem>>
      %dma_wait3A_189 = arith.constant 0 : i32
      %dma_wait3A_190 = arith.constant 0 : i32
      %dma_wait3A_191 = tpu.memref_slice %arg2[%dma_wait3A_189, %dma_wait3A_190] : memref<200000x16xf32, #tpu.memory_space<hbm>> -> memref<200000x16xf32, #tpu.memory_space<hbm>>
      tpu.wait_indirect_dma semaphore(%arg12 : memref<!tpu.dma_semaphore, #tpu.memory_space<semaphore_mem>>) src(%dma_wait3A_191 : memref<200000x16xf32, #tpu.memory_space<hbm>>) dst(%dma_wait3A_185 : memref<128x16xf32, #tpu.memory_space<vmem>>)
      %dma_wait3A_192 = arith.constant 7 : i32
      %dma_wait3A_193 = arith.constant 896 : i32
      %dma_wait3A_194 = arith.constant 0 : i32
      %dma_wait3A_195 = tpu.memref_slice %arg10[%dma_wait3A_193, %dma_wait3A_194] : memref<1024x16xf32, #tpu.memory_space<vmem>> -> memref<128x16xf32, #tpu.memory_space<vmem>>
      %dma_wait3A_196 = arith.constant 0 : i32
      %dma_wait3A_197 = tpu.memref_slice %arg8[%dma_wait3A_192, %dma_wait3A_196] : memref<8x128xi32, #tpu.memory_space<vmem>> -> memref<1x128xi32, #tpu.memory_space<vmem>>
      %dma_wait3A_198 = tpu.memref_squeeze %dma_wait3A_197 : memref<1x128xi32, #tpu.memory_space<vmem>> -> memref<128xi32, #tpu.memory_space<vmem>>
      %dma_wait3A_199 = arith.constant 0 : i32
      %dma_wait3A_200 = arith.constant 0 : i32
      %dma_wait3A_201 = tpu.memref_slice %arg2[%dma_wait3A_199, %dma_wait3A_200] : memref<200000x16xf32, #tpu.memory_space<hbm>> -> memref<200000x16xf32, #tpu.memory_space<hbm>>
      tpu.wait_indirect_dma semaphore(%arg12 : memref<!tpu.dma_semaphore, #tpu.memory_space<semaphore_mem>>) src(%dma_wait3A_201 : memref<200000x16xf32, #tpu.memory_space<hbm>>) dst(%dma_wait3A_195 : memref<128x16xf32, #tpu.memory_space<vmem>>)
      %parallel_loop3A = arith.constant 0 : i32
      %parallel_loop3A_202 = arith.constant 1024 : i32
      %parallel_loop3A_203 = arith.constant 1 : i32
      scf.for %parallel_loop3A_212 = %parallel_loop3A to %parallel_loop3A_202 step %parallel_loop3A_203  : i32 {
        %parallel_loop3A_213 = arith.index_cast %parallel_loop3A_212 : i32 to index
        %parallel_loop3A_214 = arith.constant 0 : index
        %parallel_loop3A_215 = tpu.vector_load %arg10[%parallel_loop3A_213, %parallel_loop3A_214] {strides = array<i32>} : memref<1024x16xf32, #tpu.memory_space<vmem>>, vector<1x16xf32>,
        %parallel_loop3A_216 = vector.shape_cast %parallel_loop3A_215 : vector<1x16xf32> to vector<16xf32>
        %parallel_loop3A_217 = arith.constant 0.000000e+00 : f32
        %parallel_loop3A_218 = vector.broadcast %parallel_loop3A_217 : f32 to vector<16xf32>
        %parallel_loop3A_219 = arith.maximumf %parallel_loop3A_216, %parallel_loop3A_218 : vector<16xf32>
        %parallel_loop3A_220 = arith.index_cast %parallel_loop3A_212 : i32 to index
        %parallel_loop3A_221 = arith.constant 0 : index
        %parallel_loop3A_222 = tpu.vector_load %arg10[%parallel_loop3A_220, %parallel_loop3A_221] {strides = array<i32>} : memref<1024x16xf32, #tpu.memory_space<vmem>>, vector<1x16xf32>,
        %parallel_loop3A_223 = vector.shape_cast %parallel_loop3A_222 : vector<1x16xf32> to vector<16xf32>
        %parallel_loop3A_224 = vector.shape_cast %parallel_loop3A_219 : vector<16xf32> to vector<1x16xf32>
        tpu.vector_store %arg10[%parallel_loop3A_220, %parallel_loop3A_221], %parallel_loop3A_224 {strides = array<i32>} : memref<1024x16xf32, #tpu.memory_space<vmem>>, vector<1x16xf32>,
      } {sc.loop_unroll_factor = 8 : i64, sc.parallel_access}
      %run_scoped3A_204 = arith.constant 0 : i32
      "tpu.region"() ({
        %run_scoped3A_212 = tpu.sem_alloc : memref<!tpu.dma_semaphore, #tpu.memory_space<semaphore_mem>>
        %dma_start3A_213 = arith.constant 0 : i32
        %dma_start3A_214 = arith.constant 0 : i32
        %dma_start3A_215 = tpu.memref_slice %arg10[%dma_start3A_213, %dma_start3A_214] : memref<1024x16xf32, #tpu.memory_space<vmem>> -> memref<128x16xf32, #tpu.memory_space<vmem>>
        %dma_start3A_216 = arith.constant 0 : i32
        %dma_start3A_217 = tpu.memref_slice %arg9[%run_scoped3A_204, %dma_start3A_216] : memref<8x128xi32, #tpu.memory_space<vmem>> -> memref<1x128xi32, #tpu.memory_space<vmem>>
        %dma_start3A_218 = tpu.memref_squeeze %dma_start3A_217 : memref<1x128xi32, #tpu.memory_space<vmem>> -> memref<128xi32, #tpu.memory_space<vmem>>
        %dma_start3A_219 = arith.constant 0 : i32
        %dma_start3A_220 = arith.constant 0 : i32
        %dma_start3A_221 = tpu.memref_slice %arg11[%dma_start3A_219, %dma_start3A_220] : memref<50048x16xf32, #tpu.memory_space<vmem_shared>> -> memref<50048x16xf32, #tpu.memory_space<vmem_shared>>
        tpu.enqueue_indirect_dma source(%dma_start3A_215 : memref<128x16xf32, #tpu.memory_space<vmem>>) target(%dma_start3A_221 : memref<50048x16xf32, #tpu.memory_space<vmem_shared>>) offsets(%dma_start3A_218 : memref<128xi32, #tpu.memory_space<vmem>>) semaphore(%run_scoped3A_212 : memref<!tpu.dma_semaphore, #tpu.memory_space<semaphore_mem>>) {add = true}
        %dma_wait3A_222 = arith.constant 0 : i32
        %dma_wait3A_223 = arith.constant 0 : i32
        %dma_wait3A_224 = tpu.memref_slice %arg10[%dma_wait3A_222, %dma_wait3A_223] : memref<1024x16xf32, #tpu.memory_space<vmem>> -> memref<128x16xf32, #tpu.memory_space<vmem>>
        %dma_wait3A_225 = arith.constant 0 : i32
        %dma_wait3A_226 = tpu.memref_slice %arg9[%run_scoped3A_204, %dma_wait3A_225] : memref<8x128xi32, #tpu.memory_space<vmem>> -> memref<1x128xi32, #tpu.memory_space<vmem>>
        %dma_wait3A_227 = tpu.memref_squeeze %dma_wait3A_226 : memref<1x128xi32, #tpu.memory_space<vmem>> -> memref<128xi32, #tpu.memory_space<vmem>>
        %dma_wait3A_228 = arith.constant 0 : i32
        %dma_wait3A_229 = arith.constant 0 : i32
        %dma_wait3A_230 = tpu.memref_slice %arg11[%dma_wait3A_228, %dma_wait3A_229] : memref<50048x16xf32, #tpu.memory_space<vmem_shared>> -> memref<50048x16xf32, #tpu.memory_space<vmem_shared>>
        tpu.wait_indirect_dma semaphore(%run_scoped3A_212 : memref<!tpu.dma_semaphore, #tpu.memory_space<semaphore_mem>>) src(%dma_wait3A_224 : memref<128x16xf32, #tpu.memory_space<vmem>>) dst(%dma_wait3A_230 : memref<50048x16xf32, #tpu.memory_space<vmem_shared>>)
        tpu.yield
      }) : () -> ()
      %run_scoped3A_205 = arith.constant 1 : i32
      "tpu.region"() ({
        %run_scoped3A_212 = tpu.sem_alloc : memref<!tpu.dma_semaphore, #tpu.memory_space<semaphore_mem>>
        %dma_start3A_213 = arith.constant 128 : i32
        %dma_start3A_214 = arith.constant 0 : i32
        %dma_start3A_215 = tpu.memref_slice %arg10[%dma_start3A_213, %dma_start3A_214] : memref<1024x16xf32, #tpu.memory_space<vmem>> -> memref<128x16xf32, #tpu.memory_space<vmem>>
        %dma_start3A_216 = arith.constant 0 : i32
        %dma_start3A_217 = tpu.memref_slice %arg9[%run_scoped3A_205, %dma_start3A_216] : memref<8x128xi32, #tpu.memory_space<vmem>> -> memref<1x128xi32, #tpu.memory_space<vmem>>
        %dma_start3A_218 = tpu.memref_squeeze %dma_start3A_217 : memref<1x128xi32, #tpu.memory_space<vmem>> -> memref<128xi32, #tpu.memory_space<vmem>>
        %dma_start3A_219 = arith.constant 0 : i32
        %dma_start3A_220 = arith.constant 0 : i32
        %dma_start3A_221 = tpu.memref_slice %arg11[%dma_start3A_219, %dma_start3A_220] : memref<50048x16xf32, #tpu.memory_space<vmem_shared>> -> memref<50048x16xf32, #tpu.memory_space<vmem_shared>>
        tpu.enqueue_indirect_dma source(%dma_start3A_215 : memref<128x16xf32, #tpu.memory_space<vmem>>) target(%dma_start3A_221 : memref<50048x16xf32, #tpu.memory_space<vmem_shared>>) offsets(%dma_start3A_218 : memref<128xi32, #tpu.memory_space<vmem>>) semaphore(%run_scoped3A_212 : memref<!tpu.dma_semaphore, #tpu.memory_space<semaphore_mem>>) {add = true}
        %dma_wait3A_222 = arith.constant 128 : i32
        %dma_wait3A_223 = arith.constant 0 : i32
        %dma_wait3A_224 = tpu.memref_slice %arg10[%dma_wait3A_222, %dma_wait3A_223] : memref<1024x16xf32, #tpu.memory_space<vmem>> -> memref<128x16xf32, #tpu.memory_space<vmem>>
        %dma_wait3A_225 = arith.constant 0 : i32
        %dma_wait3A_226 = tpu.memref_slice %arg9[%run_scoped3A_205, %dma_wait3A_225] : memref<8x128xi32, #tpu.memory_space<vmem>> -> memref<1x128xi32, #tpu.memory_space<vmem>>
        %dma_wait3A_227 = tpu.memref_squeeze %dma_wait3A_226 : memref<1x128xi32, #tpu.memory_space<vmem>> -> memref<128xi32, #tpu.memory_space<vmem>>
        %dma_wait3A_228 = arith.constant 0 : i32
        %dma_wait3A_229 = arith.constant 0 : i32
        %dma_wait3A_230 = tpu.memref_slice %arg11[%dma_wait3A_228, %dma_wait3A_229] : memref<50048x16xf32, #tpu.memory_space<vmem_shared>> -> memref<50048x16xf32, #tpu.memory_space<vmem_shared>>
        tpu.wait_indirect_dma semaphore(%run_scoped3A_212 : memref<!tpu.dma_semaphore, #tpu.memory_space<semaphore_mem>>) src(%dma_wait3A_224 : memref<128x16xf32, #tpu.memory_space<vmem>>) dst(%dma_wait3A_230 : memref<50048x16xf32, #tpu.memory_space<vmem_shared>>)
        tpu.yield
      }) : () -> ()
      %run_scoped3A_206 = arith.constant 2 : i32
      "tpu.region"() ({
        %run_scoped3A_212 = tpu.sem_alloc : memref<!tpu.dma_semaphore, #tpu.memory_space<semaphore_mem>>
        %dma_start3A_213 = arith.constant 256 : i32
        %dma_start3A_214 = arith.constant 0 : i32
        %dma_start3A_215 = tpu.memref_slice %arg10[%dma_start3A_213, %dma_start3A_214] : memref<1024x16xf32, #tpu.memory_space<vmem>> -> memref<128x16xf32, #tpu.memory_space<vmem>>
        %dma_start3A_216 = arith.constant 0 : i32
        %dma_start3A_217 = tpu.memref_slice %arg9[%run_scoped3A_206, %dma_start3A_216] : memref<8x128xi32, #tpu.memory_space<vmem>> -> memref<1x128xi32, #tpu.memory_space<vmem>>
        %dma_start3A_218 = tpu.memref_squeeze %dma_start3A_217 : memref<1x128xi32, #tpu.memory_space<vmem>> -> memref<128xi32, #tpu.memory_space<vmem>>
        %dma_start3A_219 = arith.constant 0 : i32
        %dma_start3A_220 = arith.constant 0 : i32
        %dma_start3A_221 = tpu.memref_slice %arg11[%dma_start3A_219, %dma_start3A_220] : memref<50048x16xf32, #tpu.memory_space<vmem_shared>> -> memref<50048x16xf32, #tpu.memory_space<vmem_shared>>
        tpu.enqueue_indirect_dma source(%dma_start3A_215 : memref<128x16xf32, #tpu.memory_space<vmem>>) target(%dma_start3A_221 : memref<50048x16xf32, #tpu.memory_space<vmem_shared>>) offsets(%dma_start3A_218 : memref<128xi32, #tpu.memory_space<vmem>>) semaphore(%run_scoped3A_212 : memref<!tpu.dma_semaphore, #tpu.memory_space<semaphore_mem>>) {add = true}
        %dma_wait3A_222 = arith.constant 256 : i32
        %dma_wait3A_223 = arith.constant 0 : i32
        %dma_wait3A_224 = tpu.memref_slice %arg10[%dma_wait3A_222, %dma_wait3A_223] : memref<1024x16xf32, #tpu.memory_space<vmem>> -> memref<128x16xf32, #tpu.memory_space<vmem>>
        %dma_wait3A_225 = arith.constant 0 : i32
        %dma_wait3A_226 = tpu.memref_slice %arg9[%run_scoped3A_206, %dma_wait3A_225] : memref<8x128xi32, #tpu.memory_space<vmem>> -> memref<1x128xi32, #tpu.memory_space<vmem>>
        %dma_wait3A_227 = tpu.memref_squeeze %dma_wait3A_226 : memref<1x128xi32, #tpu.memory_space<vmem>> -> memref<128xi32, #tpu.memory_space<vmem>>
        %dma_wait3A_228 = arith.constant 0 : i32
        %dma_wait3A_229 = arith.constant 0 : i32
        %dma_wait3A_230 = tpu.memref_slice %arg11[%dma_wait3A_228, %dma_wait3A_229] : memref<50048x16xf32, #tpu.memory_space<vmem_shared>> -> memref<50048x16xf32, #tpu.memory_space<vmem_shared>>
        tpu.wait_indirect_dma semaphore(%run_scoped3A_212 : memref<!tpu.dma_semaphore, #tpu.memory_space<semaphore_mem>>) src(%dma_wait3A_224 : memref<128x16xf32, #tpu.memory_space<vmem>>) dst(%dma_wait3A_230 : memref<50048x16xf32, #tpu.memory_space<vmem_shared>>)
        tpu.yield
      }) : () -> ()
      %run_scoped3A_207 = arith.constant 3 : i32
      "tpu.region"() ({
        %run_scoped3A_212 = tpu.sem_alloc : memref<!tpu.dma_semaphore, #tpu.memory_space<semaphore_mem>>
        %dma_start3A_213 = arith.constant 384 : i32
        %dma_start3A_214 = arith.constant 0 : i32
        %dma_start3A_215 = tpu.memref_slice %arg10[%dma_start3A_213, %dma_start3A_214] : memref<1024x16xf32, #tpu.memory_space<vmem>> -> memref<128x16xf32, #tpu.memory_space<vmem>>
        %dma_start3A_216 = arith.constant 0 : i32
        %dma_start3A_217 = tpu.memref_slice %arg9[%run_scoped3A_207, %dma_start3A_216] : memref<8x128xi32, #tpu.memory_space<vmem>> -> memref<1x128xi32, #tpu.memory_space<vmem>>
        %dma_start3A_218 = tpu.memref_squeeze %dma_start3A_217 : memref<1x128xi32, #tpu.memory_space<vmem>> -> memref<128xi32, #tpu.memory_space<vmem>>
        %dma_start3A_219 = arith.constant 0 : i32
        %dma_start3A_220 = arith.constant 0 : i32
        %dma_start3A_221 = tpu.memref_slice %arg11[%dma_start3A_219, %dma_start3A_220] : memref<50048x16xf32, #tpu.memory_space<vmem_shared>> -> memref<50048x16xf32, #tpu.memory_space<vmem_shared>>
        tpu.enqueue_indirect_dma source(%dma_start3A_215 : memref<128x16xf32, #tpu.memory_space<vmem>>) target(%dma_start3A_221 : memref<50048x16xf32, #tpu.memory_space<vmem_shared>>) offsets(%dma_start3A_218 : memref<128xi32, #tpu.memory_space<vmem>>) semaphore(%run_scoped3A_212 : memref<!tpu.dma_semaphore, #tpu.memory_space<semaphore_mem>>) {add = true}
        %dma_wait3A_222 = arith.constant 384 : i32
        %dma_wait3A_223 = arith.constant 0 : i32
        %dma_wait3A_224 = tpu.memref_slice %arg10[%dma_wait3A_222, %dma_wait3A_223] : memref<1024x16xf32, #tpu.memory_space<vmem>> -> memref<128x16xf32, #tpu.memory_space<vmem>>
        %dma_wait3A_225 = arith.constant 0 : i32
        %dma_wait3A_226 = tpu.memref_slice %arg9[%run_scoped3A_207, %dma_wait3A_225] : memref<8x128xi32, #tpu.memory_space<vmem>> -> memref<1x128xi32, #tpu.memory_space<vmem>>
        %dma_wait3A_227 = tpu.memref_squeeze %dma_wait3A_226 : memref<1x128xi32, #tpu.memory_space<vmem>> -> memref<128xi32, #tpu.memory_space<vmem>>
        %dma_wait3A_228 = arith.constant 0 : i32
        %dma_wait3A_229 = arith.constant 0 : i32
        %dma_wait3A_230 = tpu.memref_slice %arg11[%dma_wait3A_228, %dma_wait3A_229] : memref<50048x16xf32, #tpu.memory_space<vmem_shared>> -> memref<50048x16xf32, #tpu.memory_space<vmem_shared>>
        tpu.wait_indirect_dma semaphore(%run_scoped3A_212 : memref<!tpu.dma_semaphore, #tpu.memory_space<semaphore_mem>>) src(%dma_wait3A_224 : memref<128x16xf32, #tpu.memory_space<vmem>>) dst(%dma_wait3A_230 : memref<50048x16xf32, #tpu.memory_space<vmem_shared>>)
        tpu.yield
      }) : () -> ()
      %run_scoped3A_208 = arith.constant 4 : i32
      "tpu.region"() ({
        %run_scoped3A_212 = tpu.sem_alloc : memref<!tpu.dma_semaphore, #tpu.memory_space<semaphore_mem>>
        %dma_start3A_213 = arith.constant 512 : i32
        %dma_start3A_214 = arith.constant 0 : i32
        %dma_start3A_215 = tpu.memref_slice %arg10[%dma_start3A_213, %dma_start3A_214] : memref<1024x16xf32, #tpu.memory_space<vmem>> -> memref<128x16xf32, #tpu.memory_space<vmem>>
        %dma_start3A_216 = arith.constant 0 : i32
        %dma_start3A_217 = tpu.memref_slice %arg9[%run_scoped3A_208, %dma_start3A_216] : memref<8x128xi32, #tpu.memory_space<vmem>> -> memref<1x128xi32, #tpu.memory_space<vmem>>
        %dma_start3A_218 = tpu.memref_squeeze %dma_start3A_217 : memref<1x128xi32, #tpu.memory_space<vmem>> -> memref<128xi32, #tpu.memory_space<vmem>>
        %dma_start3A_219 = arith.constant 0 : i32
        %dma_start3A_220 = arith.constant 0 : i32
        %dma_start3A_221 = tpu.memref_slice %arg11[%dma_start3A_219, %dma_start3A_220] : memref<50048x16xf32, #tpu.memory_space<vmem_shared>> -> memref<50048x16xf32, #tpu.memory_space<vmem_shared>>
        tpu.enqueue_indirect_dma source(%dma_start3A_215 : memref<128x16xf32, #tpu.memory_space<vmem>>) target(%dma_start3A_221 : memref<50048x16xf32, #tpu.memory_space<vmem_shared>>) offsets(%dma_start3A_218 : memref<128xi32, #tpu.memory_space<vmem>>) semaphore(%run_scoped3A_212 : memref<!tpu.dma_semaphore, #tpu.memory_space<semaphore_mem>>) {add = true}
        %dma_wait3A_222 = arith.constant 512 : i32
        %dma_wait3A_223 = arith.constant 0 : i32
        %dma_wait3A_224 = tpu.memref_slice %arg10[%dma_wait3A_222, %dma_wait3A_223] : memref<1024x16xf32, #tpu.memory_space<vmem>> -> memref<128x16xf32, #tpu.memory_space<vmem>>
        %dma_wait3A_225 = arith.constant 0 : i32
        %dma_wait3A_226 = tpu.memref_slice %arg9[%run_scoped3A_208, %dma_wait3A_225] : memref<8x128xi32, #tpu.memory_space<vmem>> -> memref<1x128xi32, #tpu.memory_space<vmem>>
        %dma_wait3A_227 = tpu.memref_squeeze %dma_wait3A_226 : memref<1x128xi32, #tpu.memory_space<vmem>> -> memref<128xi32, #tpu.memory_space<vmem>>
        %dma_wait3A_228 = arith.constant 0 : i32
        %dma_wait3A_229 = arith.constant 0 : i32
        %dma_wait3A_230 = tpu.memref_slice %arg11[%dma_wait3A_228, %dma_wait3A_229] : memref<50048x16xf32, #tpu.memory_space<vmem_shared>> -> memref<50048x16xf32, #tpu.memory_space<vmem_shared>>
        tpu.wait_indirect_dma semaphore(%run_scoped3A_212 : memref<!tpu.dma_semaphore, #tpu.memory_space<semaphore_mem>>) src(%dma_wait3A_224 : memref<128x16xf32, #tpu.memory_space<vmem>>) dst(%dma_wait3A_230 : memref<50048x16xf32, #tpu.memory_space<vmem_shared>>)
        tpu.yield
      }) : () -> ()
      %run_scoped3A_209 = arith.constant 5 : i32
      "tpu.region"() ({
        %run_scoped3A_212 = tpu.sem_alloc : memref<!tpu.dma_semaphore, #tpu.memory_space<semaphore_mem>>
        %dma_start3A_213 = arith.constant 640 : i32
        %dma_start3A_214 = arith.constant 0 : i32
        %dma_start3A_215 = tpu.memref_slice %arg10[%dma_start3A_213, %dma_start3A_214] : memref<1024x16xf32, #tpu.memory_space<vmem>> -> memref<128x16xf32, #tpu.memory_space<vmem>>
        %dma_start3A_216 = arith.constant 0 : i32
        %dma_start3A_217 = tpu.memref_slice %arg9[%run_scoped3A_209, %dma_start3A_216] : memref<8x128xi32, #tpu.memory_space<vmem>> -> memref<1x128xi32, #tpu.memory_space<vmem>>
        %dma_start3A_218 = tpu.memref_squeeze %dma_start3A_217 : memref<1x128xi32, #tpu.memory_space<vmem>> -> memref<128xi32, #tpu.memory_space<vmem>>
        %dma_start3A_219 = arith.constant 0 : i32
        %dma_start3A_220 = arith.constant 0 : i32
        %dma_start3A_221 = tpu.memref_slice %arg11[%dma_start3A_219, %dma_start3A_220] : memref<50048x16xf32, #tpu.memory_space<vmem_shared>> -> memref<50048x16xf32, #tpu.memory_space<vmem_shared>>
        tpu.enqueue_indirect_dma source(%dma_start3A_215 : memref<128x16xf32, #tpu.memory_space<vmem>>) target(%dma_start3A_221 : memref<50048x16xf32, #tpu.memory_space<vmem_shared>>) offsets(%dma_start3A_218 : memref<128xi32, #tpu.memory_space<vmem>>) semaphore(%run_scoped3A_212 : memref<!tpu.dma_semaphore, #tpu.memory_space<semaphore_mem>>) {add = true}
        %dma_wait3A_222 = arith.constant 640 : i32
        %dma_wait3A_223 = arith.constant 0 : i32
        %dma_wait3A_224 = tpu.memref_slice %arg10[%dma_wait3A_222, %dma_wait3A_223] : memref<1024x16xf32, #tpu.memory_space<vmem>> -> memref<128x16xf32, #tpu.memory_space<vmem>>
        %dma_wait3A_225 = arith.constant 0 : i32
        %dma_wait3A_226 = tpu.memref_slice %arg9[%run_scoped3A_209, %dma_wait3A_225] : memref<8x128xi32, #tpu.memory_space<vmem>> -> memref<1x128xi32, #tpu.memory_space<vmem>>
        %dma_wait3A_227 = tpu.memref_squeeze %dma_wait3A_226 : memref<1x128xi32, #tpu.memory_space<vmem>> -> memref<128xi32, #tpu.memory_space<vmem>>
        %dma_wait3A_228 = arith.constant 0 : i32
        %dma_wait3A_229 = arith.constant 0 : i32
        %dma_wait3A_230 = tpu.memref_slice %arg11[%dma_wait3A_228, %dma_wait3A_229] : memref<50048x16xf32, #tpu.memory_space<vmem_shared>> -> memref<50048x16xf32, #tpu.memory_space<vmem_shared>>
        tpu.wait_indirect_dma semaphore(%run_scoped3A_212 : memref<!tpu.dma_semaphore, #tpu.memory_space<semaphore_mem>>) src(%dma_wait3A_224 : memref<128x16xf32, #tpu.memory_space<vmem>>) dst(%dma_wait3A_230 : memref<50048x16xf32, #tpu.memory_space<vmem_shared>>)
        tpu.yield
      }) : () -> ()
      %run_scoped3A_210 = arith.constant 6 : i32
      "tpu.region"() ({
        %run_scoped3A_212 = tpu.sem_alloc : memref<!tpu.dma_semaphore, #tpu.memory_space<semaphore_mem>>
        %dma_start3A_213 = arith.constant 768 : i32
        %dma_start3A_214 = arith.constant 0 : i32
        %dma_start3A_215 = tpu.memref_slice %arg10[%dma_start3A_213, %dma_start3A_214] : memref<1024x16xf32, #tpu.memory_space<vmem>> -> memref<128x16xf32, #tpu.memory_space<vmem>>
        %dma_start3A_216 = arith.constant 0 : i32
        %dma_start3A_217 = tpu.memref_slice %arg9[%run_scoped3A_210, %dma_start3A_216] : memref<8x128xi32, #tpu.memory_space<vmem>> -> memref<1x128xi32, #tpu.memory_space<vmem>>
        %dma_start3A_218 = tpu.memref_squeeze %dma_start3A_217 : memref<1x128xi32, #tpu.memory_space<vmem>> -> memref<128xi32, #tpu.memory_space<vmem>>
        %dma_start3A_219 = arith.constant 0 : i32
        %dma_start3A_220 = arith.constant 0 : i32
        %dma_start3A_221 = tpu.memref_slice %arg11[%dma_start3A_219, %dma_start3A_220] : memref<50048x16xf32, #tpu.memory_space<vmem_shared>> -> memref<50048x16xf32, #tpu.memory_space<vmem_shared>>
        tpu.enqueue_indirect_dma source(%dma_start3A_215 : memref<128x16xf32, #tpu.memory_space<vmem>>) target(%dma_start3A_221 : memref<50048x16xf32, #tpu.memory_space<vmem_shared>>) offsets(%dma_start3A_218 : memref<128xi32, #tpu.memory_space<vmem>>) semaphore(%run_scoped3A_212 : memref<!tpu.dma_semaphore, #tpu.memory_space<semaphore_mem>>) {add = true}
        %dma_wait3A_222 = arith.constant 768 : i32
        %dma_wait3A_223 = arith.constant 0 : i32
        %dma_wait3A_224 = tpu.memref_slice %arg10[%dma_wait3A_222, %dma_wait3A_223] : memref<1024x16xf32, #tpu.memory_space<vmem>> -> memref<128x16xf32, #tpu.memory_space<vmem>>
        %dma_wait3A_225 = arith.constant 0 : i32
        %dma_wait3A_226 = tpu.memref_slice %arg9[%run_scoped3A_210, %dma_wait3A_225] : memref<8x128xi32, #tpu.memory_space<vmem>> -> memref<1x128xi32, #tpu.memory_space<vmem>>
        %dma_wait3A_227 = tpu.memref_squeeze %dma_wait3A_226 : memref<1x128xi32, #tpu.memory_space<vmem>> -> memref<128xi32, #tpu.memory_space<vmem>>
        %dma_wait3A_228 = arith.constant 0 : i32
        %dma_wait3A_229 = arith.constant 0 : i32
        %dma_wait3A_230 = tpu.memref_slice %arg11[%dma_wait3A_228, %dma_wait3A_229] : memref<50048x16xf32, #tpu.memory_space<vmem_shared>> -> memref<50048x16xf32, #tpu.memory_space<vmem_shared>>
        tpu.wait_indirect_dma semaphore(%run_scoped3A_212 : memref<!tpu.dma_semaphore, #tpu.memory_space<semaphore_mem>>) src(%dma_wait3A_224 : memref<128x16xf32, #tpu.memory_space<vmem>>) dst(%dma_wait3A_230 : memref<50048x16xf32, #tpu.memory_space<vmem_shared>>)
        tpu.yield
      }) : () -> ()
      %run_scoped3A_211 = arith.constant 7 : i32
      "tpu.region"() ({
        %run_scoped3A_212 = tpu.sem_alloc : memref<!tpu.dma_semaphore, #tpu.memory_space<semaphore_mem>>
        %dma_start3A_213 = arith.constant 896 : i32
        %dma_start3A_214 = arith.constant 0 : i32
        %dma_start3A_215 = tpu.memref_slice %arg10[%dma_start3A_213, %dma_start3A_214] : memref<1024x16xf32, #tpu.memory_space<vmem>> -> memref<128x16xf32, #tpu.memory_space<vmem>>
        %dma_start3A_216 = arith.constant 0 : i32
        %dma_start3A_217 = tpu.memref_slice %arg9[%run_scoped3A_211, %dma_start3A_216] : memref<8x128xi32, #tpu.memory_space<vmem>> -> memref<1x128xi32, #tpu.memory_space<vmem>>
        %dma_start3A_218 = tpu.memref_squeeze %dma_start3A_217 : memref<1x128xi32, #tpu.memory_space<vmem>> -> memref<128xi32, #tpu.memory_space<vmem>>
        %dma_start3A_219 = arith.constant 0 : i32
        %dma_start3A_220 = arith.constant 0 : i32
        %dma_start3A_221 = tpu.memref_slice %arg11[%dma_start3A_219, %dma_start3A_220] : memref<50048x16xf32, #tpu.memory_space<vmem_shared>> -> memref<50048x16xf32, #tpu.memory_space<vmem_shared>>
        tpu.enqueue_indirect_dma source(%dma_start3A_215 : memref<128x16xf32, #tpu.memory_space<vmem>>) target(%dma_start3A_221 : memref<50048x16xf32, #tpu.memory_space<vmem_shared>>) offsets(%dma_start3A_218 : memref<128xi32, #tpu.memory_space<vmem>>) semaphore(%run_scoped3A_212 : memref<!tpu.dma_semaphore, #tpu.memory_space<semaphore_mem>>) {add = true}
        %dma_wait3A_222 = arith.constant 896 : i32
        %dma_wait3A_223 = arith.constant 0 : i32
        %dma_wait3A_224 = tpu.memref_slice %arg10[%dma_wait3A_222, %dma_wait3A_223] : memref<1024x16xf32, #tpu.memory_space<vmem>> -> memref<128x16xf32, #tpu.memory_space<vmem>>
        %dma_wait3A_225 = arith.constant 0 : i32
        %dma_wait3A_226 = tpu.memref_slice %arg9[%run_scoped3A_211, %dma_wait3A_225] : memref<8x128xi32, #tpu.memory_space<vmem>> -> memref<1x128xi32, #tpu.memory_space<vmem>>
        %dma_wait3A_227 = tpu.memref_squeeze %dma_wait3A_226 : memref<1x128xi32, #tpu.memory_space<vmem>> -> memref<128xi32, #tpu.memory_space<vmem>>
        %dma_wait3A_228 = arith.constant 0 : i32
        %dma_wait3A_229 = arith.constant 0 : i32
        %dma_wait3A_230 = tpu.memref_slice %arg11[%dma_wait3A_228, %dma_wait3A_229] : memref<50048x16xf32, #tpu.memory_space<vmem_shared>> -> memref<50048x16xf32, #tpu.memory_space<vmem_shared>>
        tpu.wait_indirect_dma semaphore(%run_scoped3A_212 : memref<!tpu.dma_semaphore, #tpu.memory_space<semaphore_mem>>) src(%dma_wait3A_224 : memref<128x16xf32, #tpu.memory_space<vmem>>) dst(%dma_wait3A_230 : memref<50048x16xf32, #tpu.memory_space<vmem_shared>>)
        tpu.yield
      }) : () -> ()
    }
    %scan3A_30 = arith.constant 49 : i32
    %barrier3A_31 = arith.constant 0 : index
    tpu.barrier barrier_id(%barrier3A_31)
    %mul3A_32 = arith.constant 3128 : i32
    %mul3A_33 = arith.muli %arg1, %mul3A_32 : i32
    %mul3A_34 = arith.constant 3128 : i32
    %mul3A_35 = arith.muli %arg1, %mul3A_34 : i32
    "tpu.region"() ({
      %run_scoped3A = tpu.sem_alloc : memref<!tpu.dma_semaphore, #tpu.memory_space<semaphore_mem>>
      %dma_start3A = arith.constant 0 : i32
      %dma_start3A_36 = tpu.memref_slice %arg7[%add3A_19, %mul3A_35, %dma_start3A] : memref<4x50048x16xf32, #tpu.memory_space<hbm>> -> memref<1x3128x16xf32, #tpu.memory_space<hbm>>
      %dma_start3A_37 = tpu.memref_squeeze %dma_start3A_36 : memref<1x3128x16xf32, #tpu.memory_space<hbm>> -> memref<3128x16xf32, #tpu.memory_space<hbm>>
      %dma_start3A_38 = arith.constant 0 : i32
      %dma_start3A_39 = tpu.memref_slice %arg11[%mul3A_33, %dma_start3A_38] : memref<50048x16xf32, #tpu.memory_space<vmem_shared>> -> memref<3128x16xf32, #tpu.memory_space<vmem_shared>>
      tpu.enqueue_dma source(%dma_start3A_39 : memref<3128x16xf32, #tpu.memory_space<vmem_shared>>) target(%dma_start3A_37 : memref<3128x16xf32, #tpu.memory_space<hbm>>) target_semaphore(%run_scoped3A : memref<!tpu.dma_semaphore, #tpu.memory_space<semaphore_mem>>)
      %dma_wait3A = arith.constant 0 : i32
      %dma_wait3A_40 = tpu.memref_slice %arg7[%add3A_19, %mul3A_35, %dma_wait3A] : memref<4x50048x16xf32, #tpu.memory_space<hbm>> -> memref<1x3128x16xf32, #tpu.memory_space<hbm>>
      %dma_wait3A_41 = tpu.memref_squeeze %dma_wait3A_40 : memref<1x3128x16xf32, #tpu.memory_space<hbm>> -> memref<3128x16xf32, #tpu.memory_space<hbm>>
      %dma_wait3A_42 = arith.constant 0 : i32
      %dma_wait3A_43 = tpu.memref_slice %arg11[%mul3A_33, %dma_wait3A_42] : memref<50048x16xf32, #tpu.memory_space<vmem_shared>> -> memref<3128x16xf32, #tpu.memory_space<vmem_shared>>
      tpu.wait_dma2 semaphore(%run_scoped3A : memref<!tpu.dma_semaphore, #tpu.memory_space<semaphore_mem>>) src(%dma_wait3A_43 : memref<3128x16xf32, #tpu.memory_space<vmem_shared>>) dst(%dma_wait3A_41 : memref<3128x16xf32, #tpu.memory_space<hbm>>)
      tpu.yield
    }) : () -> ()
    return
  }
}

#map = affine_map<(d0, d1) -> (0, 0)>
#map1 = affine_map<(d0, d1) -> (0, 0, 0, 0)>
#map2 = affine_map<(d0, d1) -> (0, 0, 0)>
module attributes {stable_mosaic.version = 14 : i64} {
  func.func @_sc_body(%arg0: i32, %arg1: i32, %arg2: memref<200000x16xf32, #tpu.memory_space<hbm>>, %arg3: memref<3x4x802816x16xf32, #tpu.memory_space<hbm>>, %arg4: memref<4x6272x128xi32, #tpu.memory_space<hbm>>, %arg5: memref<6272x128xi32, #tpu.memory_space<hbm>>, %arg6: memref<50048x16xf32, #tpu.memory_space<hbm>>, %arg7: memref<4x50048x16xf32, #tpu.memory_space<hbm>>, %arg8: memref<8x128xi32, #tpu.memory_space<vmem>>, %arg9: memref<8x128xi32, #tpu.memory_space<vmem>>, %arg10: memref<1024x16xf32, #tpu.memory_space<vmem>>, %arg11: memref<50048x16xf32, #tpu.memory_space<vmem_shared>>, %arg12: memref<!tpu.dma_semaphore, #tpu.memory_space<semaphore_mem>>) attributes {dimension_semantics = [#tpu.dimension_semantics<core_parallel>, #tpu.dimension_semantics<subcore_parallel>], iteration_bounds = array<i64: 2, 16>, scalar_prefetch = 0 : i64, scratch_operands = 5 : i64, tpu.core_type = #tpu.core_type<sc_vector_subcore>, window_params = [{transform_indices = #map}, {transform_indices = #map1}, {transform_indices = #map2}, {transform_indices = #map}, {transform_indices = #map}, {transform_indices = #map2}]} {
    %mul3A = arith.constant 2 : i32
    %mul3A_0 = arith.muli %mul3A, %arg0 : i32
    %add3A = arith.constant 0 : i32
    %add3A_1 = arith.addi %mul3A_0, %add3A : i32
    %mul3A_2 = arith.constant 3128 : i32
    %mul3A_3 = arith.muli %arg1, %mul3A_2 : i32
    %mul3A_4 = arith.constant 3128 : i32
    %mul3A_5 = arith.muli %arg1, %mul3A_4 : i32
    "tpu.region"() ({
      %run_scoped3A = tpu.sem_alloc : memref<!tpu.dma_semaphore, #tpu.memory_space<semaphore_mem>>
      %dma_start3A = arith.constant 0 : i32
      %dma_start3A_36 = tpu.memref_slice %arg11[%mul3A_5, %dma_start3A] : memref<50048x16xf32, #tpu.memory_space<vmem_shared>> -> memref<3128x16xf32, #tpu.memory_space<vmem_shared>>
      %dma_start3A_37 = arith.constant 0 : i32
      %dma_start3A_38 = tpu.memref_slice %arg6[%mul3A_3, %dma_start3A_37] : memref<50048x16xf32, #tpu.memory_space<hbm>> -> memref<3128x16xf32, #tpu.memory_space<hbm>>
      tpu.enqueue_dma source(%dma_start3A_38 : memref<3128x16xf32, #tpu.memory_space<hbm>>) target(%dma_start3A_36 : memref<3128x16xf32, #tpu.memory_space<vmem_shared>>) target_semaphore(%run_scoped3A : memref<!tpu.dma_semaphore, #tpu.memory_space<semaphore_mem>>)
      %dma_wait3A = arith.constant 0 : i32
      %dma_wait3A_39 = tpu.memref_slice %arg11[%mul3A_5, %dma_wait3A] : memref<50048x16xf32, #tpu.memory_space<vmem_shared>> -> memref<3128x16xf32, #tpu.memory_space<vmem_shared>>
      %dma_wait3A_40 = arith.constant 0 : i32
      %dma_wait3A_41 = tpu.memref_slice %arg6[%mul3A_3, %dma_wait3A_40] : memref<50048x16xf32, #tpu.memory_space<hbm>> -> memref<3128x16xf32, #tpu.memory_space<hbm>>
      tpu.wait_dma2 semaphore(%run_scoped3A : memref<!tpu.dma_semaphore, #tpu.memory_space<semaphore_mem>>) src(%dma_wait3A_41 : memref<3128x16xf32, #tpu.memory_space<hbm>>) dst(%dma_wait3A_39 : memref<3128x16xf32, #tpu.memory_space<vmem_shared>>)
      tpu.yield
    }) : () -> ()
    %barrier3A = arith.constant 0 : index
    tpu.barrier barrier_id(%barrier3A)
    %scan3A = arith.constant 0 : i32
    %scan3A_6 = arith.constant 0 : i32
    %scan3A_7 = arith.constant 49 : i32
    %scan3A_8 = arith.addi %scan3A_6, %scan3A_7 : i32
    %scan3A_9 = arith.constant 1 : i32
    scf.for %scan3A_36 = %scan3A_6 to %scan3A_8 step %scan3A_9  : i32 {
      %mul3A_37 = arith.constant 392 : i32
      %mul3A_38 = arith.muli %arg1, %mul3A_37 : i32
      %mul3A_39 = arith.constant 8 : i32
      %mul3A_40 = arith.muli %scan3A_36, %mul3A_39 : i32
      %add3A_41 = arith.addi %mul3A_38, %mul3A_40 : i32
      "tpu.region"() ({
        %run_scoped3A_212 = tpu.sem_alloc : memref<!tpu.dma_semaphore, #tpu.memory_space<semaphore_mem>>
        %dma_start3A_213 = arith.constant 0 : i32
        %dma_start3A_214 = tpu.memref_slice %arg4[%add3A_1, %add3A_41, %dma_start3A_213] : memref<4x6272x128xi32, #tpu.memory_space<hbm>> -> memref<1x8x128xi32, #tpu.memory_space<hbm>>
        %dma_start3A_215 = tpu.memref_squeeze %dma_start3A_214 : memref<1x8x128xi32, #tpu.memory_space<hbm>> -> memref<8x128xi32, #tpu.memory_space<hbm>>
        %dma_start3A_216 = arith.constant 0 : i32
        %dma_start3A_217 = tpu.memref_slice %arg4[%add3A_1, %add3A_41, %dma_start3A_216] : memref<4x6272x128xi32, #tpu.memory_space<hbm>> -> memref<1x8x128xi32, #tpu.memory_space<hbm>>
        %dma_start3A_218 = tpu.memref_squeeze %dma_start3A_217 : memref<1x8x128xi32, #tpu.memory_space<hbm>> -> memref<8x128xi32, #tpu.memory_space<hbm>>
        tpu.enqueue_dma source(%dma_start3A_218 : memref<8x128xi32, #tpu.memory_space<hbm>>) target(%arg8 : memref<8x128xi32, #tpu.memory_space<vmem>>) target_semaphore(%run_scoped3A_212 : memref<!tpu.dma_semaphore, #tpu.memory_space<semaphore_mem>>)
        %dma_wait3A_219 = arith.constant 0 : i32
        %dma_wait3A_220 = tpu.memref_slice %arg4[%add3A_1, %add3A_41, %dma_wait3A_219] : memref<4x6272x128xi32, #tpu.memory_space<hbm>> -> memref<1x8x128xi32, #tpu.memory_space<hbm>>
        %dma_wait3A_221 = tpu.memref_squeeze %dma_wait3A_220 : memref<1x8x128xi32, #tpu.memory_space<hbm>> -> memref<8x128xi32, #tpu.memory_space<hbm>>
        %dma_wait3A_222 = arith.constant 0 : i32
        %dma_wait3A_223 = tpu.memref_slice %arg4[%add3A_1, %add3A_41, %dma_wait3A_222] : memref<4x6272x128xi32, #tpu.memory_space<hbm>> -> memref<1x8x128xi32, #tpu.memory_space<hbm>>
        %dma_wait3A_224 = tpu.memref_squeeze %dma_wait3A_223 : memref<1x8x128xi32, #tpu.memory_space<hbm>> -> memref<8x128xi32, #tpu.memory_space<hbm>>
        tpu.wait_dma2 semaphore(%run_scoped3A_212 : memref<!tpu.dma_semaphore, #tpu.memory_space<semaphore_mem>>) src(%dma_wait3A_224 : memref<8x128xi32, #tpu.memory_space<hbm>>) dst(%arg8 : memref<8x128xi32, #tpu.memory_space<vmem>>)
        tpu.yield
      }) : () -> ()
      "tpu.region"() ({
        %run_scoped3A_212 = tpu.sem_alloc : memref<!tpu.dma_semaphore, #tpu.memory_space<semaphore_mem>>
        %dma_start3A_213 = arith.constant 0 : i32
        %dma_start3A_214 = tpu.memref_slice %arg5[%add3A_41, %dma_start3A_213] : memref<6272x128xi32, #tpu.memory_space<hbm>> -> memref<8x128xi32, #tpu.memory_space<hbm>>
        %dma_start3A_215 = arith.constant 0 : i32
        %dma_start3A_216 = tpu.memref_slice %arg5[%add3A_41, %dma_start3A_215] : memref<6272x128xi32, #tpu.memory_space<hbm>> -> memref<8x128xi32, #tpu.memory_space<hbm>>
        tpu.enqueue_dma source(%dma_start3A_216 : memref<8x128xi32, #tpu.memory_space<hbm>>) target(%arg9 : memref<8x128xi32, #tpu.memory_space<vmem>>) target_semaphore(%run_scoped3A_212 : memref<!tpu.dma_semaphore, #tpu.memory_space<semaphore_mem>>)
        %dma_wait3A_217 = arith.constant 0 : i32
        %dma_wait3A_218 = tpu.memref_slice %arg5[%add3A_41, %dma_wait3A_217] : memref<6272x128xi32, #tpu.memory_space<hbm>> -> memref<8x128xi32, #tpu.memory_space<hbm>>
        %dma_wait3A_219 = arith.constant 0 : i32
        %dma_wait3A_220 = tpu.memref_slice %arg5[%add3A_41, %dma_wait3A_219] : memref<6272x128xi32, #tpu.memory_space<hbm>> -> memref<8x128xi32, #tpu.memory_space<hbm>>
        tpu.wait_dma2 semaphore(%run_scoped3A_212 : memref<!tpu.dma_semaphore, #tpu.memory_space<semaphore_mem>>) src(%dma_wait3A_220 : memref<8x128xi32, #tpu.memory_space<hbm>>) dst(%arg9 : memref<8x128xi32, #tpu.memory_space<vmem>>)
        tpu.yield
      }) : () -> ()
      %mul3A_42 = arith.constant 128 : i32
      %mul3A_43 = arith.muli %add3A_41, %mul3A_42 : i32
      %run_scoped3A = arith.constant 2 : i32
      "tpu.region"() ({
        %run_scoped3A_212 = tpu.sem_alloc : memref<!tpu.dma_semaphore, #tpu.memory_space<semaphore_mem>>
        %dma_start3A_213 = arith.constant 0 : i32
        %dma_start3A_214 = tpu.memref_slice %arg3[%run_scoped3A, %add3A_1, %mul3A_43, %dma_start3A_213] : memref<3x4x802816x16xf32, #tpu.memory_space<hbm>> -> memref<1x1x1024x16xf32, #tpu.memory_space<hbm>>
        %dma_start3A_215 = tpu.memref_squeeze %dma_start3A_214 : memref<1x1x1024x16xf32, #tpu.memory_space<hbm>> -> memref<1024x16xf32, #tpu.memory_space<hbm>>
        %dma_start3A_216 = arith.constant 0 : i32
        %dma_start3A_217 = tpu.memref_slice %arg3[%run_scoped3A, %add3A_1, %mul3A_43, %dma_start3A_216] : memref<3x4x802816x16xf32, #tpu.memory_space<hbm>> -> memref<1x1x1024x16xf32, #tpu.memory_space<hbm>>
        %dma_start3A_218 = tpu.memref_squeeze %dma_start3A_217 : memref<1x1x1024x16xf32, #tpu.memory_space<hbm>> -> memref<1024x16xf32, #tpu.memory_space<hbm>>
        tpu.enqueue_dma source(%dma_start3A_218 : memref<1024x16xf32, #tpu.memory_space<hbm>>) target(%arg10 : memref<1024x16xf32, #tpu.memory_space<vmem>>) target_semaphore(%run_scoped3A_212 : memref<!tpu.dma_semaphore, #tpu.memory_space<semaphore_mem>>)
        %dma_wait3A_219 = arith.constant 0 : i32
        %dma_wait3A_220 = tpu.memref_slice %arg3[%run_scoped3A, %add3A_1, %mul3A_43, %dma_wait3A_219] : memref<3x4x802816x16xf32, #tpu.memory_space<hbm>> -> memref<1x1x1024x16xf32, #tpu.memory_space<hbm>>
        %dma_wait3A_221 = tpu.memref_squeeze %dma_wait3A_220 : memref<1x1x1024x16xf32, #tpu.memory_space<hbm>> -> memref<1024x16xf32, #tpu.memory_space<hbm>>
        %dma_wait3A_222 = arith.constant 0 : i32
        %dma_wait3A_223 = tpu.memref_slice %arg3[%run_scoped3A, %add3A_1, %mul3A_43, %dma_wait3A_222] : memref<3x4x802816x16xf32, #tpu.memory_space<hbm>> -> memref<1x1x1024x16xf32, #tpu.memory_space<hbm>>
        %dma_wait3A_224 = tpu.memref_squeeze %dma_wait3A_223 : memref<1x1x1024x16xf32, #tpu.memory_space<hbm>> -> memref<1024x16xf32, #tpu.memory_space<hbm>>
        tpu.wait_dma2 semaphore(%run_scoped3A_212 : memref<!tpu.dma_semaphore, #tpu.memory_space<semaphore_mem>>) src(%dma_wait3A_224 : memref<1024x16xf32, #tpu.memory_space<hbm>>) dst(%arg10 : memref<1024x16xf32, #tpu.memory_space<vmem>>)
        tpu.yield
      }) : () -> ()
      %dma_start3A = arith.constant 0 : i32
      %dma_start3A_44 = arith.constant 0 : i32
      %dma_start3A_45 = arith.constant 0 : i32
      %dma_start3A_46 = tpu.memref_slice %arg10[%dma_start3A_44, %dma_start3A_45] : memref<1024x16xf32, #tpu.memory_space<vmem>> -> memref<128x16xf32, #tpu.memory_space<vmem>>
      %dma_start3A_47 = arith.constant 0 : i32
      %dma_start3A_48 = tpu.memref_slice %arg8[%dma_start3A, %dma_start3A_47] : memref<8x128xi32, #tpu.memory_space<vmem>> -> memref<1x128xi32, #tpu.memory_space<vmem>>
      %dma_start3A_49 = tpu.memref_squeeze %dma_start3A_48 : memref<1x128xi32, #tpu.memory_space<vmem>> -> memref<128xi32, #tpu.memory_space<vmem>>
      %dma_start3A_50 = arith.constant 0 : i32
      %dma_start3A_51 = arith.constant 0 : i32
      %dma_start3A_52 = tpu.memref_slice %arg2[%dma_start3A_50, %dma_start3A_51] : memref<200000x16xf32, #tpu.memory_space<hbm>> -> memref<200000x16xf32, #tpu.memory_space<hbm>>
      tpu.enqueue_indirect_dma source(%dma_start3A_52 : memref<200000x16xf32, #tpu.memory_space<hbm>>) target(%dma_start3A_46 : memref<128x16xf32, #tpu.memory_space<vmem>>) offsets(%dma_start3A_49 : memref<128xi32, #tpu.memory_space<vmem>>) semaphore(%arg12 : memref<!tpu.dma_semaphore, #tpu.memory_space<semaphore_mem>>) {add = true}
      %dma_start3A_53 = arith.constant 1 : i32
      %dma_start3A_54 = arith.constant 128 : i32
      %dma_start3A_55 = arith.constant 0 : i32
      %dma_start3A_56 = tpu.memref_slice %arg10[%dma_start3A_54, %dma_start3A_55] : memref<1024x16xf32, #tpu.memory_space<vmem>> -> memref<128x16xf32, #tpu.memory_space<vmem>>
      %dma_start3A_57 = arith.constant 0 : i32
      %dma_start3A_58 = tpu.memref_slice %arg8[%dma_start3A_53, %dma_start3A_57] : memref<8x128xi32, #tpu.memory_space<vmem>> -> memref<1x128xi32, #tpu.memory_space<vmem>>
      %dma_start3A_59 = tpu.memref_squeeze %dma_start3A_58 : memref<1x128xi32, #tpu.memory_space<vmem>> -> memref<128xi32, #tpu.memory_space<vmem>>
      %dma_start3A_60 = arith.constant 0 : i32
      %dma_start3A_61 = arith.constant 0 : i32
      %dma_start3A_62 = tpu.memref_slice %arg2[%dma_start3A_60, %dma_start3A_61] : memref<200000x16xf32, #tpu.memory_space<hbm>> -> memref<200000x16xf32, #tpu.memory_space<hbm>>
      tpu.enqueue_indirect_dma source(%dma_start3A_62 : memref<200000x16xf32, #tpu.memory_space<hbm>>) target(%dma_start3A_56 : memref<128x16xf32, #tpu.memory_space<vmem>>) offsets(%dma_start3A_59 : memref<128xi32, #tpu.memory_space<vmem>>) semaphore(%arg12 : memref<!tpu.dma_semaphore, #tpu.memory_space<semaphore_mem>>) {add = true}
      %dma_start3A_63 = arith.constant 2 : i32
      %dma_start3A_64 = arith.constant 256 : i32
      %dma_start3A_65 = arith.constant 0 : i32
      %dma_start3A_66 = tpu.memref_slice %arg10[%dma_start3A_64, %dma_start3A_65] : memref<1024x16xf32, #tpu.memory_space<vmem>> -> memref<128x16xf32, #tpu.memory_space<vmem>>
      %dma_start3A_67 = arith.constant 0 : i32
      %dma_start3A_68 = tpu.memref_slice %arg8[%dma_start3A_63, %dma_start3A_67] : memref<8x128xi32, #tpu.memory_space<vmem>> -> memref<1x128xi32, #tpu.memory_space<vmem>>
      %dma_start3A_69 = tpu.memref_squeeze %dma_start3A_68 : memref<1x128xi32, #tpu.memory_space<vmem>> -> memref<128xi32, #tpu.memory_space<vmem>>
      %dma_start3A_70 = arith.constant 0 : i32
      %dma_start3A_71 = arith.constant 0 : i32
      %dma_start3A_72 = tpu.memref_slice %arg2[%dma_start3A_70, %dma_start3A_71] : memref<200000x16xf32, #tpu.memory_space<hbm>> -> memref<200000x16xf32, #tpu.memory_space<hbm>>
      tpu.enqueue_indirect_dma source(%dma_start3A_72 : memref<200000x16xf32, #tpu.memory_space<hbm>>) target(%dma_start3A_66 : memref<128x16xf32, #tpu.memory_space<vmem>>) offsets(%dma_start3A_69 : memref<128xi32, #tpu.memory_space<vmem>>) semaphore(%arg12 : memref<!tpu.dma_semaphore, #tpu.memory_space<semaphore_mem>>) {add = true}
      %dma_start3A_73 = arith.constant 3 : i32
      %dma_start3A_74 = arith.constant 384 : i32
      %dma_start3A_75 = arith.constant 0 : i32
      %dma_start3A_76 = tpu.memref_slice %arg10[%dma_start3A_74, %dma_start3A_75] : memref<1024x16xf32, #tpu.memory_space<vmem>> -> memref<128x16xf32, #tpu.memory_space<vmem>>
      %dma_start3A_77 = arith.constant 0 : i32
      %dma_start3A_78 = tpu.memref_slice %arg8[%dma_start3A_73, %dma_start3A_77] : memref<8x128xi32, #tpu.memory_space<vmem>> -> memref<1x128xi32, #tpu.memory_space<vmem>>
      %dma_start3A_79 = tpu.memref_squeeze %dma_start3A_78 : memref<1x128xi32, #tpu.memory_space<vmem>> -> memref<128xi32, #tpu.memory_space<vmem>>
      %dma_start3A_80 = arith.constant 0 : i32
      %dma_start3A_81 = arith.constant 0 : i32
      %dma_start3A_82 = tpu.memref_slice %arg2[%dma_start3A_80, %dma_start3A_81] : memref<200000x16xf32, #tpu.memory_space<hbm>> -> memref<200000x16xf32, #tpu.memory_space<hbm>>
      tpu.enqueue_indirect_dma source(%dma_start3A_82 : memref<200000x16xf32, #tpu.memory_space<hbm>>) target(%dma_start3A_76 : memref<128x16xf32, #tpu.memory_space<vmem>>) offsets(%dma_start3A_79 : memref<128xi32, #tpu.memory_space<vmem>>) semaphore(%arg12 : memref<!tpu.dma_semaphore, #tpu.memory_space<semaphore_mem>>) {add = true}
      %dma_start3A_83 = arith.constant 4 : i32
      %dma_start3A_84 = arith.constant 512 : i32
      %dma_start3A_85 = arith.constant 0 : i32
      %dma_start3A_86 = tpu.memref_slice %arg10[%dma_start3A_84, %dma_start3A_85] : memref<1024x16xf32, #tpu.memory_space<vmem>> -> memref<128x16xf32, #tpu.memory_space<vmem>>
      %dma_start3A_87 = arith.constant 0 : i32
      %dma_start3A_88 = tpu.memref_slice %arg8[%dma_start3A_83, %dma_start3A_87] : memref<8x128xi32, #tpu.memory_space<vmem>> -> memref<1x128xi32, #tpu.memory_space<vmem>>
      %dma_start3A_89 = tpu.memref_squeeze %dma_start3A_88 : memref<1x128xi32, #tpu.memory_space<vmem>> -> memref<128xi32, #tpu.memory_space<vmem>>
      %dma_start3A_90 = arith.constant 0 : i32
      %dma_start3A_91 = arith.constant 0 : i32
      %dma_start3A_92 = tpu.memref_slice %arg2[%dma_start3A_90, %dma_start3A_91] : memref<200000x16xf32, #tpu.memory_space<hbm>> -> memref<200000x16xf32, #tpu.memory_space<hbm>>
      tpu.enqueue_indirect_dma source(%dma_start3A_92 : memref<200000x16xf32, #tpu.memory_space<hbm>>) target(%dma_start3A_86 : memref<128x16xf32, #tpu.memory_space<vmem>>) offsets(%dma_start3A_89 : memref<128xi32, #tpu.memory_space<vmem>>) semaphore(%arg12 : memref<!tpu.dma_semaphore, #tpu.memory_space<semaphore_mem>>) {add = true}
      %dma_start3A_93 = arith.constant 5 : i32
      %dma_start3A_94 = arith.constant 640 : i32
      %dma_start3A_95 = arith.constant 0 : i32
      %dma_start3A_96 = tpu.memref_slice %arg10[%dma_start3A_94, %dma_start3A_95] : memref<1024x16xf32, #tpu.memory_space<vmem>> -> memref<128x16xf32, #tpu.memory_space<vmem>>
      %dma_start3A_97 = arith.constant 0 : i32
      %dma_start3A_98 = tpu.memref_slice %arg8[%dma_start3A_93, %dma_start3A_97] : memref<8x128xi32, #tpu.memory_space<vmem>> -> memref<1x128xi32, #tpu.memory_space<vmem>>
      %dma_start3A_99 = tpu.memref_squeeze %dma_start3A_98 : memref<1x128xi32, #tpu.memory_space<vmem>> -> memref<128xi32, #tpu.memory_space<vmem>>
      %dma_start3A_100 = arith.constant 0 : i32
      %dma_start3A_101 = arith.constant 0 : i32
      %dma_start3A_102 = tpu.memref_slice %arg2[%dma_start3A_100, %dma_start3A_101] : memref<200000x16xf32, #tpu.memory_space<hbm>> -> memref<200000x16xf32, #tpu.memory_space<hbm>>
      tpu.enqueue_indirect_dma source(%dma_start3A_102 : memref<200000x16xf32, #tpu.memory_space<hbm>>) target(%dma_start3A_96 : memref<128x16xf32, #tpu.memory_space<vmem>>) offsets(%dma_start3A_99 : memref<128xi32, #tpu.memory_space<vmem>>) semaphore(%arg12 : memref<!tpu.dma_semaphore, #tpu.memory_space<semaphore_mem>>) {add = true}
      %dma_start3A_103 = arith.constant 6 : i32
      %dma_start3A_104 = arith.constant 768 : i32
      %dma_start3A_105 = arith.constant 0 : i32
      %dma_start3A_106 = tpu.memref_slice %arg10[%dma_start3A_104, %dma_start3A_105] : memref<1024x16xf32, #tpu.memory_space<vmem>> -> memref<128x16xf32, #tpu.memory_space<vmem>>
      %dma_start3A_107 = arith.constant 0 : i32
      %dma_start3A_108 = tpu.memref_slice %arg8[%dma_start3A_103, %dma_start3A_107] : memref<8x128xi32, #tpu.memory_space<vmem>> -> memref<1x128xi32, #tpu.memory_space<vmem>>
      %dma_start3A_109 = tpu.memref_squeeze %dma_start3A_108 : memref<1x128xi32, #tpu.memory_space<vmem>> -> memref<128xi32, #tpu.memory_space<vmem>>
      %dma_start3A_110 = arith.constant 0 : i32
      %dma_start3A_111 = arith.constant 0 : i32
      %dma_start3A_112 = tpu.memref_slice %arg2[%dma_start3A_110, %dma_start3A_111] : memref<200000x16xf32, #tpu.memory_space<hbm>> -> memref<200000x16xf32, #tpu.memory_space<hbm>>
      tpu.enqueue_indirect_dma source(%dma_start3A_112 : memref<200000x16xf32, #tpu.memory_space<hbm>>) target(%dma_start3A_106 : memref<128x16xf32, #tpu.memory_space<vmem>>) offsets(%dma_start3A_109 : memref<128xi32, #tpu.memory_space<vmem>>) semaphore(%arg12 : memref<!tpu.dma_semaphore, #tpu.memory_space<semaphore_mem>>) {add = true}
      %dma_start3A_113 = arith.constant 7 : i32
      %dma_start3A_114 = arith.constant 896 : i32
      %dma_start3A_115 = arith.constant 0 : i32
      %dma_start3A_116 = tpu.memref_slice %arg10[%dma_start3A_114, %dma_start3A_115] : memref<1024x16xf32, #tpu.memory_space<vmem>> -> memref<128x16xf32, #tpu.memory_space<vmem>>
      %dma_start3A_117 = arith.constant 0 : i32
      %dma_start3A_118 = tpu.memref_slice %arg8[%dma_start3A_113, %dma_start3A_117] : memref<8x128xi32, #tpu.memory_space<vmem>> -> memref<1x128xi32, #tpu.memory_space<vmem>>
      %dma_start3A_119 = tpu.memref_squeeze %dma_start3A_118 : memref<1x128xi32, #tpu.memory_space<vmem>> -> memref<128xi32, #tpu.memory_space<vmem>>
      %dma_start3A_120 = arith.constant 0 : i32
      %dma_start3A_121 = arith.constant 0 : i32
      %dma_start3A_122 = tpu.memref_slice %arg2[%dma_start3A_120, %dma_start3A_121] : memref<200000x16xf32, #tpu.memory_space<hbm>> -> memref<200000x16xf32, #tpu.memory_space<hbm>>
      tpu.enqueue_indirect_dma source(%dma_start3A_122 : memref<200000x16xf32, #tpu.memory_space<hbm>>) target(%dma_start3A_116 : memref<128x16xf32, #tpu.memory_space<vmem>>) offsets(%dma_start3A_119 : memref<128xi32, #tpu.memory_space<vmem>>) semaphore(%arg12 : memref<!tpu.dma_semaphore, #tpu.memory_space<semaphore_mem>>) {add = true}
      %dma_wait3A = arith.constant 0 : i32
      %dma_wait3A_123 = arith.constant 0 : i32
      %dma_wait3A_124 = arith.constant 0 : i32
      %dma_wait3A_125 = tpu.memref_slice %arg10[%dma_wait3A_123, %dma_wait3A_124] : memref<1024x16xf32, #tpu.memory_space<vmem>> -> memref<128x16xf32, #tpu.memory_space<vmem>>
      %dma_wait3A_126 = arith.constant 0 : i32
      %dma_wait3A_127 = tpu.memref_slice %arg8[%dma_wait3A, %dma_wait3A_126] : memref<8x128xi32, #tpu.memory_space<vmem>> -> memref<1x128xi32, #tpu.memory_space<vmem>>
      %dma_wait3A_128 = tpu.memref_squeeze %dma_wait3A_127 : memref<1x128xi32, #tpu.memory_space<vmem>> -> memref<128xi32, #tpu.memory_space<vmem>>
      %dma_wait3A_129 = arith.constant 0 : i32
      %dma_wait3A_130 = arith.constant 0 : i32
      %dma_wait3A_131 = tpu.memref_slice %arg2[%dma_wait3A_129, %dma_wait3A_130] : memref<200000x16xf32, #tpu.memory_space<hbm>> -> memref<200000x16xf32, #tpu.memory_space<hbm>>
      tpu.wait_indirect_dma semaphore(%arg12 : memref<!tpu.dma_semaphore, #tpu.memory_space<semaphore_mem>>) src(%dma_wait3A_131 : memref<200000x16xf32, #tpu.memory_space<hbm>>) dst(%dma_wait3A_125 : memref<128x16xf32, #tpu.memory_space<vmem>>)
      %dma_wait3A_132 = arith.constant 1 : i32
      %dma_wait3A_133 = arith.constant 128 : i32
      %dma_wait3A_134 = arith.constant 0 : i32
      %dma_wait3A_135 = tpu.memref_slice %arg10[%dma_wait3A_133, %dma_wait3A_134] : memref<1024x16xf32, #tpu.memory_space<vmem>> -> memref<128x16xf32, #tpu.memory_space<vmem>>
      %dma_wait3A_136 = arith.constant 0 : i32
      %dma_wait3A_137 = tpu.memref_slice %arg8[%dma_wait3A_132, %dma_wait3A_136] : memref<8x128xi32, #tpu.memory_space<vmem>> -> memref<1x128xi32, #tpu.memory_space<vmem>>
      %dma_wait3A_138 = tpu.memref_squeeze %dma_wait3A_137 : memref<1x128xi32, #tpu.memory_space<vmem>> -> memref<128xi32, #tpu.memory_space<vmem>>
      %dma_wait3A_139 = arith.constant 0 : i32
      %dma_wait3A_140 = arith.constant 0 : i32
      %dma_wait3A_141 = tpu.memref_slice %arg2[%dma_wait3A_139, %dma_wait3A_140] : memref<200000x16xf32, #tpu.memory_space<hbm>> -> memref<200000x16xf32, #tpu.memory_space<hbm>>
      tpu.wait_indirect_dma semaphore(%arg12 : memref<!tpu.dma_semaphore, #tpu.memory_space<semaphore_mem>>) src(%dma_wait3A_141 : memref<200000x16xf32, #tpu.memory_space<hbm>>) dst(%dma_wait3A_135 : memref<128x16xf32, #tpu.memory_space<vmem>>)
      %dma_wait3A_142 = arith.constant 2 : i32
      %dma_wait3A_143 = arith.constant 256 : i32
      %dma_wait3A_144 = arith.constant 0 : i32
      %dma_wait3A_145 = tpu.memref_slice %arg10[%dma_wait3A_143, %dma_wait3A_144] : memref<1024x16xf32, #tpu.memory_space<vmem>> -> memref<128x16xf32, #tpu.memory_space<vmem>>
      %dma_wait3A_146 = arith.constant 0 : i32
      %dma_wait3A_147 = tpu.memref_slice %arg8[%dma_wait3A_142, %dma_wait3A_146] : memref<8x128xi32, #tpu.memory_space<vmem>> -> memref<1x128xi32, #tpu.memory_space<vmem>>
      %dma_wait3A_148 = tpu.memref_squeeze %dma_wait3A_147 : memref<1x128xi32, #tpu.memory_space<vmem>> -> memref<128xi32, #tpu.memory_space<vmem>>
      %dma_wait3A_149 = arith.constant 0 : i32
      %dma_wait3A_150 = arith.constant 0 : i32
      %dma_wait3A_151 = tpu.memref_slice %arg2[%dma_wait3A_149, %dma_wait3A_150] : memref<200000x16xf32, #tpu.memory_space<hbm>> -> memref<200000x16xf32, #tpu.memory_space<hbm>>
      tpu.wait_indirect_dma semaphore(%arg12 : memref<!tpu.dma_semaphore, #tpu.memory_space<semaphore_mem>>) src(%dma_wait3A_151 : memref<200000x16xf32, #tpu.memory_space<hbm>>) dst(%dma_wait3A_145 : memref<128x16xf32, #tpu.memory_space<vmem>>)
      %dma_wait3A_152 = arith.constant 3 : i32
      %dma_wait3A_153 = arith.constant 384 : i32
      %dma_wait3A_154 = arith.constant 0 : i32
      %dma_wait3A_155 = tpu.memref_slice %arg10[%dma_wait3A_153, %dma_wait3A_154] : memref<1024x16xf32, #tpu.memory_space<vmem>> -> memref<128x16xf32, #tpu.memory_space<vmem>>
      %dma_wait3A_156 = arith.constant 0 : i32
      %dma_wait3A_157 = tpu.memref_slice %arg8[%dma_wait3A_152, %dma_wait3A_156] : memref<8x128xi32, #tpu.memory_space<vmem>> -> memref<1x128xi32, #tpu.memory_space<vmem>>
      %dma_wait3A_158 = tpu.memref_squeeze %dma_wait3A_157 : memref<1x128xi32, #tpu.memory_space<vmem>> -> memref<128xi32, #tpu.memory_space<vmem>>
      %dma_wait3A_159 = arith.constant 0 : i32
      %dma_wait3A_160 = arith.constant 0 : i32
      %dma_wait3A_161 = tpu.memref_slice %arg2[%dma_wait3A_159, %dma_wait3A_160] : memref<200000x16xf32, #tpu.memory_space<hbm>> -> memref<200000x16xf32, #tpu.memory_space<hbm>>
      tpu.wait_indirect_dma semaphore(%arg12 : memref<!tpu.dma_semaphore, #tpu.memory_space<semaphore_mem>>) src(%dma_wait3A_161 : memref<200000x16xf32, #tpu.memory_space<hbm>>) dst(%dma_wait3A_155 : memref<128x16xf32, #tpu.memory_space<vmem>>)
      %dma_wait3A_162 = arith.constant 4 : i32
      %dma_wait3A_163 = arith.constant 512 : i32
      %dma_wait3A_164 = arith.constant 0 : i32
      %dma_wait3A_165 = tpu.memref_slice %arg10[%dma_wait3A_163, %dma_wait3A_164] : memref<1024x16xf32, #tpu.memory_space<vmem>> -> memref<128x16xf32, #tpu.memory_space<vmem>>
      %dma_wait3A_166 = arith.constant 0 : i32
      %dma_wait3A_167 = tpu.memref_slice %arg8[%dma_wait3A_162, %dma_wait3A_166] : memref<8x128xi32, #tpu.memory_space<vmem>> -> memref<1x128xi32, #tpu.memory_space<vmem>>
      %dma_wait3A_168 = tpu.memref_squeeze %dma_wait3A_167 : memref<1x128xi32, #tpu.memory_space<vmem>> -> memref<128xi32, #tpu.memory_space<vmem>>
      %dma_wait3A_169 = arith.constant 0 : i32
      %dma_wait3A_170 = arith.constant 0 : i32
      %dma_wait3A_171 = tpu.memref_slice %arg2[%dma_wait3A_169, %dma_wait3A_170] : memref<200000x16xf32, #tpu.memory_space<hbm>> -> memref<200000x16xf32, #tpu.memory_space<hbm>>
      tpu.wait_indirect_dma semaphore(%arg12 : memref<!tpu.dma_semaphore, #tpu.memory_space<semaphore_mem>>) src(%dma_wait3A_171 : memref<200000x16xf32, #tpu.memory_space<hbm>>) dst(%dma_wait3A_165 : memref<128x16xf32, #tpu.memory_space<vmem>>)
      %dma_wait3A_172 = arith.constant 5 : i32
      %dma_wait3A_173 = arith.constant 640 : i32
      %dma_wait3A_174 = arith.constant 0 : i32
      %dma_wait3A_175 = tpu.memref_slice %arg10[%dma_wait3A_173, %dma_wait3A_174] : memref<1024x16xf32, #tpu.memory_space<vmem>> -> memref<128x16xf32, #tpu.memory_space<vmem>>
      %dma_wait3A_176 = arith.constant 0 : i32
      %dma_wait3A_177 = tpu.memref_slice %arg8[%dma_wait3A_172, %dma_wait3A_176] : memref<8x128xi32, #tpu.memory_space<vmem>> -> memref<1x128xi32, #tpu.memory_space<vmem>>
      %dma_wait3A_178 = tpu.memref_squeeze %dma_wait3A_177 : memref<1x128xi32, #tpu.memory_space<vmem>> -> memref<128xi32, #tpu.memory_space<vmem>>
      %dma_wait3A_179 = arith.constant 0 : i32
      %dma_wait3A_180 = arith.constant 0 : i32
      %dma_wait3A_181 = tpu.memref_slice %arg2[%dma_wait3A_179, %dma_wait3A_180] : memref<200000x16xf32, #tpu.memory_space<hbm>> -> memref<200000x16xf32, #tpu.memory_space<hbm>>
      tpu.wait_indirect_dma semaphore(%arg12 : memref<!tpu.dma_semaphore, #tpu.memory_space<semaphore_mem>>) src(%dma_wait3A_181 : memref<200000x16xf32, #tpu.memory_space<hbm>>) dst(%dma_wait3A_175 : memref<128x16xf32, #tpu.memory_space<vmem>>)
      %dma_wait3A_182 = arith.constant 6 : i32
      %dma_wait3A_183 = arith.constant 768 : i32
      %dma_wait3A_184 = arith.constant 0 : i32
      %dma_wait3A_185 = tpu.memref_slice %arg10[%dma_wait3A_183, %dma_wait3A_184] : memref<1024x16xf32, #tpu.memory_space<vmem>> -> memref<128x16xf32, #tpu.memory_space<vmem>>
      %dma_wait3A_186 = arith.constant 0 : i32
      %dma_wait3A_187 = tpu.memref_slice %arg8[%dma_wait3A_182, %dma_wait3A_186] : memref<8x128xi32, #tpu.memory_space<vmem>> -> memref<1x128xi32, #tpu.memory_space<vmem>>
      %dma_wait3A_188 = tpu.memref_squeeze %dma_wait3A_187 : memref<1x128xi32, #tpu.memory_space<vmem>> -> memref<128xi32, #tpu.memory_space<vmem>>
      %dma_wait3A_189 = arith.constant 0 : i32
      %dma_wait3A_190 = arith.constant 0 : i32
      %dma_wait3A_191 = tpu.memref_slice %arg2[%dma_wait3A_189, %dma_wait3A_190] : memref<200000x16xf32, #tpu.memory_space<hbm>> -> memref<200000x16xf32, #tpu.memory_space<hbm>>
      tpu.wait_indirect_dma semaphore(%arg12 : memref<!tpu.dma_semaphore, #tpu.memory_space<semaphore_mem>>) src(%dma_wait3A_191 : memref<200000x16xf32, #tpu.memory_space<hbm>>) dst(%dma_wait3A_185 : memref<128x16xf32, #tpu.memory_space<vmem>>)
      %dma_wait3A_192 = arith.constant 7 : i32
      %dma_wait3A_193 = arith.constant 896 : i32
      %dma_wait3A_194 = arith.constant 0 : i32
      %dma_wait3A_195 = tpu.memref_slice %arg10[%dma_wait3A_193, %dma_wait3A_194] : memref<1024x16xf32, #tpu.memory_space<vmem>> -> memref<128x16xf32, #tpu.memory_space<vmem>>
      %dma_wait3A_196 = arith.constant 0 : i32
      %dma_wait3A_197 = tpu.memref_slice %arg8[%dma_wait3A_192, %dma_wait3A_196] : memref<8x128xi32, #tpu.memory_space<vmem>> -> memref<1x128xi32, #tpu.memory_space<vmem>>
      %dma_wait3A_198 = tpu.memref_squeeze %dma_wait3A_197 : memref<1x128xi32, #tpu.memory_space<vmem>> -> memref<128xi32, #tpu.memory_space<vmem>>
      %dma_wait3A_199 = arith.constant 0 : i32
      %dma_wait3A_200 = arith.constant 0 : i32
      %dma_wait3A_201 = tpu.memref_slice %arg2[%dma_wait3A_199, %dma_wait3A_200] : memref<200000x16xf32, #tpu.memory_space<hbm>> -> memref<200000x16xf32, #tpu.memory_space<hbm>>
      tpu.wait_indirect_dma semaphore(%arg12 : memref<!tpu.dma_semaphore, #tpu.memory_space<semaphore_mem>>) src(%dma_wait3A_201 : memref<200000x16xf32, #tpu.memory_space<hbm>>) dst(%dma_wait3A_195 : memref<128x16xf32, #tpu.memory_space<vmem>>)
      %parallel_loop3A = arith.constant 0 : i32
      %parallel_loop3A_202 = arith.constant 1024 : i32
      %parallel_loop3A_203 = arith.constant 1 : i32
      scf.for %parallel_loop3A_212 = %parallel_loop3A to %parallel_loop3A_202 step %parallel_loop3A_203  : i32 {
        %parallel_loop3A_213 = arith.index_cast %parallel_loop3A_212 : i32 to index
        %parallel_loop3A_214 = arith.constant 0 : index
        %parallel_loop3A_215 = tpu.vector_load %arg10[%parallel_loop3A_213, %parallel_loop3A_214] {strides = array<i32>} : memref<1024x16xf32, #tpu.memory_space<vmem>>, vector<1x16xf32>,
        %parallel_loop3A_216 = vector.shape_cast %parallel_loop3A_215 : vector<1x16xf32> to vector<16xf32>
        %parallel_loop3A_217 = arith.constant 0.000000e+00 : f32
        %parallel_loop3A_218 = vector.broadcast %parallel_loop3A_217 : f32 to vector<16xf32>
        %parallel_loop3A_219 = arith.maximumf %parallel_loop3A_216, %parallel_loop3A_218 : vector<16xf32>
        %parallel_loop3A_220 = arith.index_cast %parallel_loop3A_212 : i32 to index
        %parallel_loop3A_221 = arith.constant 0 : index
        %parallel_loop3A_222 = tpu.vector_load %arg10[%parallel_loop3A_220, %parallel_loop3A_221] {strides = array<i32>} : memref<1024x16xf32, #tpu.memory_space<vmem>>, vector<1x16xf32>,
        %parallel_loop3A_223 = vector.shape_cast %parallel_loop3A_222 : vector<1x16xf32> to vector<16xf32>
        %parallel_loop3A_224 = vector.shape_cast %parallel_loop3A_219 : vector<16xf32> to vector<1x16xf32>
        tpu.vector_store %arg10[%parallel_loop3A_220, %parallel_loop3A_221], %parallel_loop3A_224 {strides = array<i32>} : memref<1024x16xf32, #tpu.memory_space<vmem>>, vector<1x16xf32>,
      } {sc.loop_unroll_factor = 8 : i64, sc.parallel_access}
      %run_scoped3A_204 = arith.constant 0 : i32
      "tpu.region"() ({
        %run_scoped3A_212 = tpu.sem_alloc : memref<!tpu.dma_semaphore, #tpu.memory_space<semaphore_mem>>
        %dma_start3A_213 = arith.constant 0 : i32
        %dma_start3A_214 = arith.constant 0 : i32
        %dma_start3A_215 = tpu.memref_slice %arg10[%dma_start3A_213, %dma_start3A_214] : memref<1024x16xf32, #tpu.memory_space<vmem>> -> memref<128x16xf32, #tpu.memory_space<vmem>>
        %dma_start3A_216 = arith.constant 0 : i32
        %dma_start3A_217 = tpu.memref_slice %arg9[%run_scoped3A_204, %dma_start3A_216] : memref<8x128xi32, #tpu.memory_space<vmem>> -> memref<1x128xi32, #tpu.memory_space<vmem>>
        %dma_start3A_218 = tpu.memref_squeeze %dma_start3A_217 : memref<1x128xi32, #tpu.memory_space<vmem>> -> memref<128xi32, #tpu.memory_space<vmem>>
        %dma_start3A_219 = arith.constant 0 : i32
        %dma_start3A_220 = arith.constant 0 : i32
        %dma_start3A_221 = tpu.memref_slice %arg11[%dma_start3A_219, %dma_start3A_220] : memref<50048x16xf32, #tpu.memory_space<vmem_shared>> -> memref<50048x16xf32, #tpu.memory_space<vmem_shared>>
        tpu.enqueue_indirect_dma source(%dma_start3A_215 : memref<128x16xf32, #tpu.memory_space<vmem>>) target(%dma_start3A_221 : memref<50048x16xf32, #tpu.memory_space<vmem_shared>>) offsets(%dma_start3A_218 : memref<128xi32, #tpu.memory_space<vmem>>) semaphore(%run_scoped3A_212 : memref<!tpu.dma_semaphore, #tpu.memory_space<semaphore_mem>>) {add = true}
        %dma_wait3A_222 = arith.constant 0 : i32
        %dma_wait3A_223 = arith.constant 0 : i32
        %dma_wait3A_224 = tpu.memref_slice %arg10[%dma_wait3A_222, %dma_wait3A_223] : memref<1024x16xf32, #tpu.memory_space<vmem>> -> memref<128x16xf32, #tpu.memory_space<vmem>>
        %dma_wait3A_225 = arith.constant 0 : i32
        %dma_wait3A_226 = tpu.memref_slice %arg9[%run_scoped3A_204, %dma_wait3A_225] : memref<8x128xi32, #tpu.memory_space<vmem>> -> memref<1x128xi32, #tpu.memory_space<vmem>>
        %dma_wait3A_227 = tpu.memref_squeeze %dma_wait3A_226 : memref<1x128xi32, #tpu.memory_space<vmem>> -> memref<128xi32, #tpu.memory_space<vmem>>
        %dma_wait3A_228 = arith.constant 0 : i32
        %dma_wait3A_229 = arith.constant 0 : i32
        %dma_wait3A_230 = tpu.memref_slice %arg11[%dma_wait3A_228, %dma_wait3A_229] : memref<50048x16xf32, #tpu.memory_space<vmem_shared>> -> memref<50048x16xf32, #tpu.memory_space<vmem_shared>>
        tpu.wait_indirect_dma semaphore(%run_scoped3A_212 : memref<!tpu.dma_semaphore, #tpu.memory_space<semaphore_mem>>) src(%dma_wait3A_224 : memref<128x16xf32, #tpu.memory_space<vmem>>) dst(%dma_wait3A_230 : memref<50048x16xf32, #tpu.memory_space<vmem_shared>>)
        tpu.yield
      }) : () -> ()
      %run_scoped3A_205 = arith.constant 1 : i32
      "tpu.region"() ({
        %run_scoped3A_212 = tpu.sem_alloc : memref<!tpu.dma_semaphore, #tpu.memory_space<semaphore_mem>>
        %dma_start3A_213 = arith.constant 128 : i32
        %dma_start3A_214 = arith.constant 0 : i32
        %dma_start3A_215 = tpu.memref_slice %arg10[%dma_start3A_213, %dma_start3A_214] : memref<1024x16xf32, #tpu.memory_space<vmem>> -> memref<128x16xf32, #tpu.memory_space<vmem>>
        %dma_start3A_216 = arith.constant 0 : i32
        %dma_start3A_217 = tpu.memref_slice %arg9[%run_scoped3A_205, %dma_start3A_216] : memref<8x128xi32, #tpu.memory_space<vmem>> -> memref<1x128xi32, #tpu.memory_space<vmem>>
        %dma_start3A_218 = tpu.memref_squeeze %dma_start3A_217 : memref<1x128xi32, #tpu.memory_space<vmem>> -> memref<128xi32, #tpu.memory_space<vmem>>
        %dma_start3A_219 = arith.constant 0 : i32
        %dma_start3A_220 = arith.constant 0 : i32
        %dma_start3A_221 = tpu.memref_slice %arg11[%dma_start3A_219, %dma_start3A_220] : memref<50048x16xf32, #tpu.memory_space<vmem_shared>> -> memref<50048x16xf32, #tpu.memory_space<vmem_shared>>
        tpu.enqueue_indirect_dma source(%dma_start3A_215 : memref<128x16xf32, #tpu.memory_space<vmem>>) target(%dma_start3A_221 : memref<50048x16xf32, #tpu.memory_space<vmem_shared>>) offsets(%dma_start3A_218 : memref<128xi32, #tpu.memory_space<vmem>>) semaphore(%run_scoped3A_212 : memref<!tpu.dma_semaphore, #tpu.memory_space<semaphore_mem>>) {add = true}
        %dma_wait3A_222 = arith.constant 128 : i32
        %dma_wait3A_223 = arith.constant 0 : i32
        %dma_wait3A_224 = tpu.memref_slice %arg10[%dma_wait3A_222, %dma_wait3A_223] : memref<1024x16xf32, #tpu.memory_space<vmem>> -> memref<128x16xf32, #tpu.memory_space<vmem>>
        %dma_wait3A_225 = arith.constant 0 : i32
        %dma_wait3A_226 = tpu.memref_slice %arg9[%run_scoped3A_205, %dma_wait3A_225] : memref<8x128xi32, #tpu.memory_space<vmem>> -> memref<1x128xi32, #tpu.memory_space<vmem>>
        %dma_wait3A_227 = tpu.memref_squeeze %dma_wait3A_226 : memref<1x128xi32, #tpu.memory_space<vmem>> -> memref<128xi32, #tpu.memory_space<vmem>>
        %dma_wait3A_228 = arith.constant 0 : i32
        %dma_wait3A_229 = arith.constant 0 : i32
        %dma_wait3A_230 = tpu.memref_slice %arg11[%dma_wait3A_228, %dma_wait3A_229] : memref<50048x16xf32, #tpu.memory_space<vmem_shared>> -> memref<50048x16xf32, #tpu.memory_space<vmem_shared>>
        tpu.wait_indirect_dma semaphore(%run_scoped3A_212 : memref<!tpu.dma_semaphore, #tpu.memory_space<semaphore_mem>>) src(%dma_wait3A_224 : memref<128x16xf32, #tpu.memory_space<vmem>>) dst(%dma_wait3A_230 : memref<50048x16xf32, #tpu.memory_space<vmem_shared>>)
        tpu.yield
      }) : () -> ()
      %run_scoped3A_206 = arith.constant 2 : i32
      "tpu.region"() ({
        %run_scoped3A_212 = tpu.sem_alloc : memref<!tpu.dma_semaphore, #tpu.memory_space<semaphore_mem>>
        %dma_start3A_213 = arith.constant 256 : i32
        %dma_start3A_214 = arith.constant 0 : i32
        %dma_start3A_215 = tpu.memref_slice %arg10[%dma_start3A_213, %dma_start3A_214] : memref<1024x16xf32, #tpu.memory_space<vmem>> -> memref<128x16xf32, #tpu.memory_space<vmem>>
        %dma_start3A_216 = arith.constant 0 : i32
        %dma_start3A_217 = tpu.memref_slice %arg9[%run_scoped3A_206, %dma_start3A_216] : memref<8x128xi32, #tpu.memory_space<vmem>> -> memref<1x128xi32, #tpu.memory_space<vmem>>
        %dma_start3A_218 = tpu.memref_squeeze %dma_start3A_217 : memref<1x128xi32, #tpu.memory_space<vmem>> -> memref<128xi32, #tpu.memory_space<vmem>>
        %dma_start3A_219 = arith.constant 0 : i32
        %dma_start3A_220 = arith.constant 0 : i32
        %dma_start3A_221 = tpu.memref_slice %arg11[%dma_start3A_219, %dma_start3A_220] : memref<50048x16xf32, #tpu.memory_space<vmem_shared>> -> memref<50048x16xf32, #tpu.memory_space<vmem_shared>>
        tpu.enqueue_indirect_dma source(%dma_start3A_215 : memref<128x16xf32, #tpu.memory_space<vmem>>) target(%dma_start3A_221 : memref<50048x16xf32, #tpu.memory_space<vmem_shared>>) offsets(%dma_start3A_218 : memref<128xi32, #tpu.memory_space<vmem>>) semaphore(%run_scoped3A_212 : memref<!tpu.dma_semaphore, #tpu.memory_space<semaphore_mem>>) {add = true}
        %dma_wait3A_222 = arith.constant 256 : i32
        %dma_wait3A_223 = arith.constant 0 : i32
        %dma_wait3A_224 = tpu.memref_slice %arg10[%dma_wait3A_222, %dma_wait3A_223] : memref<1024x16xf32, #tpu.memory_space<vmem>> -> memref<128x16xf32, #tpu.memory_space<vmem>>
        %dma_wait3A_225 = arith.constant 0 : i32
        %dma_wait3A_226 = tpu.memref_slice %arg9[%run_scoped3A_206, %dma_wait3A_225] : memref<8x128xi32, #tpu.memory_space<vmem>> -> memref<1x128xi32, #tpu.memory_space<vmem>>
        %dma_wait3A_227 = tpu.memref_squeeze %dma_wait3A_226 : memref<1x128xi32, #tpu.memory_space<vmem>> -> memref<128xi32, #tpu.memory_space<vmem>>
        %dma_wait3A_228 = arith.constant 0 : i32
        %dma_wait3A_229 = arith.constant 0 : i32
        %dma_wait3A_230 = tpu.memref_slice %arg11[%dma_wait3A_228, %dma_wait3A_229] : memref<50048x16xf32, #tpu.memory_space<vmem_shared>> -> memref<50048x16xf32, #tpu.memory_space<vmem_shared>>
        tpu.wait_indirect_dma semaphore(%run_scoped3A_212 : memref<!tpu.dma_semaphore, #tpu.memory_space<semaphore_mem>>) src(%dma_wait3A_224 : memref<128x16xf32, #tpu.memory_space<vmem>>) dst(%dma_wait3A_230 : memref<50048x16xf32, #tpu.memory_space<vmem_shared>>)
        tpu.yield
      }) : () -> ()
      %run_scoped3A_207 = arith.constant 3 : i32
      "tpu.region"() ({
        %run_scoped3A_212 = tpu.sem_alloc : memref<!tpu.dma_semaphore, #tpu.memory_space<semaphore_mem>>
        %dma_start3A_213 = arith.constant 384 : i32
        %dma_start3A_214 = arith.constant 0 : i32
        %dma_start3A_215 = tpu.memref_slice %arg10[%dma_start3A_213, %dma_start3A_214] : memref<1024x16xf32, #tpu.memory_space<vmem>> -> memref<128x16xf32, #tpu.memory_space<vmem>>
        %dma_start3A_216 = arith.constant 0 : i32
        %dma_start3A_217 = tpu.memref_slice %arg9[%run_scoped3A_207, %dma_start3A_216] : memref<8x128xi32, #tpu.memory_space<vmem>> -> memref<1x128xi32, #tpu.memory_space<vmem>>
        %dma_start3A_218 = tpu.memref_squeeze %dma_start3A_217 : memref<1x128xi32, #tpu.memory_space<vmem>> -> memref<128xi32, #tpu.memory_space<vmem>>
        %dma_start3A_219 = arith.constant 0 : i32
        %dma_start3A_220 = arith.constant 0 : i32
        %dma_start3A_221 = tpu.memref_slice %arg11[%dma_start3A_219, %dma_start3A_220] : memref<50048x16xf32, #tpu.memory_space<vmem_shared>> -> memref<50048x16xf32, #tpu.memory_space<vmem_shared>>
        tpu.enqueue_indirect_dma source(%dma_start3A_215 : memref<128x16xf32, #tpu.memory_space<vmem>>) target(%dma_start3A_221 : memref<50048x16xf32, #tpu.memory_space<vmem_shared>>) offsets(%dma_start3A_218 : memref<128xi32, #tpu.memory_space<vmem>>) semaphore(%run_scoped3A_212 : memref<!tpu.dma_semaphore, #tpu.memory_space<semaphore_mem>>) {add = true}
        %dma_wait3A_222 = arith.constant 384 : i32
        %dma_wait3A_223 = arith.constant 0 : i32
        %dma_wait3A_224 = tpu.memref_slice %arg10[%dma_wait3A_222, %dma_wait3A_223] : memref<1024x16xf32, #tpu.memory_space<vmem>> -> memref<128x16xf32, #tpu.memory_space<vmem>>
        %dma_wait3A_225 = arith.constant 0 : i32
        %dma_wait3A_226 = tpu.memref_slice %arg9[%run_scoped3A_207, %dma_wait3A_225] : memref<8x128xi32, #tpu.memory_space<vmem>> -> memref<1x128xi32, #tpu.memory_space<vmem>>
        %dma_wait3A_227 = tpu.memref_squeeze %dma_wait3A_226 : memref<1x128xi32, #tpu.memory_space<vmem>> -> memref<128xi32, #tpu.memory_space<vmem>>
        %dma_wait3A_228 = arith.constant 0 : i32
        %dma_wait3A_229 = arith.constant 0 : i32
        %dma_wait3A_230 = tpu.memref_slice %arg11[%dma_wait3A_228, %dma_wait3A_229] : memref<50048x16xf32, #tpu.memory_space<vmem_shared>> -> memref<50048x16xf32, #tpu.memory_space<vmem_shared>>
        tpu.wait_indirect_dma semaphore(%run_scoped3A_212 : memref<!tpu.dma_semaphore, #tpu.memory_space<semaphore_mem>>) src(%dma_wait3A_224 : memref<128x16xf32, #tpu.memory_space<vmem>>) dst(%dma_wait3A_230 : memref<50048x16xf32, #tpu.memory_space<vmem_shared>>)
        tpu.yield
      }) : () -> ()
      %run_scoped3A_208 = arith.constant 4 : i32
      "tpu.region"() ({
        %run_scoped3A_212 = tpu.sem_alloc : memref<!tpu.dma_semaphore, #tpu.memory_space<semaphore_mem>>
        %dma_start3A_213 = arith.constant 512 : i32
        %dma_start3A_214 = arith.constant 0 : i32
        %dma_start3A_215 = tpu.memref_slice %arg10[%dma_start3A_213, %dma_start3A_214] : memref<1024x16xf32, #tpu.memory_space<vmem>> -> memref<128x16xf32, #tpu.memory_space<vmem>>
        %dma_start3A_216 = arith.constant 0 : i32
        %dma_start3A_217 = tpu.memref_slice %arg9[%run_scoped3A_208, %dma_start3A_216] : memref<8x128xi32, #tpu.memory_space<vmem>> -> memref<1x128xi32, #tpu.memory_space<vmem>>
        %dma_start3A_218 = tpu.memref_squeeze %dma_start3A_217 : memref<1x128xi32, #tpu.memory_space<vmem>> -> memref<128xi32, #tpu.memory_space<vmem>>
        %dma_start3A_219 = arith.constant 0 : i32
        %dma_start3A_220 = arith.constant 0 : i32
        %dma_start3A_221 = tpu.memref_slice %arg11[%dma_start3A_219, %dma_start3A_220] : memref<50048x16xf32, #tpu.memory_space<vmem_shared>> -> memref<50048x16xf32, #tpu.memory_space<vmem_shared>>
        tpu.enqueue_indirect_dma source(%dma_start3A_215 : memref<128x16xf32, #tpu.memory_space<vmem>>) target(%dma_start3A_221 : memref<50048x16xf32, #tpu.memory_space<vmem_shared>>) offsets(%dma_start3A_218 : memref<128xi32, #tpu.memory_space<vmem>>) semaphore(%run_scoped3A_212 : memref<!tpu.dma_semaphore, #tpu.memory_space<semaphore_mem>>) {add = true}
        %dma_wait3A_222 = arith.constant 512 : i32
        %dma_wait3A_223 = arith.constant 0 : i32
        %dma_wait3A_224 = tpu.memref_slice %arg10[%dma_wait3A_222, %dma_wait3A_223] : memref<1024x16xf32, #tpu.memory_space<vmem>> -> memref<128x16xf32, #tpu.memory_space<vmem>>
        %dma_wait3A_225 = arith.constant 0 : i32
        %dma_wait3A_226 = tpu.memref_slice %arg9[%run_scoped3A_208, %dma_wait3A_225] : memref<8x128xi32, #tpu.memory_space<vmem>> -> memref<1x128xi32, #tpu.memory_space<vmem>>
        %dma_wait3A_227 = tpu.memref_squeeze %dma_wait3A_226 : memref<1x128xi32, #tpu.memory_space<vmem>> -> memref<128xi32, #tpu.memory_space<vmem>>
        %dma_wait3A_228 = arith.constant 0 : i32
        %dma_wait3A_229 = arith.constant 0 : i32
        %dma_wait3A_230 = tpu.memref_slice %arg11[%dma_wait3A_228, %dma_wait3A_229] : memref<50048x16xf32, #tpu.memory_space<vmem_shared>> -> memref<50048x16xf32, #tpu.memory_space<vmem_shared>>
        tpu.wait_indirect_dma semaphore(%run_scoped3A_212 : memref<!tpu.dma_semaphore, #tpu.memory_space<semaphore_mem>>) src(%dma_wait3A_224 : memref<128x16xf32, #tpu.memory_space<vmem>>) dst(%dma_wait3A_230 : memref<50048x16xf32, #tpu.memory_space<vmem_shared>>)
        tpu.yield
      }) : () -> ()
      %run_scoped3A_209 = arith.constant 5 : i32
      "tpu.region"() ({
        %run_scoped3A_212 = tpu.sem_alloc : memref<!tpu.dma_semaphore, #tpu.memory_space<semaphore_mem>>
        %dma_start3A_213 = arith.constant 640 : i32
        %dma_start3A_214 = arith.constant 0 : i32
        %dma_start3A_215 = tpu.memref_slice %arg10[%dma_start3A_213, %dma_start3A_214] : memref<1024x16xf32, #tpu.memory_space<vmem>> -> memref<128x16xf32, #tpu.memory_space<vmem>>
        %dma_start3A_216 = arith.constant 0 : i32
        %dma_start3A_217 = tpu.memref_slice %arg9[%run_scoped3A_209, %dma_start3A_216] : memref<8x128xi32, #tpu.memory_space<vmem>> -> memref<1x128xi32, #tpu.memory_space<vmem>>
        %dma_start3A_218 = tpu.memref_squeeze %dma_start3A_217 : memref<1x128xi32, #tpu.memory_space<vmem>> -> memref<128xi32, #tpu.memory_space<vmem>>
        %dma_start3A_219 = arith.constant 0 : i32
        %dma_start3A_220 = arith.constant 0 : i32
        %dma_start3A_221 = tpu.memref_slice %arg11[%dma_start3A_219, %dma_start3A_220] : memref<50048x16xf32, #tpu.memory_space<vmem_shared>> -> memref<50048x16xf32, #tpu.memory_space<vmem_shared>>
        tpu.enqueue_indirect_dma source(%dma_start3A_215 : memref<128x16xf32, #tpu.memory_space<vmem>>) target(%dma_start3A_221 : memref<50048x16xf32, #tpu.memory_space<vmem_shared>>) offsets(%dma_start3A_218 : memref<128xi32, #tpu.memory_space<vmem>>) semaphore(%run_scoped3A_212 : memref<!tpu.dma_semaphore, #tpu.memory_space<semaphore_mem>>) {add = true}
        %dma_wait3A_222 = arith.constant 640 : i32
        %dma_wait3A_223 = arith.constant 0 : i32
        %dma_wait3A_224 = tpu.memref_slice %arg10[%dma_wait3A_222, %dma_wait3A_223] : memref<1024x16xf32, #tpu.memory_space<vmem>> -> memref<128x16xf32, #tpu.memory_space<vmem>>
        %dma_wait3A_225 = arith.constant 0 : i32
        %dma_wait3A_226 = tpu.memref_slice %arg9[%run_scoped3A_209, %dma_wait3A_225] : memref<8x128xi32, #tpu.memory_space<vmem>> -> memref<1x128xi32, #tpu.memory_space<vmem>>
        %dma_wait3A_227 = tpu.memref_squeeze %dma_wait3A_226 : memref<1x128xi32, #tpu.memory_space<vmem>> -> memref<128xi32, #tpu.memory_space<vmem>>
        %dma_wait3A_228 = arith.constant 0 : i32
        %dma_wait3A_229 = arith.constant 0 : i32
        %dma_wait3A_230 = tpu.memref_slice %arg11[%dma_wait3A_228, %dma_wait3A_229] : memref<50048x16xf32, #tpu.memory_space<vmem_shared>> -> memref<50048x16xf32, #tpu.memory_space<vmem_shared>>
        tpu.wait_indirect_dma semaphore(%run_scoped3A_212 : memref<!tpu.dma_semaphore, #tpu.memory_space<semaphore_mem>>) src(%dma_wait3A_224 : memref<128x16xf32, #tpu.memory_space<vmem>>) dst(%dma_wait3A_230 : memref<50048x16xf32, #tpu.memory_space<vmem_shared>>)
        tpu.yield
      }) : () -> ()
      %run_scoped3A_210 = arith.constant 6 : i32
      "tpu.region"() ({
        %run_scoped3A_212 = tpu.sem_alloc : memref<!tpu.dma_semaphore, #tpu.memory_space<semaphore_mem>>
        %dma_start3A_213 = arith.constant 768 : i32
        %dma_start3A_214 = arith.constant 0 : i32
        %dma_start3A_215 = tpu.memref_slice %arg10[%dma_start3A_213, %dma_start3A_214] : memref<1024x16xf32, #tpu.memory_space<vmem>> -> memref<128x16xf32, #tpu.memory_space<vmem>>
        %dma_start3A_216 = arith.constant 0 : i32
        %dma_start3A_217 = tpu.memref_slice %arg9[%run_scoped3A_210, %dma_start3A_216] : memref<8x128xi32, #tpu.memory_space<vmem>> -> memref<1x128xi32, #tpu.memory_space<vmem>>
        %dma_start3A_218 = tpu.memref_squeeze %dma_start3A_217 : memref<1x128xi32, #tpu.memory_space<vmem>> -> memref<128xi32, #tpu.memory_space<vmem>>
        %dma_start3A_219 = arith.constant 0 : i32
        %dma_start3A_220 = arith.constant 0 : i32
        %dma_start3A_221 = tpu.memref_slice %arg11[%dma_start3A_219, %dma_start3A_220] : memref<50048x16xf32, #tpu.memory_space<vmem_shared>> -> memref<50048x16xf32, #tpu.memory_space<vmem_shared>>
        tpu.enqueue_indirect_dma source(%dma_start3A_215 : memref<128x16xf32, #tpu.memory_space<vmem>>) target(%dma_start3A_221 : memref<50048x16xf32, #tpu.memory_space<vmem_shared>>) offsets(%dma_start3A_218 : memref<128xi32, #tpu.memory_space<vmem>>) semaphore(%run_scoped3A_212 : memref<!tpu.dma_semaphore, #tpu.memory_space<semaphore_mem>>) {add = true}
        %dma_wait3A_222 = arith.constant 768 : i32
        %dma_wait3A_223 = arith.constant 0 : i32
        %dma_wait3A_224 = tpu.memref_slice %arg10[%dma_wait3A_222, %dma_wait3A_223] : memref<1024x16xf32, #tpu.memory_space<vmem>> -> memref<128x16xf32, #tpu.memory_space<vmem>>
        %dma_wait3A_225 = arith.constant 0 : i32
        %dma_wait3A_226 = tpu.memref_slice %arg9[%run_scoped3A_210, %dma_wait3A_225] : memref<8x128xi32, #tpu.memory_space<vmem>> -> memref<1x128xi32, #tpu.memory_space<vmem>>
        %dma_wait3A_227 = tpu.memref_squeeze %dma_wait3A_226 : memref<1x128xi32, #tpu.memory_space<vmem>> -> memref<128xi32, #tpu.memory_space<vmem>>
        %dma_wait3A_228 = arith.constant 0 : i32
        %dma_wait3A_229 = arith.constant 0 : i32
        %dma_wait3A_230 = tpu.memref_slice %arg11[%dma_wait3A_228, %dma_wait3A_229] : memref<50048x16xf32, #tpu.memory_space<vmem_shared>> -> memref<50048x16xf32, #tpu.memory_space<vmem_shared>>
        tpu.wait_indirect_dma semaphore(%run_scoped3A_212 : memref<!tpu.dma_semaphore, #tpu.memory_space<semaphore_mem>>) src(%dma_wait3A_224 : memref<128x16xf32, #tpu.memory_space<vmem>>) dst(%dma_wait3A_230 : memref<50048x16xf32, #tpu.memory_space<vmem_shared>>)
        tpu.yield
      }) : () -> ()
      %run_scoped3A_211 = arith.constant 7 : i32
      "tpu.region"() ({
        %run_scoped3A_212 = tpu.sem_alloc : memref<!tpu.dma_semaphore, #tpu.memory_space<semaphore_mem>>
        %dma_start3A_213 = arith.constant 896 : i32
        %dma_start3A_214 = arith.constant 0 : i32
        %dma_start3A_215 = tpu.memref_slice %arg10[%dma_start3A_213, %dma_start3A_214] : memref<1024x16xf32, #tpu.memory_space<vmem>> -> memref<128x16xf32, #tpu.memory_space<vmem>>
        %dma_start3A_216 = arith.constant 0 : i32
        %dma_start3A_217 = tpu.memref_slice %arg9[%run_scoped3A_211, %dma_start3A_216] : memref<8x128xi32, #tpu.memory_space<vmem>> -> memref<1x128xi32, #tpu.memory_space<vmem>>
        %dma_start3A_218 = tpu.memref_squeeze %dma_start3A_217 : memref<1x128xi32, #tpu.memory_space<vmem>> -> memref<128xi32, #tpu.memory_space<vmem>>
        %dma_start3A_219 = arith.constant 0 : i32
        %dma_start3A_220 = arith.constant 0 : i32
        %dma_start3A_221 = tpu.memref_slice %arg11[%dma_start3A_219, %dma_start3A_220] : memref<50048x16xf32, #tpu.memory_space<vmem_shared>> -> memref<50048x16xf32, #tpu.memory_space<vmem_shared>>
        tpu.enqueue_indirect_dma source(%dma_start3A_215 : memref<128x16xf32, #tpu.memory_space<vmem>>) target(%dma_start3A_221 : memref<50048x16xf32, #tpu.memory_space<vmem_shared>>) offsets(%dma_start3A_218 : memref<128xi32, #tpu.memory_space<vmem>>) semaphore(%run_scoped3A_212 : memref<!tpu.dma_semaphore, #tpu.memory_space<semaphore_mem>>) {add = true}
        %dma_wait3A_222 = arith.constant 896 : i32
        %dma_wait3A_223 = arith.constant 0 : i32
        %dma_wait3A_224 = tpu.memref_slice %arg10[%dma_wait3A_222, %dma_wait3A_223] : memref<1024x16xf32, #tpu.memory_space<vmem>> -> memref<128x16xf32, #tpu.memory_space<vmem>>
        %dma_wait3A_225 = arith.constant 0 : i32
        %dma_wait3A_226 = tpu.memref_slice %arg9[%run_scoped3A_211, %dma_wait3A_225] : memref<8x128xi32, #tpu.memory_space<vmem>> -> memref<1x128xi32, #tpu.memory_space<vmem>>
        %dma_wait3A_227 = tpu.memref_squeeze %dma_wait3A_226 : memref<1x128xi32, #tpu.memory_space<vmem>> -> memref<128xi32, #tpu.memory_space<vmem>>
        %dma_wait3A_228 = arith.constant 0 : i32
        %dma_wait3A_229 = arith.constant 0 : i32
        %dma_wait3A_230 = tpu.memref_slice %arg11[%dma_wait3A_228, %dma_wait3A_229] : memref<50048x16xf32, #tpu.memory_space<vmem_shared>> -> memref<50048x16xf32, #tpu.memory_space<vmem_shared>>
        tpu.wait_indirect_dma semaphore(%run_scoped3A_212 : memref<!tpu.dma_semaphore, #tpu.memory_space<semaphore_mem>>) src(%dma_wait3A_224 : memref<128x16xf32, #tpu.memory_space<vmem>>) dst(%dma_wait3A_230 : memref<50048x16xf32, #tpu.memory_space<vmem_shared>>)
        tpu.yield
      }) : () -> ()
    }
    %scan3A_10 = arith.constant 49 : i32
    %barrier3A_11 = arith.constant 0 : index
    tpu.barrier barrier_id(%barrier3A_11)
    %mul3A_12 = arith.constant 3128 : i32
    %mul3A_13 = arith.muli %arg1, %mul3A_12 : i32
    %mul3A_14 = arith.constant 3128 : i32
    %mul3A_15 = arith.muli %arg1, %mul3A_14 : i32
    "tpu.region"() ({
      %run_scoped3A = tpu.sem_alloc : memref<!tpu.dma_semaphore, #tpu.memory_space<semaphore_mem>>
      %dma_start3A = arith.constant 0 : i32
      %dma_start3A_36 = tpu.memref_slice %arg7[%add3A_1, %mul3A_15, %dma_start3A] : memref<4x50048x16xf32, #tpu.memory_space<hbm>> -> memref<1x3128x16xf32, #tpu.memory_space<hbm>>
      %dma_start3A_37 = tpu.memref_squeeze %dma_start3A_36 : memref<1x3128x16xf32, #tpu.memory_space<hbm>> -> memref<3128x16xf32, #tpu.memory_space<hbm>>
      %dma_start3A_38 = arith.constant 0 : i32
      %dma_start3A_39 = tpu.memref_slice %arg11[%mul3A_13, %dma_start3A_38] : memref<50048x16xf32, #tpu.memory_space<vmem_shared>> -> memref<3128x16xf32, #tpu.memory_space<vmem_shared>>
      tpu.enqueue_dma source(%dma_start3A_39 : memref<3128x16xf32, #tpu.memory_space<vmem_shared>>) target(%dma_start3A_37 : memref<3128x16xf32, #tpu.memory_space<hbm>>) target_semaphore(%run_scoped3A : memref<!tpu.dma_semaphore, #tpu.memory_space<semaphore_mem>>)
      %dma_wait3A = arith.constant 0 : i32
      %dma_wait3A_40 = tpu.memref_slice %arg7[%add3A_1, %mul3A_15, %dma_wait3A] : memref<4x50048x16xf32, #tpu.memory_space<hbm>> -> memref<1x3128x16xf32, #tpu.memory_space<hbm>>
      %dma_wait3A_41 = tpu.memref_squeeze %dma_wait3A_40 : memref<1x3128x16xf32, #tpu.memory_space<hbm>> -> memref<3128x16xf32, #tpu.memory_space<hbm>>
      %dma_wait3A_42 = arith.constant 0 : i32
      %dma_wait3A_43 = tpu.memref_slice %arg11[%mul3A_13, %dma_wait3A_42] : memref<50048x16xf32, #tpu.memory_space<vmem_shared>> -> memref<3128x16xf32, #tpu.memory_space<vmem_shared>>
      tpu.wait_dma2 semaphore(%run_scoped3A : memref<!tpu.dma_semaphore, #tpu.memory_space<semaphore_mem>>) src(%dma_wait3A_43 : memref<3128x16xf32, #tpu.memory_space<vmem_shared>>) dst(%dma_wait3A_41 : memref<3128x16xf32, #tpu.memory_space<hbm>>)
      tpu.yield
    }) : () -> ()
    %mul3A_16 = arith.constant 2 : i32
    %mul3A_17 = arith.muli %mul3A_16, %arg0 : i32
    %add3A_18 = arith.constant 1 : i32
    %add3A_19 = arith.addi %mul3A_17, %add3A_18 : i32
    %mul3A_20 = arith.constant 3128 : i32
    %mul3A_21 = arith.muli %arg1, %mul3A_20 : i32
    %mul3A_22 = arith.constant 3128 : i32
    %mul3A_23 = arith.muli %arg1, %mul3A_22 : i32
    "tpu.region"() ({
      %run_scoped3A = tpu.sem_alloc : memref<!tpu.dma_semaphore, #tpu.memory_space<semaphore_mem>>
      %dma_start3A = arith.constant 0 : i32
      %dma_start3A_36 = tpu.memref_slice %arg11[%mul3A_23, %dma_start3A] : memref<50048x16xf32, #tpu.memory_space<vmem_shared>> -> memref<3128x16xf32, #tpu.memory_space<vmem_shared>>
      %dma_start3A_37 = arith.constant 0 : i32
      %dma_start3A_38 = tpu.memref_slice %arg6[%mul3A_21, %dma_start3A_37] : memref<50048x16xf32, #tpu.memory_space<hbm>> -> memref<3128x16xf32, #tpu.memory_space<hbm>>
      tpu.enqueue_dma source(%dma_start3A_38 : memref<3128x16xf32, #tpu.memory_space<hbm>>) target(%dma_start3A_36 : memref<3128x16xf32, #tpu.memory_space<vmem_shared>>) target_semaphore(%run_scoped3A : memref<!tpu.dma_semaphore, #tpu.memory_space<semaphore_mem>>)
      %dma_wait3A = arith.constant 0 : i32
      %dma_wait3A_39 = tpu.memref_slice %arg11[%mul3A_23, %dma_wait3A] : memref<50048x16xf32, #tpu.memory_space<vmem_shared>> -> memref<3128x16xf32, #tpu.memory_space<vmem_shared>>
      %dma_wait3A_40 = arith.constant 0 : i32
      %dma_wait3A_41 = tpu.memref_slice %arg6[%mul3A_21, %dma_wait3A_40] : memref<50048x16xf32, #tpu.memory_space<hbm>> -> memref<3128x16xf32, #tpu.memory_space<hbm>>
      tpu.wait_dma2 semaphore(%run_scoped3A : memref<!tpu.dma_semaphore, #tpu.memory_space<semaphore_mem>>) src(%dma_wait3A_41 : memref<3128x16xf32, #tpu.memory_space<hbm>>) dst(%dma_wait3A_39 : memref<3128x16xf32, #tpu.memory_space<vmem_shared>>)
      tpu.yield
    }) : () -> ()
    %barrier3A_24 = arith.constant 0 : index
    tpu.barrier barrier_id(%barrier3A_24)
    %scan3A_25 = arith.constant 0 : i32
    %scan3A_26 = arith.constant 0 : i32
    %scan3A_27 = arith.constant 49 : i32
    %scan3A_28 = arith.addi %scan3A_26, %scan3A_27 : i32
    %scan3A_29 = arith.constant 1 : i32
    scf.for %scan3A_36 = %scan3A_26 to %scan3A_28 step %scan3A_29  : i32 {
      %mul3A_37 = arith.constant 392 : i32
      %mul3A_38 = arith.muli %arg1, %mul3A_37 : i32
      %mul3A_39 = arith.constant 8 : i32
      %mul3A_40 = arith.muli %scan3A_36, %mul3A_39 : i32
      %add3A_41 = arith.addi %mul3A_38, %mul3A_40 : i32
      "tpu.region"() ({
        %run_scoped3A_212 = tpu.sem_alloc : memref<!tpu.dma_semaphore, #tpu.memory_space<semaphore_mem>>
        %dma_start3A_213 = arith.constant 0 : i32
        %dma_start3A_214 = tpu.memref_slice %arg4[%add3A_19, %add3A_41, %dma_start3A_213] : memref<4x6272x128xi32, #tpu.memory_space<hbm>> -> memref<1x8x128xi32, #tpu.memory_space<hbm>>
        %dma_start3A_215 = tpu.memref_squeeze %dma_start3A_214 : memref<1x8x128xi32, #tpu.memory_space<hbm>> -> memref<8x128xi32, #tpu.memory_space<hbm>>
        %dma_start3A_216 = arith.constant 0 : i32
        %dma_start3A_217 = tpu.memref_slice %arg4[%add3A_19, %add3A_41, %dma_start3A_216] : memref<4x6272x128xi32, #tpu.memory_space<hbm>> -> memref<1x8x128xi32, #tpu.memory_space<hbm>>
        %dma_start3A_218 = tpu.memref_squeeze %dma_start3A_217 : memref<1x8x128xi32, #tpu.memory_space<hbm>> -> memref<8x128xi32, #tpu.memory_space<hbm>>
        tpu.enqueue_dma source(%dma_start3A_218 : memref<8x128xi32, #tpu.memory_space<hbm>>) target(%arg8 : memref<8x128xi32, #tpu.memory_space<vmem>>) target_semaphore(%run_scoped3A_212 : memref<!tpu.dma_semaphore, #tpu.memory_space<semaphore_mem>>)
        %dma_wait3A_219 = arith.constant 0 : i32
        %dma_wait3A_220 = tpu.memref_slice %arg4[%add3A_19, %add3A_41, %dma_wait3A_219] : memref<4x6272x128xi32, #tpu.memory_space<hbm>> -> memref<1x8x128xi32, #tpu.memory_space<hbm>>
        %dma_wait3A_221 = tpu.memref_squeeze %dma_wait3A_220 : memref<1x8x128xi32, #tpu.memory_space<hbm>> -> memref<8x128xi32, #tpu.memory_space<hbm>>
        %dma_wait3A_222 = arith.constant 0 : i32
        %dma_wait3A_223 = tpu.memref_slice %arg4[%add3A_19, %add3A_41, %dma_wait3A_222] : memref<4x6272x128xi32, #tpu.memory_space<hbm>> -> memref<1x8x128xi32, #tpu.memory_space<hbm>>
        %dma_wait3A_224 = tpu.memref_squeeze %dma_wait3A_223 : memref<1x8x128xi32, #tpu.memory_space<hbm>> -> memref<8x128xi32, #tpu.memory_space<hbm>>
        tpu.wait_dma2 semaphore(%run_scoped3A_212 : memref<!tpu.dma_semaphore, #tpu.memory_space<semaphore_mem>>) src(%dma_wait3A_224 : memref<8x128xi32, #tpu.memory_space<hbm>>) dst(%arg8 : memref<8x128xi32, #tpu.memory_space<vmem>>)
        tpu.yield
      }) : () -> ()
      "tpu.region"() ({
        %run_scoped3A_212 = tpu.sem_alloc : memref<!tpu.dma_semaphore, #tpu.memory_space<semaphore_mem>>
        %dma_start3A_213 = arith.constant 0 : i32
        %dma_start3A_214 = tpu.memref_slice %arg5[%add3A_41, %dma_start3A_213] : memref<6272x128xi32, #tpu.memory_space<hbm>> -> memref<8x128xi32, #tpu.memory_space<hbm>>
        %dma_start3A_215 = arith.constant 0 : i32
        %dma_start3A_216 = tpu.memref_slice %arg5[%add3A_41, %dma_start3A_215] : memref<6272x128xi32, #tpu.memory_space<hbm>> -> memref<8x128xi32, #tpu.memory_space<hbm>>
        tpu.enqueue_dma source(%dma_start3A_216 : memref<8x128xi32, #tpu.memory_space<hbm>>) target(%arg9 : memref<8x128xi32, #tpu.memory_space<vmem>>) target_semaphore(%run_scoped3A_212 : memref<!tpu.dma_semaphore, #tpu.memory_space<semaphore_mem>>)
        %dma_wait3A_217 = arith.constant 0 : i32
        %dma_wait3A_218 = tpu.memref_slice %arg5[%add3A_41, %dma_wait3A_217] : memref<6272x128xi32, #tpu.memory_space<hbm>> -> memref<8x128xi32, #tpu.memory_space<hbm>>
        %dma_wait3A_219 = arith.constant 0 : i32
        %dma_wait3A_220 = tpu.memref_slice %arg5[%add3A_41, %dma_wait3A_219] : memref<6272x128xi32, #tpu.memory_space<hbm>> -> memref<8x128xi32, #tpu.memory_space<hbm>>
        tpu.wait_dma2 semaphore(%run_scoped3A_212 : memref<!tpu.dma_semaphore, #tpu.memory_space<semaphore_mem>>) src(%dma_wait3A_220 : memref<8x128xi32, #tpu.memory_space<hbm>>) dst(%arg9 : memref<8x128xi32, #tpu.memory_space<vmem>>)
        tpu.yield
      }) : () -> ()
      %mul3A_42 = arith.constant 128 : i32
      %mul3A_43 = arith.muli %add3A_41, %mul3A_42 : i32
      %run_scoped3A = arith.constant 2 : i32
      "tpu.region"() ({
        %run_scoped3A_212 = tpu.sem_alloc : memref<!tpu.dma_semaphore, #tpu.memory_space<semaphore_mem>>
        %dma_start3A_213 = arith.constant 0 : i32
        %dma_start3A_214 = tpu.memref_slice %arg3[%run_scoped3A, %add3A_19, %mul3A_43, %dma_start3A_213] : memref<3x4x802816x16xf32, #tpu.memory_space<hbm>> -> memref<1x1x1024x16xf32, #tpu.memory_space<hbm>>
        %dma_start3A_215 = tpu.memref_squeeze %dma_start3A_214 : memref<1x1x1024x16xf32, #tpu.memory_space<hbm>> -> memref<1024x16xf32, #tpu.memory_space<hbm>>
        %dma_start3A_216 = arith.constant 0 : i32
        %dma_start3A_217 = tpu.memref_slice %arg3[%run_scoped3A, %add3A_19, %mul3A_43, %dma_start3A_216] : memref<3x4x802816x16xf32, #tpu.memory_space<hbm>> -> memref<1x1x1024x16xf32, #tpu.memory_space<hbm>>
        %dma_start3A_218 = tpu.memref_squeeze %dma_start3A_217 : memref<1x1x1024x16xf32, #tpu.memory_space<hbm>> -> memref<1024x16xf32, #tpu.memory_space<hbm>>
        tpu.enqueue_dma source(%dma_start3A_218 : memref<1024x16xf32, #tpu.memory_space<hbm>>) target(%arg10 : memref<1024x16xf32, #tpu.memory_space<vmem>>) target_semaphore(%run_scoped3A_212 : memref<!tpu.dma_semaphore, #tpu.memory_space<semaphore_mem>>)
        %dma_wait3A_219 = arith.constant 0 : i32
        %dma_wait3A_220 = tpu.memref_slice %arg3[%run_scoped3A, %add3A_19, %mul3A_43, %dma_wait3A_219] : memref<3x4x802816x16xf32, #tpu.memory_space<hbm>> -> memref<1x1x1024x16xf32, #tpu.memory_space<hbm>>
        %dma_wait3A_221 = tpu.memref_squeeze %dma_wait3A_220 : memref<1x1x1024x16xf32, #tpu.memory_space<hbm>> -> memref<1024x16xf32, #tpu.memory_space<hbm>>
        %dma_wait3A_222 = arith.constant 0 : i32
        %dma_wait3A_223 = tpu.memref_slice %arg3[%run_scoped3A, %add3A_19, %mul3A_43, %dma_wait3A_222] : memref<3x4x802816x16xf32, #tpu.memory_space<hbm>> -> memref<1x1x1024x16xf32, #tpu.memory_space<hbm>>
        %dma_wait3A_224 = tpu.memref_squeeze %dma_wait3A_223 : memref<1x1x1024x16xf32, #tpu.memory_space<hbm>> -> memref<1024x16xf32, #tpu.memory_space<hbm>>
        tpu.wait_dma2 semaphore(%run_scoped3A_212 : memref<!tpu.dma_semaphore, #tpu.memory_space<semaphore_mem>>) src(%dma_wait3A_224 : memref<1024x16xf32, #tpu.memory_space<hbm>>) dst(%arg10 : memref<1024x16xf32, #tpu.memory_space<vmem>>)
        tpu.yield
      }) : () -> ()
      %dma_start3A = arith.constant 0 : i32
      %dma_start3A_44 = arith.constant 0 : i32
      %dma_start3A_45 = arith.constant 0 : i32
      %dma_start3A_46 = tpu.memref_slice %arg10[%dma_start3A_44, %dma_start3A_45] : memref<1024x16xf32, #tpu.memory_space<vmem>> -> memref<128x16xf32, #tpu.memory_space<vmem>>
      %dma_start3A_47 = arith.constant 0 : i32
      %dma_start3A_48 = tpu.memref_slice %arg8[%dma_start3A, %dma_start3A_47] : memref<8x128xi32, #tpu.memory_space<vmem>> -> memref<1x128xi32, #tpu.memory_space<vmem>>
      %dma_start3A_49 = tpu.memref_squeeze %dma_start3A_48 : memref<1x128xi32, #tpu.memory_space<vmem>> -> memref<128xi32, #tpu.memory_space<vmem>>
      %dma_start3A_50 = arith.constant 0 : i32
      %dma_start3A_51 = arith.constant 0 : i32
      %dma_start3A_52 = tpu.memref_slice %arg2[%dma_start3A_50, %dma_start3A_51] : memref<200000x16xf32, #tpu.memory_space<hbm>> -> memref<200000x16xf32, #tpu.memory_space<hbm>>
      tpu.enqueue_indirect_dma source(%dma_start3A_52 : memref<200000x16xf32, #tpu.memory_space<hbm>>) target(%dma_start3A_46 : memref<128x16xf32, #tpu.memory_space<vmem>>) offsets(%dma_start3A_49 : memref<128xi32, #tpu.memory_space<vmem>>) semaphore(%arg12 : memref<!tpu.dma_semaphore, #tpu.memory_space<semaphore_mem>>) {add = true}
      %dma_start3A_53 = arith.constant 1 : i32
      %dma_start3A_54 = arith.constant 128 : i32
      %dma_start3A_55 = arith.constant 0 : i32
      %dma_start3A_56 = tpu.memref_slice %arg10[%dma_start3A_54, %dma_start3A_55] : memref<1024x16xf32, #tpu.memory_space<vmem>> -> memref<128x16xf32, #tpu.memory_space<vmem>>
      %dma_start3A_57 = arith.constant 0 : i32
      %dma_start3A_58 = tpu.memref_slice %arg8[%dma_start3A_53, %dma_start3A_57] : memref<8x128xi32, #tpu.memory_space<vmem>> -> memref<1x128xi32, #tpu.memory_space<vmem>>
      %dma_start3A_59 = tpu.memref_squeeze %dma_start3A_58 : memref<1x128xi32, #tpu.memory_space<vmem>> -> memref<128xi32, #tpu.memory_space<vmem>>
      %dma_start3A_60 = arith.constant 0 : i32
      %dma_start3A_61 = arith.constant 0 : i32
      %dma_start3A_62 = tpu.memref_slice %arg2[%dma_start3A_60, %dma_start3A_61] : memref<200000x16xf32, #tpu.memory_space<hbm>> -> memref<200000x16xf32, #tpu.memory_space<hbm>>
      tpu.enqueue_indirect_dma source(%dma_start3A_62 : memref<200000x16xf32, #tpu.memory_space<hbm>>) target(%dma_start3A_56 : memref<128x16xf32, #tpu.memory_space<vmem>>) offsets(%dma_start3A_59 : memref<128xi32, #tpu.memory_space<vmem>>) semaphore(%arg12 : memref<!tpu.dma_semaphore, #tpu.memory_space<semaphore_mem>>) {add = true}
      %dma_start3A_63 = arith.constant 2 : i32
      %dma_start3A_64 = arith.constant 256 : i32
      %dma_start3A_65 = arith.constant 0 : i32
      %dma_start3A_66 = tpu.memref_slice %arg10[%dma_start3A_64, %dma_start3A_65] : memref<1024x16xf32, #tpu.memory_space<vmem>> -> memref<128x16xf32, #tpu.memory_space<vmem>>
      %dma_start3A_67 = arith.constant 0 : i32
      %dma_start3A_68 = tpu.memref_slice %arg8[%dma_start3A_63, %dma_start3A_67] : memref<8x128xi32, #tpu.memory_space<vmem>> -> memref<1x128xi32, #tpu.memory_space<vmem>>
      %dma_start3A_69 = tpu.memref_squeeze %dma_start3A_68 : memref<1x128xi32, #tpu.memory_space<vmem>> -> memref<128xi32, #tpu.memory_space<vmem>>
      %dma_start3A_70 = arith.constant 0 : i32
      %dma_start3A_71 = arith.constant 0 : i32
      %dma_start3A_72 = tpu.memref_slice %arg2[%dma_start3A_70, %dma_start3A_71] : memref<200000x16xf32, #tpu.memory_space<hbm>> -> memref<200000x16xf32, #tpu.memory_space<hbm>>
      tpu.enqueue_indirect_dma source(%dma_start3A_72 : memref<200000x16xf32, #tpu.memory_space<hbm>>) target(%dma_start3A_66 : memref<128x16xf32, #tpu.memory_space<vmem>>) offsets(%dma_start3A_69 : memref<128xi32, #tpu.memory_space<vmem>>) semaphore(%arg12 : memref<!tpu.dma_semaphore, #tpu.memory_space<semaphore_mem>>) {add = true}
      %dma_start3A_73 = arith.constant 3 : i32
      %dma_start3A_74 = arith.constant 384 : i32
      %dma_start3A_75 = arith.constant 0 : i32
      %dma_start3A_76 = tpu.memref_slice %arg10[%dma_start3A_74, %dma_start3A_75] : memref<1024x16xf32, #tpu.memory_space<vmem>> -> memref<128x16xf32, #tpu.memory_space<vmem>>
      %dma_start3A_77 = arith.constant 0 : i32
      %dma_start3A_78 = tpu.memref_slice %arg8[%dma_start3A_73, %dma_start3A_77] : memref<8x128xi32, #tpu.memory_space<vmem>> -> memref<1x128xi32, #tpu.memory_space<vmem>>
      %dma_start3A_79 = tpu.memref_squeeze %dma_start3A_78 : memref<1x128xi32, #tpu.memory_space<vmem>> -> memref<128xi32, #tpu.memory_space<vmem>>
      %dma_start3A_80 = arith.constant 0 : i32
      %dma_start3A_81 = arith.constant 0 : i32
      %dma_start3A_82 = tpu.memref_slice %arg2[%dma_start3A_80, %dma_start3A_81] : memref<200000x16xf32, #tpu.memory_space<hbm>> -> memref<200000x16xf32, #tpu.memory_space<hbm>>
      tpu.enqueue_indirect_dma source(%dma_start3A_82 : memref<200000x16xf32, #tpu.memory_space<hbm>>) target(%dma_start3A_76 : memref<128x16xf32, #tpu.memory_space<vmem>>) offsets(%dma_start3A_79 : memref<128xi32, #tpu.memory_space<vmem>>) semaphore(%arg12 : memref<!tpu.dma_semaphore, #tpu.memory_space<semaphore_mem>>) {add = true}
      %dma_start3A_83 = arith.constant 4 : i32
      %dma_start3A_84 = arith.constant 512 : i32
      %dma_start3A_85 = arith.constant 0 : i32
      %dma_start3A_86 = tpu.memref_slice %arg10[%dma_start3A_84, %dma_start3A_85] : memref<1024x16xf32, #tpu.memory_space<vmem>> -> memref<128x16xf32, #tpu.memory_space<vmem>>
      %dma_start3A_87 = arith.constant 0 : i32
      %dma_start3A_88 = tpu.memref_slice %arg8[%dma_start3A_83, %dma_start3A_87] : memref<8x128xi32, #tpu.memory_space<vmem>> -> memref<1x128xi32, #tpu.memory_space<vmem>>
      %dma_start3A_89 = tpu.memref_squeeze %dma_start3A_88 : memref<1x128xi32, #tpu.memory_space<vmem>> -> memref<128xi32, #tpu.memory_space<vmem>>
      %dma_start3A_90 = arith.constant 0 : i32
      %dma_start3A_91 = arith.constant 0 : i32
      %dma_start3A_92 = tpu.memref_slice %arg2[%dma_start3A_90, %dma_start3A_91] : memref<200000x16xf32, #tpu.memory_space<hbm>> -> memref<200000x16xf32, #tpu.memory_space<hbm>>
      tpu.enqueue_indirect_dma source(%dma_start3A_92 : memref<200000x16xf32, #tpu.memory_space<hbm>>) target(%dma_start3A_86 : memref<128x16xf32, #tpu.memory_space<vmem>>) offsets(%dma_start3A_89 : memref<128xi32, #tpu.memory_space<vmem>>) semaphore(%arg12 : memref<!tpu.dma_semaphore, #tpu.memory_space<semaphore_mem>>) {add = true}
      %dma_start3A_93 = arith.constant 5 : i32
      %dma_start3A_94 = arith.constant 640 : i32
      %dma_start3A_95 = arith.constant 0 : i32
      %dma_start3A_96 = tpu.memref_slice %arg10[%dma_start3A_94, %dma_start3A_95] : memref<1024x16xf32, #tpu.memory_space<vmem>> -> memref<128x16xf32, #tpu.memory_space<vmem>>
      %dma_start3A_97 = arith.constant 0 : i32
      %dma_start3A_98 = tpu.memref_slice %arg8[%dma_start3A_93, %dma_start3A_97] : memref<8x128xi32, #tpu.memory_space<vmem>> -> memref<1x128xi32, #tpu.memory_space<vmem>>
      %dma_start3A_99 = tpu.memref_squeeze %dma_start3A_98 : memref<1x128xi32, #tpu.memory_space<vmem>> -> memref<128xi32, #tpu.memory_space<vmem>>
      %dma_start3A_100 = arith.constant 0 : i32
      %dma_start3A_101 = arith.constant 0 : i32
      %dma_start3A_102 = tpu.memref_slice %arg2[%dma_start3A_100, %dma_start3A_101] : memref<200000x16xf32, #tpu.memory_space<hbm>> -> memref<200000x16xf32, #tpu.memory_space<hbm>>
      tpu.enqueue_indirect_dma source(%dma_start3A_102 : memref<200000x16xf32, #tpu.memory_space<hbm>>) target(%dma_start3A_96 : memref<128x16xf32, #tpu.memory_space<vmem>>) offsets(%dma_start3A_99 : memref<128xi32, #tpu.memory_space<vmem>>) semaphore(%arg12 : memref<!tpu.dma_semaphore, #tpu.memory_space<semaphore_mem>>) {add = true}
      %dma_start3A_103 = arith.constant 6 : i32
      %dma_start3A_104 = arith.constant 768 : i32
      %dma_start3A_105 = arith.constant 0 : i32
      %dma_start3A_106 = tpu.memref_slice %arg10[%dma_start3A_104, %dma_start3A_105] : memref<1024x16xf32, #tpu.memory_space<vmem>> -> memref<128x16xf32, #tpu.memory_space<vmem>>
      %dma_start3A_107 = arith.constant 0 : i32
      %dma_start3A_108 = tpu.memref_slice %arg8[%dma_start3A_103, %dma_start3A_107] : memref<8x128xi32, #tpu.memory_space<vmem>> -> memref<1x128xi32, #tpu.memory_space<vmem>>
      %dma_start3A_109 = tpu.memref_squeeze %dma_start3A_108 : memref<1x128xi32, #tpu.memory_space<vmem>> -> memref<128xi32, #tpu.memory_space<vmem>>
      %dma_start3A_110 = arith.constant 0 : i32
      %dma_start3A_111 = arith.constant 0 : i32
      %dma_start3A_112 = tpu.memref_slice %arg2[%dma_start3A_110, %dma_start3A_111] : memref<200000x16xf32, #tpu.memory_space<hbm>> -> memref<200000x16xf32, #tpu.memory_space<hbm>>
      tpu.enqueue_indirect_dma source(%dma_start3A_112 : memref<200000x16xf32, #tpu.memory_space<hbm>>) target(%dma_start3A_106 : memref<128x16xf32, #tpu.memory_space<vmem>>) offsets(%dma_start3A_109 : memref<128xi32, #tpu.memory_space<vmem>>) semaphore(%arg12 : memref<!tpu.dma_semaphore, #tpu.memory_space<semaphore_mem>>) {add = true}
      %dma_start3A_113 = arith.constant 7 : i32
      %dma_start3A_114 = arith.constant 896 : i32
      %dma_start3A_115 = arith.constant 0 : i32
      %dma_start3A_116 = tpu.memref_slice %arg10[%dma_start3A_114, %dma_start3A_115] : memref<1024x16xf32, #tpu.memory_space<vmem>> -> memref<128x16xf32, #tpu.memory_space<vmem>>
      %dma_start3A_117 = arith.constant 0 : i32
      %dma_start3A_118 = tpu.memref_slice %arg8[%dma_start3A_113, %dma_start3A_117] : memref<8x128xi32, #tpu.memory_space<vmem>> -> memref<1x128xi32, #tpu.memory_space<vmem>>
      %dma_start3A_119 = tpu.memref_squeeze %dma_start3A_118 : memref<1x128xi32, #tpu.memory_space<vmem>> -> memref<128xi32, #tpu.memory_space<vmem>>
      %dma_start3A_120 = arith.constant 0 : i32
      %dma_start3A_121 = arith.constant 0 : i32
      %dma_start3A_122 = tpu.memref_slice %arg2[%dma_start3A_120, %dma_start3A_121] : memref<200000x16xf32, #tpu.memory_space<hbm>> -> memref<200000x16xf32, #tpu.memory_space<hbm>>
      tpu.enqueue_indirect_dma source(%dma_start3A_122 : memref<200000x16xf32, #tpu.memory_space<hbm>>) target(%dma_start3A_116 : memref<128x16xf32, #tpu.memory_space<vmem>>) offsets(%dma_start3A_119 : memref<128xi32, #tpu.memory_space<vmem>>) semaphore(%arg12 : memref<!tpu.dma_semaphore, #tpu.memory_space<semaphore_mem>>) {add = true}
      %dma_wait3A = arith.constant 0 : i32
      %dma_wait3A_123 = arith.constant 0 : i32
      %dma_wait3A_124 = arith.constant 0 : i32
      %dma_wait3A_125 = tpu.memref_slice %arg10[%dma_wait3A_123, %dma_wait3A_124] : memref<1024x16xf32, #tpu.memory_space<vmem>> -> memref<128x16xf32, #tpu.memory_space<vmem>>
      %dma_wait3A_126 = arith.constant 0 : i32
      %dma_wait3A_127 = tpu.memref_slice %arg8[%dma_wait3A, %dma_wait3A_126] : memref<8x128xi32, #tpu.memory_space<vmem>> -> memref<1x128xi32, #tpu.memory_space<vmem>>
      %dma_wait3A_128 = tpu.memref_squeeze %dma_wait3A_127 : memref<1x128xi32, #tpu.memory_space<vmem>> -> memref<128xi32, #tpu.memory_space<vmem>>
      %dma_wait3A_129 = arith.constant 0 : i32
      %dma_wait3A_130 = arith.constant 0 : i32
      %dma_wait3A_131 = tpu.memref_slice %arg2[%dma_wait3A_129, %dma_wait3A_130] : memref<200000x16xf32, #tpu.memory_space<hbm>> -> memref<200000x16xf32, #tpu.memory_space<hbm>>
      tpu.wait_indirect_dma semaphore(%arg12 : memref<!tpu.dma_semaphore, #tpu.memory_space<semaphore_mem>>) src(%dma_wait3A_131 : memref<200000x16xf32, #tpu.memory_space<hbm>>) dst(%dma_wait3A_125 : memref<128x16xf32, #tpu.memory_space<vmem>>)
      %dma_wait3A_132 = arith.constant 1 : i32
      %dma_wait3A_133 = arith.constant 128 : i32
      %dma_wait3A_134 = arith.constant 0 : i32
      %dma_wait3A_135 = tpu.memref_slice %arg10[%dma_wait3A_133, %dma_wait3A_134] : memref<1024x16xf32, #tpu.memory_space<vmem>> -> memref<128x16xf32, #tpu.memory_space<vmem>>
      %dma_wait3A_136 = arith.constant 0 : i32
      %dma_wait3A_137 = tpu.memref_slice %arg8[%dma_wait3A_132, %dma_wait3A_136] : memref<8x128xi32, #tpu.memory_space<vmem>> -> memref<1x128xi32, #tpu.memory_space<vmem>>
      %dma_wait3A_138 = tpu.memref_squeeze %dma_wait3A_137 : memref<1x128xi32, #tpu.memory_space<vmem>> -> memref<128xi32, #tpu.memory_space<vmem>>
      %dma_wait3A_139 = arith.constant 0 : i32
      %dma_wait3A_140 = arith.constant 0 : i32
      %dma_wait3A_141 = tpu.memref_slice %arg2[%dma_wait3A_139, %dma_wait3A_140] : memref<200000x16xf32, #tpu.memory_space<hbm>> -> memref<200000x16xf32, #tpu.memory_space<hbm>>
      tpu.wait_indirect_dma semaphore(%arg12 : memref<!tpu.dma_semaphore, #tpu.memory_space<semaphore_mem>>) src(%dma_wait3A_141 : memref<200000x16xf32, #tpu.memory_space<hbm>>) dst(%dma_wait3A_135 : memref<128x16xf32, #tpu.memory_space<vmem>>)
      %dma_wait3A_142 = arith.constant 2 : i32
      %dma_wait3A_143 = arith.constant 256 : i32
      %dma_wait3A_144 = arith.constant 0 : i32
      %dma_wait3A_145 = tpu.memref_slice %arg10[%dma_wait3A_143, %dma_wait3A_144] : memref<1024x16xf32, #tpu.memory_space<vmem>> -> memref<128x16xf32, #tpu.memory_space<vmem>>
      %dma_wait3A_146 = arith.constant 0 : i32
      %dma_wait3A_147 = tpu.memref_slice %arg8[%dma_wait3A_142, %dma_wait3A_146] : memref<8x128xi32, #tpu.memory_space<vmem>> -> memref<1x128xi32, #tpu.memory_space<vmem>>
      %dma_wait3A_148 = tpu.memref_squeeze %dma_wait3A_147 : memref<1x128xi32, #tpu.memory_space<vmem>> -> memref<128xi32, #tpu.memory_space<vmem>>
      %dma_wait3A_149 = arith.constant 0 : i32
      %dma_wait3A_150 = arith.constant 0 : i32
      %dma_wait3A_151 = tpu.memref_slice %arg2[%dma_wait3A_149, %dma_wait3A_150] : memref<200000x16xf32, #tpu.memory_space<hbm>> -> memref<200000x16xf32, #tpu.memory_space<hbm>>
      tpu.wait_indirect_dma semaphore(%arg12 : memref<!tpu.dma_semaphore, #tpu.memory_space<semaphore_mem>>) src(%dma_wait3A_151 : memref<200000x16xf32, #tpu.memory_space<hbm>>) dst(%dma_wait3A_145 : memref<128x16xf32, #tpu.memory_space<vmem>>)
      %dma_wait3A_152 = arith.constant 3 : i32
      %dma_wait3A_153 = arith.constant 384 : i32
      %dma_wait3A_154 = arith.constant 0 : i32
      %dma_wait3A_155 = tpu.memref_slice %arg10[%dma_wait3A_153, %dma_wait3A_154] : memref<1024x16xf32, #tpu.memory_space<vmem>> -> memref<128x16xf32, #tpu.memory_space<vmem>>
      %dma_wait3A_156 = arith.constant 0 : i32
      %dma_wait3A_157 = tpu.memref_slice %arg8[%dma_wait3A_152, %dma_wait3A_156] : memref<8x128xi32, #tpu.memory_space<vmem>> -> memref<1x128xi32, #tpu.memory_space<vmem>>
      %dma_wait3A_158 = tpu.memref_squeeze %dma_wait3A_157 : memref<1x128xi32, #tpu.memory_space<vmem>> -> memref<128xi32, #tpu.memory_space<vmem>>
      %dma_wait3A_159 = arith.constant 0 : i32
      %dma_wait3A_160 = arith.constant 0 : i32
      %dma_wait3A_161 = tpu.memref_slice %arg2[%dma_wait3A_159, %dma_wait3A_160] : memref<200000x16xf32, #tpu.memory_space<hbm>> -> memref<200000x16xf32, #tpu.memory_space<hbm>>
      tpu.wait_indirect_dma semaphore(%arg12 : memref<!tpu.dma_semaphore, #tpu.memory_space<semaphore_mem>>) src(%dma_wait3A_161 : memref<200000x16xf32, #tpu.memory_space<hbm>>) dst(%dma_wait3A_155 : memref<128x16xf32, #tpu.memory_space<vmem>>)
      %dma_wait3A_162 = arith.constant 4 : i32
      %dma_wait3A_163 = arith.constant 512 : i32
      %dma_wait3A_164 = arith.constant 0 : i32
      %dma_wait3A_165 = tpu.memref_slice %arg10[%dma_wait3A_163, %dma_wait3A_164] : memref<1024x16xf32, #tpu.memory_space<vmem>> -> memref<128x16xf32, #tpu.memory_space<vmem>>
      %dma_wait3A_166 = arith.constant 0 : i32
      %dma_wait3A_167 = tpu.memref_slice %arg8[%dma_wait3A_162, %dma_wait3A_166] : memref<8x128xi32, #tpu.memory_space<vmem>> -> memref<1x128xi32, #tpu.memory_space<vmem>>
      %dma_wait3A_168 = tpu.memref_squeeze %dma_wait3A_167 : memref<1x128xi32, #tpu.memory_space<vmem>> -> memref<128xi32, #tpu.memory_space<vmem>>
      %dma_wait3A_169 = arith.constant 0 : i32
      %dma_wait3A_170 = arith.constant 0 : i32
      %dma_wait3A_171 = tpu.memref_slice %arg2[%dma_wait3A_169, %dma_wait3A_170] : memref<200000x16xf32, #tpu.memory_space<hbm>> -> memref<200000x16xf32, #tpu.memory_space<hbm>>
      tpu.wait_indirect_dma semaphore(%arg12 : memref<!tpu.dma_semaphore, #tpu.memory_space<semaphore_mem>>) src(%dma_wait3A_171 : memref<200000x16xf32, #tpu.memory_space<hbm>>) dst(%dma_wait3A_165 : memref<128x16xf32, #tpu.memory_space<vmem>>)
      %dma_wait3A_172 = arith.constant 5 : i32
      %dma_wait3A_173 = arith.constant 640 : i32
      %dma_wait3A_174 = arith.constant 0 : i32
      %dma_wait3A_175 = tpu.memref_slice %arg10[%dma_wait3A_173, %dma_wait3A_174] : memref<1024x16xf32, #tpu.memory_space<vmem>> -> memref<128x16xf32, #tpu.memory_space<vmem>>
      %dma_wait3A_176 = arith.constant 0 : i32
      %dma_wait3A_177 = tpu.memref_slice %arg8[%dma_wait3A_172, %dma_wait3A_176] : memref<8x128xi32, #tpu.memory_space<vmem>> -> memref<1x128xi32, #tpu.memory_space<vmem>>
      %dma_wait3A_178 = tpu.memref_squeeze %dma_wait3A_177 : memref<1x128xi32, #tpu.memory_space<vmem>> -> memref<128xi32, #tpu.memory_space<vmem>>
      %dma_wait3A_179 = arith.constant 0 : i32
      %dma_wait3A_180 = arith.constant 0 : i32
      %dma_wait3A_181 = tpu.memref_slice %arg2[%dma_wait3A_179, %dma_wait3A_180] : memref<200000x16xf32, #tpu.memory_space<hbm>> -> memref<200000x16xf32, #tpu.memory_space<hbm>>
      tpu.wait_indirect_dma semaphore(%arg12 : memref<!tpu.dma_semaphore, #tpu.memory_space<semaphore_mem>>) src(%dma_wait3A_181 : memref<200000x16xf32, #tpu.memory_space<hbm>>) dst(%dma_wait3A_175 : memref<128x16xf32, #tpu.memory_space<vmem>>)
      %dma_wait3A_182 = arith.constant 6 : i32
      %dma_wait3A_183 = arith.constant 768 : i32
      %dma_wait3A_184 = arith.constant 0 : i32
      %dma_wait3A_185 = tpu.memref_slice %arg10[%dma_wait3A_183, %dma_wait3A_184] : memref<1024x16xf32, #tpu.memory_space<vmem>> -> memref<128x16xf32, #tpu.memory_space<vmem>>
      %dma_wait3A_186 = arith.constant 0 : i32
      %dma_wait3A_187 = tpu.memref_slice %arg8[%dma_wait3A_182, %dma_wait3A_186] : memref<8x128xi32, #tpu.memory_space<vmem>> -> memref<1x128xi32, #tpu.memory_space<vmem>>
      %dma_wait3A_188 = tpu.memref_squeeze %dma_wait3A_187 : memref<1x128xi32, #tpu.memory_space<vmem>> -> memref<128xi32, #tpu.memory_space<vmem>>
      %dma_wait3A_189 = arith.constant 0 : i32
      %dma_wait3A_190 = arith.constant 0 : i32
      %dma_wait3A_191 = tpu.memref_slice %arg2[%dma_wait3A_189, %dma_wait3A_190] : memref<200000x16xf32, #tpu.memory_space<hbm>> -> memref<200000x16xf32, #tpu.memory_space<hbm>>
      tpu.wait_indirect_dma semaphore(%arg12 : memref<!tpu.dma_semaphore, #tpu.memory_space<semaphore_mem>>) src(%dma_wait3A_191 : memref<200000x16xf32, #tpu.memory_space<hbm>>) dst(%dma_wait3A_185 : memref<128x16xf32, #tpu.memory_space<vmem>>)
      %dma_wait3A_192 = arith.constant 7 : i32
      %dma_wait3A_193 = arith.constant 896 : i32
      %dma_wait3A_194 = arith.constant 0 : i32
      %dma_wait3A_195 = tpu.memref_slice %arg10[%dma_wait3A_193, %dma_wait3A_194] : memref<1024x16xf32, #tpu.memory_space<vmem>> -> memref<128x16xf32, #tpu.memory_space<vmem>>
      %dma_wait3A_196 = arith.constant 0 : i32
      %dma_wait3A_197 = tpu.memref_slice %arg8[%dma_wait3A_192, %dma_wait3A_196] : memref<8x128xi32, #tpu.memory_space<vmem>> -> memref<1x128xi32, #tpu.memory_space<vmem>>
      %dma_wait3A_198 = tpu.memref_squeeze %dma_wait3A_197 : memref<1x128xi32, #tpu.memory_space<vmem>> -> memref<128xi32, #tpu.memory_space<vmem>>
      %dma_wait3A_199 = arith.constant 0 : i32
      %dma_wait3A_200 = arith.constant 0 : i32
      %dma_wait3A_201 = tpu.memref_slice %arg2[%dma_wait3A_199, %dma_wait3A_200] : memref<200000x16xf32, #tpu.memory_space<hbm>> -> memref<200000x16xf32, #tpu.memory_space<hbm>>
      tpu.wait_indirect_dma semaphore(%arg12 : memref<!tpu.dma_semaphore, #tpu.memory_space<semaphore_mem>>) src(%dma_wait3A_201 : memref<200000x16xf32, #tpu.memory_space<hbm>>) dst(%dma_wait3A_195 : memref<128x16xf32, #tpu.memory_space<vmem>>)
      %parallel_loop3A = arith.constant 0 : i32
      %parallel_loop3A_202 = arith.constant 1024 : i32
      %parallel_loop3A_203 = arith.constant 1 : i32
      scf.for %parallel_loop3A_212 = %parallel_loop3A to %parallel_loop3A_202 step %parallel_loop3A_203  : i32 {
        %parallel_loop3A_213 = arith.index_cast %parallel_loop3A_212 : i32 to index
        %parallel_loop3A_214 = arith.constant 0 : index
        %parallel_loop3A_215 = tpu.vector_load %arg10[%parallel_loop3A_213, %parallel_loop3A_214] {strides = array<i32>} : memref<1024x16xf32, #tpu.memory_space<vmem>>, vector<1x16xf32>,
        %parallel_loop3A_216 = vector.shape_cast %parallel_loop3A_215 : vector<1x16xf32> to vector<16xf32>
        %parallel_loop3A_217 = arith.constant 0.000000e+00 : f32
        %parallel_loop3A_218 = vector.broadcast %parallel_loop3A_217 : f32 to vector<16xf32>
        %parallel_loop3A_219 = arith.maximumf %parallel_loop3A_216, %parallel_loop3A_218 : vector<16xf32>
        %parallel_loop3A_220 = arith.index_cast %parallel_loop3A_212 : i32 to index
        %parallel_loop3A_221 = arith.constant 0 : index
        %parallel_loop3A_222 = tpu.vector_load %arg10[%parallel_loop3A_220, %parallel_loop3A_221] {strides = array<i32>} : memref<1024x16xf32, #tpu.memory_space<vmem>>, vector<1x16xf32>,
        %parallel_loop3A_223 = vector.shape_cast %parallel_loop3A_222 : vector<1x16xf32> to vector<16xf32>
        %parallel_loop3A_224 = vector.shape_cast %parallel_loop3A_219 : vector<16xf32> to vector<1x16xf32>
        tpu.vector_store %arg10[%parallel_loop3A_220, %parallel_loop3A_221], %parallel_loop3A_224 {strides = array<i32>} : memref<1024x16xf32, #tpu.memory_space<vmem>>, vector<1x16xf32>,
      } {sc.loop_unroll_factor = 8 : i64, sc.parallel_access}
      %run_scoped3A_204 = arith.constant 0 : i32
      "tpu.region"() ({
        %run_scoped3A_212 = tpu.sem_alloc : memref<!tpu.dma_semaphore, #tpu.memory_space<semaphore_mem>>
        %dma_start3A_213 = arith.constant 0 : i32
        %dma_start3A_214 = arith.constant 0 : i32
        %dma_start3A_215 = tpu.memref_slice %arg10[%dma_start3A_213, %dma_start3A_214] : memref<1024x16xf32, #tpu.memory_space<vmem>> -> memref<128x16xf32, #tpu.memory_space<vmem>>
        %dma_start3A_216 = arith.constant 0 : i32
        %dma_start3A_217 = tpu.memref_slice %arg9[%run_scoped3A_204, %dma_start3A_216] : memref<8x128xi32, #tpu.memory_space<vmem>> -> memref<1x128xi32, #tpu.memory_space<vmem>>
        %dma_start3A_218 = tpu.memref_squeeze %dma_start3A_217 : memref<1x128xi32, #tpu.memory_space<vmem>> -> memref<128xi32, #tpu.memory_space<vmem>>
        %dma_start3A_219 = arith.constant 0 : i32
        %dma_start3A_220 = arith.constant 0 : i32
        %dma_start3A_221 = tpu.memref_slice %arg11[%dma_start3A_219, %dma_start3A_220] : memref<50048x16xf32, #tpu.memory_space<vmem_shared>> -> memref<50048x16xf32, #tpu.memory_space<vmem_shared>>
        tpu.enqueue_indirect_dma source(%dma_start3A_215 : memref<128x16xf32, #tpu.memory_space<vmem>>) target(%dma_start3A_221 : memref<50048x16xf32, #tpu.memory_space<vmem_shared>>) offsets(%dma_start3A_218 : memref<128xi32, #tpu.memory_space<vmem>>) semaphore(%run_scoped3A_212 : memref<!tpu.dma_semaphore, #tpu.memory_space<semaphore_mem>>) {add = true}
        %dma_wait3A_222 = arith.constant 0 : i32
        %dma_wait3A_223 = arith.constant 0 : i32
        %dma_wait3A_224 = tpu.memref_slice %arg10[%dma_wait3A_222, %dma_wait3A_223] : memref<1024x16xf32, #tpu.memory_space<vmem>> -> memref<128x16xf32, #tpu.memory_space<vmem>>
        %dma_wait3A_225 = arith.constant 0 : i32
        %dma_wait3A_226 = tpu.memref_slice %arg9[%run_scoped3A_204, %dma_wait3A_225] : memref<8x128xi32, #tpu.memory_space<vmem>> -> memref<1x128xi32, #tpu.memory_space<vmem>>
        %dma_wait3A_227 = tpu.memref_squeeze %dma_wait3A_226 : memref<1x128xi32, #tpu.memory_space<vmem>> -> memref<128xi32, #tpu.memory_space<vmem>>
        %dma_wait3A_228 = arith.constant 0 : i32
        %dma_wait3A_229 = arith.constant 0 : i32
        %dma_wait3A_230 = tpu.memref_slice %arg11[%dma_wait3A_228, %dma_wait3A_229] : memref<50048x16xf32, #tpu.memory_space<vmem_shared>> -> memref<50048x16xf32, #tpu.memory_space<vmem_shared>>
        tpu.wait_indirect_dma semaphore(%run_scoped3A_212 : memref<!tpu.dma_semaphore, #tpu.memory_space<semaphore_mem>>) src(%dma_wait3A_224 : memref<128x16xf32, #tpu.memory_space<vmem>>) dst(%dma_wait3A_230 : memref<50048x16xf32, #tpu.memory_space<vmem_shared>>)
        tpu.yield
      }) : () -> ()
      %run_scoped3A_205 = arith.constant 1 : i32
      "tpu.region"() ({
        %run_scoped3A_212 = tpu.sem_alloc : memref<!tpu.dma_semaphore, #tpu.memory_space<semaphore_mem>>
        %dma_start3A_213 = arith.constant 128 : i32
        %dma_start3A_214 = arith.constant 0 : i32
        %dma_start3A_215 = tpu.memref_slice %arg10[%dma_start3A_213, %dma_start3A_214] : memref<1024x16xf32, #tpu.memory_space<vmem>> -> memref<128x16xf32, #tpu.memory_space<vmem>>
        %dma_start3A_216 = arith.constant 0 : i32
        %dma_start3A_217 = tpu.memref_slice %arg9[%run_scoped3A_205, %dma_start3A_216] : memref<8x128xi32, #tpu.memory_space<vmem>> -> memref<1x128xi32, #tpu.memory_space<vmem>>
        %dma_start3A_218 = tpu.memref_squeeze %dma_start3A_217 : memref<1x128xi32, #tpu.memory_space<vmem>> -> memref<128xi32, #tpu.memory_space<vmem>>
        %dma_start3A_219 = arith.constant 0 : i32
        %dma_start3A_220 = arith.constant 0 : i32
        %dma_start3A_221 = tpu.memref_slice %arg11[%dma_start3A_219, %dma_start3A_220] : memref<50048x16xf32, #tpu.memory_space<vmem_shared>> -> memref<50048x16xf32, #tpu.memory_space<vmem_shared>>
        tpu.enqueue_indirect_dma source(%dma_start3A_215 : memref<128x16xf32, #tpu.memory_space<vmem>>) target(%dma_start3A_221 : memref<50048x16xf32, #tpu.memory_space<vmem_shared>>) offsets(%dma_start3A_218 : memref<128xi32, #tpu.memory_space<vmem>>) semaphore(%run_scoped3A_212 : memref<!tpu.dma_semaphore, #tpu.memory_space<semaphore_mem>>) {add = true}
        %dma_wait3A_222 = arith.constant 128 : i32
        %dma_wait3A_223 = arith.constant 0 : i32
        %dma_wait3A_224 = tpu.memref_slice %arg10[%dma_wait3A_222, %dma_wait3A_223] : memref<1024x16xf32, #tpu.memory_space<vmem>> -> memref<128x16xf32, #tpu.memory_space<vmem>>
        %dma_wait3A_225 = arith.constant 0 : i32
        %dma_wait3A_226 = tpu.memref_slice %arg9[%run_scoped3A_205, %dma_wait3A_225] : memref<8x128xi32, #tpu.memory_space<vmem>> -> memref<1x128xi32, #tpu.memory_space<vmem>>
        %dma_wait3A_227 = tpu.memref_squeeze %dma_wait3A_226 : memref<1x128xi32, #tpu.memory_space<vmem>> -> memref<128xi32, #tpu.memory_space<vmem>>
        %dma_wait3A_228 = arith.constant 0 : i32
        %dma_wait3A_229 = arith.constant 0 : i32
        %dma_wait3A_230 = tpu.memref_slice %arg11[%dma_wait3A_228, %dma_wait3A_229] : memref<50048x16xf32, #tpu.memory_space<vmem_shared>> -> memref<50048x16xf32, #tpu.memory_space<vmem_shared>>
        tpu.wait_indirect_dma semaphore(%run_scoped3A_212 : memref<!tpu.dma_semaphore, #tpu.memory_space<semaphore_mem>>) src(%dma_wait3A_224 : memref<128x16xf32, #tpu.memory_space<vmem>>) dst(%dma_wait3A_230 : memref<50048x16xf32, #tpu.memory_space<vmem_shared>>)
        tpu.yield
      }) : () -> ()
      %run_scoped3A_206 = arith.constant 2 : i32
      "tpu.region"() ({
        %run_scoped3A_212 = tpu.sem_alloc : memref<!tpu.dma_semaphore, #tpu.memory_space<semaphore_mem>>
        %dma_start3A_213 = arith.constant 256 : i32
        %dma_start3A_214 = arith.constant 0 : i32
        %dma_start3A_215 = tpu.memref_slice %arg10[%dma_start3A_213, %dma_start3A_214] : memref<1024x16xf32, #tpu.memory_space<vmem>> -> memref<128x16xf32, #tpu.memory_space<vmem>>
        %dma_start3A_216 = arith.constant 0 : i32
        %dma_start3A_217 = tpu.memref_slice %arg9[%run_scoped3A_206, %dma_start3A_216] : memref<8x128xi32, #tpu.memory_space<vmem>> -> memref<1x128xi32, #tpu.memory_space<vmem>>
        %dma_start3A_218 = tpu.memref_squeeze %dma_start3A_217 : memref<1x128xi32, #tpu.memory_space<vmem>> -> memref<128xi32, #tpu.memory_space<vmem>>
        %dma_start3A_219 = arith.constant 0 : i32
        %dma_start3A_220 = arith.constant 0 : i32
        %dma_start3A_221 = tpu.memref_slice %arg11[%dma_start3A_219, %dma_start3A_220] : memref<50048x16xf32, #tpu.memory_space<vmem_shared>> -> memref<50048x16xf32, #tpu.memory_space<vmem_shared>>
        tpu.enqueue_indirect_dma source(%dma_start3A_215 : memref<128x16xf32, #tpu.memory_space<vmem>>) target(%dma_start3A_221 : memref<50048x16xf32, #tpu.memory_space<vmem_shared>>) offsets(%dma_start3A_218 : memref<128xi32, #tpu.memory_space<vmem>>) semaphore(%run_scoped3A_212 : memref<!tpu.dma_semaphore, #tpu.memory_space<semaphore_mem>>) {add = true}
        %dma_wait3A_222 = arith.constant 256 : i32
        %dma_wait3A_223 = arith.constant 0 : i32
        %dma_wait3A_224 = tpu.memref_slice %arg10[%dma_wait3A_222, %dma_wait3A_223] : memref<1024x16xf32, #tpu.memory_space<vmem>> -> memref<128x16xf32, #tpu.memory_space<vmem>>
        %dma_wait3A_225 = arith.constant 0 : i32
        %dma_wait3A_226 = tpu.memref_slice %arg9[%run_scoped3A_206, %dma_wait3A_225] : memref<8x128xi32, #tpu.memory_space<vmem>> -> memref<1x128xi32, #tpu.memory_space<vmem>>
        %dma_wait3A_227 = tpu.memref_squeeze %dma_wait3A_226 : memref<1x128xi32, #tpu.memory_space<vmem>> -> memref<128xi32, #tpu.memory_space<vmem>>
        %dma_wait3A_228 = arith.constant 0 : i32
        %dma_wait3A_229 = arith.constant 0 : i32
        %dma_wait3A_230 = tpu.memref_slice %arg11[%dma_wait3A_228, %dma_wait3A_229] : memref<50048x16xf32, #tpu.memory_space<vmem_shared>> -> memref<50048x16xf32, #tpu.memory_space<vmem_shared>>
        tpu.wait_indirect_dma semaphore(%run_scoped3A_212 : memref<!tpu.dma_semaphore, #tpu.memory_space<semaphore_mem>>) src(%dma_wait3A_224 : memref<128x16xf32, #tpu.memory_space<vmem>>) dst(%dma_wait3A_230 : memref<50048x16xf32, #tpu.memory_space<vmem_shared>>)
        tpu.yield
      }) : () -> ()
      %run_scoped3A_207 = arith.constant 3 : i32
      "tpu.region"() ({
        %run_scoped3A_212 = tpu.sem_alloc : memref<!tpu.dma_semaphore, #tpu.memory_space<semaphore_mem>>
        %dma_start3A_213 = arith.constant 384 : i32
        %dma_start3A_214 = arith.constant 0 : i32
        %dma_start3A_215 = tpu.memref_slice %arg10[%dma_start3A_213, %dma_start3A_214] : memref<1024x16xf32, #tpu.memory_space<vmem>> -> memref<128x16xf32, #tpu.memory_space<vmem>>
        %dma_start3A_216 = arith.constant 0 : i32
        %dma_start3A_217 = tpu.memref_slice %arg9[%run_scoped3A_207, %dma_start3A_216] : memref<8x128xi32, #tpu.memory_space<vmem>> -> memref<1x128xi32, #tpu.memory_space<vmem>>
        %dma_start3A_218 = tpu.memref_squeeze %dma_start3A_217 : memref<1x128xi32, #tpu.memory_space<vmem>> -> memref<128xi32, #tpu.memory_space<vmem>>
        %dma_start3A_219 = arith.constant 0 : i32
        %dma_start3A_220 = arith.constant 0 : i32
        %dma_start3A_221 = tpu.memref_slice %arg11[%dma_start3A_219, %dma_start3A_220] : memref<50048x16xf32, #tpu.memory_space<vmem_shared>> -> memref<50048x16xf32, #tpu.memory_space<vmem_shared>>
        tpu.enqueue_indirect_dma source(%dma_start3A_215 : memref<128x16xf32, #tpu.memory_space<vmem>>) target(%dma_start3A_221 : memref<50048x16xf32, #tpu.memory_space<vmem_shared>>) offsets(%dma_start3A_218 : memref<128xi32, #tpu.memory_space<vmem>>) semaphore(%run_scoped3A_212 : memref<!tpu.dma_semaphore, #tpu.memory_space<semaphore_mem>>) {add = true}
        %dma_wait3A_222 = arith.constant 384 : i32
        %dma_wait3A_223 = arith.constant 0 : i32
        %dma_wait3A_224 = tpu.memref_slice %arg10[%dma_wait3A_222, %dma_wait3A_223] : memref<1024x16xf32, #tpu.memory_space<vmem>> -> memref<128x16xf32, #tpu.memory_space<vmem>>
        %dma_wait3A_225 = arith.constant 0 : i32
        %dma_wait3A_226 = tpu.memref_slice %arg9[%run_scoped3A_207, %dma_wait3A_225] : memref<8x128xi32, #tpu.memory_space<vmem>> -> memref<1x128xi32, #tpu.memory_space<vmem>>
        %dma_wait3A_227 = tpu.memref_squeeze %dma_wait3A_226 : memref<1x128xi32, #tpu.memory_space<vmem>> -> memref<128xi32, #tpu.memory_space<vmem>>
        %dma_wait3A_228 = arith.constant 0 : i32
        %dma_wait3A_229 = arith.constant 0 : i32
        %dma_wait3A_230 = tpu.memref_slice %arg11[%dma_wait3A_228, %dma_wait3A_229] : memref<50048x16xf32, #tpu.memory_space<vmem_shared>> -> memref<50048x16xf32, #tpu.memory_space<vmem_shared>>
        tpu.wait_indirect_dma semaphore(%run_scoped3A_212 : memref<!tpu.dma_semaphore, #tpu.memory_space<semaphore_mem>>) src(%dma_wait3A_224 : memref<128x16xf32, #tpu.memory_space<vmem>>) dst(%dma_wait3A_230 : memref<50048x16xf32, #tpu.memory_space<vmem_shared>>)
        tpu.yield
      }) : () -> ()
      %run_scoped3A_208 = arith.constant 4 : i32
      "tpu.region"() ({
        %run_scoped3A_212 = tpu.sem_alloc : memref<!tpu.dma_semaphore, #tpu.memory_space<semaphore_mem>>
        %dma_start3A_213 = arith.constant 512 : i32
        %dma_start3A_214 = arith.constant 0 : i32
        %dma_start3A_215 = tpu.memref_slice %arg10[%dma_start3A_213, %dma_start3A_214] : memref<1024x16xf32, #tpu.memory_space<vmem>> -> memref<128x16xf32, #tpu.memory_space<vmem>>
        %dma_start3A_216 = arith.constant 0 : i32
        %dma_start3A_217 = tpu.memref_slice %arg9[%run_scoped3A_208, %dma_start3A_216] : memref<8x128xi32, #tpu.memory_space<vmem>> -> memref<1x128xi32, #tpu.memory_space<vmem>>
        %dma_start3A_218 = tpu.memref_squeeze %dma_start3A_217 : memref<1x128xi32, #tpu.memory_space<vmem>> -> memref<128xi32, #tpu.memory_space<vmem>>
        %dma_start3A_219 = arith.constant 0 : i32
        %dma_start3A_220 = arith.constant 0 : i32
        %dma_start3A_221 = tpu.memref_slice %arg11[%dma_start3A_219, %dma_start3A_220] : memref<50048x16xf32, #tpu.memory_space<vmem_shared>> -> memref<50048x16xf32, #tpu.memory_space<vmem_shared>>
        tpu.enqueue_indirect_dma source(%dma_start3A_215 : memref<128x16xf32, #tpu.memory_space<vmem>>) target(%dma_start3A_221 : memref<50048x16xf32, #tpu.memory_space<vmem_shared>>) offsets(%dma_start3A_218 : memref<128xi32, #tpu.memory_space<vmem>>) semaphore(%run_scoped3A_212 : memref<!tpu.dma_semaphore, #tpu.memory_space<semaphore_mem>>) {add = true}
        %dma_wait3A_222 = arith.constant 512 : i32
        %dma_wait3A_223 = arith.constant 0 : i32
        %dma_wait3A_224 = tpu.memref_slice %arg10[%dma_wait3A_222, %dma_wait3A_223] : memref<1024x16xf32, #tpu.memory_space<vmem>> -> memref<128x16xf32, #tpu.memory_space<vmem>>
        %dma_wait3A_225 = arith.constant 0 : i32
        %dma_wait3A_226 = tpu.memref_slice %arg9[%run_scoped3A_208, %dma_wait3A_225] : memref<8x128xi32, #tpu.memory_space<vmem>> -> memref<1x128xi32, #tpu.memory_space<vmem>>
        %dma_wait3A_227 = tpu.memref_squeeze %dma_wait3A_226 : memref<1x128xi32, #tpu.memory_space<vmem>> -> memref<128xi32, #tpu.memory_space<vmem>>
        %dma_wait3A_228 = arith.constant 0 : i32
        %dma_wait3A_229 = arith.constant 0 : i32
        %dma_wait3A_230 = tpu.memref_slice %arg11[%dma_wait3A_228, %dma_wait3A_229] : memref<50048x16xf32, #tpu.memory_space<vmem_shared>> -> memref<50048x16xf32, #tpu.memory_space<vmem_shared>>
        tpu.wait_indirect_dma semaphore(%run_scoped3A_212 : memref<!tpu.dma_semaphore, #tpu.memory_space<semaphore_mem>>) src(%dma_wait3A_224 : memref<128x16xf32, #tpu.memory_space<vmem>>) dst(%dma_wait3A_230 : memref<50048x16xf32, #tpu.memory_space<vmem_shared>>)
        tpu.yield
      }) : () -> ()
      %run_scoped3A_209 = arith.constant 5 : i32
      "tpu.region"() ({
        %run_scoped3A_212 = tpu.sem_alloc : memref<!tpu.dma_semaphore, #tpu.memory_space<semaphore_mem>>
        %dma_start3A_213 = arith.constant 640 : i32
        %dma_start3A_214 = arith.constant 0 : i32
        %dma_start3A_215 = tpu.memref_slice %arg10[%dma_start3A_213, %dma_start3A_214] : memref<1024x16xf32, #tpu.memory_space<vmem>> -> memref<128x16xf32, #tpu.memory_space<vmem>>
        %dma_start3A_216 = arith.constant 0 : i32
        %dma_start3A_217 = tpu.memref_slice %arg9[%run_scoped3A_209, %dma_start3A_216] : memref<8x128xi32, #tpu.memory_space<vmem>> -> memref<1x128xi32, #tpu.memory_space<vmem>>
        %dma_start3A_218 = tpu.memref_squeeze %dma_start3A_217 : memref<1x128xi32, #tpu.memory_space<vmem>> -> memref<128xi32, #tpu.memory_space<vmem>>
        %dma_start3A_219 = arith.constant 0 : i32
        %dma_start3A_220 = arith.constant 0 : i32
        %dma_start3A_221 = tpu.memref_slice %arg11[%dma_start3A_219, %dma_start3A_220] : memref<50048x16xf32, #tpu.memory_space<vmem_shared>> -> memref<50048x16xf32, #tpu.memory_space<vmem_shared>>
        tpu.enqueue_indirect_dma source(%dma_start3A_215 : memref<128x16xf32, #tpu.memory_space<vmem>>) target(%dma_start3A_221 : memref<50048x16xf32, #tpu.memory_space<vmem_shared>>) offsets(%dma_start3A_218 : memref<128xi32, #tpu.memory_space<vmem>>) semaphore(%run_scoped3A_212 : memref<!tpu.dma_semaphore, #tpu.memory_space<semaphore_mem>>) {add = true}
        %dma_wait3A_222 = arith.constant 640 : i32
        %dma_wait3A_223 = arith.constant 0 : i32
        %dma_wait3A_224 = tpu.memref_slice %arg10[%dma_wait3A_222, %dma_wait3A_223] : memref<1024x16xf32, #tpu.memory_space<vmem>> -> memref<128x16xf32, #tpu.memory_space<vmem>>
        %dma_wait3A_225 = arith.constant 0 : i32
        %dma_wait3A_226 = tpu.memref_slice %arg9[%run_scoped3A_209, %dma_wait3A_225] : memref<8x128xi32, #tpu.memory_space<vmem>> -> memref<1x128xi32, #tpu.memory_space<vmem>>
        %dma_wait3A_227 = tpu.memref_squeeze %dma_wait3A_226 : memref<1x128xi32, #tpu.memory_space<vmem>> -> memref<128xi32, #tpu.memory_space<vmem>>
        %dma_wait3A_228 = arith.constant 0 : i32
        %dma_wait3A_229 = arith.constant 0 : i32
        %dma_wait3A_230 = tpu.memref_slice %arg11[%dma_wait3A_228, %dma_wait3A_229] : memref<50048x16xf32, #tpu.memory_space<vmem_shared>> -> memref<50048x16xf32, #tpu.memory_space<vmem_shared>>
        tpu.wait_indirect_dma semaphore(%run_scoped3A_212 : memref<!tpu.dma_semaphore, #tpu.memory_space<semaphore_mem>>) src(%dma_wait3A_224 : memref<128x16xf32, #tpu.memory_space<vmem>>) dst(%dma_wait3A_230 : memref<50048x16xf32, #tpu.memory_space<vmem_shared>>)
        tpu.yield
      }) : () -> ()
      %run_scoped3A_210 = arith.constant 6 : i32
      "tpu.region"() ({
        %run_scoped3A_212 = tpu.sem_alloc : memref<!tpu.dma_semaphore, #tpu.memory_space<semaphore_mem>>
        %dma_start3A_213 = arith.constant 768 : i32
        %dma_start3A_214 = arith.constant 0 : i32
        %dma_start3A_215 = tpu.memref_slice %arg10[%dma_start3A_213, %dma_start3A_214] : memref<1024x16xf32, #tpu.memory_space<vmem>> -> memref<128x16xf32, #tpu.memory_space<vmem>>
        %dma_start3A_216 = arith.constant 0 : i32
        %dma_start3A_217 = tpu.memref_slice %arg9[%run_scoped3A_210, %dma_start3A_216] : memref<8x128xi32, #tpu.memory_space<vmem>> -> memref<1x128xi32, #tpu.memory_space<vmem>>
        %dma_start3A_218 = tpu.memref_squeeze %dma_start3A_217 : memref<1x128xi32, #tpu.memory_space<vmem>> -> memref<128xi32, #tpu.memory_space<vmem>>
        %dma_start3A_219 = arith.constant 0 : i32
        %dma_start3A_220 = arith.constant 0 : i32
        %dma_start3A_221 = tpu.memref_slice %arg11[%dma_start3A_219, %dma_start3A_220] : memref<50048x16xf32, #tpu.memory_space<vmem_shared>> -> memref<50048x16xf32, #tpu.memory_space<vmem_shared>>
        tpu.enqueue_indirect_dma source(%dma_start3A_215 : memref<128x16xf32, #tpu.memory_space<vmem>>) target(%dma_start3A_221 : memref<50048x16xf32, #tpu.memory_space<vmem_shared>>) offsets(%dma_start3A_218 : memref<128xi32, #tpu.memory_space<vmem>>) semaphore(%run_scoped3A_212 : memref<!tpu.dma_semaphore, #tpu.memory_space<semaphore_mem>>) {add = true}
        %dma_wait3A_222 = arith.constant 768 : i32
        %dma_wait3A_223 = arith.constant 0 : i32
        %dma_wait3A_224 = tpu.memref_slice %arg10[%dma_wait3A_222, %dma_wait3A_223] : memref<1024x16xf32, #tpu.memory_space<vmem>> -> memref<128x16xf32, #tpu.memory_space<vmem>>
        %dma_wait3A_225 = arith.constant 0 : i32
        %dma_wait3A_226 = tpu.memref_slice %arg9[%run_scoped3A_210, %dma_wait3A_225] : memref<8x128xi32, #tpu.memory_space<vmem>> -> memref<1x128xi32, #tpu.memory_space<vmem>>
        %dma_wait3A_227 = tpu.memref_squeeze %dma_wait3A_226 : memref<1x128xi32, #tpu.memory_space<vmem>> -> memref<128xi32, #tpu.memory_space<vmem>>
        %dma_wait3A_228 = arith.constant 0 : i32
        %dma_wait3A_229 = arith.constant 0 : i32
        %dma_wait3A_230 = tpu.memref_slice %arg11[%dma_wait3A_228, %dma_wait3A_229] : memref<50048x16xf32, #tpu.memory_space<vmem_shared>> -> memref<50048x16xf32, #tpu.memory_space<vmem_shared>>
        tpu.wait_indirect_dma semaphore(%run_scoped3A_212 : memref<!tpu.dma_semaphore, #tpu.memory_space<semaphore_mem>>) src(%dma_wait3A_224 : memref<128x16xf32, #tpu.memory_space<vmem>>) dst(%dma_wait3A_230 : memref<50048x16xf32, #tpu.memory_space<vmem_shared>>)
        tpu.yield
      }) : () -> ()
      %run_scoped3A_211 = arith.constant 7 : i32
      "tpu.region"() ({
        %run_scoped3A_212 = tpu.sem_alloc : memref<!tpu.dma_semaphore, #tpu.memory_space<semaphore_mem>>
        %dma_start3A_213 = arith.constant 896 : i32
        %dma_start3A_214 = arith.constant 0 : i32
        %dma_start3A_215 = tpu.memref_slice %arg10[%dma_start3A_213, %dma_start3A_214] : memref<1024x16xf32, #tpu.memory_space<vmem>> -> memref<128x16xf32, #tpu.memory_space<vmem>>
        %dma_start3A_216 = arith.constant 0 : i32
        %dma_start3A_217 = tpu.memref_slice %arg9[%run_scoped3A_211, %dma_start3A_216] : memref<8x128xi32, #tpu.memory_space<vmem>> -> memref<1x128xi32, #tpu.memory_space<vmem>>
        %dma_start3A_218 = tpu.memref_squeeze %dma_start3A_217 : memref<1x128xi32, #tpu.memory_space<vmem>> -> memref<128xi32, #tpu.memory_space<vmem>>
        %dma_start3A_219 = arith.constant 0 : i32
        %dma_start3A_220 = arith.constant 0 : i32
        %dma_start3A_221 = tpu.memref_slice %arg11[%dma_start3A_219, %dma_start3A_220] : memref<50048x16xf32, #tpu.memory_space<vmem_shared>> -> memref<50048x16xf32, #tpu.memory_space<vmem_shared>>
        tpu.enqueue_indirect_dma source(%dma_start3A_215 : memref<128x16xf32, #tpu.memory_space<vmem>>) target(%dma_start3A_221 : memref<50048x16xf32, #tpu.memory_space<vmem_shared>>) offsets(%dma_start3A_218 : memref<128xi32, #tpu.memory_space<vmem>>) semaphore(%run_scoped3A_212 : memref<!tpu.dma_semaphore, #tpu.memory_space<semaphore_mem>>) {add = true}
        %dma_wait3A_222 = arith.constant 896 : i32
        %dma_wait3A_223 = arith.constant 0 : i32
        %dma_wait3A_224 = tpu.memref_slice %arg10[%dma_wait3A_222, %dma_wait3A_223] : memref<1024x16xf32, #tpu.memory_space<vmem>> -> memref<128x16xf32, #tpu.memory_space<vmem>>
        %dma_wait3A_225 = arith.constant 0 : i32
        %dma_wait3A_226 = tpu.memref_slice %arg9[%run_scoped3A_211, %dma_wait3A_225] : memref<8x128xi32, #tpu.memory_space<vmem>> -> memref<1x128xi32, #tpu.memory_space<vmem>>
        %dma_wait3A_227 = tpu.memref_squeeze %dma_wait3A_226 : memref<1x128xi32, #tpu.memory_space<vmem>> -> memref<128xi32, #tpu.memory_space<vmem>>
        %dma_wait3A_228 = arith.constant 0 : i32
        %dma_wait3A_229 = arith.constant 0 : i32
        %dma_wait3A_230 = tpu.memref_slice %arg11[%dma_wait3A_228, %dma_wait3A_229] : memref<50048x16xf32, #tpu.memory_space<vmem_shared>> -> memref<50048x16xf32, #tpu.memory_space<vmem_shared>>
        tpu.wait_indirect_dma semaphore(%run_scoped3A_212 : memref<!tpu.dma_semaphore, #tpu.memory_space<semaphore_mem>>) src(%dma_wait3A_224 : memref<128x16xf32, #tpu.memory_space<vmem>>) dst(%dma_wait3A_230 : memref<50048x16xf32, #tpu.memory_space<vmem_shared>>)
        tpu.yield
      }) : () -> ()
    }
    %scan3A_30 = arith.constant 49 : i32
    %barrier3A_31 = arith.constant 0 : index
    tpu.barrier barrier_id(%barrier3A_31)
    %mul3A_32 = arith.constant 3128 : i32
    %mul3A_33 = arith.muli %arg1, %mul3A_32 : i32
    %mul3A_34 = arith.constant 3128 : i32
    %mul3A_35 = arith.muli %arg1, %mul3A_34 : i32
    "tpu.region"() ({
      %run_scoped3A = tpu.sem_alloc : memref<!tpu.dma_semaphore, #tpu.memory_space<semaphore_mem>>
      %dma_start3A = arith.constant 0 : i32
      %dma_start3A_36 = tpu.memref_slice %arg7[%add3A_19, %mul3A_35, %dma_start3A] : memref<4x50048x16xf32, #tpu.memory_space<hbm>> -> memref<1x3128x16xf32, #tpu.memory_space<hbm>>
      %dma_start3A_37 = tpu.memref_squeeze %dma_start3A_36 : memref<1x3128x16xf32, #tpu.memory_space<hbm>> -> memref<3128x16xf32, #tpu.memory_space<hbm>>
      %dma_start3A_38 = arith.constant 0 : i32
      %dma_start3A_39 = tpu.memref_slice %arg11[%mul3A_33, %dma_start3A_38] : memref<50048x16xf32, #tpu.memory_space<vmem_shared>> -> memref<3128x16xf32, #tpu.memory_space<vmem_shared>>
      tpu.enqueue_dma source(%dma_start3A_39 : memref<3128x16xf32, #tpu.memory_space<vmem_shared>>) target(%dma_start3A_37 : memref<3128x16xf32, #tpu.memory_space<hbm>>) target_semaphore(%run_scoped3A : memref<!tpu.dma_semaphore, #tpu.memory_space<semaphore_mem>>)
      %dma_wait3A = arith.constant 0 : i32
      %dma_wait3A_40 = tpu.memref_slice %arg7[%add3A_19, %mul3A_35, %dma_wait3A] : memref<4x50048x16xf32, #tpu.memory_space<hbm>> -> memref<1x3128x16xf32, #tpu.memory_space<hbm>>
      %dma_wait3A_41 = tpu.memref_squeeze %dma_wait3A_40 : memref<1x3128x16xf32, #tpu.memory_space<hbm>> -> memref<3128x16xf32, #tpu.memory_space<hbm>>
      %dma_wait3A_42 = arith.constant 0 : i32
      %dma_wait3A_43 = tpu.memref_slice %arg11[%mul3A_33, %dma_wait3A_42] : memref<50048x16xf32, #tpu.memory_space<vmem_shared>> -> memref<3128x16xf32, #tpu.memory_space<vmem_shared>>
      tpu.wait_dma2 semaphore(%run_scoped3A : memref<!tpu.dma_semaphore, #tpu.memory_space<semaphore_mem>>) src(%dma_wait3A_43 : memref<3128x16xf32, #tpu.memory_space<vmem_shared>>) dst(%dma_wait3A_41 : memref<3128x16xf32, #tpu.memory_space<hbm>>)
      tpu.yield
    }) : () -> ()
    return
  }
}

module attributes {stable_mosaic.version = 14 : i64} {
  func.func @_embed_body(%arg0: i32, %arg1: memref<1000x1xi32, #tpu.memory_space<vmem>>, %arg2: memref<32x64xf32, #tpu.memory_space<vmem>>, %arg3: memref<1000x64xf32, #tpu.memory_space<vmem>>) attributes {dimension_semantics = [#tpu.dimension_semantics<arbitrary>], iteration_bounds = array<i64: 50>, scalar_prefetch = 0 : i64, scratch_operands = 0 : i64, tpu.core_type = #tpu.core_type<tc>, window_params = [{transform_indices = @transform_0, window_bounds = array<i64: 1000, 1>}, {pipeline_mode = #tpu.pipeline_mode<synchronous>, transform_indices = @transform_1, window_bounds = array<i64: 32, 64>}, {transform_indices = @transform_2, window_bounds = array<i64: 1000, 64>}]} {
    %get3A = arith.constant 0 : index
    %get3A_0 = arith.constant 0 : index
    %get3A_1 = vector.load %arg1[%get3A, %get3A_0] : memref<1000x1xi32, #tpu.memory_space<vmem>>, vector<1000x1xi32>
    %iota3A = tpu.iota {dimensions = array<i32: 1>} : vector<1000x32xi32>
    %eq3A = vector.broadcast %get3A_1 : vector<1000x1xi32> to vector<1000x32xi32>
    %eq3A_2 = arith.cmpi eq, %eq3A, %iota3A : vector<1000x32xi32>
    %convert_element_type3A = arith.extui %eq3A_2 : vector<1000x32xi1> to vector<1000x32xi32>
    %convert_element_type3A_3 = arith.sitofp %convert_element_type3A : vector<1000x32xi32> to vector<1000x32xf32>
    %get3A_4 = arith.constant 0 : index
    %get3A_5 = arith.constant 0 : index
    %get3A_6 = vector.load %arg2[%get3A_4, %get3A_5] : memref<32x64xf32, #tpu.memory_space<vmem>>, vector<32x64xf32>
    %dot_general3A = arith.constant dense<0.000000e+00> : vector<1000x64xf32>
    %dot_general3A_7 = tpu.matmul %convert_element_type3A_3, %get3A_6, %dot_general3A {dimension_numbers = #tpu.dot_dimension_numbers<[1], [0], [0], [1], [0, 0, 1, 1], [], []>, transpose_lhs_hint = false} : vector<1000x32xf32>, vector<32x64xf32>, vector<1000x64xf32> -> vector<1000x64xf32>
    %swap3A = arith.constant 0 : index
    %swap3A_8 = arith.constant 0 : index
    %swap3A_9 = vector.load %arg3[%swap3A, %swap3A_8] : memref<1000x64xf32, #tpu.memory_space<vmem>>, vector<1000x64xf32>
    tpu.vector_store %arg3[%swap3A, %swap3A_8], %dot_general3A_7 {strides = array<i32>} : memref<1000x64xf32, #tpu.memory_space<vmem>>, vector<1000x64xf32>,
    return
  }
  func.func @transform_0(%arg0: i32) -> (i32, i32) {
    %c0_i32 = arith.constant 0 : i32
    %c0_i32_0 = arith.constant 0 : i32
    return %arg0, %c0_i32 : i32, i32
  }
  func.func @transform_1(%arg0: i32) -> (i32, i32) {
    %c0_i32 = arith.constant 0 : i32
    %c0_i32_0 = arith.constant 0 : i32
    %c0_i32_1 = arith.constant 0 : i32
    return %c0_i32, %c0_i32_0 : i32, i32
  }
  func.func @transform_2(%arg0: i32) -> (i32, i32) {
    %c0_i32 = arith.constant 0 : i32
    %c0_i32_0 = arith.constant 0 : i32
    return %arg0, %c0_i32 : i32, i32
  }
}

module attributes {stable_mosaic.version = 14 : i64} {
  func.func @_edge_body(%arg0: i32, %arg1: i32, %arg2: memref<2048x136xf32, #tpu.memory_space<vmem>>, %arg3: memref<1x4x136x128xf32, #tpu.memory_space<vmem>>, %arg4: memref<1x4x2048x128xf32, #tpu.memory_space<vmem>>) attributes {dimension_semantics = [#tpu.dimension_semantics<arbitrary>, #tpu.dimension_semantics<arbitrary>], iteration_bounds = array<i64: 3, 49>, scalar_prefetch = 0 : i64, scratch_operands = 0 : i64, tpu.core_type = #tpu.core_type<tc>, window_params = [{transform_indices = @transform_0, window_bounds = array<i64: 2048, 136>}, {transform_indices = @transform_1, window_bounds = array<i64: 1, 4, 136, 128>}, {transform_indices = @transform_2, window_bounds = array<i64: 1, 4, 2048, 128>}]} {
    %get3A = arith.constant 0 : index
    %get3A_0 = arith.constant 0 : index
    %get3A_1 = vector.load %arg2[%get3A, %get3A_0] : memref<2048x136xf32, #tpu.memory_space<vmem>>, vector<2048x136xf32>
    %get3A_2 = arith.constant 0 : index
    %get3A_3 = arith.constant 0 : index
    %get3A_4 = arith.constant 0 : index
    %get3A_5 = arith.constant 0 : index
    %get3A_6 = vector.load %arg3[%get3A_2, %get3A_3, %get3A_4, %get3A_5] : memref<1x4x136x128xf32, #tpu.memory_space<vmem>>, vector<1x1x136x128xf32>
    %get3A_7 = vector.shape_cast %get3A_6 : vector<1x1x136x128xf32> to vector<136x128xf32>
    %dot_general3A = arith.constant dense<0.000000e+00> : vector<2048x128xf32>
    %dot_general3A_8 = tpu.matmul %get3A_1, %get3A_7, %dot_general3A {dimension_numbers = #tpu.dot_dimension_numbers<[1], [0], [0], [1], [0, 0, 1, 1], [], []>, transpose_lhs_hint = false} : vector<2048x136xf32>, vector<136x128xf32>, vector<2048x128xf32> -> vector<2048x128xf32>
    %swap3A = arith.constant 0 : index
    %swap3A_9 = arith.constant 0 : index
    %swap3A_10 = arith.constant 0 : index
    %swap3A_11 = arith.constant 0 : index
    %swap3A_12 = vector.load %arg4[%swap3A, %swap3A_9, %swap3A_10, %swap3A_11] : memref<1x4x2048x128xf32, #tpu.memory_space<vmem>>, vector<1x1x2048x128xf32>
    %swap3A_13 = vector.shape_cast %swap3A_12 : vector<1x1x2048x128xf32> to vector<2048x128xf32>
    %swap3A_14 = vector.shape_cast %dot_general3A_8 : vector<2048x128xf32> to vector<1x1x2048x128xf32>
    tpu.vector_store %arg4[%swap3A, %swap3A_9, %swap3A_10, %swap3A_11], %swap3A_14 {strides = array<i32>} : memref<1x4x2048x128xf32, #tpu.memory_space<vmem>>, vector<1x1x2048x128xf32>,
    %get3A_15 = arith.constant 0 : index
    %get3A_16 = arith.constant 0 : index
    %get3A_17 = vector.load %arg2[%get3A_15, %get3A_16] : memref<2048x136xf32, #tpu.memory_space<vmem>>, vector<2048x136xf32>
    %get3A_18 = arith.constant 0 : index
    %get3A_19 = arith.constant 1 : index
    %get3A_20 = arith.constant 0 : index
    %get3A_21 = arith.constant 0 : index
    %get3A_22 = vector.load %arg3[%get3A_18, %get3A_19, %get3A_20, %get3A_21] : memref<1x4x136x128xf32, #tpu.memory_space<vmem>>, vector<1x1x136x128xf32>
    %get3A_23 = vector.shape_cast %get3A_22 : vector<1x1x136x128xf32> to vector<136x128xf32>
    %dot_general3A_24 = arith.constant dense<0.000000e+00> : vector<2048x128xf32>
    %dot_general3A_25 = tpu.matmul %get3A_17, %get3A_23, %dot_general3A_24 {dimension_numbers = #tpu.dot_dimension_numbers<[1], [0], [0], [1], [0, 0, 1, 1], [], []>, transpose_lhs_hint = false} : vector<2048x136xf32>, vector<136x128xf32>, vector<2048x128xf32> -> vector<2048x128xf32>
    %swap3A_26 = arith.constant 0 : index
    %swap3A_27 = arith.constant 1 : index
    %swap3A_28 = arith.constant 0 : index
    %swap3A_29 = arith.constant 0 : index
    %swap3A_30 = vector.load %arg4[%swap3A_26, %swap3A_27, %swap3A_28, %swap3A_29] : memref<1x4x2048x128xf32, #tpu.memory_space<vmem>>, vector<1x1x2048x128xf32>
    %swap3A_31 = vector.shape_cast %swap3A_30 : vector<1x1x2048x128xf32> to vector<2048x128xf32>
    %swap3A_32 = vector.shape_cast %dot_general3A_25 : vector<2048x128xf32> to vector<1x1x2048x128xf32>
    tpu.vector_store %arg4[%swap3A_26, %swap3A_27, %swap3A_28, %swap3A_29], %swap3A_32 {strides = array<i32>} : memref<1x4x2048x128xf32, #tpu.memory_space<vmem>>, vector<1x1x2048x128xf32>,
    %get3A_33 = arith.constant 0 : index
    %get3A_34 = arith.constant 0 : index
    %get3A_35 = vector.load %arg2[%get3A_33, %get3A_34] : memref<2048x136xf32, #tpu.memory_space<vmem>>, vector<2048x136xf32>
    %get3A_36 = arith.constant 0 : index
    %get3A_37 = arith.constant 2 : index
    %get3A_38 = arith.constant 0 : index
    %get3A_39 = arith.constant 0 : index
    %get3A_40 = vector.load %arg3[%get3A_36, %get3A_37, %get3A_38, %get3A_39] : memref<1x4x136x128xf32, #tpu.memory_space<vmem>>, vector<1x1x136x128xf32>
    %get3A_41 = vector.shape_cast %get3A_40 : vector<1x1x136x128xf32> to vector<136x128xf32>
    %dot_general3A_42 = arith.constant dense<0.000000e+00> : vector<2048x128xf32>
    %dot_general3A_43 = tpu.matmul %get3A_35, %get3A_41, %dot_general3A_42 {dimension_numbers = #tpu.dot_dimension_numbers<[1], [0], [0], [1], [0, 0, 1, 1], [], []>, transpose_lhs_hint = false} : vector<2048x136xf32>, vector<136x128xf32>, vector<2048x128xf32> -> vector<2048x128xf32>
    %swap3A_44 = arith.constant 0 : index
    %swap3A_45 = arith.constant 2 : index
    %swap3A_46 = arith.constant 0 : index
    %swap3A_47 = arith.constant 0 : index
    %swap3A_48 = vector.load %arg4[%swap3A_44, %swap3A_45, %swap3A_46, %swap3A_47] : memref<1x4x2048x128xf32, #tpu.memory_space<vmem>>, vector<1x1x2048x128xf32>
    %swap3A_49 = vector.shape_cast %swap3A_48 : vector<1x1x2048x128xf32> to vector<2048x128xf32>
    %swap3A_50 = vector.shape_cast %dot_general3A_43 : vector<2048x128xf32> to vector<1x1x2048x128xf32>
    tpu.vector_store %arg4[%swap3A_44, %swap3A_45, %swap3A_46, %swap3A_47], %swap3A_50 {strides = array<i32>} : memref<1x4x2048x128xf32, #tpu.memory_space<vmem>>, vector<1x1x2048x128xf32>,
    %get3A_51 = arith.constant 0 : index
    %get3A_52 = arith.constant 0 : index
    %get3A_53 = vector.load %arg2[%get3A_51, %get3A_52] : memref<2048x136xf32, #tpu.memory_space<vmem>>, vector<2048x136xf32>
    %get3A_54 = arith.constant 0 : index
    %get3A_55 = arith.constant 3 : index
    %get3A_56 = arith.constant 0 : index
    %get3A_57 = arith.constant 0 : index
    %get3A_58 = vector.load %arg3[%get3A_54, %get3A_55, %get3A_56, %get3A_57] : memref<1x4x136x128xf32, #tpu.memory_space<vmem>>, vector<1x1x136x128xf32>
    %get3A_59 = vector.shape_cast %get3A_58 : vector<1x1x136x128xf32> to vector<136x128xf32>
    %dot_general3A_60 = arith.constant dense<0.000000e+00> : vector<2048x128xf32>
    %dot_general3A_61 = tpu.matmul %get3A_53, %get3A_59, %dot_general3A_60 {dimension_numbers = #tpu.dot_dimension_numbers<[1], [0], [0], [1], [0, 0, 1, 1], [], []>, transpose_lhs_hint = false} : vector<2048x136xf32>, vector<136x128xf32>, vector<2048x128xf32> -> vector<2048x128xf32>
    %swap3A_62 = arith.constant 0 : index
    %swap3A_63 = arith.constant 3 : index
    %swap3A_64 = arith.constant 0 : index
    %swap3A_65 = arith.constant 0 : index
    %swap3A_66 = vector.load %arg4[%swap3A_62, %swap3A_63, %swap3A_64, %swap3A_65] : memref<1x4x2048x128xf32, #tpu.memory_space<vmem>>, vector<1x1x2048x128xf32>
    %swap3A_67 = vector.shape_cast %swap3A_66 : vector<1x1x2048x128xf32> to vector<2048x128xf32>
    %swap3A_68 = vector.shape_cast %dot_general3A_61 : vector<2048x128xf32> to vector<1x1x2048x128xf32>
    tpu.vector_store %arg4[%swap3A_62, %swap3A_63, %swap3A_64, %swap3A_65], %swap3A_68 {strides = array<i32>} : memref<1x4x2048x128xf32, #tpu.memory_space<vmem>>, vector<1x1x2048x128xf32>,
    return
  }
  func.func @transform_0(%arg0: i32, %arg1: i32) -> (i32, i32) {
    %c0_i32 = arith.constant 0 : i32
    %c0_i32_0 = arith.constant 0 : i32
    return %arg1, %c0_i32 : i32, i32
  }
  func.func @transform_1(%arg0: i32, %arg1: i32) -> (i32, i32, i32, i32) {
    %c0_i32 = arith.constant 0 : i32
    %c0_i32_0 = arith.constant 0 : i32
    %c0_i32_1 = arith.constant 0 : i32
    %c0_i32_2 = arith.constant 0 : i32
    return %arg0, %c0_i32, %c0_i32_0, %c0_i32_1 : i32, i32, i32, i32
  }
  func.func @transform_2(%arg0: i32, %arg1: i32) -> (i32, i32, i32, i32) {
    %c0_i32 = arith.constant 0 : i32
    %c0_i32_0 = arith.constant 0 : i32
    %c0_i32_1 = arith.constant 0 : i32
    return %arg0, %c0_i32, %arg1, %c0_i32_0 : i32, i32, i32, i32
  }
}

module attributes {stable_mosaic.version = 14 : i64} {
  func.func @_mlp_body(%arg0: i32, %arg1: memref<1000x64xf32, #tpu.memory_space<vmem>>, %arg2: memref<1x1000x16xf32, #tpu.memory_space<vmem>>, %arg3: memref<1x1000x16xf32, #tpu.memory_space<vmem>>, %arg4: memref<1x1000x16xf32, #tpu.memory_space<vmem>>, %arg5: memref<1x1000x16xf32, #tpu.memory_space<vmem>>, %arg6: memref<1x1xf32, #tpu.memory_space<vmem>>, %arg7: memref<64x128xf32, #tpu.memory_space<vmem>>, %arg8: memref<1x128xf32, #tpu.memory_space<vmem>>, %arg9: memref<128x64xf32, #tpu.memory_space<vmem>>, %arg10: memref<1x64xf32, #tpu.memory_space<vmem>>, %arg11: memref<1000x64xf32, #tpu.memory_space<vmem>>) attributes {dimension_semantics = [#tpu.dimension_semantics<arbitrary>], iteration_bounds = array<i64: 50>, scalar_prefetch = 0 : i64, scratch_operands = 0 : i64, tpu.core_type = #tpu.core_type<tc>, window_params = [{transform_indices = @transform_0, window_bounds = array<i64: 1000, 64>}, {transform_indices = @transform_1, window_bounds = array<i64: 1, 1000, 16>}, {transform_indices = @transform_2, window_bounds = array<i64: 1, 1000, 16>}, {transform_indices = @transform_3, window_bounds = array<i64: 1, 1000, 16>}, {transform_indices = @transform_4, window_bounds = array<i64: 1, 1000, 16>}, {pipeline_mode = #tpu.pipeline_mode<synchronous>, transform_indices = @transform_5, window_bounds = array<i64: 1, 1>}, {pipeline_mode = #tpu.pipeline_mode<synchronous>, transform_indices = @transform_6, window_bounds = array<i64: 64, 128>}, {pipeline_mode = #tpu.pipeline_mode<synchronous>, transform_indices = @transform_7, window_bounds = array<i64: 1, 128>}, {pipeline_mode = #tpu.pipeline_mode<synchronous>, transform_indices = @transform_8, window_bounds = array<i64: 128, 64>}, {pipeline_mode = #tpu.pipeline_mode<synchronous>, transform_indices = @transform_9, window_bounds = array<i64: 1, 64>}, {transform_indices = @transform_10, window_bounds = array<i64: 1000, 64>}]} {
    %get3A = arith.constant 0 : index
    %get3A_0 = arith.constant 0 : index
    %get3A_1 = vector.load %arg1[%get3A, %get3A_0] : memref<1000x64xf32, #tpu.memory_space<vmem>>, vector<1000x64xf32>
    %get3A_2 = arith.constant 0 : index
    %get3A_3 = arith.constant 0 : index
    %get3A_4 = vector.load %arg6[%get3A_2, %get3A_3] : memref<1x1xf32, #tpu.memory_space<vmem>>, vector<1x1xf32>
    %get3A_5 = vector.extract %get3A_4[0, 0] : f32 from vector<1x1xf32>
    %get3A_6 = arith.constant 0 : index
    %get3A_7 = arith.constant 0 : index
    %get3A_8 = vector.load %arg7[%get3A_6, %get3A_7] : memref<64x128xf32, #tpu.memory_space<vmem>>, vector<64x128xf32>
    %dot_general3A = arith.constant dense<0.000000e+00> : vector<1000x128xf32>
    %dot_general3A_9 = tpu.matmul %get3A_1, %get3A_8, %dot_general3A {dimension_numbers = #tpu.dot_dimension_numbers<[1], [0], [0], [1], [0, 0, 1, 1], [], []>, transpose_lhs_hint = false} : vector<1000x64xf32>, vector<64x128xf32>, vector<1000x128xf32> -> vector<1000x128xf32>
    %mul3A = vector.broadcast %get3A_5 : f32 to vector<1000x128xf32>
    %mul3A_10 = arith.mulf %mul3A, %dot_general3A_9 : vector<1000x128xf32>
    %get3A_11 = arith.constant 0 : index
    %get3A_12 = arith.constant 0 : index
    %get3A_13 = arith.constant 0 : index
    %get3A_14 = vector.load %arg2[%get3A_11, %get3A_12, %get3A_13] : memref<1x1000x16xf32, #tpu.memory_space<vmem>>, vector<1x1000x16xf32>
    %get3A_15 = vector.shape_cast %get3A_14 : vector<1x1000x16xf32> to vector<1000x16xf32>
    %get3A_16 = arith.constant 0 : index
    %get3A_17 = arith.constant 0 : index
    %get3A_18 = vector.load %arg7[%get3A_16, %get3A_17] : memref<64x128xf32, #tpu.memory_space<vmem>>, vector<16x128xf32>
    %dot_general3A_19 = arith.constant dense<0.000000e+00> : vector<1000x128xf32>
    %dot_general3A_20 = tpu.matmul %get3A_15, %get3A_18, %dot_general3A_19 {dimension_numbers = #tpu.dot_dimension_numbers<[1], [0], [0], [1], [0, 0, 1, 1], [], []>, transpose_lhs_hint = false} : vector<1000x16xf32>, vector<16x128xf32>, vector<1000x128xf32> -> vector<1000x128xf32>
    %add3A = arith.addf %mul3A_10, %dot_general3A_20 : vector<1000x128xf32>
    %get3A_21 = arith.constant 0 : index
    %get3A_22 = arith.constant 0 : index
    %get3A_23 = arith.constant 0 : index
    %get3A_24 = vector.load %arg3[%get3A_21, %get3A_22, %get3A_23] : memref<1x1000x16xf32, #tpu.memory_space<vmem>>, vector<1x1000x16xf32>
    %get3A_25 = vector.shape_cast %get3A_24 : vector<1x1000x16xf32> to vector<1000x16xf32>
    %get3A_26 = arith.constant 16 : index
    %get3A_27 = arith.constant 0 : index
    %get3A_28 = vector.load %arg7[%get3A_26, %get3A_27] : memref<64x128xf32, #tpu.memory_space<vmem>>, vector<16x128xf32>
    %dot_general3A_29 = arith.constant dense<0.000000e+00> : vector<1000x128xf32>
    %dot_general3A_30 = tpu.matmul %get3A_25, %get3A_28, %dot_general3A_29 {dimension_numbers = #tpu.dot_dimension_numbers<[1], [0], [0], [1], [0, 0, 1, 1], [], []>, transpose_lhs_hint = false} : vector<1000x16xf32>, vector<16x128xf32>, vector<1000x128xf32> -> vector<1000x128xf32>
    %add3A_31 = arith.addf %add3A, %dot_general3A_30 : vector<1000x128xf32>
    %get3A_32 = arith.constant 0 : index
    %get3A_33 = arith.constant 0 : index
    %get3A_34 = arith.constant 0 : index
    %get3A_35 = vector.load %arg4[%get3A_32, %get3A_33, %get3A_34] : memref<1x1000x16xf32, #tpu.memory_space<vmem>>, vector<1x1000x16xf32>
    %get3A_36 = vector.shape_cast %get3A_35 : vector<1x1000x16xf32> to vector<1000x16xf32>
    %get3A_37 = arith.constant 32 : index
    %get3A_38 = arith.constant 0 : index
    %get3A_39 = vector.load %arg7[%get3A_37, %get3A_38] : memref<64x128xf32, #tpu.memory_space<vmem>>, vector<16x128xf32>
    %dot_general3A_40 = arith.constant dense<0.000000e+00> : vector<1000x128xf32>
    %dot_general3A_41 = tpu.matmul %get3A_36, %get3A_39, %dot_general3A_40 {dimension_numbers = #tpu.dot_dimension_numbers<[1], [0], [0], [1], [0, 0, 1, 1], [], []>, transpose_lhs_hint = false} : vector<1000x16xf32>, vector<16x128xf32>, vector<1000x128xf32> -> vector<1000x128xf32>
    %add3A_42 = arith.addf %add3A_31, %dot_general3A_41 : vector<1000x128xf32>
    %get3A_43 = arith.constant 0 : index
    %get3A_44 = arith.constant 0 : index
    %get3A_45 = arith.constant 0 : index
    %get3A_46 = vector.load %arg5[%get3A_43, %get3A_44, %get3A_45] : memref<1x1000x16xf32, #tpu.memory_space<vmem>>, vector<1x1000x16xf32>
    %get3A_47 = vector.shape_cast %get3A_46 : vector<1x1000x16xf32> to vector<1000x16xf32>
    %get3A_48 = arith.constant 48 : index
    %get3A_49 = arith.constant 0 : index
    %get3A_50 = vector.load %arg7[%get3A_48, %get3A_49] : memref<64x128xf32, #tpu.memory_space<vmem>>, vector<16x128xf32>
    %dot_general3A_51 = arith.constant dense<0.000000e+00> : vector<1000x128xf32>
    %dot_general3A_52 = tpu.matmul %get3A_47, %get3A_50, %dot_general3A_51 {dimension_numbers = #tpu.dot_dimension_numbers<[1], [0], [0], [1], [0, 0, 1, 1], [], []>, transpose_lhs_hint = false} : vector<1000x16xf32>, vector<16x128xf32>, vector<1000x128xf32> -> vector<1000x128xf32>
    %add3A_53 = arith.addf %add3A_42, %dot_general3A_52 : vector<1000x128xf32>
    %get3A_54 = arith.constant 0 : index
    %get3A_55 = arith.constant 0 : index
    %get3A_56 = vector.load %arg8[%get3A_54, %get3A_55] : memref<1x128xf32, #tpu.memory_space<vmem>>, vector<1x128xf32>
    %add3A_57 = vector.broadcast %get3A_56 : vector<1x128xf32> to vector<1000x128xf32>
    %add3A_58 = arith.addf %add3A_53, %add3A_57 : vector<1000x128xf32>
    %max3A = arith.constant 0.000000e+00 : f32
    %max3A_59 = vector.broadcast %max3A : f32 to vector<1000x128xf32>
    %max3A_60 = arith.maximumf %add3A_58, %max3A_59 : vector<1000x128xf32>
    %get3A_61 = arith.constant 0 : index
    %get3A_62 = arith.constant 0 : index
    %get3A_63 = vector.load %arg9[%get3A_61, %get3A_62] : memref<128x64xf32, #tpu.memory_space<vmem>>, vector<128x64xf32>
    %dot_general3A_64 = arith.constant dense<0.000000e+00> : vector<1000x64xf32>
    %dot_general3A_65 = tpu.matmul %max3A_60, %get3A_63, %dot_general3A_64 {dimension_numbers = #tpu.dot_dimension_numbers<[1], [0], [0], [1], [0, 0, 1, 1], [], []>, transpose_lhs_hint = false} : vector<1000x128xf32>, vector<128x64xf32>, vector<1000x64xf32> -> vector<1000x64xf32>
    %add3A_66 = arith.addf %get3A_1, %dot_general3A_65 : vector<1000x64xf32>
    %get3A_67 = arith.constant 0 : index
    %get3A_68 = arith.constant 0 : index
    %get3A_69 = vector.load %arg10[%get3A_67, %get3A_68] : memref<1x64xf32, #tpu.memory_space<vmem>>, vector<1x64xf32>
    %add3A_70 = vector.broadcast %get3A_69 : vector<1x64xf32> to vector<1000x64xf32>
    %add3A_71 = arith.addf %add3A_66, %add3A_70 : vector<1000x64xf32>
    %swap3A = arith.constant 0 : index
    %swap3A_72 = arith.constant 0 : index
    %swap3A_73 = vector.load %arg11[%swap3A, %swap3A_72] : memref<1000x64xf32, #tpu.memory_space<vmem>>, vector<1000x64xf32>
    tpu.vector_store %arg11[%swap3A, %swap3A_72], %add3A_71 {strides = array<i32>} : memref<1000x64xf32, #tpu.memory_space<vmem>>, vector<1000x64xf32>,
    return
  }
  func.func @transform_0(%arg0: i32) -> (i32, i32) {
    %c0_i32 = arith.constant 0 : i32
    %c0_i32_0 = arith.constant 0 : i32
    return %arg0, %c0_i32 : i32, i32
  }
  func.func @transform_1(%arg0: i32) -> (i32, i32, i32) {
    %c0_i32 = arith.constant 0 : i32
    %c0_i32_0 = arith.constant 0 : i32
    %c0_i32_1 = arith.constant 0 : i32
    return %c0_i32, %arg0, %c0_i32_0 : i32, i32, i32
  }
  func.func @transform_2(%arg0: i32) -> (i32, i32, i32) {
    %c1_i32 = arith.constant 1 : i32
    %c0_i32 = arith.constant 0 : i32
    %c0_i32_0 = arith.constant 0 : i32
    return %c1_i32, %arg0, %c0_i32 : i32, i32, i32
  }
  func.func @transform_3(%arg0: i32) -> (i32, i32, i32) {
    %c2_i32 = arith.constant 2 : i32
    %c0_i32 = arith.constant 0 : i32
    %c0_i32_0 = arith.constant 0 : i32
    return %c2_i32, %arg0, %c0_i32 : i32, i32, i32
  }
  func.func @transform_4(%arg0: i32) -> (i32, i32, i32) {
    %c3_i32 = arith.constant 3 : i32
    %c0_i32 = arith.constant 0 : i32
    %c0_i32_0 = arith.constant 0 : i32
    return %c3_i32, %arg0, %c0_i32 : i32, i32, i32
  }
  func.func @transform_5(%arg0: i32) -> (i32, i32) {
    %c0_i32 = arith.constant 0 : i32
    %c0_i32_0 = arith.constant 0 : i32
    %c0_i32_1 = arith.constant 0 : i32
    return %c0_i32, %c0_i32_0 : i32, i32
  }
  func.func @transform_6(%arg0: i32) -> (i32, i32) {
    %c0_i32 = arith.constant 0 : i32
    %c0_i32_0 = arith.constant 0 : i32
    %c0_i32_1 = arith.constant 0 : i32
    return %c0_i32, %c0_i32_0 : i32, i32
  }
  func.func @transform_7(%arg0: i32) -> (i32, i32) {
    %c0_i32 = arith.constant 0 : i32
    %c0_i32_0 = arith.constant 0 : i32
    %c0_i32_1 = arith.constant 0 : i32
    return %c0_i32, %c0_i32_0 : i32, i32
  }
  func.func @transform_8(%arg0: i32) -> (i32, i32) {
    %c0_i32 = arith.constant 0 : i32
    %c0_i32_0 = arith.constant 0 : i32
    %c0_i32_1 = arith.constant 0 : i32
    return %c0_i32, %c0_i32_0 : i32, i32
  }
  func.func @transform_9(%arg0: i32) -> (i32, i32) {
    %c0_i32 = arith.constant 0 : i32
    %c0_i32_0 = arith.constant 0 : i32
    %c0_i32_1 = arith.constant 0 : i32
    return %c0_i32, %c0_i32_0 : i32, i32
  }
  func.func @transform_10(%arg0: i32) -> (i32, i32) {
    %c0_i32 = arith.constant 0 : i32
    %c0_i32_0 = arith.constant 0 : i32
    return %arg0, %c0_i32 : i32, i32
  }
}

module attributes {stable_mosaic.version = 14 : i64} {
  func.func @_pool_body(%arg0: i32, %arg1: memref<1x1x1000xi32, #tpu.memory_space<vmem>>, %arg2: memref<1000x64xf32, #tpu.memory_space<vmem>>, %arg3: memref<1000x21xf32, #tpu.memory_space<vmem>>, %arg4: memref<20x20xf32, #tpu.memory_space<vmem>>, %arg5: memref<1x20xf32, #tpu.memory_space<vmem>>, %arg6: memref<84x42xf32, #tpu.memory_space<vmem>>, %arg7: memref<1x42xf32, #tpu.memory_space<vmem>>, %arg8: memref<42x1xf32, #tpu.memory_space<vmem>>, %arg9: memref<1x1xf32, #tpu.memory_space<vmem>>, %arg10: memref<256x1xf32, #tpu.memory_space<vmem>>, %arg11: memref<256x64xf32, #tpu.memory_space<vmem>>, %arg12: memref<256x21xf32, #tpu.memory_space<vmem>>) attributes {dimension_semantics = [#tpu.dimension_semantics<arbitrary>], iteration_bounds = array<i64: 50>, scalar_prefetch = 0 : i64, scratch_operands = 2 : i64, tpu.core_type = #tpu.core_type<tc>, window_params = [{transform_indices = @transform_0, window_bounds = array<i64: 1, 1, 1000>}, {transform_indices = @transform_1, window_bounds = array<i64: 1000, 64>}, {transform_indices = @transform_2, window_bounds = array<i64: 1000, 21>}, {pipeline_mode = #tpu.pipeline_mode<synchronous>, transform_indices = @transform_3, window_bounds = array<i64: 20, 20>}, {pipeline_mode = #tpu.pipeline_mode<synchronous>, transform_indices = @transform_4, window_bounds = array<i64: 1, 20>}, {pipeline_mode = #tpu.pipeline_mode<synchronous>, transform_indices = @transform_5, window_bounds = array<i64: 84, 42>}, {pipeline_mode = #tpu.pipeline_mode<synchronous>, transform_indices = @transform_6, window_bounds = array<i64: 1, 42>}, {pipeline_mode = #tpu.pipeline_mode<synchronous>, transform_indices = @transform_7, window_bounds = array<i64: 42, 1>}, {pipeline_mode = #tpu.pipeline_mode<synchronous>, transform_indices = @transform_8, window_bounds = array<i64: 1, 1>}, {pipeline_mode = #tpu.pipeline_mode<synchronous>, transform_indices = @transform_9, window_bounds = array<i64: 256, 1>}]} {
    %eq3A = arith.constant 0 : i32
    %eq3A_0 = arith.cmpi eq, %arg0, %eq3A : i32
    %convert_element_type3A = arith.extui %eq3A_0 : i1 to i32
    %cond3A = arith.constant 0 : i32
    %cond3A_1 = arith.cmpi ne, %convert_element_type3A, %cond3A : i32
    scf.if %cond3A_1 {
      %broadcast_in_dim3A = arith.constant 0.000000e+00 : f32
      %broadcast_in_dim3A_36 = vector.broadcast %broadcast_in_dim3A : f32 to vector<256x64xf32>
      %swap3A_37 = arith.constant 0 : index
      %swap3A_38 = arith.constant 0 : index
      %swap3A_39 = vector.load %arg11[%swap3A_37, %swap3A_38] : memref<256x64xf32, #tpu.memory_space<vmem>>, vector<256x64xf32>
      tpu.vector_store %arg11[%swap3A_37, %swap3A_38], %broadcast_in_dim3A_36 {strides = array<i32>} : memref<256x64xf32, #tpu.memory_space<vmem>>, vector<256x64xf32>,
      %broadcast_in_dim3A_40 = arith.constant 0.000000e+00 : f32
      %broadcast_in_dim3A_41 = vector.broadcast %broadcast_in_dim3A_40 : f32 to vector<256x21xf32>
      %swap3A_42 = arith.constant 0 : index
      %swap3A_43 = arith.constant 0 : index
      %swap3A_44 = vector.load %arg12[%swap3A_42, %swap3A_43] : memref<256x21xf32, #tpu.memory_space<vmem>>, vector<256x21xf32>
      tpu.vector_store %arg12[%swap3A_42, %swap3A_43], %broadcast_in_dim3A_41 {strides = array<i32>} : memref<256x21xf32, #tpu.memory_space<vmem>>, vector<256x21xf32>,
    } else {
    }
    %iota3A = tpu.iota {dimensions = array<i32: 0>} : vector<256x1000xi32>
    %get3A = arith.constant 0 : index
    %get3A_2 = arith.constant 0 : index
    %get3A_3 = arith.constant 0 : index
    %get3A_4 = vector.load %arg1[%get3A, %get3A_2, %get3A_3] : memref<1x1x1000xi32, #tpu.memory_space<vmem>>, vector<1x1x1000xi32>
    %get3A_5 = vector.shape_cast %get3A_4 : vector<1x1x1000xi32> to vector<1x1000xi32>
    %eq3A_6 = vector.broadcast %get3A_5 : vector<1x1000xi32> to vector<256x1000xi32>
    %eq3A_7 = arith.cmpi eq, %iota3A, %eq3A_6 : vector<256x1000xi32>
    %convert_element_type3A_8 = arith.extui %eq3A_7 : vector<256x1000xi1> to vector<256x1000xi32>
    %convert_element_type3A_9 = arith.sitofp %convert_element_type3A_8 : vector<256x1000xi32> to vector<256x1000xf32>
    %get3A_10 = arith.constant 0 : index
    %get3A_11 = arith.constant 0 : index
    %get3A_12 = vector.load %arg11[%get3A_10, %get3A_11] : memref<256x64xf32, #tpu.memory_space<vmem>>, vector<256x64xf32>
    %get3A_13 = arith.constant 0 : index
    %get3A_14 = arith.constant 0 : index
    %get3A_15 = vector.load %arg2[%get3A_13, %get3A_14] : memref<1000x64xf32, #tpu.memory_space<vmem>>, vector<1000x64xf32>
    %dot_general3A = arith.constant dense<0.000000e+00> : vector<256x64xf32>
    %dot_general3A_16 = tpu.matmul %convert_element_type3A_9, %get3A_15, %dot_general3A {dimension_numbers = #tpu.dot_dimension_numbers<[1], [0], [0], [1], [0, 0, 1, 1], [], []>, transpose_lhs_hint = false} : vector<256x1000xf32>, vector<1000x64xf32>, vector<256x64xf32> -> vector<256x64xf32>
    %add3A = arith.addf %get3A_12, %dot_general3A_16 : vector<256x64xf32>
    %swap3A = arith.constant 0 : index
    %swap3A_17 = arith.constant 0 : index
    %swap3A_18 = vector.load %arg11[%swap3A, %swap3A_17] : memref<256x64xf32, #tpu.memory_space<vmem>>, vector<256x64xf32>
    tpu.vector_store %arg11[%swap3A, %swap3A_17], %add3A {strides = array<i32>} : memref<256x64xf32, #tpu.memory_space<vmem>>, vector<256x64xf32>,
    %get3A_19 = arith.constant 0 : index
    %get3A_20 = arith.constant 0 : index
    %get3A_21 = vector.load %arg12[%get3A_19, %get3A_20] : memref<256x21xf32, #tpu.memory_space<vmem>>, vector<256x21xf32>
    %get3A_22 = arith.constant 0 : index
    %get3A_23 = arith.constant 0 : index
    %get3A_24 = vector.load %arg3[%get3A_22, %get3A_23] : memref<1000x21xf32, #tpu.memory_space<vmem>>, vector<1000x21xf32>
    %dot_general3A_25 = arith.constant dense<0.000000e+00> : vector<256x21xf32>
    %dot_general3A_26 = tpu.matmul %convert_element_type3A_9, %get3A_24, %dot_general3A_25 {dimension_numbers = #tpu.dot_dimension_numbers<[1], [0], [0], [1], [0, 0, 1, 1], [], []>, transpose_lhs_hint = false} : vector<256x1000xf32>, vector<1000x21xf32>, vector<256x21xf32> -> vector<256x21xf32>
    %add3A_27 = arith.addf %get3A_21, %dot_general3A_26 : vector<256x21xf32>
    %swap3A_28 = arith.constant 0 : index
    %swap3A_29 = arith.constant 0 : index
    %swap3A_30 = vector.load %arg12[%swap3A_28, %swap3A_29] : memref<256x21xf32, #tpu.memory_space<vmem>>, vector<256x21xf32>
    tpu.vector_store %arg12[%swap3A_28, %swap3A_29], %add3A_27 {strides = array<i32>} : memref<256x21xf32, #tpu.memory_space<vmem>>, vector<256x21xf32>,
    %eq3A_31 = arith.constant 49 : i32
    %eq3A_32 = arith.cmpi eq, %arg0, %eq3A_31 : i32
    %convert_element_type3A_33 = arith.extui %eq3A_32 : i1 to i32
    %cond3A_34 = arith.constant 0 : i32
    %cond3A_35 = arith.cmpi ne, %convert_element_type3A_33, %cond3A_34 : i32
    scf.if %cond3A_35 {
      %get3A_36 = arith.constant 0 : index
      %get3A_37 = arith.constant 0 : index
      %get3A_38 = vector.load %arg12[%get3A_36, %get3A_37] : memref<256x21xf32, #tpu.memory_space<vmem>>, vector<256x21xf32>
      %slice3A = vector.extract_strided_slice %get3A_38 {offsets = [0, 0], sizes = [256, 20], strides = [1, 1]} : vector<256x21xf32> to vector<256x20xf32>
      %get3A_39 = arith.constant 0 : index
      %get3A_40 = arith.constant 0 : index
      %get3A_41 = vector.load %arg4[%get3A_39, %get3A_40] : memref<20x20xf32, #tpu.memory_space<vmem>>, vector<20x20xf32>
      %dot_general3A_42 = arith.constant dense<0.000000e+00> : vector<256x20xf32>
      %dot_general3A_43 = tpu.matmul %slice3A, %get3A_41, %dot_general3A_42 {dimension_numbers = #tpu.dot_dimension_numbers<[1], [0], [0], [1], [0, 0, 1, 1], [], []>, transpose_lhs_hint = false} : vector<256x20xf32>, vector<20x20xf32>, vector<256x20xf32> -> vector<256x20xf32>
      %slice3A_44 = vector.extract_strided_slice %get3A_38 {offsets = [0, 20], sizes = [256, 1], strides = [1, 1]} : vector<256x21xf32> to vector<256x1xf32>
      %get3A_45 = arith.constant 0 : index
      %get3A_46 = arith.constant 0 : index
      %get3A_47 = vector.load %arg5[%get3A_45, %get3A_46] : memref<1x20xf32, #tpu.memory_space<vmem>>, vector<1x20xf32>
      %mul3A = vector.broadcast %slice3A_44 : vector<256x1xf32> to vector<256x20xf32>
      %mul3A_48 = vector.broadcast %get3A_47 : vector<1x20xf32> to vector<256x20xf32>
      %mul3A_49 = arith.mulf %mul3A, %mul3A_48 : vector<256x20xf32>
      %add3A_50 = arith.addf %dot_general3A_43, %mul3A_49 : vector<256x20xf32>
      %get3A_51 = arith.constant 0 : index
      %get3A_52 = arith.constant 0 : index
      %get3A_53 = vector.load %arg11[%get3A_51, %get3A_52] : memref<256x64xf32, #tpu.memory_space<vmem>>, vector<256x64xf32>
      %get3A_54 = arith.constant 0 : index
      %get3A_55 = arith.constant 0 : index
      %get3A_56 = vector.load %arg6[%get3A_54, %get3A_55] : memref<84x42xf32, #tpu.memory_space<vmem>>, vector<64x42xf32>
      %dot_general3A_57 = arith.constant dense<0.000000e+00> : vector<256x42xf32>
      %dot_general3A_58 = tpu.matmul %get3A_53, %get3A_56, %dot_general3A_57 {dimension_numbers = #tpu.dot_dimension_numbers<[1], [0], [0], [1], [0, 0, 1, 1], [], []>, transpose_lhs_hint = false} : vector<256x64xf32>, vector<64x42xf32>, vector<256x42xf32> -> vector<256x42xf32>
      %get3A_59 = arith.constant 64 : index
      %get3A_60 = arith.constant 0 : index
      %get3A_61 = vector.load %arg6[%get3A_59, %get3A_60] : memref<84x42xf32, #tpu.memory_space<vmem>>, vector<20x42xf32>
      %dot_general3A_62 = arith.constant dense<0.000000e+00> : vector<256x42xf32>
      %dot_general3A_63 = tpu.matmul %add3A_50, %get3A_61, %dot_general3A_62 {dimension_numbers = #tpu.dot_dimension_numbers<[1], [0], [0], [1], [0, 0, 1, 1], [], []>, transpose_lhs_hint = false} : vector<256x20xf32>, vector<20x42xf32>, vector<256x42xf32> -> vector<256x42xf32>
      %add3A_64 = arith.addf %dot_general3A_58, %dot_general3A_63 : vector<256x42xf32>
      %get3A_65 = arith.constant 0 : index
      %get3A_66 = arith.constant 0 : index
      %get3A_67 = vector.load %arg7[%get3A_65, %get3A_66] : memref<1x42xf32, #tpu.memory_space<vmem>>, vector<1x42xf32>
      %add3A_68 = vector.broadcast %get3A_67 : vector<1x42xf32> to vector<256x42xf32>
      %add3A_69 = arith.addf %add3A_64, %add3A_68 : vector<256x42xf32>
      %max3A = arith.constant 0.000000e+00 : f32
      %max3A_70 = vector.broadcast %max3A : f32 to vector<256x42xf32>
      %max3A_71 = arith.maximumf %add3A_69, %max3A_70 : vector<256x42xf32>
      %get3A_72 = arith.constant 0 : index
      %get3A_73 = arith.constant 0 : index
      %get3A_74 = vector.load %arg8[%get3A_72, %get3A_73] : memref<42x1xf32, #tpu.memory_space<vmem>>, vector<42x1xf32>
      %dot_general3A_75 = arith.constant dense<0.000000e+00> : vector<256x1xf32>
      %dot_general3A_76 = tpu.matmul %max3A_71, %get3A_74, %dot_general3A_75 {dimension_numbers = #tpu.dot_dimension_numbers<[1], [0], [0], [1], [0, 0, 1, 1], [], []>, transpose_lhs_hint = false} : vector<256x42xf32>, vector<42x1xf32>, vector<256x1xf32> -> vector<256x1xf32>
      %get3A_77 = arith.constant 0 : index
      %get3A_78 = arith.constant 0 : index
      %get3A_79 = vector.load %arg9[%get3A_77, %get3A_78] : memref<1x1xf32, #tpu.memory_space<vmem>>, vector<1x1xf32>
      %add3A_80 = vector.broadcast %get3A_79 : vector<1x1xf32> to vector<256x1xf32>
      %add3A_81 = arith.addf %dot_general3A_76, %add3A_80 : vector<256x1xf32>
      %swap3A_82 = arith.constant 0 : index
      %swap3A_83 = arith.constant 0 : index
      %swap3A_84 = vector.load %arg10[%swap3A_82, %swap3A_83] : memref<256x1xf32, #tpu.memory_space<vmem>>, vector<256x1xf32>
      tpu.vector_store %arg10[%swap3A_82, %swap3A_83], %add3A_81 {strides = array<i32>} : memref<256x1xf32, #tpu.memory_space<vmem>>, vector<256x1xf32>,
    } else {
    }
    return
  }
  func.func @transform_0(%arg0: i32) -> (i32, i32, i32) {
    %c0_i32 = arith.constant 0 : i32
    %c0_i32_0 = arith.constant 0 : i32
    %c0_i32_1 = arith.constant 0 : i32
    return %arg0, %c0_i32, %c0_i32_0 : i32, i32, i32
  }
  func.func @transform_1(%arg0: i32) -> (i32, i32) {
    %c0_i32 = arith.constant 0 : i32
    %c0_i32_0 = arith.constant 0 : i32
    return %arg0, %c0_i32 : i32, i32
  }
  func.func @transform_2(%arg0: i32) -> (i32, i32) {
    %c0_i32 = arith.constant 0 : i32
    %c0_i32_0 = arith.constant 0 : i32
    return %arg0, %c0_i32 : i32, i32
  }
  func.func @transform_3(%arg0: i32) -> (i32, i32) {
    %c0_i32 = arith.constant 0 : i32
    %c0_i32_0 = arith.constant 0 : i32
    %c0_i32_1 = arith.constant 0 : i32
    return %c0_i32, %c0_i32_0 : i32, i32
  }
  func.func @transform_4(%arg0: i32) -> (i32, i32) {
    %c0_i32 = arith.constant 0 : i32
    %c0_i32_0 = arith.constant 0 : i32
    %c0_i32_1 = arith.constant 0 : i32
    return %c0_i32, %c0_i32_0 : i32, i32
  }
  func.func @transform_5(%arg0: i32) -> (i32, i32) {
    %c0_i32 = arith.constant 0 : i32
    %c0_i32_0 = arith.constant 0 : i32
    %c0_i32_1 = arith.constant 0 : i32
    return %c0_i32, %c0_i32_0 : i32, i32
  }
  func.func @transform_6(%arg0: i32) -> (i32, i32) {
    %c0_i32 = arith.constant 0 : i32
    %c0_i32_0 = arith.constant 0 : i32
    %c0_i32_1 = arith.constant 0 : i32
    return %c0_i32, %c0_i32_0 : i32, i32
  }
  func.func @transform_7(%arg0: i32) -> (i32, i32) {
    %c0_i32 = arith.constant 0 : i32
    %c0_i32_0 = arith.constant 0 : i32
    %c0_i32_1 = arith.constant 0 : i32
    return %c0_i32, %c0_i32_0 : i32, i32
  }
  func.func @transform_8(%arg0: i32) -> (i32, i32) {
    %c0_i32 = arith.constant 0 : i32
    %c0_i32_0 = arith.constant 0 : i32
    %c0_i32_1 = arith.constant 0 : i32
    return %c0_i32, %c0_i32_0 : i32, i32
  }
  func.func @transform_9(%arg0: i32) -> (i32, i32) {
    %c0_i32 = arith.constant 0 : i32
    %c0_i32_0 = arith.constant 0 : i32
    %c0_i32_1 = arith.constant 0 : i32
    return %c0_i32, %c0_i32_0 : i32, i32
  }
}

</mosaic_0001>

<sc_bundles>
// kernel: kernel.11.cloned.1.call-start
scs
__scs_entry_jumppad:
0x0: {  	(pc) =	sbr.rel $0x88, $3  }
0x1: {  	(tag) =	ssettag $0x0;
	lr =	simm.s32 $0x1  }
0x2: {  	[smem:$0x3F80] =	sst lr;
	_ =	strace $0xD0000000  }
0x3: {  	_ = 	snop  }
0x4: {  	_ = 	snop  }
0x5: {  	_ = 	snop  }
0x6: {  	_ = 	snop  }
0x7: {  	_ = 	snop  }
__scs_overlays_trampoline_lowered:
0x8: {  	[smem:$0x3F8F] =	sst s0  }
0x9: {  	[smem:$0x3F90] =	sst s1  }
0xa: {  	[smem:$0x3F91] =	sst s2  }
0xb: {  	[smem:$0x3F92] =	sst s3  }
0xc: {  	[smem:$0x3F93] =	sst s4  }
0xd: {  	[smem:$0x3F94] =	sst s5  }
0xe: {  	[smem:$0x3F95] =	sst s6  }
0xf: {  	[smem:$0x3F96] =	sst s7  }
0x10: {  	[smem:$0x3F97] =	sst s8  }
0x11: {  	[smem:$0x3F98] =	sst s9;
	s0 =	simm.s32 @!p0 $0x0  }
0x12: {  	s1 =	sld [smem:$0x3F7E];
	s0 =	simm.s32 @p0 $0x1  }
0x13: {  	[smem:$0x3F99] =	sst s0;
	s0 =	simm.s32 @!p1 $0x0  }
0x14: {  	s2 =	sld [smem:$0x3F7D];
	s0 =	simm.s32 @p1 $0x1  }
0x15: {  	[smem:$0x3F9A] =	sst s0;
	s0 =	simm.s32 @!p2 $0x0  }
0x16: {  	s3 =	sld [smem:$0x3FDB];
	s0 =	simm.s32 @p2 $0x1  }
0x17: {  	s4 =	simm.s32 $0x1BF5;
	[smem:$0x3F9C] =	sst s0  }
0x18: {  	s0 =	sld [smem:$0x3F7F];
	_ =	swait.ge [sflag:s4], $0x0  }
0x19: {  	s7 =	sld [smem:$0x3F80]  }
0x1a: {  	s8 =	sadd.s32 $0xFFFFE003, lr  }
0x1b: {  	s9 =	sadd.s32 $0xFFFFFEF7, lr;
	s5 =	simm.s32 $0xFFFFFFFF;
	p2 =	slt.u32 s8, $0xFFFFF086  }
0x1c: {  	p1 =	slt.u32 s9, $0xF7A;
	s5 =	simm.s32 @!p2 $0x0  }
0x1d: {  	s5 =	simm.s32 @p1 $0x1;
	p0 =	seq.s32 s7, s2  }
0x1e: {  	s7 =	smul.u32 @!p0 $0xF7A, s2;
	p2 =	seq.s32 @!p0 s5, $0x0  }
0x1f: {  	s9 =	smul.u32 $0xF7A, s1;
	s8 =	simm.s32 @!p0 $0x1BF5;
	p2 =	por !p2, p0  }
0x20: {  	[sflag:s8] =	ssyncset.s32 @!p0 $0xFFFFF086;
	s6 =	sadd.s32 @!p0 s3, s7;
	s7 =	simm.s32 @!p0 $0x108  }
0x21: {  	s3 =	sadd.s32 s3, s9;
	s6 =	sadd.s32 @!p0 $0x88, s6;
	s7 =	simm.s32 @p2 $0x1082  }
0x22: {  	[simem:s7], [sflag:s8] =	dma.local @!p0 [hbm:s6], $0xF7A  }
0x23: {  	s9 =	sor.u32 $0xD0000000, s2;
	s6 =	simm.s32 $0x108;
	_ =	swait.ge @!p0 [sflag:s8], $0x0  }
0x24: {  	s3 =	sadd.s32 $0x88, s3;
	s6 =	simm.s32 @!p1 $0x1082;
	[sflag:s4] =	ssyncset.s32 $0xFFFFF086  }
0x25: {  	[simem:s6], [sflag:s4] =	dma.local [hbm:s3], $0xF7A  }
0x26: {  	[smem:$0x3F80] =	sst s1;
	(tag) =	ssettag s2;
	_ =	strace s9  }
0x27: {  	s1 =	sld [smem:$0x3F90]  }
0x28: {  	s2 =	sld [smem:$0x3F91]  }
0x29: {  	s4 =	sld [smem:$0x3F93]  }
0x2a: {  	p0 =	seq.s32 s5, $0x0;
	s5 =	sld [smem:$0x3F94]  }
0x2b: {  	s6 =	sld [smem:$0x3F95]  }
0x2c: {  	s7 =	sld [smem:$0x3F96]  }
0x2d: {  	s3 =	simm.s32 $0x108;
	s8 =	sld [smem:$0x3F97]  }
0x2e: {  	s3 =	simm.s32 @!p0 $0x1082;
	s9 =	sld [smem:$0x3F98]  }
0x2f: {  	lr =	sadd.s32 s0, s3;
	s0 =	sld [smem:$0x3F8F]  }
0x30: {  	s3 =	sld [smem:$0x3F92]  }
0x31: {  	[smem:$0x3F9B] =	sst s10  }
0x32: {  	s10 =	sld [smem:$0x3F99];
	_ =	sdelay $0x3  }
0x33: {  	p0 =	seq.s32 s10, $0x1;
	s10 =	sld [smem:$0x3F9B];
	_ =	sdelay $0x3  }
0x34: {  	[smem:$0x3F9B] =	sst s10  }
0x35: {  	s10 =	sld [smem:$0x3F9A];
	_ =	sdelay $0x3  }
0x36: {  	p1 =	seq.s32 s10, $0x1;
	s10 =	sld [smem:$0x3F9B];
	_ =	sdelay $0x3  }
0x37: {  	[smem:$0x3F9B] =	sst s10  }
0x38: {  	s10 =	sld [smem:$0x3F9C]  }
0x39: {  	_ = 	snop;
	(pc) =	sbr.ind lr, $3  }
0x3a: {  	_ = 	snop  }
0x3b: {  	_ = 	snop  }
0x3c: {  	p2 =	seq.s32 s10, $0x1;
	s10 =	sld [smem:$0x3F9B]  }
0x3d: {  	_ =	shalt  }
0x3e: {  	_ =	shalt  }
0x3f: {  	_ =	shalt  }
0x40: {  	_ =	shalt  }
0x41: {  	_ =	shalt  }
0x42: {  	_ =	shalt  }
0x43: {  	_ =	shalt  }
0x44: {  	_ =	shalt  }
0x45: {  	_ =	shalt  }
0x46: {  	_ =	shalt  }
0x47: {  	_ =	shalt  }
0x48: {  	_ =	shalt  }
0x49: {  	_ =	shalt  }
0x4a: {  	_ =	shalt  }
0x4b: {  	_ =	shalt  }
0x4c: {  	_ =	shalt  }
0x4d: {  	_ =	shalt  }
0x4e: {  	_ =	shalt  }
0x4f: {  	_ =	shalt  }
0x50: {  	_ =	shalt  }
0x51: {  	_ =	shalt  }
0x52: {  	_ =	shalt  }
0x53: {  	_ =	shalt  }
0x54: {  	_ =	shalt  }
0x55: {  	_ =	shalt  }
0x56: {  	_ =	shalt  }
0x57: {  	_ =	shalt  }
0x58: {  	_ =	shalt  }
0x59: {  	_ =	shalt  }
0x5a: {  	_ =	shalt  }
0x5b: {  	_ =	shalt  }
0x5c: {  	_ =	shalt  }
0x5d: {  	_ =	shalt  }
0x5e: {  	_ =	shalt  }
0x5f: {  	_ =	shalt  }
0x60: {  	_ =	shalt  }
0x61: {  	_ =	shalt  }
0x62: {  	_ =	shalt  }
0x63: {  	_ =	shalt  }
0x64: {  	_ =	shalt  }
0x65: {  	_ =	shalt  }
0x66: {  	_ =	shalt  }
0x67: {  	_ =	shalt  }
0x68: {  	_ =	shalt  }
0x69: {  	_ =	shalt  }
0x6a: {  	_ =	shalt  }
0x6b: {  	_ =	shalt  }
0x6c: {  	_ =	shalt  }
0x6d: {  	_ =	shalt  }
0x6e: {  	_ =	shalt  }
0x6f: {  	_ =	shalt  }
0x70: {  	_ =	shalt  }
0x71: {  	_ =	shalt  }
0x72: {  	_ =	shalt  }
0x73: {  	_ =	shalt  }
0x74: {  	_ =	shalt  }
0x75: {  	_ =	shalt  }
0x76: {  	_ =	shalt  }
0x77: {  	_ =	shalt  }
0x78: {  	_ =	shalt  }
0x79: {  	_ =	shalt  }
0x7a: {  	_ =	shalt  }
0x7b: {  	_ =	shalt  }
0x7c: {  	_ =	shalt  }
0x7d: {  	_ =	shalt  }
0x7e: {  	_ =	shalt  }
0x7f: {  	_ =	shalt  }
0x80: {  	_ =	shalt  }
0x81: {  	_ =	shalt  }
0x82: {  	_ =	shalt  }
0x83: {  	_ =	shalt  }
0x84: {  	_ =	shalt  }
0x85: {  	_ =	shalt  }
0x86: {  	_ =	shalt  }
0x87: {  	_ =	shalt  }
.Lfunc_end0:
.L_simem_size_0:
called_computation.1_lowered:
.L_overlay_start_0:
0x88: {  	s2 =	sld [smem:$0x3FD9]  }
0x89: {  	s3 =	sld [smem:$0x3FFE];
	_ =	sdelay $0x1  }
0x8a: {  	s1 =	srdreg.scid  }
0x8b: {  	s0 =	sand.u32 $0x1, s1  }
0x8c: {  	s16 =	sshll.u32 s0, $0xA;
	s2 =	sadd.s32 s3, s2  }
0x8d: {  	s2 =	sadd.s32 s2, s16  }
0x8e: {  	[smem:$0x3FA7] =	sst s2  }
0x8f: {  	_ = 	snop  }
0x90: {  	(tm) =	ssettm $0x1  }
0x91: {  	s17 =	sld [smem:$0x3FFB];
	_ =	sdelay $0x3  }
0x92: {  	_ =	strace s17  }
0x93: {  	s2 =	sld [smem:$0x3FFC];
	_ =	sdelay $0x3  }
0x94: {  	_ =	strace s2  }
0x95: {  	s2 =	sld [smem:$0x3FFD];
	_ =	sdelay $0x3  }
0x96: {  	_ =	strace s2  }
0x97: {  	_ =	strace $0x8FFFFFFF  }
0x98: {  	s18 =	sld [smem:$0x3FDB];
	_ =	sdelay $0x1  }
0x99: {  	s19 =	simm.s32 $_scs_section_size  }
0x9a: {  	s4 =	simm.s32 $_size__tile_overlayer_lowered;
	s5 =	simm.s32 $_tile_overlayer_lowered  }
0x9b: {  	s22 =	simm.s32 $0x1BFF;
	s21 =	sshll.u32 s5, $0x1;
	s2 =	sadd.s32 s19, s18  }
0x9c: {  	s6 =	simm.s32 $0x0;
	s20 =	sshll.u32 s4, $0x1;
	s4 =	sadd.s32 s21, s2  }
0x9d: {  	[timem:s6], [sflag:s22] =	dma.local [hbm:s4], s20  }
0x9e: {  	_ =	swait.ge [sflag:s22], s20  }
0x9f: {  	s3 =	ssub.s32 $0x0, s20;
	[sflag:s22] =	ssyncset.done $0x0  }
0xa0: {  	[sflag:s22] =	ssyncadd.s32 s3;
	_ =	sdelay $0x1  }
0xa1: {  	s23 =	simm.s32 $0x1B8B  }
0xa2: {  	_ =	swait.ge [sflag:s23], $0x1  }
0xa3: {  	[sflag:s23] =	ssyncset.done $0x0  }
0xa4: {  	s25 =	simm.s32 $0x1B8E;
	s24 =	sld [smem:$0x3FFE];
	[sflag:s23] =	ssyncadd.s32 $0xFFFFFFFF  }
0xa5: {  	s26 =	simm.s32 $execute0_lowered;
	[smem:$0x3FD2] =	sst s25  }
0xa6: {  	s4 =	sshll.u32 s26, $0x1;
	_ =	strace $0x80000049;
	[dreg:$0x1] =	wrdreg $0xFFFFFFFF  }
0xa7: {  	s28 =	simm.s32 $_size_execute0_lowered;
	s2 =	sadd.s32 s2, s4;
	[dreg:$0x0] =	wrdreg $0x0  }
0xa8: {  	s4 =	sshll.u32 s28, $0x1;
	[dreg:$0x2] =	wrdreg s2  }
0xa9: {  	[dreg:$0x3] =	wrdreg s4  }
0xaa: {  	[dreg:$0x4] =	wrdreg $0xC0  }
0xab: {  	_ =	task [dreg:s6], $0x5FFFF  }
0xac: {  	[dreg:$0x1] =	wrdreg $0xFFFFFFFF  }
0xad: {  	[dreg:$0x0] =	wrdreg $0x60  }
0xae: {  	[dreg:$0x2] =	wrdreg s24  }
0xaf: {  	[dreg:$0x3] =	wrdreg $0x48000  }
0xb0: {  	[dreg:$0x4] =	wrdreg $0x9  }
0xb1: {  	_ =	task.clear_ibuf [dreg:s6], $0x5FFFF;
	_ =	strace $0x90000049  }
0xb2: {  	s29 =	simm.s32 $0x9;
	_ =	strace $0x8000004B  }
0xb3: {  	_ =	swait.ge [sflag:s29], $0x1  }
0xb4: {  	[sflag:s29] =	ssyncadd.s32 $0xFFFFFFFF  }
0xb5: {  	_ =	strace $0x9000004B  }
0xb6: {  	_ =	sfence  }
0xb7: {  	s30 =	sld [smem:$0x0];
	_ =	sdelay $0x2  }
0xb8: {  	s31 =	sshll.u32 s1, $0xD;
	s1 =	sshrl.u32 s1, $0x2  }
0xb9: {  	s3 =	sand.u32 $0x4000, s31;
	s1 =	sadd.s32 s1, s30  }
0xba: {  	s0 =	sor.u32 s3, s0;
	s1 =	sshll.u32 s1, $0x11  }
0xbb: {  	s0 =	sor.u32 s1, s0  }
0xbc: {  	s0 =	sadd.s32 $0x8F2B, s0  }
0xbd: {  	[sflag:s0] =	ssyncadd.remote.s32 $0x1  }
0xbe: {  	_ =	sfence.sel $0xFFFF  }
0xbf: {  	[dreg:$0x0] =	wrdreg $0xFFFFFFFF;
	(pc) =	sbr.abs _section_cstart, $3  }
0xc0: {  	[dreg:$0x1] =	wrdreg $0xFFFFFFFF  }
0xc1: {  	_ =	task.clear_ibuf [dreg:s6], $0x2FFFF;
	_ =	strace $0x9FFFFFFF  }
0xc2: {  	(tm) =	ssettm $0x7FFFFFFF  }
0xc3: {  	_ =	shalt  }
tec
execute0_lowered:
.L_overlay_start_1:
0x0: {  	(tag) =	ssettag $0x1  }
0x1: {  	s0 =	rddreg [dreg:$0x0]  }
0x2: {  	s2 =	rddreg [dreg:$0x1];
	s3 =	simm.s32 $0x0;
	s15 =	stileid.u32  }
0x3: {  	s6 =	srdreg.scid;
	s28 =	simm.s32 $0x2000;
	s30 =	simm.s32 $0x2800  }
0x4: {  	s16 =	simm.s32 $0x380;
	s31 =	simm.s32 $0x0;
	[smem:$0x7FF] =	sst s3  }
0x5: {  	s1 =	smul.u32 $0xC380, s15;
	s5 =	sadd.s32 $0xE22C00, s0;
	s9 =	sand.u32 $0x1, s6  }
0x6: {  	s4 =	sadd.s32 $0xC3A000, s0;
	s6 =	sadd.s32 $0xDC0C00, s0;
	s13 =	smul.u32 $0x187000, s9  }
0x7: {  	s7 =	sadd.s32 $0xC9BC00, s0;
	s18 =	sshll.u32 s15, $0x6;
	s20 =	smul.u32 $0x188000, s9  }
0x8: {  	s10 =	ssub.s32 $0x2, s9;
	s14 =	sshllo.u32 s9, $0x1;
	s9 =	smul.u32 $0x1880000, s9  }
0x9: {  	_ =	strace $0x8000004A;
	s26 =	sor.u32 $0x1C02, s18;
	s19 =	smul.u32 $0xC3800, s14  }
0xa: {  	s18 =	simm.s32 $0x500;
	s8 =	sshrl.u32 s1, $0x3;
	s23 =	smul.u32 $0xC4000, s14  }
0xb: {  	s17 =	sshrl.u32 s10, $0x1;
	s12 =	sadd.s32 s1, s2;
	s24 =	smul.u32 $0xC40000, s14  }
0xc: {  	s14 =	simm.s32 $0x680;
	[dreg:$0x4] =	wrdreg s26;
	s11 =	sadd.s32 s8, s0  }
0xd: {  	s0 =	sadd.s32 $0x5000, s0;
	s10 =	ssub.s32 s10, s17;
	[dreg:$0x5] =	wrdreg s20  }
0xe: {  	s8 =	smul.u32 $0xC400, s15;
	s21 =	sadd.s32 s1, s13;
	[dreg:$0x6] =	wrdreg s9  }
0xf: {  	s29 =	sshrl.u32 s12, $0x3;
	s20 =	simm.s32 $0x400;
	s13 =	simm.s32 $0x3800  }
0x10: {  	s17 =	simm.s32 $0x4000;
	s12 =	simm.s32 $0x600;
	s15 =	simm.s32 $0x700  }
0x11: {  	s11 =	sadd.s32 $0xCB4400, s11;
	s22 =	sshrl.u32 s21, $0x3;
	[dreg:$0x8] =	wrdreg s23  }
0x12: {  	s1 =	sadd.s32 s1, s19;
	[dreg:$0x9] =	wrdreg s24;
	s25 =	smax.u32 s10, $0x1  }
0x13: {  	s19 =	simm.s32 $0x2;
	s21 =	simm.s32 $0x800;
	s23 =	simm.s32 $0x1000  }
0x14: {  	s10 =	simm.s32 $0x480;
	s24 =	simm.s32 $0x780;
	[dreg:$0xc] =	wrdreg s29  }
0x15: {  	[dreg:$0x3] =	wrdreg s11;
	s9 =	sadd.s32 s0, s22;
	s1 =	sshrl.u32 s1, $0x3  }
0x16: {  	[dreg:$0xb] =	wrdreg s25;
	s22 =	simm.s32 $0x80;
	s25 =	simm.s32 $0x1800  }
0x17: {  	s11 =	simm.s32 $0x580;
	[dreg:$0x7] =	wrdreg s9;
	s0 =	sadd.s32 s0, s1  }
0x18: {  	s9 =	simm.s32 $0x1;
	[dreg:$0xa] =	wrdreg s0;
	s0 =	simm.s32 $0x3000  }
.LBB2_1:
0x19: {  	[dreg:$0xd] =	wrdreg s31  }
0x1a: {  	s1 =	rddreg [dreg:$0x3]  }
0x1b: {  	[spmem:s29], [sflag:s26] =	dma.local [hbm:s1], $0x1870  }
0x1c: {  	_ =	swait.ge [sflag:s19], $0x1870  }
0x1d: {  	[sflag:s19] =	ssyncset.done $0x0  }
0x1e: {  	[sflag:s19] =	ssyncadd.s32 $0xFFFFE790  }
0x1f: {  	s26 =	simm.s32 $0x0;
	[bflag:$0x0] =	sbarrier.arrive $0xFFFF  }
.LBB2_2:
0x20: {  	s1 =	sshll.u32 s26, $0xA  }
0x21: {  	s29 =	rddreg [dreg:$0x5];
	s1 =	sadd.s32 s8, s1  }
0x22: {  	s29 =	sadd.s32 s29, s1  }
0x23: {  	s29 =	sshrl.u32 s29, $0x3  }
0x24: {  	s29 =	sadd.s32 s6, s29  }
0x25: {  	[tilespmem:s3], [sflag:$0x2] =	stream.linear.gather [hbm4b:s29+s3], $0x400, $0x38;
	[tilespmem:$0x10B80] =	vst v63  }
0x26: {  	_ =	swait.ge [sflag:s19], $0x400  }
0x27: {  	s29 =	sshrl.u32 s1, $0x3;
	[sflag:s19] =	ssyncset.done $0x0  }
0x28: {  	s29 =	sadd.s32 s7, s29;
	[sflag:s19] =	ssyncadd.s32 $0xFFFFFC00  }
0x29: {  	[tilespmem:s20], [sflag:$0x2] =	stream.linear.gather [hbm4b:s29+s3], $0x400, $0x38;
	[tilespmem:$0x10B80] =	vst v63  }
0x2a: {  	_ =	swait.ge [sflag:s19], $0x400  }
0x2b: {  	s1 =	sshll.u32 s1, $0x4;
	s29 =	rddreg [dreg:$0x6]  }
0x2c: {  	s1 =	sadd.s32 s29, s1  }
0x2d: {  	[sflag:s19] =	ssyncset.done $0x0;
	s1 =	sshrl.u32 s1, $0x3  }
0x2e: {  	[sflag:s19] =	ssyncadd.s32 $0xFFFFFC00;
	s1 =	sadd.s32 s5, s1  }
0x2f: {  	[tilespmem:s21], [sflag:$0x2] =	stream.linear.gather [hbm4b:s1+s3], $0x4000, $0x38;
	[tilespmem:$0x10B80] =	vst v63  }
0x30: {  	_ =	swait.ge [sflag:s19], $0x4000  }
0x31: {  	[sflag:s19] =	ssyncset.done $0x0  }
0x32: {  	[sflag:s19] =	ssyncadd.s32 $0xFFFFC000  }
0x33: {  	[tilespmem:s21], [sflag:$0x1] =	stream.indirect.gather.add.f32 [hbm:s4], $0x10, s3, s22, $0xb8;
	[tilespmem:$0x10B80] =	vst v63  }
0x34: {  	_ = 	snop  }
0x35: {  	[tilespmem:s23], [sflag:$0x1] =	stream.indirect.gather.add.f32 [hbm:s4], $0x10, s22, s22, $0xb8;
	[tilespmem:$0x10B80] =	vst v63  }
0x36: {  	s1 =	simm.s32 $0x100  }
0x37: {  	[tilespmem:s25], [sflag:$0x1] =	stream.indirect.gather.add.f32 [hbm:s4], $0x10, s1, s22, $0xb8;
	[tilespmem:$0x10B80] =	vst v63  }
0x38: {  	s1 =	simm.s32 $0x180  }
0x39: {  	[tilespmem:s28], [sflag:$0x1] =	stream.indirect.gather.add.f32 [hbm:s4], $0x10, s1, s22, $0xb8;
	[tilespmem:$0x10B80] =	vst v63  }
0x3a: {  	s1 =	simm.s32 $0x200  }
0x3b: {  	[tilespmem:s30], [sflag:$0x1] =	stream.indirect.gather.add.f32 [hbm:s4], $0x10, s1, s22, $0xb8;
	[tilespmem:$0x10B80] =	vst v63  }
0x3c: {  	s1 =	simm.s32 $0x280  }
0x3d: {  	[tilespmem:s0], [sflag:$0x1] =	stream.indirect.gather.add.f32 [hbm:s4], $0x10, s1, s22, $0xb8;
	[tilespmem:$0x10B80] =	vst v63  }
0x3e: {  	s1 =	simm.s32 $0x300  }
0x3f: {  	[tilespmem:s13], [sflag:$0x1] =	stream.indirect.gather.add.f32 [hbm:s4], $0x10, s1, s22, $0xb8;
	[tilespmem:$0x10B80] =	vst v63  }
0x40: {  	_ = 	snop  }
0x41: {  	[tilespmem:s17], [sflag:$0x1] =	stream.indirect.gather.add.f32 [hbm:s4], $0x10, s16, s22, $0xb8;
	[tilespmem:$0x10B80] =	vst v63  }
0x42: {  	_ =	swait.ge [sflag:s9], $0x800  }
0x43: {  	[sflag:s9] =	ssyncset.done $0x0  }
0x44: {  	[sflag:s9] =	ssyncadd.s32 $0xFFFFF800  }
0x45: {  	_ =	swait.ge [sflag:s9], $0x800  }
0x46: {  	[sflag:s9] =	ssyncset.done $0x0  }
0x47: {  	[sflag:s9] =	ssyncadd.s32 $0xFFFFF800  }
0x48: {  	_ =	swait.ge [sflag:s9], $0x800  }
0x49: {  	[sflag:s9] =	ssyncset.done $0x0  }
0x4a: {  	[sflag:s9] =	ssyncadd.s32 $0xFFFFF800  }
0x4b: {  	_ =	swait.ge [sflag:s9], $0x800  }
0x4c: {  	[sflag:s9] =	ssyncset.done $0x0  }
0x4d: {  	[sflag:s9] =	ssyncadd.s32 $0xFFFFF800  }
0x4e: {  	_ =	swait.ge [sflag:s9], $0x800  }
0x4f: {  	[sflag:s9] =	ssyncset.done $0x0  }
0x50: {  	[sflag:s9] =	ssyncadd.s32 $0xFFFFF800  }
0x51: {  	_ =	swait.ge [sflag:s9], $0x800  }
0x52: {  	[sflag:s9] =	ssyncset.done $0x0  }
0x53: {  	[sflag:s9] =	ssyncadd.s32 $0xFFFFF800  }
0x54: {  	_ =	swait.ge [sflag:s9], $0x800  }
0x55: {  	[sflag:s9] =	ssyncset.done $0x0  }
0x56: {  	[sflag:s9] =	ssyncadd.s32 $0xFFFFF800  }
0x57: {  	_ =	swait.ge [sflag:s9], $0x800  }
0x58: {  	[sflag:s9] =	ssyncset.done $0x0  }
0x59: {  	s29 =	simm.s32 $0x840;
	[sflag:s9] =	ssyncadd.s32 $0xFFFFF800  }
0x5a: {  	v3 =	vld [tilespmem:s29+$0x30]  }
0x5b: {  	v4 =	vld [tilespmem:s29+$0xFFFFFFD0]  }
0x5c: {  	v5 =	vld [tilespmem:s29+$0xFFFFFFE0]  }
0x5d: {  	v2 =	vld [tilespmem:s29+$0xFFFFFFF0]  }
0x5e: {  	v1 =	vld [tilespmem:s29+$0x0]  }
0x5f: {  	v0 =	vld [tilespmem:s29+$0x10];
	v6 =	vmax.f32 v3, $0.0e+00  }
0x60: {  	v7 =	vmax.f32 v4, $0.0e+00;
	v3 =	vld [tilespmem:s29+$0x20];
	[tilespmem:s29+$0x30] =	vst v6  }
0x61: {  	s31 =	simm.s32 $0x0;
	s1 =	simm.s32 $0x8C0;
	v4 =	vld [tilespmem:s29+$0xFFFFFFC0];
	v5 =	vmax.f32 v5, $0.0e+00;
	[tilespmem:s29+$0xFFFFFFD0] =	vst v7  }
.LBB2_3:
0x62: {  	v6 =	vld [tilespmem:s1+$0x30];
	s31 =	sadd.s32 $0x8, s31;
	[tilespmem:s29+$0xFFFFFFE0] =	vst v5;
	v2 =	vmax.f32 v2, $0.0e+00  }
0x63: {  	v5 =	vld [tilespmem:s1+$0xFFFFFFD0];
	p0 =	slt.u32 s31, $0x3F8;
	[tilespmem:s29+$0xFFFFFFF0] =	vst v2;
	v1 =	vmax.f32 v1, $0.0e+00  }
0x64: {  	v7 =	vld [tilespmem:s1+$0xFFFFFFE0];
	[tilespmem:s29+$0x0] =	vst v1;
	v0 =	vmax.f32 v0, $0.0e+00  }
.Ltmp0:
0x65: {  	v2 =	vld [tilespmem:s1+$0xFFFFFFF0];
	[tilespmem:s29+$0x10] =	vst v0;
	v0 =	vmax.f32 v3, $0.0e+00;
	(pc) =	sbr.rel @p0 .LBB2_3-.Ltmp0, $4  }
0x66: {  	v1 =	vld [tilespmem:s1+$0x0];
	v3 =	vmax.f32 v4, $0.0e+00;
	[tilespmem:s29+$0x20] =	vst v0  }
0x67: {  	v0 =	vld [tilespmem:s1+$0x10];
	v4 =	vmax.f32 v6, $0.0e+00;
	[tilespmem:s29+$0xFFFFFFC0] =	vst v3;
	s29 =	smov.u32 s1  }
0x68: {  	v5 =	vmax.f32 v5, $0.0e+00;
	v3 =	vld [tilespmem:s1+$0x20];
	[tilespmem:s1+$0x30] =	vst v4  }
0x69: {  	s1 =	sadd.s32 $0x80, s1;
	v4 =	vld [tilespmem:s29+$0xFFFFFFC0];
	[tilespmem:s29+$0xFFFFFFD0] =	vst v5;
	v5 =	vmax.f32 v7, $0.0e+00  }
0x6a: {  	[tilespmem:s29+$0xFFFFFFE0] =	vst v5;
	v2 =	vmax.f32 v2, $0.0e+00  }
0x6b: {  	[tilespmem:s29+$0xFFFFFFF0] =	vst v2;
	v1 =	vmax.f32 v1, $0.0e+00  }
0x6c: {  	[tilespmem:s29+$0x0] =	vst v1;
	v0 =	vmax.f32 v0, $0.0e+00  }
0x6d: {  	[tilespmem:s29+$0x10] =	vst v0;
	v62 =	vmax.f32 v3, $0.0e+00  }
0x6e: {  	v63 =	vmax.f32 v4, $0.0e+00;
	[tilespmem:s29+$0x20] =	vst v62  }
0x6f: {  	[tilespmem:s29+$0xFFFFFFC0] =	vst v63  }
0x70: {  	[spmem:s2] =	stream.indirect.scatter.add.f32 [tilespmem:s21], [sflag:$0x2], $0x10, s20, s22, $0xb8;
	[tilespmem:$0x10B80] =	vst v63  }
0x71: {  	_ =	swait.ge [sflag:s19], $0x800  }
0x72: {  	[sflag:s19] =	ssyncset.done $0x0  }
0x73: {  	[sflag:s19] =	ssyncadd.s32 $0xFFFFF800  }
0x74: {  	[spmem:s2] =	stream.indirect.scatter.add.f32 [tilespmem:s23], [sflag:$0x2], $0x10, s10, s22, $0xb8;
	[tilespmem:$0x10B80] =	vst v63  }
0x75: {  	_ =	swait.ge [sflag:s19], $0x800  }
0x76: {  	[sflag:s19] =	ssyncset.done $0x0  }
0x77: {  	[sflag:s19] =	ssyncadd.s32 $0xFFFFF800  }
0x78: {  	[spmem:s2] =	stream.indirect.scatter.add.f32 [tilespmem:s25], [sflag:$0x2], $0x10, s18, s22, $0xb8;
	[tilespmem:$0x10B80] =	vst v63  }
0x79: {  	_ =	swait.ge [sflag:s19], $0x800  }
0x7a: {  	[sflag:s19] =	ssyncset.done $0x0  }
0x7b: {  	[sflag:s19] =	ssyncadd.s32 $0xFFFFF800  }
0x7c: {  	[spmem:s2] =	stream.indirect.scatter.add.f32 [tilespmem:s28], [sflag:$0x2], $0x10, s11, s22, $0xb8;
	[tilespmem:$0x10B80] =	vst v63  }
0x7d: {  	_ =	swait.ge [sflag:s19], $0x800  }
0x7e: {  	[sflag:s19] =	ssyncset.done $0x0  }
0x7f: {  	[sflag:s19] =	ssyncadd.s32 $0xFFFFF800  }
0x80: {  	[spmem:s2] =	stream.indirect.scatter.add.f32 [tilespmem:s30], [sflag:$0x2], $0x10, s12, s22, $0xb8;
	[tilespmem:$0x10B80] =	vst v63  }
0x81: {  	_ =	swait.ge [sflag:s19], $0x800  }
0x82: {  	[sflag:s19] =	ssyncset.done $0x0  }
0x83: {  	[sflag:s19] =	ssyncadd.s32 $0xFFFFF800  }
0x84: {  	[spmem:s2] =	stream.indirect.scatter.add.f32 [tilespmem:s0], [sflag:$0x2], $0x10, s14, s22, $0xb8;
	[tilespmem:$0x10B80] =	vst v63  }
0x85: {  	_ =	swait.ge [sflag:s19], $0x800  }
0x86: {  	[sflag:s19] =	ssyncset.done $0x0  }
0x87: {  	[sflag:s19] =	ssyncadd.s32 $0xFFFFF800  }
0x88: {  	[spmem:s2] =	stream.indirect.scatter.add.f32 [tilespmem:s13], [sflag:$0x2], $0x10, s15, s22, $0xb8;
	[tilespmem:$0x10B80] =	vst v63  }
0x89: {  	s26 =	sadd.s32 $0x1, s26;
	_ =	swait.ge [sflag:s19], $0x800  }
0x8a: {  	p0 =	sne.s32 s26, $0x31;
	[sflag:s19] =	ssyncset.done $0x0  }
.Ltmp1:
0x8b: {  	[sflag:s19] =	ssyncadd.s32 $0xFFFFF800;
	(pc) =	sbr.rel @p0 .LBB2_2-.Ltmp1, $4  }
0x8c: {  	[spmem:s2] =	stream.indirect.scatter.add.f32 [tilespmem:s17], [sflag:$0x2], $0x10, s24, s22, $0xb8;
	[tilespmem:$0x10B80] =	vst v63  }
0x8d: {  	_ =	swait.ge [sflag:s19], $0x800  }
0x8e: {  	[sflag:s19] =	ssyncset.done $0x0  }
0x8f: {  	[sflag:s19] =	ssyncadd.s32 $0xFFFFF800  }
0x90: {  	[bflag:$0x0] =	sbarrier.arrive $0xFFFF  }
0x91: {  	s26 =	rddreg [dreg:$0x4]  }
0x92: {  	s1 =	rddreg [dreg:$0x7]  }
0x93: {  	s29 =	rddreg [dreg:$0xc]  }
0x94: {  	[hbm:s1], [sflag:s26] =	dma.local [spmem:s29], $0x1870  }
0x95: {  	_ =	swait.ge [sflag:s19], $0x1870  }
0x96: {  	[sflag:s19] =	ssyncset.done $0x0  }
0x97: {  	s31 =	rddreg [dreg:$0x3];
	[sflag:s19] =	ssyncadd.s32 $0xFFFFE790  }
0x98: {  	[spmem:s29], [sflag:s26] =	dma.local [hbm:s31], $0x1870  }
0x99: {  	_ =	swait.ge [sflag:s19], $0x1870  }
0x9a: {  	[sflag:s19] =	ssyncset.done $0x0  }
0x9b: {  	[sflag:s19] =	ssyncadd.s32 $0xFFFFE790  }
0x9c: {  	s26 =	simm.s32 $0x0;
	[bflag:$0x0] =	sbarrier.arrive $0xFFFF  }
.LBB2_6:
0x9d: {  	s1 =	sshll.u32 s26, $0xA  }
0x9e: {  	s29 =	rddreg [dreg:$0x8];
	s1 =	sadd.s32 s8, s1  }
0x9f: {  	s29 =	sadd.s32 s29, s1  }
0xa0: {  	s29 =	sshrl.u32 s29, $0x3  }
0xa1: {  	s29 =	sadd.s32 s6, s29  }
0xa2: {  	[tilespmem:s3], [sflag:$0x2] =	stream.linear.gather [hbm4b:s29+s3], $0x400, $0x38;
	[tilespmem:$0x10B80] =	vst v63  }
0xa3: {  	_ =	swait.ge [sflag:s19], $0x400  }
0xa4: {  	s29 =	sshrl.u32 s1, $0x3;
	[sflag:s19] =	ssyncset.done $0x0  }
0xa5: {  	s29 =	sadd.s32 s7, s29;
	[sflag:s19] =	ssyncadd.s32 $0xFFFFFC00  }
0xa6: {  	[tilespmem:s20], [sflag:$0x2] =	stream.linear.gather [hbm4b:s29+s3], $0x400, $0x38;
	[tilespmem:$0x10B80] =	vst v63  }
0xa7: {  	_ =	swait.ge [sflag:s19], $0x400  }
0xa8: {  	s1 =	sshll.u32 s1, $0x4;
	s29 =	rddreg [dreg:$0x9]  }
0xa9: {  	s1 =	sadd.s32 s29, s1  }
0xaa: {  	[sflag:s19] =	ssyncset.done $0x0;
	s1 =	sshrl.u32 s1, $0x3  }
0xab: {  	[sflag:s19] =	ssyncadd.s32 $0xFFFFFC00;
	s1 =	sadd.s32 s5, s1  }
0xac: {  	[tilespmem:s21], [sflag:$0x2] =	stream.linear.gather [hbm4b:s1+s3], $0x4000, $0x38;
	[tilespmem:$0x10B80] =	vst v63  }
0xad: {  	_ =	swait.ge [sflag:s19], $0x4000  }
0xae: {  	[sflag:s19] =	ssyncset.done $0x0  }
0xaf: {  	[sflag:s19] =	ssyncadd.s32 $0xFFFFC000  }
0xb0: {  	[tilespmem:s21], [sflag:$0x1] =	stream.indirect.gather.add.f32 [hbm:s4], $0x10, s3, s22, $0xb8;
	[tilespmem:$0x10B80] =	vst v63  }
0xb1: {  	_ = 	snop  }
0xb2: {  	[tilespmem:s23], [sflag:$0x1] =	stream.indirect.gather.add.f32 [hbm:s4], $0x10, s22, s22, $0xb8;
	[tilespmem:$0x10B80] =	vst v63  }
0xb3: {  	s1 =	simm.s32 $0x100  }
0xb4: {  	[tilespmem:s25], [sflag:$0x1] =	stream.indirect.gather.add.f32 [hbm:s4], $0x10, s1, s22, $0xb8;
	[tilespmem:$0x10B80] =	vst v63  }
0xb5: {  	s1 =	simm.s32 $0x180  }
0xb6: {  	[tilespmem:s28], [sflag:$0x1] =	stream.indirect.gather.add.f32 [hbm:s4], $0x10, s1, s22, $0xb8;
	[tilespmem:$0x10B80] =	vst v63  }
0xb7: {  	s1 =	simm.s32 $0x200  }
0xb8: {  	[tilespmem:s30], [sflag:$0x1] =	stream.indirect.gather.add.f32 [hbm:s4], $0x10, s1, s22, $0xb8;
	[tilespmem:$0x10B80] =	vst v63  }
0xb9: {  	s1 =	simm.s32 $0x280  }
0xba: {  	[tilespmem:s0], [sflag:$0x1] =	stream.indirect.gather.add.f32 [hbm:s4], $0x10, s1, s22, $0xb8;
	[tilespmem:$0x10B80] =	vst v63  }
0xbb: {  	s1 =	simm.s32 $0x300  }
0xbc: {  	[tilespmem:s13], [sflag:$0x1] =	stream.indirect.gather.add.f32 [hbm:s4], $0x10, s1, s22, $0xb8;
	[tilespmem:$0x10B80] =	vst v63  }
0xbd: {  	_ = 	snop  }
0xbe: {  	[tilespmem:s17], [sflag:$0x1] =	stream.indirect.gather.add.f32 [hbm:s4], $0x10, s16, s22, $0xb8;
	[tilespmem:$0x10B80] =	vst v63  }
0xbf: {  	_ =	swait.ge [sflag:s9], $0x800  }
0xc0: {  	[sflag:s9] =	ssyncset.done $0x0  }
0xc1: {  	[sflag:s9] =	ssyncadd.s32 $0xFFFFF800  }
0xc2: {  	_ =	swait.ge [sflag:s9], $0x800  }
0xc3: {  	[sflag:s9] =	ssyncset.done $0x0  }
0xc4: {  	[sflag:s9] =	ssyncadd.s32 $0xFFFFF800  }
0xc5: {  	_ =	swait.ge [sflag:s9], $0x800  }
0xc6: {  	[sflag:s9] =	ssyncset.done $0x0  }
0xc7: {  	[sflag:s9] =	ssyncadd.s32 $0xFFFFF800  }
0xc8: {  	_ =	swait.ge [sflag:s9], $0x800  }
0xc9: {  	[sflag:s9] =	ssyncset.done $0x0  }
0xca: {  	[sflag:s9] =	ssyncadd.s32 $0xFFFFF800  }
0xcb: {  	_ =	swait.ge [sflag:s9], $0x800  }
0xcc: {  	[sflag:s9] =	ssyncset.done $0x0  }
0xcd: {  	[sflag:s9] =	ssyncadd.s32 $0xFFFFF800  }
0xce: {  	_ =	swait.ge [sflag:s9], $0x800  }
0xcf: {  	[sflag:s9] =	ssyncset.done $0x0  }
0xd0: {  	[sflag:s9] =	ssyncadd.s32 $0xFFFFF800  }
0xd1: {  	_ =	swait.ge [sflag:s9], $0x800  }
0xd2: {  	[sflag:s9] =	ssyncset.done $0x0  }
0xd3: {  	[sflag:s9] =	ssyncadd.s32 $0xFFFFF800  }
0xd4: {  	_ =	swait.ge [sflag:s9], $0x800  }
0xd5: {  	[sflag:s9] =	ssyncset.done $0x0  }
0xd6: {  	s29 =	simm.s32 $0x840;
	[sflag:s9] =	ssyncadd.s32 $0xFFFFF800  }
0xd7: {  	v3 =	vld [tilespmem:s29+$0x30]  }
0xd8: {  	v4 =	vld [tilespmem:s29+$0xFFFFFFD0]  }
0xd9: {  	v5 =	vld [tilespmem:s29+$0xFFFFFFE0]  }
0xda: {  	v2 =	vld [tilespmem:s29+$0xFFFFFFF0]  }
0xdb: {  	v1 =	vld [tilespmem:s29+$0x0]  }
0xdc: {  	v0 =	vld [tilespmem:s29+$0x10];
	v6 =	vmax.f32 v3, $0.0e+00  }
0xdd: {  	v7 =	vmax.f32 v4, $0.0e+00;
	v3 =	vld [tilespmem:s29+$0x20];
	[tilespmem:s29+$0x30] =	vst v6  }
0xde: {  	s31 =	simm.s32 $0x0;
	s1 =	simm.s32 $0x8C0;
	v4 =	vld [tilespmem:s29+$0xFFFFFFC0];
	v5 =	vmax.f32 v5, $0.0e+00;
	[tilespmem:s29+$0xFFFFFFD0] =	vst v7  }
.LBB2_7:
0xdf: {  	v6 =	vld [tilespmem:s1+$0x30];
	s31 =	sadd.s32 $0x8, s31;
	[tilespmem:s29+$0xFFFFFFE0] =	vst v5;
	v2 =	vmax.f32 v2, $0.0e+00  }
0xe0: {  	v5 =	vld [tilespmem:s1+$0xFFFFFFD0];
	p0 =	slt.u32 s31, $0x3F8;
	[tilespmem:s29+$0xFFFFFFF0] =	vst v2;
	v1 =	vmax.f32 v1, $0.0e+00  }
0xe1: {  	v7 =	vld [tilespmem:s1+$0xFFFFFFE0];
	[tilespmem:s29+$0x0] =	vst v1;
	v0 =	vmax.f32 v0, $0.0e+00  }
.Ltmp2:
0xe2: {  	v2 =	vld [tilespmem:s1+$0xFFFFFFF0];
	[tilespmem:s29+$0x10] =	vst v0;
	v0 =	vmax.f32 v3, $0.0e+00;
	(pc) =	sbr.rel @p0 .LBB2_7-.Ltmp2, $4  }
0xe3: {  	v1 =	vld [tilespmem:s1+$0x0];
	v3 =	vmax.f32 v4, $0.0e+00;
	[tilespmem:s29+$0x20] =	vst v0  }
0xe4: {  	v0 =	vld [tilespmem:s1+$0x10];
	v4 =	vmax.f32 v6, $0.0e+00;
	[tilespmem:s29+$0xFFFFFFC0] =	vst v3;
	s29 =	smov.u32 s1  }
0xe5: {  	v5 =	vmax.f32 v5, $0.0e+00;
	v3 =	vld [tilespmem:s1+$0x20];
	[tilespmem:s1+$0x30] =	vst v4  }
0xe6: {  	s1 =	sadd.s32 $0x80, s1;
	v4 =	vld [tilespmem:s29+$0xFFFFFFC0];
	[tilespmem:s29+$0xFFFFFFD0] =	vst v5;
	v5 =	vmax.f32 v7, $0.0e+00  }
0xe7: {  	[tilespmem:s29+$0xFFFFFFE0] =	vst v5;
	v2 =	vmax.f32 v2, $0.0e+00  }
0xe8: {  	[tilespmem:s29+$0xFFFFFFF0] =	vst v2;
	v1 =	vmax.f32 v1, $0.0e+00  }
0xe9: {  	[tilespmem:s29+$0x0] =	vst v1;
	v0 =	vmax.f32 v0, $0.0e+00  }
0xea: {  	[tilespmem:s29+$0x10] =	vst v0;
	v62 =	vmax.f32 v3, $0.0e+00  }
0xeb: {  	v63 =	vmax.f32 v4, $0.0e+00;
	[tilespmem:s29+$0x20] =	vst v62  }
0xec: {  	[tilespmem:s29+$0xFFFFFFC0] =	vst v63  }
0xed: {  	[spmem:s2] =	stream.indirect.scatter.add.f32 [tilespmem:s21], [sflag:$0x2], $0x10, s20, s22, $0xb8;
	[tilespmem:$0x10B80] =	vst v63  }
0xee: {  	_ =	swait.ge [sflag:s19], $0x800  }
0xef: {  	[sflag:s19] =	ssyncset.done $0x0  }
0xf0: {  	[sflag:s19] =	ssyncadd.s32 $0xFFFFF800  }
0xf1: {  	[spmem:s2] =	stream.indirect.scatter.add.f32 [tilespmem:s23], [sflag:$0x2], $0x10, s10, s22, $0xb8;
	[tilespmem:$0x10B80] =	vst v63  }
0xf2: {  	_ =	swait.ge [sflag:s19], $0x800  }
0xf3: {  	[sflag:s19] =	ssyncset.done $0x0  }
0xf4: {  	[sflag:s19] =	ssyncadd.s32 $0xFFFFF800  }
0xf5: {  	[spmem:s2] =	stream.indirect.scatter.add.f32 [tilespmem:s25], [sflag:$0x2], $0x10, s18, s22, $0xb8;
	[tilespmem:$0x10B80] =	vst v63  }
0xf6: {  	_ =	swait.ge [sflag:s19], $0x800  }
0xf7: {  	[sflag:s19] =	ssyncset.done $0x0  }
0xf8: {  	[sflag:s19] =	ssyncadd.s32 $0xFFFFF800  }
0xf9: {  	[spmem:s2] =	stream.indirect.scatter.add.f32 [tilespmem:s28], [sflag:$0x2], $0x10, s11, s22, $0xb8;
	[tilespmem:$0x10B80] =	vst v63  }
0xfa: {  	_ =	swait.ge [sflag:s19], $0x800  }
0xfb: {  	[sflag:s19] =	ssyncset.done $0x0  }
0xfc: {  	[sflag:s19] =	ssyncadd.s32 $0xFFFFF800  }
0xfd: {  	[spmem:s2] =	stream.indirect.scatter.add.f32 [tilespmem:s30], [sflag:$0x2], $0x10, s12, s22, $0xb8;
	[tilespmem:$0x10B80] =	vst v63  }
0xfe: {  	_ =	swait.ge [sflag:s19], $0x800  }
0xff: {  	[sflag:s19] =	ssyncset.done $0x0  }
0x100: {  	[sflag:s19] =	ssyncadd.s32 $0xFFFFF800  }
0x101: {  	[spmem:s2] =	stream.indirect.scatter.add.f32 [tilespmem:s0], [sflag:$0x2], $0x10, s14, s22, $0xb8;
	[tilespmem:$0x10B80] =	vst v63  }
0x102: {  	_ =	swait.ge [sflag:s19], $0x800  }
0x103: {  	[sflag:s19] =	ssyncset.done $0x0  }
0x104: {  	[sflag:s19] =	ssyncadd.s32 $0xFFFFF800  }
0x105: {  	[spmem:s2] =	stream.indirect.scatter.add.f32 [tilespmem:s13], [sflag:$0x2], $0x10, s15, s22, $0xb8;
	[tilespmem:$0x10B80] =	vst v63  }
0x106: {  	s26 =	sadd.s32 $0x1, s26;
	_ =	swait.ge [sflag:s19], $0x800  }
0x107: {  	p0 =	sne.s32 s26, $0x31;
	[sflag:s19] =	ssyncset.done $0x0  }
.Ltmp3:
0x108: {  	[sflag:s19] =	ssyncadd.s32 $0xFFFFF800;
	(pc) =	sbr.rel @p0 .LBB2_6-.Ltmp3, $4  }
0x109: {  	[spmem:s2] =	stream.indirect.scatter.add.f32 [tilespmem:s17], [sflag:$0x2], $0x10, s24, s22, $0xb8;
	[tilespmem:$0x10B80] =	vst v63  }
0x10a: {  	_ =	swait.ge [sflag:s19], $0x800  }
0x10b: {  	[sflag:s19] =	ssyncset.done $0x0  }
0x10c: {  	[sflag:s19] =	ssyncadd.s32 $0xFFFFF800  }
0x10d: {  	[bflag:$0x0] =	sbarrier.arrive $0xFFFF  }
0x10e: {  	s26 =	rddreg [dreg:$0x4]  }
0x10f: {  	s1 =	rddreg [dreg:$0xa]  }
0x110: {  	s29 =	rddreg [dreg:$0xc]  }
0x111: {  	[hbm:s1], [sflag:s26] =	dma.local [spmem:s29], $0x1870  }
0x112: {  	_ =	swait.ge [sflag:s19], $0x1870  }
0x113: {  	s31 =	rddreg [dreg:$0xd]  }
0x114: {  	s1 =	rddreg [dreg:$0xb];
	s31 =	sadd.s32 $0x1, s31  }
0x115: {  	p0 =	sne.s32 s31, s1  }
.Ltmp4:
0x116: {  	_ = 	snop;
	(pc) =	sbr.rel @p0 .LBB2_1-.Ltmp4, $3  }
0x117: {  	_ =	sdelay $0x1  }
0x118: {  	[sflag:s19] =	ssyncset.done $0x0  }
0x119: {  	[sflag:s19] =	ssyncadd.s32 $0xFFFFE790  }
0x11a: {  	_ =	sfence.sel $0x180000  }
0x11b: {  	[bflag:$0x0] =	sbarrier.arrive $0xFFFF  }
0x11c: {  	_ =	strace $0x9000004A  }
0x11d: {  	s0 =	stileid.u32;
	[bflag:$0x2] =	sbarrier.arrive $0xFFFF  }
0x11e: {  	p0 =	sne.s32 s0, $0x0;
	s0 =	rddreg [dreg:$0x2]  }
0x11f: {  	s0 =	sadd.s32 @!p0 $0x100000, s0  }
0x120: {  	[sflag:s0] =	ssyncadd.tile.s32 @!p0 $0x1;
	_ =	shalt  }
.Lfunc_end2:
_tile_overlayer_lowered:
.L_overlay_start_2:
0x121: {  	(tag) =	ssettag $0x2  }
0x122: {  	s0 =	rddreg [dreg:$0x0];
	s2 =	stileid.u32  }
0x123: {  	s1 =	rddreg [dreg:$0x1];
	p0 =	sne.s32 s2, $0x0  }
0x124: {  	s3 =	rddreg [dreg:$0x2];
	[bflag:$0x3] =	sbarrier.arrive $0xFFFF;
	s2 =	simm.s32 @!p0 $0x1C02  }
0x125: {  	[timem:s3], [sflag:s2] =	dma.local @!p0 [hbm:s0], s1  }
0x126: {  	s0 =	simm.s32 @!p0 $0x2  }
0x127: {  	_ =	swait.ge @!p0 [sflag:s0], s1  }
0x128: {  	s1 =	ssub.s32 @!p0 $0x0, s1;
	[sflag:s0] =	ssyncset.done @!p0 $0x0  }
0x129: {  	[sflag:s0] =	ssyncadd.s32 @!p0 s1  }
0x12a: {  	[bflag:$0x3] =	sbarrier.arrive $0xFFFF  }
0x12b: {  	_ =	shalt  }

// kernel: kernel.14.cloned.1.call-start
scs
__scs_entry_jumppad:
0x0: {  	(pc) =	sbr.rel $0x88, $3  }
0x1: {  	(tag) =	ssettag $0x0;
	lr =	simm.s32 $0x1  }
0x2: {  	[smem:$0x3F80] =	sst lr;
	_ =	strace $0xD0000000  }
0x3: {  	_ = 	snop  }
0x4: {  	_ = 	snop  }
0x5: {  	_ = 	snop  }
0x6: {  	_ = 	snop  }
0x7: {  	_ = 	snop  }
__scs_overlays_trampoline_lowered:
0x8: {  	[smem:$0x3F8F] =	sst s0  }
0x9: {  	[smem:$0x3F90] =	sst s1  }
0xa: {  	[smem:$0x3F91] =	sst s2  }
0xb: {  	[smem:$0x3F92] =	sst s3  }
0xc: {  	[smem:$0x3F93] =	sst s4  }
0xd: {  	[smem:$0x3F94] =	sst s5  }
0xe: {  	[smem:$0x3F95] =	sst s6  }
0xf: {  	[smem:$0x3F96] =	sst s7  }
0x10: {  	[smem:$0x3F97] =	sst s8  }
0x11: {  	[smem:$0x3F98] =	sst s9;
	s0 =	simm.s32 @!p0 $0x0  }
0x12: {  	s1 =	sld [smem:$0x3F7E];
	s0 =	simm.s32 @p0 $0x1  }
0x13: {  	[smem:$0x3F99] =	sst s0;
	s0 =	simm.s32 @!p1 $0x0  }
0x14: {  	s2 =	sld [smem:$0x3F7D];
	s0 =	simm.s32 @p1 $0x1  }
0x15: {  	[smem:$0x3F9A] =	sst s0;
	s0 =	simm.s32 @!p2 $0x0  }
0x16: {  	s3 =	sld [smem:$0x3FDB];
	s0 =	simm.s32 @p2 $0x1  }
0x17: {  	s4 =	simm.s32 $0x1BF5;
	[smem:$0x3F9C] =	sst s0  }
0x18: {  	s0 =	sld [smem:$0x3F7F];
	_ =	swait.ge [sflag:s4], $0x0  }
0x19: {  	s7 =	sld [smem:$0x3F80]  }
0x1a: {  	s8 =	sadd.s32 $0xFFFFE003, lr  }
0x1b: {  	s9 =	sadd.s32 $0xFFFFFEF7, lr;
	s5 =	simm.s32 $0xFFFFFFFF;
	p2 =	slt.u32 s8, $0xFFFFF086  }
0x1c: {  	p1 =	slt.u32 s9, $0xF7A;
	s5 =	simm.s32 @!p2 $0x0  }
0x1d: {  	s5 =	simm.s32 @p1 $0x1;
	p0 =	seq.s32 s7, s2  }
0x1e: {  	s7 =	smul.u32 @!p0 $0xF7A, s2;
	p2 =	seq.s32 @!p0 s5, $0x0  }
0x1f: {  	s9 =	smul.u32 $0xF7A, s1;
	s8 =	simm.s32 @!p0 $0x1BF5;
	p2 =	por !p2, p0  }
0x20: {  	[sflag:s8] =	ssyncset.s32 @!p0 $0xFFFFF086;
	s6 =	sadd.s32 @!p0 s3, s7;
	s7 =	simm.s32 @!p0 $0x108  }
0x21: {  	s3 =	sadd.s32 s3, s9;
	s6 =	sadd.s32 @!p0 $0x88, s6;
	s7 =	simm.s32 @p2 $0x1082  }
0x22: {  	[simem:s7], [sflag:s8] =	dma.local @!p0 [hbm:s6], $0xF7A  }
0x23: {  	s9 =	sor.u32 $0xD0000000, s2;
	s6 =	simm.s32 $0x108;
	_ =	swait.ge @!p0 [sflag:s8], $0x0  }
0x24: {  	s3 =	sadd.s32 $0x88, s3;
	s6 =	simm.s32 @!p1 $0x1082;
	[sflag:s4] =	ssyncset.s32 $0xFFFFF086  }
0x25: {  	[simem:s6], [sflag:s4] =	dma.local [hbm:s3], $0xF7A  }
0x26: {  	[smem:$0x3F80] =	sst s1;
	(tag) =	ssettag s2;
	_ =	strace s9  }
0x27: {  	s1 =	sld [smem:$0x3F90]  }
0x28: {  	s2 =	sld [smem:$0x3F91]  }
0x29: {  	s4 =	sld [smem:$0x3F93]  }
0x2a: {  	p0 =	seq.s32 s5, $0x0;
	s5 =	sld [smem:$0x3F94]  }
0x2b: {  	s6 =	sld [smem:$0x3F95]  }
0x2c: {  	s7 =	sld [smem:$0x3F96]  }
0x2d: {  	s3 =	simm.s32 $0x108;
	s8 =	sld [smem:$0x3F97]  }
0x2e: {  	s3 =	simm.s32 @!p0 $0x1082;
	s9 =	sld [smem:$0x3F98]  }
0x2f: {  	lr =	sadd.s32 s0, s3;
	s0 =	sld [smem:$0x3F8F]  }
0x30: {  	s3 =	sld [smem:$0x3F92]  }
0x31: {  	[smem:$0x3F9B] =	sst s10  }
0x32: {  	s10 =	sld [smem:$0x3F99];
	_ =	sdelay $0x3  }
0x33: {  	p0 =	seq.s32 s10, $0x1;
	s10 =	sld [smem:$0x3F9B];
	_ =	sdelay $0x3  }
0x34: {  	[smem:$0x3F9B] =	sst s10  }
0x35: {  	s10 =	sld [smem:$0x3F9A];
	_ =	sdelay $0x3  }
0x36: {  	p1 =	seq.s32 s10, $0x1;
	s10 =	sld [smem:$0x3F9B];
	_ =	sdelay $0x3  }
0x37: {  	[smem:$0x3F9B] =	sst s10  }
0x38: {  	s10 =	sld [smem:$0x3F9C]  }
0x39: {  	_ = 	snop;
	(pc) =	sbr.ind lr, $3  }
0x3a: {  	_ = 	snop  }
0x3b: {  	_ = 	snop  }
0x3c: {  	p2 =	seq.s32 s10, $0x1;
	s10 =	sld [smem:$0x3F9B]  }
0x3d: {  	_ =	shalt  }
0x3e: {  	_ =	shalt  }
0x3f: {  	_ =	shalt  }
0x40: {  	_ =	shalt  }
0x41: {  	_ =	shalt  }
0x42: {  	_ =	shalt  }
0x43: {  	_ =	shalt  }
0x44: {  	_ =	shalt  }
0x45: {  	_ =	shalt  }
0x46: {  	_ =	shalt  }
0x47: {  	_ =	shalt  }
0x48: {  	_ =	shalt  }
0x49: {  	_ =	shalt  }
0x4a: {  	_ =	shalt  }
0x4b: {  	_ =	shalt  }
0x4c: {  	_ =	shalt  }
0x4d: {  	_ =	shalt  }
0x4e: {  	_ =	shalt  }
0x4f: {  	_ =	shalt  }
0x50: {  	_ =	shalt  }
0x51: {  	_ =	shalt  }
0x52: {  	_ =	shalt  }
0x53: {  	_ =	shalt  }
0x54: {  	_ =	shalt  }
0x55: {  	_ =	shalt  }
0x56: {  	_ =	shalt  }
0x57: {  	_ =	shalt  }
0x58: {  	_ =	shalt  }
0x59: {  	_ =	shalt  }
0x5a: {  	_ =	shalt  }
0x5b: {  	_ =	shalt  }
0x5c: {  	_ =	shalt  }
0x5d: {  	_ =	shalt  }
0x5e: {  	_ =	shalt  }
0x5f: {  	_ =	shalt  }
0x60: {  	_ =	shalt  }
0x61: {  	_ =	shalt  }
0x62: {  	_ =	shalt  }
0x63: {  	_ =	shalt  }
0x64: {  	_ =	shalt  }
0x65: {  	_ =	shalt  }
0x66: {  	_ =	shalt  }
0x67: {  	_ =	shalt  }
0x68: {  	_ =	shalt  }
0x69: {  	_ =	shalt  }
0x6a: {  	_ =	shalt  }
0x6b: {  	_ =	shalt  }
0x6c: {  	_ =	shalt  }
0x6d: {  	_ =	shalt  }
0x6e: {  	_ =	shalt  }
0x6f: {  	_ =	shalt  }
0x70: {  	_ =	shalt  }
0x71: {  	_ =	shalt  }
0x72: {  	_ =	shalt  }
0x73: {  	_ =	shalt  }
0x74: {  	_ =	shalt  }
0x75: {  	_ =	shalt  }
0x76: {  	_ =	shalt  }
0x77: {  	_ =	shalt  }
0x78: {  	_ =	shalt  }
0x79: {  	_ =	shalt  }
0x7a: {  	_ =	shalt  }
0x7b: {  	_ =	shalt  }
0x7c: {  	_ =	shalt  }
0x7d: {  	_ =	shalt  }
0x7e: {  	_ =	shalt  }
0x7f: {  	_ =	shalt  }
0x80: {  	_ =	shalt  }
0x81: {  	_ =	shalt  }
0x82: {  	_ =	shalt  }
0x83: {  	_ =	shalt  }
0x84: {  	_ =	shalt  }
0x85: {  	_ =	shalt  }
0x86: {  	_ =	shalt  }
0x87: {  	_ =	shalt  }
.Lfunc_end0:
.L_simem_size_0:
called_computation.2_lowered:
.L_overlay_start_0:
0x88: {  	s2 =	sld [smem:$0x3FD9]  }
0x89: {  	s3 =	sld [smem:$0x3FFE];
	_ =	sdelay $0x1  }
0x8a: {  	s1 =	srdreg.scid  }
0x8b: {  	s0 =	sand.u32 $0x1, s1  }
0x8c: {  	s16 =	sshll.u32 s0, $0xA;
	s2 =	sadd.s32 s3, s2  }
0x8d: {  	s2 =	sadd.s32 s2, s16  }
0x8e: {  	[smem:$0x3FA7] =	sst s2  }
0x8f: {  	_ = 	snop  }
0x90: {  	(tm) =	ssettm $0x1  }
0x91: {  	s17 =	sld [smem:$0x3FFB];
	_ =	sdelay $0x3  }
0x92: {  	_ =	strace s17  }
0x93: {  	s2 =	sld [smem:$0x3FFC];
	_ =	sdelay $0x3  }
0x94: {  	_ =	strace s2  }
0x95: {  	s2 =	sld [smem:$0x3FFD];
	_ =	sdelay $0x3  }
0x96: {  	_ =	strace s2  }
0x97: {  	_ =	strace $0x8FFFFFFF  }
0x98: {  	s18 =	sld [smem:$0x3FDB];
	_ =	sdelay $0x1  }
0x99: {  	s19 =	simm.s32 $_scs_section_size  }
0x9a: {  	s4 =	simm.s32 $_size__tile_overlayer_lowered;
	s5 =	simm.s32 $_tile_overlayer_lowered  }
0x9b: {  	s22 =	simm.s32 $0x1BFF;
	s21 =	sshll.u32 s5, $0x1;
	s2 =	sadd.s32 s19, s18  }
0x9c: {  	s6 =	simm.s32 $0x0;
	s20 =	sshll.u32 s4, $0x1;
	s4 =	sadd.s32 s21, s2  }
0x9d: {  	[timem:s6], [sflag:s22] =	dma.local [hbm:s4], s20  }
0x9e: {  	_ =	swait.ge [sflag:s22], s20  }
0x9f: {  	s3 =	ssub.s32 $0x0, s20;
	[sflag:s22] =	ssyncset.done $0x0  }
0xa0: {  	[sflag:s22] =	ssyncadd.s32 s3;
	_ =	sdelay $0x1  }
0xa1: {  	s23 =	simm.s32 $0x1B8B  }
0xa2: {  	_ =	swait.ge [sflag:s23], $0x1  }
0xa3: {  	[sflag:s23] =	ssyncset.done $0x0  }
0xa4: {  	s25 =	simm.s32 $0x1B8E;
	s24 =	sld [smem:$0x3FFE];
	[sflag:s23] =	ssyncadd.s32 $0xFFFFFFFF  }
0xa5: {  	s26 =	simm.s32 $execute0_lowered;
	[smem:$0x3FD2] =	sst s25  }
0xa6: {  	s4 =	sshll.u32 s26, $0x1;
	_ =	strace $0x8000004C;
	[dreg:$0x1] =	wrdreg $0xFFFFFFFF  }
0xa7: {  	s28 =	simm.s32 $_size_execute0_lowered;
	s2 =	sadd.s32 s2, s4;
	[dreg:$0x0] =	wrdreg $0x0  }
0xa8: {  	s4 =	sshll.u32 s28, $0x1;
	[dreg:$0x2] =	wrdreg s2  }
0xa9: {  	[dreg:$0x3] =	wrdreg s4  }
0xaa: {  	[dreg:$0x4] =	wrdreg $0xC0  }
0xab: {  	_ =	task [dreg:s6], $0x5FFFF  }
0xac: {  	[dreg:$0x1] =	wrdreg $0xFFFFFFFF  }
0xad: {  	[dreg:$0x0] =	wrdreg $0x60  }
0xae: {  	[dreg:$0x2] =	wrdreg s24  }
0xaf: {  	[dreg:$0x3] =	wrdreg $0x48000  }
0xb0: {  	[dreg:$0x4] =	wrdreg $0x9  }
0xb1: {  	_ =	task.clear_ibuf [dreg:s6], $0x5FFFF;
	_ =	strace $0x9000004C  }
0xb2: {  	s29 =	simm.s32 $0x9;
	_ =	strace $0x8000004E  }
0xb3: {  	_ =	swait.ge [sflag:s29], $0x1  }
0xb4: {  	[sflag:s29] =	ssyncadd.s32 $0xFFFFFFFF  }
0xb5: {  	_ =	strace $0x9000004E  }
0xb6: {  	_ =	sfence  }
0xb7: {  	s30 =	sld [smem:$0x0];
	_ =	sdelay $0x2  }
0xb8: {  	s31 =	sshll.u32 s1, $0xD;
	s1 =	sshrl.u32 s1, $0x2  }
0xb9: {  	s3 =	sand.u32 $0x4000, s31;
	s1 =	sadd.s32 s1, s30  }
0xba: {  	s0 =	sor.u32 s3, s0;
	s1 =	sshll.u32 s1, $0x11  }
0xbb: {  	s0 =	sor.u32 s1, s0  }
0xbc: {  	s0 =	sadd.s32 $0x8F2B, s0  }
0xbd: {  	[sflag:s0] =	ssyncadd.remote.s32 $0x1  }
0xbe: {  	_ =	sfence.sel $0xFFFF  }
0xbf: {  	[dreg:$0x0] =	wrdreg $0xFFFFFFFF;
	(pc) =	sbr.abs _section_cstart, $3  }
0xc0: {  	[dreg:$0x1] =	wrdreg $0xFFFFFFFF  }
0xc1: {  	_ =	task.clear_ibuf [dreg:s6], $0x2FFFF;
	_ =	strace $0x9FFFFFFF  }
0xc2: {  	(tm) =	ssettm $0x7FFFFFFF  }
0xc3: {  	_ =	shalt  }
tec
execute0_lowered:
.L_overlay_start_1:
0x0: {  	(tag) =	ssettag $0x1  }
0x1: {  	s0 =	rddreg [dreg:$0x0]  }
0x2: {  	s2 =	rddreg [dreg:$0x1];
	s3 =	simm.s32 $0x0  }
0x3: {  	s14 =	stileid.u32;
	s7 =	srdreg.scid;
	s28 =	simm.s32 $0x2000  }
0x4: {  	s30 =	simm.s32 $0x2800;
	s17 =	simm.s32 $0x4000;
	s1 =	smul.u32 $0xC380, s14  }
0x5: {  	s4 =	sadd.s32 $0xCCCC00, s0;
	s5 =	sadd.s32 $0xE22C00, s0;
	s9 =	sand.u32 $0x1, s7  }
0x6: {  	s31 =	simm.s32 $0x0;
	s6 =	sadd.s32 $0xDC0C00, s0;
	s13 =	smul.u32 $0x1880000, s9  }
0x7: {  	[smem:$0x7FF] =	sst s3;
	s7 =	sadd.s32 $0xC9BC00, s0;
	s15 =	smul.u32 $0x187000, s9  }
0x8: {  	s11 =	ssub.s32 $0x2, s9;
	s16 =	sshllo.u32 s9, $0x1;
	s9 =	smul.u32 $0x188000, s9  }
0x9: {  	_ =	strace $0x8000004D;
	s8 =	sshrl.u32 s1, $0x3;
	s19 =	smul.u32 $0xC3800, s16  }
0xa: {  	s12 =	sshrl.u32 s11, $0x1;
	s18 =	sadd.s32 s1, s2;
	s22 =	smul.u32 $0xC40000, s16  }
0xb: {  	s23 =	smul.u32 $0xC4000, s16;
	s16 =	simm.s32 $0x380;
	s10 =	sadd.s32 s8, s0  }
0xc: {  	s0 =	sadd.s32 $0xD2E800, s0;
	s8 =	smul.u32 $0xC400, s14;
	s11 =	ssub.s32 s11, s12  }
0xd: {  	s14 =	sshll.u32 s14, $0x6;
	[dreg:$0x5] =	wrdreg s9;
	s20 =	sadd.s32 $0x3100000, s13  }
0xe: {  	s21 =	sadd.s32 s1, s15;
	s29 =	sshrl.u32 s18, $0x3;
	s13 =	simm.s32 $0x3800  }
0xf: {  	s18 =	simm.s32 $0x500;
	s12 =	simm.s32 $0x600;
	s15 =	simm.s32 $0x700  }
0x10: {  	s10 =	sadd.s32 $0xCB4400, s10;
	s26 =	sor.u32 $0x1C02, s14;
	[dreg:$0x6] =	wrdreg s20  }
0x11: {  	s9 =	sshrl.u32 s21, $0x3;
	s1 =	sadd.s32 s1, s19;
	[dreg:$0x8] =	wrdreg s23  }
0x12: {  	s24 =	sadd.s32 $0x3100000, s22;
	s25 =	smax.u32 s11, $0x1;
	s19 =	simm.s32 $0x2  }
0x13: {  	s20 =	simm.s32 $0x400;
	s21 =	simm.s32 $0x800;
	[dreg:$0xc] =	wrdreg s29  }
0x14: {  	s22 =	simm.s32 $0x80;
	s23 =	simm.s32 $0x1000;
	[dreg:$0x3] =	wrdreg s10  }
0x15: {  	s11 =	simm.s32 $0x580;
	s14 =	simm.s32 $0x680;
	[dreg:$0x9] =	wrdreg s24  }
0x16: {  	s9 =	sadd.s32 s0, s9;
	s1 =	sshrl.u32 s1, $0x3;
	[dreg:$0xb] =	wrdreg s25  }
0x17: {  	s25 =	simm.s32 $0x1800;
	s10 =	simm.s32 $0x480;
	[dreg:$0x4] =	wrdreg s26  }
0x18: {  	s24 =	simm.s32 $0x780;
	[dreg:$0x7] =	wrdreg s9;
	s0 =	sadd.s32 s0, s1  }
0x19: {  	s9 =	simm.s32 $0x1;
	[dreg:$0xa] =	wrdreg s0;
	s0 =	simm.s32 $0x3000  }
.LBB2_1:
0x1a: {  	[dreg:$0xd] =	wrdreg s31  }
0x1b: {  	s1 =	rddreg [dreg:$0x3]  }
0x1c: {  	[spmem:s29], [sflag:s26] =	dma.local [hbm:s1], $0x1870  }
0x1d: {  	_ =	swait.ge [sflag:s19], $0x1870  }
0x1e: {  	[sflag:s19] =	ssyncset.done $0x0  }
0x1f: {  	[sflag:s19] =	ssyncadd.s32 $0xFFFFE790  }
0x20: {  	s26 =	simm.s32 $0x0;
	[bflag:$0x0] =	sbarrier.arrive $0xFFFF  }
.LBB2_2:
0x21: {  	s1 =	sshll.u32 s26, $0xA  }
0x22: {  	s29 =	rddreg [dreg:$0x5];
	s1 =	sadd.s32 s8, s1  }
0x23: {  	s29 =	sadd.s32 s29, s1  }
0x24: {  	s29 =	sshrl.u32 s29, $0x3  }
0x25: {  	s29 =	sadd.s32 s6, s29  }
0x26: {  	[tilespmem:s3], [sflag:$0x2] =	stream.linear.gather [hbm4b:s29+s3], $0x400, $0x38;
	[tilespmem:$0x10B80] =	vst v63  }
0x27: {  	_ =	swait.ge [sflag:s19], $0x400  }
0x28: {  	s29 =	sshrl.u32 s1, $0x3;
	[sflag:s19] =	ssyncset.done $0x0  }
0x29: {  	s29 =	sadd.s32 s7, s29;
	[sflag:s19] =	ssyncadd.s32 $0xFFFFFC00  }
0x2a: {  	[tilespmem:s20], [sflag:$0x2] =	stream.linear.gather [hbm4b:s29+s3], $0x400, $0x38;
	[tilespmem:$0x10B80] =	vst v63  }
0x2b: {  	_ =	swait.ge [sflag:s19], $0x400  }
0x2c: {  	s1 =	sshll.u32 s1, $0x4;
	s29 =	rddreg [dreg:$0x6]  }
0x2d: {  	s1 =	sadd.s32 s1, s29  }
0x2e: {  	[sflag:s19] =	ssyncset.done $0x0;
	s1 =	sshrl.u32 s1, $0x3  }
0x2f: {  	[sflag:s19] =	ssyncadd.s32 $0xFFFFFC00;
	s1 =	sadd.s32 s5, s1  }
0x30: {  	[tilespmem:s21], [sflag:$0x2] =	stream.linear.gather [hbm4b:s1+s3], $0x4000, $0x38;
	[tilespmem:$0x10B80] =	vst v63  }
0x31: {  	_ =	swait.ge [sflag:s19], $0x4000  }
0x32: {  	[sflag:s19] =	ssyncset.done $0x0  }
0x33: {  	[sflag:s19] =	ssyncadd.s32 $0xFFFFC000  }
0x34: {  	[tilespmem:s21], [sflag:$0x1] =	stream.indirect.gather.add.f32 [hbm:s4], $0x10, s3, s22, $0xb8;
	[tilespmem:$0x10B80] =	vst v63  }
0x35: {  	_ = 	snop  }
0x36: {  	[tilespmem:s23], [sflag:$0x1] =	stream.indirect.gather.add.f32 [hbm:s4], $0x10, s22, s22, $0xb8;
	[tilespmem:$0x10B80] =	vst v63  }
0x37: {  	s1 =	simm.s32 $0x100  }
0x38: {  	[tilespmem:s25], [sflag:$0x1] =	stream.indirect.gather.add.f32 [hbm:s4], $0x10, s1, s22, $0xb8;
	[tilespmem:$0x10B80] =	vst v63  }
0x39: {  	s1 =	simm.s32 $0x180  }
0x3a: {  	[tilespmem:s28], [sflag:$0x1] =	stream.indirect.gather.add.f32 [hbm:s4], $0x10, s1, s22, $0xb8;
	[tilespmem:$0x10B80] =	vst v63  }
0x3b: {  	s1 =	simm.s32 $0x200  }
0x3c: {  	[tilespmem:s30], [sflag:$0x1] =	stream.indirect.gather.add.f32 [hbm:s4], $0x10, s1, s22, $0xb8;
	[tilespmem:$0x10B80] =	vst v63  }
0x3d: {  	s1 =	simm.s32 $0x280  }
0x3e: {  	[tilespmem:s0], [sflag:$0x1] =	stream.indirect.gather.add.f32 [hbm:s4], $0x10, s1, s22, $0xb8;
	[tilespmem:$0x10B80] =	vst v63  }
0x3f: {  	s1 =	simm.s32 $0x300  }
0x40: {  	[tilespmem:s13], [sflag:$0x1] =	stream.indirect.gather.add.f32 [hbm:s4], $0x10, s1, s22, $0xb8;
	[tilespmem:$0x10B80] =	vst v63  }
0x41: {  	_ = 	snop  }
0x42: {  	[tilespmem:s17], [sflag:$0x1] =	stream.indirect.gather.add.f32 [hbm:s4], $0x10, s16, s22, $0xb8;
	[tilespmem:$0x10B80] =	vst v63  }
0x43: {  	_ =	swait.ge [sflag:s9], $0x800  }
0x44: {  	[sflag:s9] =	ssyncset.done $0x0  }
0x45: {  	[sflag:s9] =	ssyncadd.s32 $0xFFFFF800  }
0x46: {  	_ =	swait.ge [sflag:s9], $0x800  }
0x47: {  	[sflag:s9] =	ssyncset.done $0x0  }
0x48: {  	[sflag:s9] =	ssyncadd.s32 $0xFFFFF800  }
0x49: {  	_ =	swait.ge [sflag:s9], $0x800  }
0x4a: {  	[sflag:s9] =	ssyncset.done $0x0  }
0x4b: {  	[sflag:s9] =	ssyncadd.s32 $0xFFFFF800  }
0x4c: {  	_ =	swait.ge [sflag:s9], $0x800  }
0x4d: {  	[sflag:s9] =	ssyncset.done $0x0  }
0x4e: {  	[sflag:s9] =	ssyncadd.s32 $0xFFFFF800  }
0x4f: {  	_ =	swait.ge [sflag:s9], $0x800  }
0x50: {  	[sflag:s9] =	ssyncset.done $0x0  }
0x51: {  	[sflag:s9] =	ssyncadd.s32 $0xFFFFF800  }
0x52: {  	_ =	swait.ge [sflag:s9], $0x800  }
0x53: {  	[sflag:s9] =	ssyncset.done $0x0  }
0x54: {  	[sflag:s9] =	ssyncadd.s32 $0xFFFFF800  }
0x55: {  	_ =	swait.ge [sflag:s9], $0x800  }
0x56: {  	[sflag:s9] =	ssyncset.done $0x0  }
0x57: {  	[sflag:s9] =	ssyncadd.s32 $0xFFFFF800  }
0x58: {  	_ =	swait.ge [sflag:s9], $0x800  }
0x59: {  	[sflag:s9] =	ssyncset.done $0x0  }
0x5a: {  	s29 =	simm.s32 $0x840;
	[sflag:s9] =	ssyncadd.s32 $0xFFFFF800  }
0x5b: {  	v3 =	vld [tilespmem:s29+$0x30]  }
0x5c: {  	v4 =	vld [tilespmem:s29+$0xFFFFFFD0]  }
0x5d: {  	v5 =	vld [tilespmem:s29+$0xFFFFFFE0]  }
0x5e: {  	v2 =	vld [tilespmem:s29+$0xFFFFFFF0]  }
0x5f: {  	v1 =	vld [tilespmem:s29+$0x0]  }
0x60: {  	v0 =	vld [tilespmem:s29+$0x10];
	v6 =	vmax.f32 v3, $0.0e+00  }
0x61: {  	v7 =	vmax.f32 v4, $0.0e+00;
	v3 =	vld [tilespmem:s29+$0x20];
	[tilespmem:s29+$0x30] =	vst v6  }
0x62: {  	s31 =	simm.s32 $0x0;
	s1 =	simm.s32 $0x8C0;
	v4 =	vld [tilespmem:s29+$0xFFFFFFC0];
	v5 =	vmax.f32 v5, $0.0e+00;
	[tilespmem:s29+$0xFFFFFFD0] =	vst v7  }
.LBB2_3:
0x63: {  	v6 =	vld [tilespmem:s1+$0x30];
	s31 =	sadd.s32 $0x8, s31;
	[tilespmem:s29+$0xFFFFFFE0] =	vst v5;
	v2 =	vmax.f32 v2, $0.0e+00  }
0x64: {  	v5 =	vld [tilespmem:s1+$0xFFFFFFD0];
	p0 =	slt.u32 s31, $0x3F8;
	[tilespmem:s29+$0xFFFFFFF0] =	vst v2;
	v1 =	vmax.f32 v1, $0.0e+00  }
0x65: {  	v7 =	vld [tilespmem:s1+$0xFFFFFFE0];
	[tilespmem:s29+$0x0] =	vst v1;
	v0 =	vmax.f32 v0, $0.0e+00  }
.Ltmp0:
0x66: {  	v2 =	vld [tilespmem:s1+$0xFFFFFFF0];
	[tilespmem:s29+$0x10] =	vst v0;
	v0 =	vmax.f32 v3, $0.0e+00;
	(pc) =	sbr.rel @p0 .LBB2_3-.Ltmp0, $4  }
0x67: {  	v1 =	vld [tilespmem:s1+$0x0];
	v3 =	vmax.f32 v4, $0.0e+00;
	[tilespmem:s29+$0x20] =	vst v0  }
0x68: {  	v0 =	vld [tilespmem:s1+$0x10];
	v4 =	vmax.f32 v6, $0.0e+00;
	[tilespmem:s29+$0xFFFFFFC0] =	vst v3;
	s29 =	smov.u32 s1  }
0x69: {  	v5 =	vmax.f32 v5, $0.0e+00;
	v3 =	vld [tilespmem:s1+$0x20];
	[tilespmem:s1+$0x30] =	vst v4  }
0x6a: {  	s1 =	sadd.s32 $0x80, s1;
	v4 =	vld [tilespmem:s29+$0xFFFFFFC0];
	[tilespmem:s29+$0xFFFFFFD0] =	vst v5;
	v5 =	vmax.f32 v7, $0.0e+00  }
0x6b: {  	[tilespmem:s29+$0xFFFFFFE0] =	vst v5;
	v2 =	vmax.f32 v2, $0.0e+00  }
0x6c: {  	[tilespmem:s29+$0xFFFFFFF0] =	vst v2;
	v1 =	vmax.f32 v1, $0.0e+00  }
0x6d: {  	[tilespmem:s29+$0x0] =	vst v1;
	v0 =	vmax.f32 v0, $0.0e+00  }
0x6e: {  	[tilespmem:s29+$0x10] =	vst v0;
	v62 =	vmax.f32 v3, $0.0e+00  }
0x6f: {  	v63 =	vmax.f32 v4, $0.0e+00;
	[tilespmem:s29+$0x20] =	vst v62  }
0x70: {  	[tilespmem:s29+$0xFFFFFFC0] =	vst v63  }
0x71: {  	[spmem:s2] =	stream.indirect.scatter.add.f32 [tilespmem:s21], [sflag:$0x2], $0x10, s20, s22, $0xb8;
	[tilespmem:$0x10B80] =	vst v63  }
0x72: {  	_ =	swait.ge [sflag:s19], $0x800  }
0x73: {  	[sflag:s19] =	ssyncset.done $0x0  }
0x74: {  	[sflag:s19] =	ssyncadd.s32 $0xFFFFF800  }
0x75: {  	[spmem:s2] =	stream.indirect.scatter.add.f32 [tilespmem:s23], [sflag:$0x2], $0x10, s10, s22, $0xb8;
	[tilespmem:$0x10B80] =	vst v63  }
0x76: {  	_ =	swait.ge [sflag:s19], $0x800  }
0x77: {  	[sflag:s19] =	ssyncset.done $0x0  }
0x78: {  	[sflag:s19] =	ssyncadd.s32 $0xFFFFF800  }
0x79: {  	[spmem:s2] =	stream.indirect.scatter.add.f32 [tilespmem:s25], [sflag:$0x2], $0x10, s18, s22, $0xb8;
	[tilespmem:$0x10B80] =	vst v63  }
0x7a: {  	_ =	swait.ge [sflag:s19], $0x800  }
0x7b: {  	[sflag:s19] =	ssyncset.done $0x0  }
0x7c: {  	[sflag:s19] =	ssyncadd.s32 $0xFFFFF800  }
0x7d: {  	[spmem:s2] =	stream.indirect.scatter.add.f32 [tilespmem:s28], [sflag:$0x2], $0x10, s11, s22, $0xb8;
	[tilespmem:$0x10B80] =	vst v63  }
0x7e: {  	_ =	swait.ge [sflag:s19], $0x800  }
0x7f: {  	[sflag:s19] =	ssyncset.done $0x0  }
0x80: {  	[sflag:s19] =	ssyncadd.s32 $0xFFFFF800  }
0x81: {  	[spmem:s2] =	stream.indirect.scatter.add.f32 [tilespmem:s30], [sflag:$0x2], $0x10, s12, s22, $0xb8;
	[tilespmem:$0x10B80] =	vst v63  }
0x82: {  	_ =	swait.ge [sflag:s19], $0x800  }
0x83: {  	[sflag:s19] =	ssyncset.done $0x0  }
0x84: {  	[sflag:s19] =	ssyncadd.s32 $0xFFFFF800  }
0x85: {  	[spmem:s2] =	stream.indirect.scatter.add.f32 [tilespmem:s0], [sflag:$0x2], $0x10, s14, s22, $0xb8;
	[tilespmem:$0x10B80] =	vst v63  }
0x86: {  	_ =	swait.ge [sflag:s19], $0x800  }
0x87: {  	[sflag:s19] =	ssyncset.done $0x0  }
0x88: {  	[sflag:s19] =	ssyncadd.s32 $0xFFFFF800  }
0x89: {  	[spmem:s2] =	stream.indirect.scatter.add.f32 [tilespmem:s13], [sflag:$0x2], $0x10, s15, s22, $0xb8;
	[tilespmem:$0x10B80] =	vst v63  }
0x8a: {  	s26 =	sadd.s32 $0x1, s26;
	_ =	swait.ge [sflag:s19], $0x800  }
0x8b: {  	p0 =	sne.s32 s26, $0x31;
	[sflag:s19] =	ssyncset.done $0x0  }
.Ltmp1:
0x8c: {  	[sflag:s19] =	ssyncadd.s32 $0xFFFFF800;
	(pc) =	sbr.rel @p0 .LBB2_2-.Ltmp1, $4  }
0x8d: {  	[spmem:s2] =	stream.indirect.scatter.add.f32 [tilespmem:s17], [sflag:$0x2], $0x10, s24, s22, $0xb8;
	[tilespmem:$0x10B80] =	vst v63  }
0x8e: {  	_ =	swait.ge [sflag:s19], $0x800  }
0x8f: {  	[sflag:s19] =	ssyncset.done $0x0  }
0x90: {  	[sflag:s19] =	ssyncadd.s32 $0xFFFFF800  }
0x91: {  	[bflag:$0x0] =	sbarrier.arrive $0xFFFF  }
0x92: {  	s26 =	rddreg [dreg:$0x4]  }
0x93: {  	s1 =	rddreg [dreg:$0x7]  }
0x94: {  	s29 =	rddreg [dreg:$0xc]  }
0x95: {  	[hbm:s1], [sflag:s26] =	dma.local [spmem:s29], $0x1870  }
0x96: {  	_ =	swait.ge [sflag:s19], $0x1870  }
0x97: {  	[sflag:s19] =	ssyncset.done $0x0  }
0x98: {  	s31 =	rddreg [dreg:$0x3];
	[sflag:s19] =	ssyncadd.s32 $0xFFFFE790  }
0x99: {  	[spmem:s29], [sflag:s26] =	dma.local [hbm:s31], $0x1870  }
0x9a: {  	_ =	swait.ge [sflag:s19], $0x1870  }
0x9b: {  	[sflag:s19] =	ssyncset.done $0x0  }
0x9c: {  	[sflag:s19] =	ssyncadd.s32 $0xFFFFE790  }
0x9d: {  	s26 =	simm.s32 $0x0;
	[bflag:$0x0] =	sbarrier.arrive $0xFFFF  }
.LBB2_6:
0x9e: {  	s1 =	sshll.u32 s26, $0xA  }
0x9f: {  	s29 =	rddreg [dreg:$0x8];
	s1 =	sadd.s32 s8, s1  }
0xa0: {  	s29 =	sadd.s32 s29, s1  }
0xa1: {  	s29 =	sshrl.u32 s29, $0x3  }
0xa2: {  	s29 =	sadd.s32 s6, s29  }
0xa3: {  	[tilespmem:s3], [sflag:$0x2] =	stream.linear.gather [hbm4b:s29+s3], $0x400, $0x38;
	[tilespmem:$0x10B80] =	vst v63  }
0xa4: {  	_ =	swait.ge [sflag:s19], $0x400  }
0xa5: {  	s29 =	sshrl.u32 s1, $0x3;
	[sflag:s19] =	ssyncset.done $0x0  }
0xa6: {  	s29 =	sadd.s32 s7, s29;
	[sflag:s19] =	ssyncadd.s32 $0xFFFFFC00  }
0xa7: {  	[tilespmem:s20], [sflag:$0x2] =	stream.linear.gather [hbm4b:s29+s3], $0x400, $0x38;
	[tilespmem:$0x10B80] =	vst v63  }
0xa8: {  	_ =	swait.ge [sflag:s19], $0x400  }
0xa9: {  	s1 =	sshll.u32 s1, $0x4;
	s29 =	rddreg [dreg:$0x9]  }
0xaa: {  	s1 =	sadd.s32 s1, s29  }
0xab: {  	[sflag:s19] =	ssyncset.done $0x0;
	s1 =	sshrl.u32 s1, $0x3  }
0xac: {  	[sflag:s19] =	ssyncadd.s32 $0xFFFFFC00;
	s1 =	sadd.s32 s5, s1  }
0xad: {  	[tilespmem:s21], [sflag:$0x2] =	stream.linear.gather [hbm4b:s1+s3], $0x4000, $0x38;
	[tilespmem:$0x10B80] =	vst v63  }
0xae: {  	_ =	swait.ge [sflag:s19], $0x4000  }
0xaf: {  	[sflag:s19] =	ssyncset.done $0x0  }
0xb0: {  	[sflag:s19] =	ssyncadd.s32 $0xFFFFC000  }
0xb1: {  	[tilespmem:s21], [sflag:$0x1] =	stream.indirect.gather.add.f32 [hbm:s4], $0x10, s3, s22, $0xb8;
	[tilespmem:$0x10B80] =	vst v63  }
0xb2: {  	_ = 	snop  }
0xb3: {  	[tilespmem:s23], [sflag:$0x1] =	stream.indirect.gather.add.f32 [hbm:s4], $0x10, s22, s22, $0xb8;
	[tilespmem:$0x10B80] =	vst v63  }
0xb4: {  	s1 =	simm.s32 $0x100  }
0xb5: {  	[tilespmem:s25], [sflag:$0x1] =	stream.indirect.gather.add.f32 [hbm:s4], $0x10, s1, s22, $0xb8;
	[tilespmem:$0x10B80] =	vst v63  }
0xb6: {  	s1 =	simm.s32 $0x180  }
0xb7: {  	[tilespmem:s28], [sflag:$0x1] =	stream.indirect.gather.add.f32 [hbm:s4], $0x10, s1, s22, $0xb8;
	[tilespmem:$0x10B80] =	vst v63  }
0xb8: {  	s1 =	simm.s32 $0x200  }
0xb9: {  	[tilespmem:s30], [sflag:$0x1] =	stream.indirect.gather.add.f32 [hbm:s4], $0x10, s1, s22, $0xb8;
	[tilespmem:$0x10B80] =	vst v63  }
0xba: {  	s1 =	simm.s32 $0x280  }
0xbb: {  	[tilespmem:s0], [sflag:$0x1] =	stream.indirect.gather.add.f32 [hbm:s4], $0x10, s1, s22, $0xb8;
	[tilespmem:$0x10B80] =	vst v63  }
0xbc: {  	s1 =	simm.s32 $0x300  }
0xbd: {  	[tilespmem:s13], [sflag:$0x1] =	stream.indirect.gather.add.f32 [hbm:s4], $0x10, s1, s22, $0xb8;
	[tilespmem:$0x10B80] =	vst v63  }
0xbe: {  	_ = 	snop  }
0xbf: {  	[tilespmem:s17], [sflag:$0x1] =	stream.indirect.gather.add.f32 [hbm:s4], $0x10, s16, s22, $0xb8;
	[tilespmem:$0x10B80] =	vst v63  }
0xc0: {  	_ =	swait.ge [sflag:s9], $0x800  }
0xc1: {  	[sflag:s9] =	ssyncset.done $0x0  }
0xc2: {  	[sflag:s9] =	ssyncadd.s32 $0xFFFFF800  }
0xc3: {  	_ =	swait.ge [sflag:s9], $0x800  }
0xc4: {  	[sflag:s9] =	ssyncset.done $0x0  }
0xc5: {  	[sflag:s9] =	ssyncadd.s32 $0xFFFFF800  }
0xc6: {  	_ =	swait.ge [sflag:s9], $0x800  }
0xc7: {  	[sflag:s9] =	ssyncset.done $0x0  }
0xc8: {  	[sflag:s9] =	ssyncadd.s32 $0xFFFFF800  }
0xc9: {  	_ =	swait.ge [sflag:s9], $0x800  }
0xca: {  	[sflag:s9] =	ssyncset.done $0x0  }
0xcb: {  	[sflag:s9] =	ssyncadd.s32 $0xFFFFF800  }
0xcc: {  	_ =	swait.ge [sflag:s9], $0x800  }
0xcd: {  	[sflag:s9] =	ssyncset.done $0x0  }
0xce: {  	[sflag:s9] =	ssyncadd.s32 $0xFFFFF800  }
0xcf: {  	_ =	swait.ge [sflag:s9], $0x800  }
0xd0: {  	[sflag:s9] =	ssyncset.done $0x0  }
0xd1: {  	[sflag:s9] =	ssyncadd.s32 $0xFFFFF800  }
0xd2: {  	_ =	swait.ge [sflag:s9], $0x800  }
0xd3: {  	[sflag:s9] =	ssyncset.done $0x0  }
0xd4: {  	[sflag:s9] =	ssyncadd.s32 $0xFFFFF800  }
0xd5: {  	_ =	swait.ge [sflag:s9], $0x800  }
0xd6: {  	[sflag:s9] =	ssyncset.done $0x0  }
0xd7: {  	s29 =	simm.s32 $0x840;
	[sflag:s9] =	ssyncadd.s32 $0xFFFFF800  }
0xd8: {  	v3 =	vld [tilespmem:s29+$0x30]  }
0xd9: {  	v4 =	vld [tilespmem:s29+$0xFFFFFFD0]  }
0xda: {  	v5 =	vld [tilespmem:s29+$0xFFFFFFE0]  }
0xdb: {  	v2 =	vld [tilespmem:s29+$0xFFFFFFF0]  }
0xdc: {  	v1 =	vld [tilespmem:s29+$0x0]  }
0xdd: {  	v0 =	vld [tilespmem:s29+$0x10];
	v6 =	vmax.f32 v3, $0.0e+00  }
0xde: {  	v7 =	vmax.f32 v4, $0.0e+00;
	v3 =	vld [tilespmem:s29+$0x20];
	[tilespmem:s29+$0x30] =	vst v6  }
0xdf: {  	s31 =	simm.s32 $0x0;
	s1 =	simm.s32 $0x8C0;
	v4 =	vld [tilespmem:s29+$0xFFFFFFC0];
	v5 =	vmax.f32 v5, $0.0e+00;
	[tilespmem:s29+$0xFFFFFFD0] =	vst v7  }
.LBB2_7:
0xe0: {  	v6 =	vld [tilespmem:s1+$0x30];
	s31 =	sadd.s32 $0x8, s31;
	[tilespmem:s29+$0xFFFFFFE0] =	vst v5;
	v2 =	vmax.f32 v2, $0.0e+00  }
0xe1: {  	v5 =	vld [tilespmem:s1+$0xFFFFFFD0];
	p0 =	slt.u32 s31, $0x3F8;
	[tilespmem:s29+$0xFFFFFFF0] =	vst v2;
	v1 =	vmax.f32 v1, $0.0e+00  }
0xe2: {  	v7 =	vld [tilespmem:s1+$0xFFFFFFE0];
	[tilespmem:s29+$0x0] =	vst v1;
	v0 =	vmax.f32 v0, $0.0e+00  }
.Ltmp2:
0xe3: {  	v2 =	vld [tilespmem:s1+$0xFFFFFFF0];
	[tilespmem:s29+$0x10] =	vst v0;
	v0 =	vmax.f32 v3, $0.0e+00;
	(pc) =	sbr.rel @p0 .LBB2_7-.Ltmp2, $4  }
0xe4: {  	v1 =	vld [tilespmem:s1+$0x0];
	v3 =	vmax.f32 v4, $0.0e+00;
	[tilespmem:s29+$0x20] =	vst v0  }
0xe5: {  	v0 =	vld [tilespmem:s1+$0x10];
	v4 =	vmax.f32 v6, $0.0e+00;
	[tilespmem:s29+$0xFFFFFFC0] =	vst v3;
	s29 =	smov.u32 s1  }
0xe6: {  	v5 =	vmax.f32 v5, $0.0e+00;
	v3 =	vld [tilespmem:s1+$0x20];
	[tilespmem:s1+$0x30] =	vst v4  }
0xe7: {  	s1 =	sadd.s32 $0x80, s1;
	v4 =	vld [tilespmem:s29+$0xFFFFFFC0];
	[tilespmem:s29+$0xFFFFFFD0] =	vst v5;
	v5 =	vmax.f32 v7, $0.0e+00  }
0xe8: {  	[tilespmem:s29+$0xFFFFFFE0] =	vst v5;
	v2 =	vmax.f32 v2, $0.0e+00  }
0xe9: {  	[tilespmem:s29+$0xFFFFFFF0] =	vst v2;
	v1 =	vmax.f32 v1, $0.0e+00  }
0xea: {  	[tilespmem:s29+$0x0] =	vst v1;
	v0 =	vmax.f32 v0, $0.0e+00  }
0xeb: {  	[tilespmem:s29+$0x10] =	vst v0;
	v62 =	vmax.f32 v3, $0.0e+00  }
0xec: {  	v63 =	vmax.f32 v4, $0.0e+00;
	[tilespmem:s29+$0x20] =	vst v62  }
0xed: {  	[tilespmem:s29+$0xFFFFFFC0] =	vst v63  }
0xee: {  	[spmem:s2] =	stream.indirect.scatter.add.f32 [tilespmem:s21], [sflag:$0x2], $0x10, s20, s22, $0xb8;
	[tilespmem:$0x10B80] =	vst v63  }
0xef: {  	_ =	swait.ge [sflag:s19], $0x800  }
0xf0: {  	[sflag:s19] =	ssyncset.done $0x0  }
0xf1: {  	[sflag:s19] =	ssyncadd.s32 $0xFFFFF800  }
0xf2: {  	[spmem:s2] =	stream.indirect.scatter.add.f32 [tilespmem:s23], [sflag:$0x2], $0x10, s10, s22, $0xb8;
	[tilespmem:$0x10B80] =	vst v63  }
0xf3: {  	_ =	swait.ge [sflag:s19], $0x800  }
0xf4: {  	[sflag:s19] =	ssyncset.done $0x0  }
0xf5: {  	[sflag:s19] =	ssyncadd.s32 $0xFFFFF800  }
0xf6: {  	[spmem:s2] =	stream.indirect.scatter.add.f32 [tilespmem:s25], [sflag:$0x2], $0x10, s18, s22, $0xb8;
	[tilespmem:$0x10B80] =	vst v63  }
0xf7: {  	_ =	swait.ge [sflag:s19], $0x800  }
0xf8: {  	[sflag:s19] =	ssyncset.done $0x0  }
0xf9: {  	[sflag:s19] =	ssyncadd.s32 $0xFFFFF800  }
0xfa: {  	[spmem:s2] =	stream.indirect.scatter.add.f32 [tilespmem:s28], [sflag:$0x2], $0x10, s11, s22, $0xb8;
	[tilespmem:$0x10B80] =	vst v63  }
0xfb: {  	_ =	swait.ge [sflag:s19], $0x800  }
0xfc: {  	[sflag:s19] =	ssyncset.done $0x0  }
0xfd: {  	[sflag:s19] =	ssyncadd.s32 $0xFFFFF800  }
0xfe: {  	[spmem:s2] =	stream.indirect.scatter.add.f32 [tilespmem:s30], [sflag:$0x2], $0x10, s12, s22, $0xb8;
	[tilespmem:$0x10B80] =	vst v63  }
0xff: {  	_ =	swait.ge [sflag:s19], $0x800  }
0x100: {  	[sflag:s19] =	ssyncset.done $0x0  }
0x101: {  	[sflag:s19] =	ssyncadd.s32 $0xFFFFF800  }
0x102: {  	[spmem:s2] =	stream.indirect.scatter.add.f32 [tilespmem:s0], [sflag:$0x2], $0x10, s14, s22, $0xb8;
	[tilespmem:$0x10B80] =	vst v63  }
0x103: {  	_ =	swait.ge [sflag:s19], $0x800  }
0x104: {  	[sflag:s19] =	ssyncset.done $0x0  }
0x105: {  	[sflag:s19] =	ssyncadd.s32 $0xFFFFF800  }
0x106: {  	[spmem:s2] =	stream.indirect.scatter.add.f32 [tilespmem:s13], [sflag:$0x2], $0x10, s15, s22, $0xb8;
	[tilespmem:$0x10B80] =	vst v63  }
0x107: {  	s26 =	sadd.s32 $0x1, s26;
	_ =	swait.ge [sflag:s19], $0x800  }
0x108: {  	p0 =	sne.s32 s26, $0x31;
	[sflag:s19] =	ssyncset.done $0x0  }
.Ltmp3:
0x109: {  	[sflag:s19] =	ssyncadd.s32 $0xFFFFF800;
	(pc) =	sbr.rel @p0 .LBB2_6-.Ltmp3, $4  }
0x10a: {  	[spmem:s2] =	stream.indirect.scatter.add.f32 [tilespmem:s17], [sflag:$0x2], $0x10, s24, s22, $0xb8;
	[tilespmem:$0x10B80] =	vst v63  }
0x10b: {  	_ =	swait.ge [sflag:s19], $0x800  }
0x10c: {  	[sflag:s19] =	ssyncset.done $0x0  }
0x10d: {  	[sflag:s19] =	ssyncadd.s32 $0xFFFFF800  }
0x10e: {  	[bflag:$0x0] =	sbarrier.arrive $0xFFFF  }
0x10f: {  	s26 =	rddreg [dreg:$0x4]  }
0x110: {  	s1 =	rddreg [dreg:$0xa]  }
0x111: {  	s29 =	rddreg [dreg:$0xc]  }
0x112: {  	[hbm:s1], [sflag:s26] =	dma.local [spmem:s29], $0x1870  }
0x113: {  	_ =	swait.ge [sflag:s19], $0x1870  }
0x114: {  	s31 =	rddreg [dreg:$0xd]  }
0x115: {  	s1 =	rddreg [dreg:$0xb];
	s31 =	sadd.s32 $0x1, s31  }
0x116: {  	p0 =	sne.s32 s31, s1  }
.Ltmp4:
0x117: {  	_ = 	snop;
	(pc) =	sbr.rel @p0 .LBB2_1-.Ltmp4, $3  }
0x118: {  	_ =	sdelay $0x1  }
0x119: {  	[sflag:s19] =	ssyncset.done $0x0  }
0x11a: {  	[sflag:s19] =	ssyncadd.s32 $0xFFFFE790  }
0x11b: {  	_ =	sfence.sel $0x180000  }
0x11c: {  	[bflag:$0x0] =	sbarrier.arrive $0xFFFF  }
0x11d: {  	_ =	strace $0x9000004D  }
0x11e: {  	s0 =	stileid.u32;
	[bflag:$0x2] =	sbarrier.arrive $0xFFFF  }
0x11f: {  	p0 =	sne.s32 s0, $0x0;
	s0 =	rddreg [dreg:$0x2]  }
0x120: {  	s0 =	sadd.s32 @!p0 $0x100000, s0  }
0x121: {  	[sflag:s0] =	ssyncadd.tile.s32 @!p0 $0x1;
	_ =	shalt  }
.Lfunc_end2:
_tile_overlayer_lowered:
.L_overlay_start_2:
0x122: {  	(tag) =	ssettag $0x2  }
0x123: {  	s0 =	rddreg [dreg:$0x0];
	s2 =	stileid.u32  }
0x124: {  	s1 =	rddreg [dreg:$0x1];
	p0 =	sne.s32 s2, $0x0  }
0x125: {  	s3 =	rddreg [dreg:$0x2];
	[bflag:$0x3] =	sbarrier.arrive $0xFFFF;
	s2 =	simm.s32 @!p0 $0x1C02  }
0x126: {  	[timem:s3], [sflag:s2] =	dma.local @!p0 [hbm:s0], s1  }
0x127: {  	s0 =	simm.s32 @!p0 $0x2  }
0x128: {  	_ =	swait.ge @!p0 [sflag:s0], s1  }
0x129: {  	s1 =	ssub.s32 @!p0 $0x0, s1;
	[sflag:s0] =	ssyncset.done @!p0 $0x0  }
0x12a: {  	[sflag:s0] =	ssyncadd.s32 @!p0 s1  }
0x12b: {  	[bflag:$0x3] =	sbarrier.arrive $0xFFFF  }
0x12c: {  	_ =	shalt  }

// kernel: kernel.17.cloned.1.call-start
scs
__scs_entry_jumppad:
0x0: {  	(pc) =	sbr.rel $0x88, $3  }
0x1: {  	(tag) =	ssettag $0x0;
	lr =	simm.s32 $0x1  }
0x2: {  	[smem:$0x3F80] =	sst lr;
	_ =	strace $0xD0000000  }
0x3: {  	_ = 	snop  }
0x4: {  	_ = 	snop  }
0x5: {  	_ = 	snop  }
0x6: {  	_ = 	snop  }
0x7: {  	_ = 	snop  }
__scs_overlays_trampoline_lowered:
0x8: {  	[smem:$0x3F8F] =	sst s0  }
0x9: {  	[smem:$0x3F90] =	sst s1  }
0xa: {  	[smem:$0x3F91] =	sst s2  }
0xb: {  	[smem:$0x3F92] =	sst s3  }
0xc: {  	[smem:$0x3F93] =	sst s4  }
0xd: {  	[smem:$0x3F94] =	sst s5  }
0xe: {  	[smem:$0x3F95] =	sst s6  }
0xf: {  	[smem:$0x3F96] =	sst s7  }
0x10: {  	[smem:$0x3F97] =	sst s8  }
0x11: {  	[smem:$0x3F98] =	sst s9;
	s0 =	simm.s32 @!p0 $0x0  }
0x12: {  	s1 =	sld [smem:$0x3F7E];
	s0 =	simm.s32 @p0 $0x1  }
0x13: {  	[smem:$0x3F99] =	sst s0;
	s0 =	simm.s32 @!p1 $0x0  }
0x14: {  	s2 =	sld [smem:$0x3F7D];
	s0 =	simm.s32 @p1 $0x1  }
0x15: {  	[smem:$0x3F9A] =	sst s0;
	s0 =	simm.s32 @!p2 $0x0  }
0x16: {  	s3 =	sld [smem:$0x3FDB];
	s0 =	simm.s32 @p2 $0x1  }
0x17: {  	s4 =	simm.s32 $0x1BF5;
	[smem:$0x3F9C] =	sst s0  }
0x18: {  	s0 =	sld [smem:$0x3F7F];
	_ =	swait.ge [sflag:s4], $0x0  }
0x19: {  	s7 =	sld [smem:$0x3F80]  }
0x1a: {  	s8 =	sadd.s32 $0xFFFFE003, lr  }
0x1b: {  	s9 =	sadd.s32 $0xFFFFFEF7, lr;
	s5 =	simm.s32 $0xFFFFFFFF;
	p2 =	slt.u32 s8, $0xFFFFF086  }
0x1c: {  	p1 =	slt.u32 s9, $0xF7A;
	s5 =	simm.s32 @!p2 $0x0  }
0x1d: {  	s5 =	simm.s32 @p1 $0x1;
	p0 =	seq.s32 s7, s2  }
0x1e: {  	s7 =	smul.u32 @!p0 $0xF7A, s2;
	p2 =	seq.s32 @!p0 s5, $0x0  }
0x1f: {  	s9 =	smul.u32 $0xF7A, s1;
	s8 =	simm.s32 @!p0 $0x1BF5;
	p2 =	por !p2, p0  }
0x20: {  	[sflag:s8] =	ssyncset.s32 @!p0 $0xFFFFF086;
	s6 =	sadd.s32 @!p0 s3, s7;
	s7 =	simm.s32 @!p0 $0x108  }
0x21: {  	s3 =	sadd.s32 s3, s9;
	s6 =	sadd.s32 @!p0 $0x88, s6;
	s7 =	simm.s32 @p2 $0x1082  }
0x22: {  	[simem:s7], [sflag:s8] =	dma.local @!p0 [hbm:s6], $0xF7A  }
0x23: {  	s9 =	sor.u32 $0xD0000000, s2;
	s6 =	simm.s32 $0x108;
	_ =	swait.ge @!p0 [sflag:s8], $0x0  }
0x24: {  	s3 =	sadd.s32 $0x88, s3;
	s6 =	simm.s32 @!p1 $0x1082;
	[sflag:s4] =	ssyncset.s32 $0xFFFFF086  }
0x25: {  	[simem:s6], [sflag:s4] =	dma.local [hbm:s3], $0xF7A  }
0x26: {  	[smem:$0x3F80] =	sst s1;
	(tag) =	ssettag s2;
	_ =	strace s9  }
0x27: {  	s1 =	sld [smem:$0x3F90]  }
0x28: {  	s2 =	sld [smem:$0x3F91]  }
0x29: {  	s4 =	sld [smem:$0x3F93]  }
0x2a: {  	p0 =	seq.s32 s5, $0x0;
	s5 =	sld [smem:$0x3F94]  }
0x2b: {  	s6 =	sld [smem:$0x3F95]  }
0x2c: {  	s7 =	sld [smem:$0x3F96]  }
0x2d: {  	s3 =	simm.s32 $0x108;
	s8 =	sld [smem:$0x3F97]  }
0x2e: {  	s3 =	simm.s32 @!p0 $0x1082;
	s9 =	sld [smem:$0x3F98]  }
0x2f: {  	lr =	sadd.s32 s0, s3;
	s0 =	sld [smem:$0x3F8F]  }
0x30: {  	s3 =	sld [smem:$0x3F92]  }
0x31: {  	[smem:$0x3F9B] =	sst s10  }
0x32: {  	s10 =	sld [smem:$0x3F99];
	_ =	sdelay $0x3  }
0x33: {  	p0 =	seq.s32 s10, $0x1;
	s10 =	sld [smem:$0x3F9B];
	_ =	sdelay $0x3  }
0x34: {  	[smem:$0x3F9B] =	sst s10  }
0x35: {  	s10 =	sld [smem:$0x3F9A];
	_ =	sdelay $0x3  }
0x36: {  	p1 =	seq.s32 s10, $0x1;
	s10 =	sld [smem:$0x3F9B];
	_ =	sdelay $0x3  }
0x37: {  	[smem:$0x3F9B] =	sst s10  }
0x38: {  	s10 =	sld [smem:$0x3F9C]  }
0x39: {  	_ = 	snop;
	(pc) =	sbr.ind lr, $3  }
0x3a: {  	_ = 	snop  }
0x3b: {  	_ = 	snop  }
0x3c: {  	p2 =	seq.s32 s10, $0x1;
	s10 =	sld [smem:$0x3F9B]  }
0x3d: {  	_ =	shalt  }
0x3e: {  	_ =	shalt  }
0x3f: {  	_ =	shalt  }
0x40: {  	_ =	shalt  }
0x41: {  	_ =	shalt  }
0x42: {  	_ =	shalt  }
0x43: {  	_ =	shalt  }
0x44: {  	_ =	shalt  }
0x45: {  	_ =	shalt  }
0x46: {  	_ =	shalt  }
0x47: {  	_ =	shalt  }
0x48: {  	_ =	shalt  }
0x49: {  	_ =	shalt  }
0x4a: {  	_ =	shalt  }
0x4b: {  	_ =	shalt  }
0x4c: {  	_ =	shalt  }
0x4d: {  	_ =	shalt  }
0x4e: {  	_ =	shalt  }
0x4f: {  	_ =	shalt  }
0x50: {  	_ =	shalt  }
0x51: {  	_ =	shalt  }
0x52: {  	_ =	shalt  }
0x53: {  	_ =	shalt  }
0x54: {  	_ =	shalt  }
0x55: {  	_ =	shalt  }
0x56: {  	_ =	shalt  }
0x57: {  	_ =	shalt  }
0x58: {  	_ =	shalt  }
0x59: {  	_ =	shalt  }
0x5a: {  	_ =	shalt  }
0x5b: {  	_ =	shalt  }
0x5c: {  	_ =	shalt  }
0x5d: {  	_ =	shalt  }
0x5e: {  	_ =	shalt  }
0x5f: {  	_ =	shalt  }
0x60: {  	_ =	shalt  }
0x61: {  	_ =	shalt  }
0x62: {  	_ =	shalt  }
0x63: {  	_ =	shalt  }
0x64: {  	_ =	shalt  }
0x65: {  	_ =	shalt  }
0x66: {  	_ =	shalt  }
0x67: {  	_ =	shalt  }
0x68: {  	_ =	shalt  }
0x69: {  	_ =	shalt  }
0x6a: {  	_ =	shalt  }
0x6b: {  	_ =	shalt  }
0x6c: {  	_ =	shalt  }
0x6d: {  	_ =	shalt  }
0x6e: {  	_ =	shalt  }
0x6f: {  	_ =	shalt  }
0x70: {  	_ =	shalt  }
0x71: {  	_ =	shalt  }
0x72: {  	_ =	shalt  }
0x73: {  	_ =	shalt  }
0x74: {  	_ =	shalt  }
0x75: {  	_ =	shalt  }
0x76: {  	_ =	shalt  }
0x77: {  	_ =	shalt  }
0x78: {  	_ =	shalt  }
0x79: {  	_ =	shalt  }
0x7a: {  	_ =	shalt  }
0x7b: {  	_ =	shalt  }
0x7c: {  	_ =	shalt  }
0x7d: {  	_ =	shalt  }
0x7e: {  	_ =	shalt  }
0x7f: {  	_ =	shalt  }
0x80: {  	_ =	shalt  }
0x81: {  	_ =	shalt  }
0x82: {  	_ =	shalt  }
0x83: {  	_ =	shalt  }
0x84: {  	_ =	shalt  }
0x85: {  	_ =	shalt  }
0x86: {  	_ =	shalt  }
0x87: {  	_ =	shalt  }
.Lfunc_end0:
.L_simem_size_0:
called_computation.3_lowered:
.L_overlay_start_0:
0x88: {  	s2 =	sld [smem:$0x3FD9]  }
0x89: {  	s3 =	sld [smem:$0x3FFE];
	_ =	sdelay $0x1  }
0x8a: {  	s1 =	srdreg.scid  }
0x8b: {  	s0 =	sand.u32 $0x1, s1  }
0x8c: {  	s16 =	sshll.u32 s0, $0xA;
	s2 =	sadd.s32 s3, s2  }
0x8d: {  	s2 =	sadd.s32 s2, s16  }
0x8e: {  	[smem:$0x3FA7] =	sst s2  }
0x8f: {  	_ = 	snop  }
0x90: {  	(tm) =	ssettm $0x1  }
0x91: {  	s17 =	sld [smem:$0x3FFB];
	_ =	sdelay $0x3  }
0x92: {  	_ =	strace s17  }
0x93: {  	s2 =	sld [smem:$0x3FFC];
	_ =	sdelay $0x3  }
0x94: {  	_ =	strace s2  }
0x95: {  	s2 =	sld [smem:$0x3FFD];
	_ =	sdelay $0x3  }
0x96: {  	_ =	strace s2  }
0x97: {  	_ =	strace $0x8FFFFFFF  }
0x98: {  	s18 =	sld [smem:$0x3FDB];
	_ =	sdelay $0x1  }
0x99: {  	s19 =	simm.s32 $_scs_section_size  }
0x9a: {  	s4 =	simm.s32 $_size__tile_overlayer_lowered;
	s5 =	simm.s32 $_tile_overlayer_lowered  }
0x9b: {  	s22 =	simm.s32 $0x1BFF;
	s21 =	sshll.u32 s5, $0x1;
	s2 =	sadd.s32 s19, s18  }
0x9c: {  	s6 =	simm.s32 $0x0;
	s20 =	sshll.u32 s4, $0x1;
	s4 =	sadd.s32 s21, s2  }
0x9d: {  	[timem:s6], [sflag:s22] =	dma.local [hbm:s4], s20  }
0x9e: {  	_ =	swait.ge [sflag:s22], s20  }
0x9f: {  	s3 =	ssub.s32 $0x0, s20;
	[sflag:s22] =	ssyncset.done $0x0  }
0xa0: {  	[sflag:s22] =	ssyncadd.s32 s3;
	_ =	sdelay $0x1  }
0xa1: {  	s23 =	simm.s32 $0x1B8B  }
0xa2: {  	_ =	swait.ge [sflag:s23], $0x1  }
0xa3: {  	[sflag:s23] =	ssyncset.done $0x0  }
0xa4: {  	s25 =	simm.s32 $0x1B8E;
	s24 =	sld [smem:$0x3FFE];
	[sflag:s23] =	ssyncadd.s32 $0xFFFFFFFF  }
0xa5: {  	s26 =	simm.s32 $execute0_lowered;
	[smem:$0x3FD2] =	sst s25  }
0xa6: {  	s4 =	sshll.u32 s26, $0x1;
	_ =	strace $0x8000004F;
	[dreg:$0x1] =	wrdreg $0xFFFFFFFF  }
0xa7: {  	s28 =	simm.s32 $_size_execute0_lowered;
	s2 =	sadd.s32 s2, s4;
	[dreg:$0x0] =	wrdreg $0x0  }
0xa8: {  	s4 =	sshll.u32 s28, $0x1;
	[dreg:$0x2] =	wrdreg s2  }
0xa9: {  	[dreg:$0x3] =	wrdreg s4  }
0xaa: {  	[dreg:$0x4] =	wrdreg $0xC0  }
0xab: {  	_ =	task [dreg:s6], $0x5FFFF  }
0xac: {  	[dreg:$0x1] =	wrdreg $0xFFFFFFFF  }
0xad: {  	[dreg:$0x0] =	wrdreg $0x60  }
0xae: {  	[dreg:$0x2] =	wrdreg s24  }
0xaf: {  	[dreg:$0x3] =	wrdreg $0x48000  }
0xb0: {  	[dreg:$0x4] =	wrdreg $0x9  }
0xb1: {  	_ =	task.clear_ibuf [dreg:s6], $0x5FFFF;
	_ =	strace $0x9000004F  }
0xb2: {  	s29 =	simm.s32 $0x9;
	_ =	strace $0x80000051  }
0xb3: {  	_ =	swait.ge [sflag:s29], $0x1  }
0xb4: {  	[sflag:s29] =	ssyncadd.s32 $0xFFFFFFFF  }
0xb5: {  	_ =	strace $0x90000051  }
0xb6: {  	_ =	sfence  }
0xb7: {  	s30 =	sld [smem:$0x0];
	_ =	sdelay $0x2  }
0xb8: {  	s31 =	sshll.u32 s1, $0xD;
	s1 =	sshrl.u32 s1, $0x2  }
0xb9: {  	s3 =	sand.u32 $0x4000, s31;
	s1 =	sadd.s32 s1, s30  }
0xba: {  	s0 =	sor.u32 s3, s0;
	s1 =	sshll.u32 s1, $0x11  }
0xbb: {  	s0 =	sor.u32 s1, s0  }
0xbc: {  	s0 =	sadd.s32 $0x8F2B, s0  }
0xbd: {  	[sflag:s0] =	ssyncadd.remote.s32 $0x1  }
0xbe: {  	_ =	sfence.sel $0xFFFF  }
0xbf: {  	[dreg:$0x0] =	wrdreg $0xFFFFFFFF;
	(pc) =	sbr.abs _section_cstart, $3  }
0xc0: {  	[dreg:$0x1] =	wrdreg $0xFFFFFFFF  }
0xc1: {  	_ =	task.clear_ibuf [dreg:s6], $0x2FFFF;
	_ =	strace $0x9FFFFFFF  }
0xc2: {  	(tm) =	ssettm $0x7FFFFFFF  }
0xc3: {  	_ =	shalt  }
tec
execute0_lowered:
.L_overlay_start_1:
0x0: {  	(tag) =	ssettag $0x1  }
0x1: {  	s0 =	rddreg [dreg:$0x0]  }
0x2: {  	s2 =	rddreg [dreg:$0x1];
	s3 =	simm.s32 $0x0  }
0x3: {  	s14 =	stileid.u32;
	s7 =	srdreg.scid;
	s28 =	simm.s32 $0x2000  }
0x4: {  	s30 =	simm.s32 $0x2800;
	s17 =	simm.s32 $0x4000;
	s31 =	simm.s32 $0x0  }
0x5: {  	s1 =	smul.u32 $0xC380, s14;
	s5 =	sadd.s32 $0xE22C00, s0;
	s9 =	sand.u32 $0x1, s7  }
0x6: {  	[smem:$0x7FF] =	sst s3;
	s6 =	sadd.s32 $0xDC0C00, s0;
	s13 =	smul.u32 $0x1880000, s9  }
0x7: {  	s4 =	sadd.s32 $0x5000, s0;
	s7 =	sadd.s32 $0xC9BC00, s0;
	s15 =	smul.u32 $0x187000, s9  }
0x8: {  	s11 =	ssub.s32 $0x2, s9;
	s16 =	sshllo.u32 s9, $0x1;
	s9 =	smul.u32 $0x188000, s9  }
0x9: {  	_ =	strace $0x80000050;
	s8 =	sshrl.u32 s1, $0x3;
	s19 =	smul.u32 $0xC3800, s16  }
0xa: {  	s12 =	sshrl.u32 s11, $0x1;
	s18 =	sadd.s32 s1, s2;
	s22 =	smul.u32 $0xC40000, s16  }
0xb: {  	s23 =	smul.u32 $0xC4000, s16;
	s16 =	simm.s32 $0x380;
	s10 =	sadd.s32 s8, s0  }
0xc: {  	s0 =	sadd.s32 $0x66C00, s0;
	s8 =	smul.u32 $0xC400, s14;
	s11 =	ssub.s32 s11, s12  }
0xd: {  	s14 =	sshll.u32 s14, $0x6;
	[dreg:$0x5] =	wrdreg s9;
	s20 =	sadd.s32 $0x6200000, s13  }
0xe: {  	s21 =	sadd.s32 s1, s15;
	s29 =	sshrl.u32 s18, $0x3;
	s13 =	simm.s32 $0x3800  }
0xf: {  	s18 =	simm.s32 $0x500;
	s12 =	simm.s32 $0x600;
	s15 =	simm.s32 $0x700  }
0x10: {  	s10 =	sadd.s32 $0xCB4400, s10;
	s26 =	sor.u32 $0x1C02, s14;
	[dreg:$0x6] =	wrdreg s20  }
0x11: {  	s9 =	sshrl.u32 s21, $0x3;
	s1 =	sadd.s32 s1, s19;
	[dreg:$0x8] =	wrdreg s23  }
0x12: {  	s24 =	sadd.s32 $0x6200000, s22;
	s25 =	smax.u32 s11, $0x1;
	s19 =	simm.s32 $0x2  }
0x13: {  	s20 =	simm.s32 $0x400;
	s21 =	simm.s32 $0x800;
	[dreg:$0xc] =	wrdreg s29  }
0x14: {  	s22 =	simm.s32 $0x80;
	s23 =	simm.s32 $0x1000;
	[dreg:$0x3] =	wrdreg s10  }
0x15: {  	s11 =	simm.s32 $0x580;
	s14 =	simm.s32 $0x680;
	[dreg:$0x9] =	wrdreg s24  }
0x16: {  	s9 =	sadd.s32 s0, s9;
	s1 =	sshrl.u32 s1, $0x3;
	[dreg:$0xb] =	wrdreg s25  }
0x17: {  	s25 =	simm.s32 $0x1800;
	s10 =	simm.s32 $0x480;
	[dreg:$0x4] =	wrdreg s26  }
0x18: {  	s24 =	simm.s32 $0x780;
	[dreg:$0x7] =	wrdreg s9;
	s0 =	sadd.s32 s0, s1  }
0x19: {  	s9 =	simm.s32 $0x1;
	[dreg:$0xa] =	wrdreg s0;
	s0 =	simm.s32 $0x3000  }
.LBB2_1:
0x1a: {  	[dreg:$0xd] =	wrdreg s31  }
0x1b: {  	s1 =	rddreg [dreg:$0x3]  }
0x1c: {  	[spmem:s29], [sflag:s26] =	dma.local [hbm:s1], $0x1870  }
0x1d: {  	_ =	swait.ge [sflag:s19], $0x1870  }
0x1e: {  	[sflag:s19] =	ssyncset.done $0x0  }
0x1f: {  	[sflag:s19] =	ssyncadd.s32 $0xFFFFE790  }
0x20: {  	s26 =	simm.s32 $0x0;
	[bflag:$0x0] =	sbarrier.arrive $0xFFFF  }
.LBB2_2:
0x21: {  	s1 =	sshll.u32 s26, $0xA  }
0x22: {  	s29 =	rddreg [dreg:$0x5];
	s1 =	sadd.s32 s8, s1  }
0x23: {  	s29 =	sadd.s32 s29, s1  }
0x24: {  	s29 =	sshrl.u32 s29, $0x3  }
0x25: {  	s29 =	sadd.s32 s6, s29  }
0x26: {  	[tilespmem:s3], [sflag:$0x2] =	stream.linear.gather [hbm4b:s29+s3], $0x400, $0x38;
	[tilespmem:$0x10B80] =	vst v63  }
0x27: {  	_ =	swait.ge [sflag:s19], $0x400  }
0x28: {  	s29 =	sshrl.u32 s1, $0x3;
	[sflag:s19] =	ssyncset.done $0x0  }
0x29: {  	s29 =	sadd.s32 s7, s29;
	[sflag:s19] =	ssyncadd.s32 $0xFFFFFC00  }
0x2a: {  	[tilespmem:s20], [sflag:$0x2] =	stream.linear.gather [hbm4b:s29+s3], $0x400, $0x38;
	[tilespmem:$0x10B80] =	vst v63  }
0x2b: {  	_ =	swait.ge [sflag:s19], $0x400  }
0x2c: {  	s1 =	sshll.u32 s1, $0x4;
	s29 =	rddreg [dreg:$0x6]  }
0x2d: {  	s1 =	sadd.s32 s1, s29  }
0x2e: {  	[sflag:s19] =	ssyncset.done $0x0;
	s1 =	sshrl.u32 s1, $0x3  }
0x2f: {  	[sflag:s19] =	ssyncadd.s32 $0xFFFFFC00;
	s1 =	sadd.s32 s5, s1  }
0x30: {  	[tilespmem:s21], [sflag:$0x2] =	stream.linear.gather [hbm4b:s1+s3], $0x4000, $0x38;
	[tilespmem:$0x10B80] =	vst v63  }
0x31: {  	_ =	swait.ge [sflag:s19], $0x4000  }
0x32: {  	[sflag:s19] =	ssyncset.done $0x0  }
0x33: {  	[sflag:s19] =	ssyncadd.s32 $0xFFFFC000  }
0x34: {  	[tilespmem:s21], [sflag:$0x1] =	stream.indirect.gather.add.f32 [hbm:s4], $0x10, s3, s22, $0xb8;
	[tilespmem:$0x10B80] =	vst v63  }
0x35: {  	_ = 	snop  }
0x36: {  	[tilespmem:s23], [sflag:$0x1] =	stream.indirect.gather.add.f32 [hbm:s4], $0x10, s22, s22, $0xb8;
	[tilespmem:$0x10B80] =	vst v63  }
0x37: {  	s1 =	simm.s32 $0x100  }
0x38: {  	[tilespmem:s25], [sflag:$0x1] =	stream.indirect.gather.add.f32 [hbm:s4], $0x10, s1, s22, $0xb8;
	[tilespmem:$0x10B80] =	vst v63  }
0x39: {  	s1 =	simm.s32 $0x180  }
0x3a: {  	[tilespmem:s28], [sflag:$0x1] =	stream.indirect.gather.add.f32 [hbm:s4], $0x10, s1, s22, $0xb8;
	[tilespmem:$0x10B80] =	vst v63  }
0x3b: {  	s1 =	simm.s32 $0x200  }
0x3c: {  	[tilespmem:s30], [sflag:$0x1] =	stream.indirect.gather.add.f32 [hbm:s4], $0x10, s1, s22, $0xb8;
	[tilespmem:$0x10B80] =	vst v63  }
0x3d: {  	s1 =	simm.s32 $0x280  }
0x3e: {  	[tilespmem:s0], [sflag:$0x1] =	stream.indirect.gather.add.f32 [hbm:s4], $0x10, s1, s22, $0xb8;
	[tilespmem:$0x10B80] =	vst v63  }
0x3f: {  	s1 =	simm.s32 $0x300  }
0x40: {  	[tilespmem:s13], [sflag:$0x1] =	stream.indirect.gather.add.f32 [hbm:s4], $0x10, s1, s22, $0xb8;
	[tilespmem:$0x10B80] =	vst v63  }
0x41: {  	_ = 	snop  }
0x42: {  	[tilespmem:s17], [sflag:$0x1] =	stream.indirect.gather.add.f32 [hbm:s4], $0x10, s16, s22, $0xb8;
	[tilespmem:$0x10B80] =	vst v63  }
0x43: {  	_ =	swait.ge [sflag:s9], $0x800  }
0x44: {  	[sflag:s9] =	ssyncset.done $0x0  }
0x45: {  	[sflag:s9] =	ssyncadd.s32 $0xFFFFF800  }
0x46: {  	_ =	swait.ge [sflag:s9], $0x800  }
0x47: {  	[sflag:s9] =	ssyncset.done $0x0  }
0x48: {  	[sflag:s9] =	ssyncadd.s32 $0xFFFFF800  }
0x49: {  	_ =	swait.ge [sflag:s9], $0x800  }
0x4a: {  	[sflag:s9] =	ssyncset.done $0x0  }
0x4b: {  	[sflag:s9] =	ssyncadd.s32 $0xFFFFF800  }
0x4c: {  	_ =	swait.ge [sflag:s9], $0x800  }
0x4d: {  	[sflag:s9] =	ssyncset.done $0x0  }
0x4e: {  	[sflag:s9] =	ssyncadd.s32 $0xFFFFF800  }
0x4f: {  	_ =	swait.ge [sflag:s9], $0x800  }
0x50: {  	[sflag:s9] =	ssyncset.done $0x0  }
0x51: {  	[sflag:s9] =	ssyncadd.s32 $0xFFFFF800  }
0x52: {  	_ =	swait.ge [sflag:s9], $0x800  }
0x53: {  	[sflag:s9] =	ssyncset.done $0x0  }
0x54: {  	[sflag:s9] =	ssyncadd.s32 $0xFFFFF800  }
0x55: {  	_ =	swait.ge [sflag:s9], $0x800  }
0x56: {  	[sflag:s9] =	ssyncset.done $0x0  }
0x57: {  	[sflag:s9] =	ssyncadd.s32 $0xFFFFF800  }
0x58: {  	_ =	swait.ge [sflag:s9], $0x800  }
0x59: {  	[sflag:s9] =	ssyncset.done $0x0  }
0x5a: {  	s29 =	simm.s32 $0x840;
	[sflag:s9] =	ssyncadd.s32 $0xFFFFF800  }
0x5b: {  	v3 =	vld [tilespmem:s29+$0x30]  }
0x5c: {  	v4 =	vld [tilespmem:s29+$0xFFFFFFD0]  }
0x5d: {  	v5 =	vld [tilespmem:s29+$0xFFFFFFE0]  }
0x5e: {  	v2 =	vld [tilespmem:s29+$0xFFFFFFF0]  }
0x5f: {  	v1 =	vld [tilespmem:s29+$0x0]  }
0x60: {  	v0 =	vld [tilespmem:s29+$0x10];
	v6 =	vmax.f32 v3, $0.0e+00  }
0x61: {  	v7 =	vmax.f32 v4, $0.0e+00;
	v3 =	vld [tilespmem:s29+$0x20];
	[tilespmem:s29+$0x30] =	vst v6  }
0x62: {  	s31 =	simm.s32 $0x0;
	s1 =	simm.s32 $0x8C0;
	v4 =	vld [tilespmem:s29+$0xFFFFFFC0];
	v5 =	vmax.f32 v5, $0.0e+00;
	[tilespmem:s29+$0xFFFFFFD0] =	vst v7  }
.LBB2_3:
0x63: {  	v6 =	vld [tilespmem:s1+$0x30];
	s31 =	sadd.s32 $0x8, s31;
	[tilespmem:s29+$0xFFFFFFE0] =	vst v5;
	v2 =	vmax.f32 v2, $0.0e+00  }
0x64: {  	v5 =	vld [tilespmem:s1+$0xFFFFFFD0];
	p0 =	slt.u32 s31, $0x3F8;
	[tilespmem:s29+$0xFFFFFFF0] =	vst v2;
	v1 =	vmax.f32 v1, $0.0e+00  }
0x65: {  	v7 =	vld [tilespmem:s1+$0xFFFFFFE0];
	[tilespmem:s29+$0x0] =	vst v1;
	v0 =	vmax.f32 v0, $0.0e+00  }
.Ltmp0:
0x66: {  	v2 =	vld [tilespmem:s1+$0xFFFFFFF0];
	[tilespmem:s29+$0x10] =	vst v0;
	v0 =	vmax.f32 v3, $0.0e+00;
	(pc) =	sbr.rel @p0 .LBB2_3-.Ltmp0, $4  }
0x67: {  	v1 =	vld [tilespmem:s1+$0x0];
	v3 =	vmax.f32 v4, $0.0e+00;
	[tilespmem:s29+$0x20] =	vst v0  }
0x68: {  	v0 =	vld [tilespmem:s1+$0x10];
	v4 =	vmax.f32 v6, $0.0e+00;
	[tilespmem:s29+$0xFFFFFFC0] =	vst v3;
	s29 =	smov.u32 s1  }
0x69: {  	v5 =	vmax.f32 v5, $0.0e+00;
	v3 =	vld [tilespmem:s1+$0x20];
	[tilespmem:s1+$0x30] =	vst v4  }
0x6a: {  	s1 =	sadd.s32 $0x80, s1;
	v4 =	vld [tilespmem:s29+$0xFFFFFFC0];
	[tilespmem:s29+$0xFFFFFFD0] =	vst v5;
	v5 =	vmax.f32 v7, $0.0e+00  }
0x6b: {  	[tilespmem:s29+$0xFFFFFFE0] =	vst v5;
	v2 =	vmax.f32 v2, $0.0e+00  }
0x6c: {  	[tilespmem:s29+$0xFFFFFFF0] =	vst v2;
	v1 =	vmax.f32 v1, $0.0e+00  }
0x6d: {  	[tilespmem:s29+$0x0] =	vst v1;
	v0 =	vmax.f32 v0, $0.0e+00  }
0x6e: {  	[tilespmem:s29+$0x10] =	vst v0;
	v62 =	vmax.f32 v3, $0.0e+00  }
0x6f: {  	v63 =	vmax.f32 v4, $0.0e+00;
	[tilespmem:s29+$0x20] =	vst v62  }
0x70: {  	[tilespmem:s29+$0xFFFFFFC0] =	vst v63  }
0x71: {  	[spmem:s2] =	stream.indirect.scatter.add.f32 [tilespmem:s21], [sflag:$0x2], $0x10, s20, s22, $0xb8;
	[tilespmem:$0x10B80] =	vst v63  }
0x72: {  	_ =	swait.ge [sflag:s19], $0x800  }
0x73: {  	[sflag:s19] =	ssyncset.done $0x0  }
0x74: {  	[sflag:s19] =	ssyncadd.s32 $0xFFFFF800  }
0x75: {  	[spmem:s2] =	stream.indirect.scatter.add.f32 [tilespmem:s23], [sflag:$0x2], $0x10, s10, s22, $0xb8;
	[tilespmem:$0x10B80] =	vst v63  }
0x76: {  	_ =	swait.ge [sflag:s19], $0x800  }
0x77: {  	[sflag:s19] =	ssyncset.done $0x0  }
0x78: {  	[sflag:s19] =	ssyncadd.s32 $0xFFFFF800  }
0x79: {  	[spmem:s2] =	stream.indirect.scatter.add.f32 [tilespmem:s25], [sflag:$0x2], $0x10, s18, s22, $0xb8;
	[tilespmem:$0x10B80] =	vst v63  }
0x7a: {  	_ =	swait.ge [sflag:s19], $0x800  }
0x7b: {  	[sflag:s19] =	ssyncset.done $0x0  }
0x7c: {  	[sflag:s19] =	ssyncadd.s32 $0xFFFFF800  }
0x7d: {  	[spmem:s2] =	stream.indirect.scatter.add.f32 [tilespmem:s28], [sflag:$0x2], $0x10, s11, s22, $0xb8;
	[tilespmem:$0x10B80] =	vst v63  }
0x7e: {  	_ =	swait.ge [sflag:s19], $0x800  }
0x7f: {  	[sflag:s19] =	ssyncset.done $0x0  }
0x80: {  	[sflag:s19] =	ssyncadd.s32 $0xFFFFF800  }
0x81: {  	[spmem:s2] =	stream.indirect.scatter.add.f32 [tilespmem:s30], [sflag:$0x2], $0x10, s12, s22, $0xb8;
	[tilespmem:$0x10B80] =	vst v63  }
0x82: {  	_ =	swait.ge [sflag:s19], $0x800  }
0x83: {  	[sflag:s19] =	ssyncset.done $0x0  }
0x84: {  	[sflag:s19] =	ssyncadd.s32 $0xFFFFF800  }
0x85: {  	[spmem:s2] =	stream.indirect.scatter.add.f32 [tilespmem:s0], [sflag:$0x2], $0x10, s14, s22, $0xb8;
	[tilespmem:$0x10B80] =	vst v63  }
0x86: {  	_ =	swait.ge [sflag:s19], $0x800  }
0x87: {  	[sflag:s19] =	ssyncset.done $0x0  }
0x88: {  	[sflag:s19] =	ssyncadd.s32 $0xFFFFF800  }
0x89: {  	[spmem:s2] =	stream.indirect.scatter.add.f32 [tilespmem:s13], [sflag:$0x2], $0x10, s15, s22, $0xb8;
	[tilespmem:$0x10B80] =	vst v63  }
0x8a: {  	s26 =	sadd.s32 $0x1, s26;
	_ =	swait.ge [sflag:s19], $0x800  }
0x8b: {  	p0 =	sne.s32 s26, $0x31;
	[sflag:s19] =	ssyncset.done $0x0  }
.Ltmp1:
0x8c: {  	[sflag:s19] =	ssyncadd.s32 $0xFFFFF800;
	(pc) =	sbr.rel @p0 .LBB2_2-.Ltmp1, $4  }
0x8d: {  	[spmem:s2] =	stream.indirect.scatter.add.f32 [tilespmem:s17], [sflag:$0x2], $0x10, s24, s22, $0xb8;
	[tilespmem:$0x10B80] =	vst v63  }
0x8e: {  	_ =	swait.ge [sflag:s19], $0x800  }
0x8f: {  	[sflag:s19] =	ssyncset.done $0x0  }
0x90: {  	[sflag:s19] =	ssyncadd.s32 $0xFFFFF800  }
0x91: {  	[bflag:$0x0] =	sbarrier.arrive $0xFFFF  }
0x92: {  	s26 =	rddreg [dreg:$0x4]  }
0x93: {  	s1 =	rddreg [dreg:$0x7]  }
0x94: {  	s29 =	rddreg [dreg:$0xc]  }
0x95: {  	[hbm:s1], [sflag:s26] =	dma.local [spmem:s29], $0x1870  }
0x96: {  	_ =	swait.ge [sflag:s19], $0x1870  }
0x97: {  	[sflag:s19] =	ssyncset.done $0x0  }
0x98: {  	s31 =	rddreg [dreg:$0x3];
	[sflag:s19] =	ssyncadd.s32 $0xFFFFE790  }
0x99: {  	[spmem:s29], [sflag:s26] =	dma.local [hbm:s31], $0x1870  }
0x9a: {  	_ =	swait.ge [sflag:s19], $0x1870  }
0x9b: {  	[sflag:s19] =	ssyncset.done $0x0  }
0x9c: {  	[sflag:s19] =	ssyncadd.s32 $0xFFFFE790  }
0x9d: {  	s26 =	simm.s32 $0x0;
	[bflag:$0x0] =	sbarrier.arrive $0xFFFF  }
.LBB2_6:
0x9e: {  	s1 =	sshll.u32 s26, $0xA  }
0x9f: {  	s29 =	rddreg [dreg:$0x8];
	s1 =	sadd.s32 s8, s1  }
0xa0: {  	s29 =	sadd.s32 s29, s1  }
0xa1: {  	s29 =	sshrl.u32 s29, $0x3  }
0xa2: {  	s29 =	sadd.s32 s6, s29  }
0xa3: {  	[tilespmem:s3], [sflag:$0x2] =	stream.linear.gather [hbm4b:s29+s3], $0x400, $0x38;
	[tilespmem:$0x10B80] =	vst v63  }
0xa4: {  	_ =	swait.ge [sflag:s19], $0x400  }
0xa5: {  	s29 =	sshrl.u32 s1, $0x3;
	[sflag:s19] =	ssyncset.done $0x0  }
0xa6: {  	s29 =	sadd.s32 s7, s29;
	[sflag:s19] =	ssyncadd.s32 $0xFFFFFC00  }
0xa7: {  	[tilespmem:s20], [sflag:$0x2] =	stream.linear.gather [hbm4b:s29+s3], $0x400, $0x38;
	[tilespmem:$0x10B80] =	vst v63  }
0xa8: {  	_ =	swait.ge [sflag:s19], $0x400  }
0xa9: {  	s1 =	sshll.u32 s1, $0x4;
	s29 =	rddreg [dreg:$0x9]  }
0xaa: {  	s1 =	sadd.s32 s1, s29  }
0xab: {  	[sflag:s19] =	ssyncset.done $0x0;
	s1 =	sshrl.u32 s1, $0x3  }
0xac: {  	[sflag:s19] =	ssyncadd.s32 $0xFFFFFC00;
	s1 =	sadd.s32 s5, s1  }
0xad: {  	[tilespmem:s21], [sflag:$0x2] =	stream.linear.gather [hbm4b:s1+s3], $0x4000, $0x38;
	[tilespmem:$0x10B80] =	vst v63  }
0xae: {  	_ =	swait.ge [sflag:s19], $0x4000  }
0xaf: {  	[sflag:s19] =	ssyncset.done $0x0  }
0xb0: {  	[sflag:s19] =	ssyncadd.s32 $0xFFFFC000  }
0xb1: {  	[tilespmem:s21], [sflag:$0x1] =	stream.indirect.gather.add.f32 [hbm:s4], $0x10, s3, s22, $0xb8;
	[tilespmem:$0x10B80] =	vst v63  }
0xb2: {  	_ = 	snop  }
0xb3: {  	[tilespmem:s23], [sflag:$0x1] =	stream.indirect.gather.add.f32 [hbm:s4], $0x10, s22, s22, $0xb8;
	[tilespmem:$0x10B80] =	vst v63  }
0xb4: {  	s1 =	simm.s32 $0x100  }
0xb5: {  	[tilespmem:s25], [sflag:$0x1] =	stream.indirect.gather.add.f32 [hbm:s4], $0x10, s1, s22, $0xb8;
	[tilespmem:$0x10B80] =	vst v63  }
0xb6: {  	s1 =	simm.s32 $0x180  }
0xb7: {  	[tilespmem:s28], [sflag:$0x1] =	stream.indirect.gather.add.f32 [hbm:s4], $0x10, s1, s22, $0xb8;
	[tilespmem:$0x10B80] =	vst v63  }
0xb8: {  	s1 =	simm.s32 $0x200  }
0xb9: {  	[tilespmem:s30], [sflag:$0x1] =	stream.indirect.gather.add.f32 [hbm:s4], $0x10, s1, s22, $0xb8;
	[tilespmem:$0x10B80] =	vst v63  }
0xba: {  	s1 =	simm.s32 $0x280  }
0xbb: {  	[tilespmem:s0], [sflag:$0x1] =	stream.indirect.gather.add.f32 [hbm:s4], $0x10, s1, s22, $0xb8;
	[tilespmem:$0x10B80] =	vst v63  }
0xbc: {  	s1 =	simm.s32 $0x300  }
0xbd: {  	[tilespmem:s13], [sflag:$0x1] =	stream.indirect.gather.add.f32 [hbm:s4], $0x10, s1, s22, $0xb8;
	[tilespmem:$0x10B80] =	vst v63  }
0xbe: {  	_ = 	snop  }
0xbf: {  	[tilespmem:s17], [sflag:$0x1] =	stream.indirect.gather.add.f32 [hbm:s4], $0x10, s16, s22, $0xb8;
	[tilespmem:$0x10B80] =	vst v63  }
0xc0: {  	_ =	swait.ge [sflag:s9], $0x800  }
0xc1: {  	[sflag:s9] =	ssyncset.done $0x0  }
0xc2: {  	[sflag:s9] =	ssyncadd.s32 $0xFFFFF800  }
0xc3: {  	_ =	swait.ge [sflag:s9], $0x800  }
0xc4: {  	[sflag:s9] =	ssyncset.done $0x0  }
0xc5: {  	[sflag:s9] =	ssyncadd.s32 $0xFFFFF800  }
0xc6: {  	_ =	swait.ge [sflag:s9], $0x800  }
0xc7: {  	[sflag:s9] =	ssyncset.done $0x0  }
0xc8: {  	[sflag:s9] =	ssyncadd.s32 $0xFFFFF800  }
0xc9: {  	_ =	swait.ge [sflag:s9], $0x800  }
0xca: {  	[sflag:s9] =	ssyncset.done $0x0  }
0xcb: {  	[sflag:s9] =	ssyncadd.s32 $0xFFFFF800  }
0xcc: {  	_ =	swait.ge [sflag:s9], $0x800  }
0xcd: {  	[sflag:s9] =	ssyncset.done $0x0  }
0xce: {  	[sflag:s9] =	ssyncadd.s32 $0xFFFFF800  }
0xcf: {  	_ =	swait.ge [sflag:s9], $0x800  }
0xd0: {  	[sflag:s9] =	ssyncset.done $0x0  }
0xd1: {  	[sflag:s9] =	ssyncadd.s32 $0xFFFFF800  }
0xd2: {  	_ =	swait.ge [sflag:s9], $0x800  }
0xd3: {  	[sflag:s9] =	ssyncset.done $0x0  }
0xd4: {  	[sflag:s9] =	ssyncadd.s32 $0xFFFFF800  }
0xd5: {  	_ =	swait.ge [sflag:s9], $0x800  }
0xd6: {  	[sflag:s9] =	ssyncset.done $0x0  }
0xd7: {  	s29 =	simm.s32 $0x840;
	[sflag:s9] =	ssyncadd.s32 $0xFFFFF800  }
0xd8: {  	v3 =	vld [tilespmem:s29+$0x30]  }
0xd9: {  	v4 =	vld [tilespmem:s29+$0xFFFFFFD0]  }
0xda: {  	v5 =	vld [tilespmem:s29+$0xFFFFFFE0]  }
0xdb: {  	v2 =	vld [tilespmem:s29+$0xFFFFFFF0]  }
0xdc: {  	v1 =	vld [tilespmem:s29+$0x0]  }
0xdd: {  	v0 =	vld [tilespmem:s29+$0x10];
	v6 =	vmax.f32 v3, $0.0e+00  }
0xde: {  	v7 =	vmax.f32 v4, $0.0e+00;
	v3 =	vld [tilespmem:s29+$0x20];
	[tilespmem:s29+$0x30] =	vst v6  }
0xdf: {  	s31 =	simm.s32 $0x0;
	s1 =	simm.s32 $0x8C0;
	v4 =	vld [tilespmem:s29+$0xFFFFFFC0];
	v5 =	vmax.f32 v5, $0.0e+00;
	[tilespmem:s29+$0xFFFFFFD0] =	vst v7  }
.LBB2_7:
0xe0: {  	v6 =	vld [tilespmem:s1+$0x30];
	s31 =	sadd.s32 $0x8, s31;
	[tilespmem:s29+$0xFFFFFFE0] =	vst v5;
	v2 =	vmax.f32 v2, $0.0e+00  }
0xe1: {  	v5 =	vld [tilespmem:s1+$0xFFFFFFD0];
	p0 =	slt.u32 s31, $0x3F8;
	[tilespmem:s29+$0xFFFFFFF0] =	vst v2;
	v1 =	vmax.f32 v1, $0.0e+00  }
0xe2: {  	v7 =	vld [tilespmem:s1+$0xFFFFFFE0];
	[tilespmem:s29+$0x0] =	vst v1;
	v0 =	vmax.f32 v0, $0.0e+00  }
.Ltmp2:
0xe3: {  	v2 =	vld [tilespmem:s1+$0xFFFFFFF0];
	[tilespmem:s29+$0x10] =	vst v0;
	v0 =	vmax.f32 v3, $0.0e+00;
	(pc) =	sbr.rel @p0 .LBB2_7-.Ltmp2, $4  }
0xe4: {  	v1 =	vld [tilespmem:s1+$0x0];
	v3 =	vmax.f32 v4, $0.0e+00;
	[tilespmem:s29+$0x20] =	vst v0  }
0xe5: {  	v0 =	vld [tilespmem:s1+$0x10];
	v4 =	vmax.f32 v6, $0.0e+00;
	[tilespmem:s29+$0xFFFFFFC0] =	vst v3;
	s29 =	smov.u32 s1  }
0xe6: {  	v5 =	vmax.f32 v5, $0.0e+00;
	v3 =	vld [tilespmem:s1+$0x20];
	[tilespmem:s1+$0x30] =	vst v4  }
0xe7: {  	s1 =	sadd.s32 $0x80, s1;
	v4 =	vld [tilespmem:s29+$0xFFFFFFC0];
	[tilespmem:s29+$0xFFFFFFD0] =	vst v5;
	v5 =	vmax.f32 v7, $0.0e+00  }
0xe8: {  	[tilespmem:s29+$0xFFFFFFE0] =	vst v5;
	v2 =	vmax.f32 v2, $0.0e+00  }
0xe9: {  	[tilespmem:s29+$0xFFFFFFF0] =	vst v2;
	v1 =	vmax.f32 v1, $0.0e+00  }
0xea: {  	[tilespmem:s29+$0x0] =	vst v1;
	v0 =	vmax.f32 v0, $0.0e+00  }
0xeb: {  	[tilespmem:s29+$0x10] =	vst v0;
	v62 =	vmax.f32 v3, $0.0e+00  }
0xec: {  	v63 =	vmax.f32 v4, $0.0e+00;
	[tilespmem:s29+$0x20] =	vst v62  }
0xed: {  	[tilespmem:s29+$0xFFFFFFC0] =	vst v63  }
0xee: {  	[spmem:s2] =	stream.indirect.scatter.add.f32 [tilespmem:s21], [sflag:$0x2], $0x10, s20, s22, $0xb8;
	[tilespmem:$0x10B80] =	vst v63  }
0xef: {  	_ =	swait.ge [sflag:s19], $0x800  }
0xf0: {  	[sflag:s19] =	ssyncset.done $0x0  }
0xf1: {  	[sflag:s19] =	ssyncadd.s32 $0xFFFFF800  }
0xf2: {  	[spmem:s2] =	stream.indirect.scatter.add.f32 [tilespmem:s23], [sflag:$0x2], $0x10, s10, s22, $0xb8;
	[tilespmem:$0x10B80] =	vst v63  }
0xf3: {  	_ =	swait.ge [sflag:s19], $0x800  }
0xf4: {  	[sflag:s19] =	ssyncset.done $0x0  }
0xf5: {  	[sflag:s19] =	ssyncadd.s32 $0xFFFFF800  }
0xf6: {  	[spmem:s2] =	stream.indirect.scatter.add.f32 [tilespmem:s25], [sflag:$0x2], $0x10, s18, s22, $0xb8;
	[tilespmem:$0x10B80] =	vst v63  }
0xf7: {  	_ =	swait.ge [sflag:s19], $0x800  }
0xf8: {  	[sflag:s19] =	ssyncset.done $0x0  }
0xf9: {  	[sflag:s19] =	ssyncadd.s32 $0xFFFFF800  }
0xfa: {  	[spmem:s2] =	stream.indirect.scatter.add.f32 [tilespmem:s28], [sflag:$0x2], $0x10, s11, s22, $0xb8;
	[tilespmem:$0x10B80] =	vst v63  }
0xfb: {  	_ =	swait.ge [sflag:s19], $0x800  }
0xfc: {  	[sflag:s19] =	ssyncset.done $0x0  }
0xfd: {  	[sflag:s19] =	ssyncadd.s32 $0xFFFFF800  }
0xfe: {  	[spmem:s2] =	stream.indirect.scatter.add.f32 [tilespmem:s30], [sflag:$0x2], $0x10, s12, s22, $0xb8;
	[tilespmem:$0x10B80] =	vst v63  }
0xff: {  	_ =	swait.ge [sflag:s19], $0x800  }
0x100: {  	[sflag:s19] =	ssyncset.done $0x0  }
0x101: {  	[sflag:s19] =	ssyncadd.s32 $0xFFFFF800  }
0x102: {  	[spmem:s2] =	stream.indirect.scatter.add.f32 [tilespmem:s0], [sflag:$0x2], $0x10, s14, s22, $0xb8;
	[tilespmem:$0x10B80] =	vst v63  }
0x103: {  	_ =	swait.ge [sflag:s19], $0x800  }
0x104: {  	[sflag:s19] =	ssyncset.done $0x0  }
0x105: {  	[sflag:s19] =	ssyncadd.s32 $0xFFFFF800  }
0x106: {  	[spmem:s2] =	stream.indirect.scatter.add.f32 [tilespmem:s13], [sflag:$0x2], $0x10, s15, s22, $0xb8;
	[tilespmem:$0x10B80] =	vst v63  }
0x107: {  	s26 =	sadd.s32 $0x1, s26;
	_ =	swait.ge [sflag:s19], $0x800  }
0x108: {  	p0 =	sne.s32 s26, $0x31;
	[sflag:s19] =	ssyncset.done $0x0  }
.Ltmp3:
0x109: {  	[sflag:s19] =	ssyncadd.s32 $0xFFFFF800;
	(pc) =	sbr.rel @p0 .LBB2_6-.Ltmp3, $4  }
0x10a: {  	[spmem:s2] =	stream.indirect.scatter.add.f32 [tilespmem:s17], [sflag:$0x2], $0x10, s24, s22, $0xb8;
	[tilespmem:$0x10B80] =	vst v63  }
0x10b: {  	_ =	swait.ge [sflag:s19], $0x800  }
0x10c: {  	[sflag:s19] =	ssyncset.done $0x0  }
0x10d: {  	[sflag:s19] =	ssyncadd.s32 $0xFFFFF800  }
0x10e: {  	[bflag:$0x0] =	sbarrier.arrive $0xFFFF  }
0x10f: {  	s26 =	rddreg [dreg:$0x4]  }
0x110: {  	s1 =	rddreg [dreg:$0xa]  }
0x111: {  	s29 =	rddreg [dreg:$0xc]  }
0x112: {  	[hbm:s1], [sflag:s26] =	dma.local [spmem:s29], $0x1870  }
0x113: {  	_ =	swait.ge [sflag:s19], $0x1870  }
0x114: {  	s31 =	rddreg [dreg:$0xd]  }
0x115: {  	s1 =	rddreg [dreg:$0xb];
	s31 =	sadd.s32 $0x1, s31  }
0x116: {  	p0 =	sne.s32 s31, s1  }
.Ltmp4:
0x117: {  	_ = 	snop;
	(pc) =	sbr.rel @p0 .LBB2_1-.Ltmp4, $3  }
0x118: {  	_ =	sdelay $0x1  }
0x119: {  	[sflag:s19] =	ssyncset.done $0x0  }
0x11a: {  	[sflag:s19] =	ssyncadd.s32 $0xFFFFE790  }
0x11b: {  	_ =	sfence.sel $0x180000  }
0x11c: {  	[bflag:$0x0] =	sbarrier.arrive $0xFFFF  }
0x11d: {  	_ =	strace $0x90000050  }
0x11e: {  	s0 =	stileid.u32;
	[bflag:$0x2] =	sbarrier.arrive $0xFFFF  }
0x11f: {  	p0 =	sne.s32 s0, $0x0;
	s0 =	rddreg [dreg:$0x2]  }
0x120: {  	s0 =	sadd.s32 @!p0 $0x100000, s0  }
0x121: {  	[sflag:s0] =	ssyncadd.tile.s32 @!p0 $0x1;
	_ =	shalt  }
.Lfunc_end2:
_tile_overlayer_lowered:
.L_overlay_start_2:
0x122: {  	(tag) =	ssettag $0x2  }
0x123: {  	s0 =	rddreg [dreg:$0x0];
	s2 =	stileid.u32  }
0x124: {  	s1 =	rddreg [dreg:$0x1];
	p0 =	sne.s32 s2, $0x0  }
0x125: {  	s3 =	rddreg [dreg:$0x2];
	[bflag:$0x3] =	sbarrier.arrive $0xFFFF;
	s2 =	simm.s32 @!p0 $0x1C02  }
0x126: {  	[timem:s3], [sflag:s2] =	dma.local @!p0 [hbm:s0], s1  }
0x127: {  	s0 =	simm.s32 @!p0 $0x2  }
0x128: {  	_ =	swait.ge @!p0 [sflag:s0], s1  }
0x129: {  	s1 =	ssub.s32 @!p0 $0x0, s1;
	[sflag:s0] =	ssyncset.done @!p0 $0x0  }
0x12a: {  	[sflag:s0] =	ssyncadd.s32 @!p0 s1  }
0x12b: {  	[bflag:$0x3] =	sbarrier.arrive $0xFFFF  }
0x12c: {  	_ =	shalt  }

// kernel: sparse-core-data-format-call.cloned.1.call-start
scs
called_computation_lowered:
.L_overlay_start_0:
0x0: {  	s2 =	sld [smem:$0x3FD9]  }
0x1: {  	s3 =	sld [smem:$0x3FFE];
	_ =	sdelay $0x1  }
0x2: {  	s1 =	srdreg.scid  }
0x3: {  	s0 =	sand.u32 $0x1, s1  }
0x4: {  	s18 =	sshll.u32 s0, $0xA;
	s2 =	sadd.s32 s3, s2  }
0x5: {  	s2 =	sadd.s32 s2, s18  }
0x6: {  	[smem:$0x3FA7] =	sst s2  }
0x7: {  	_ = 	snop  }
0x8: {  	s2 =	sld [smem:$0x3FC7];
	(tm) =	ssettm $0x1  }
0x9: {  	s19 =	sld [smem:$0x3FFB];
	_ =	sdelay $0x3  }
0xa: {  	_ =	strace s19  }
0xb: {  	s3 =	sld [smem:$0x3FFC];
	_ =	sdelay $0x3  }
0xc: {  	_ =	strace s3  }
0xd: {  	s3 =	sld [smem:$0x3FFD];
	_ =	sdelay $0x3  }
0xe: {  	_ =	strace s3  }
0xf: {  	_ =	strace $0x8FFFFFFF  }
0x10: {  	s20 =	sld [smem:$0x3FDB];
	_ =	sdelay $0x1  }
0x11: {  	s4 =	simm.s32 $_scs_section_size  }
0x12: {  	s5 =	simm.s32 $_size__tile_overlayer_lowered;
	s6 =	simm.s32 $_tile_overlayer_lowered  }
0x13: {  	s23 =	simm.s32 $0x1BFF;
	s22 =	sshll.u32 s6, $0x1;
	s3 =	sadd.s32 s4, s20  }
0x14: {  	s7 =	simm.s32 $0x0;
	s21 =	sshll.u32 s5, $0x1;
	s5 =	sadd.s32 s22, s3  }
0x15: {  	[timem:s7], [sflag:s23] =	dma.local [hbm:s5], s21  }
0x16: {  	_ =	swait.ge [sflag:s23], s21  }
0x17: {  	s4 =	ssub.s32 $0x0, s21;
	[sflag:s23] =	ssyncset.done $0x0  }
0x18: {  	[sflag:s23] =	ssyncadd.s32 s4;
	_ =	sdelay $0x1  }
0x19: {  	s24 =	simm.s32 $0x1B8B  }
0x1a: {  	_ =	swait.ge [sflag:s24], $0x1  }
0x1b: {  	[sflag:s24] =	ssyncset.done $0x0  }
0x1c: {  	s26 =	simm.s32 $0x1B8E;
	s25 =	sld [smem:$0x3FFE];
	[sflag:s24] =	ssyncadd.s32 $0xFFFFFFFF  }
0x1d: {  	s27 =	simm.s32 $execute0_lowered;
	[smem:$0x3FD2] =	sst s26  }
0x1e: {  	s5 =	sshll.u32 s27, $0x1;
	_ =	strace $0x80000046;
	[dreg:$0x1] =	wrdreg $0xFFFFFFFF  }
0x1f: {  	s28 =	simm.s32 $_size_execute0_lowered;
	s3 =	sadd.s32 s3, s5;
	[dreg:$0x0] =	wrdreg $0x0  }
0x20: {  	s5 =	sshll.u32 s28, $0x1;
	[dreg:$0x2] =	wrdreg s3  }
0x21: {  	[dreg:$0x3] =	wrdreg s5  }
0x22: {  	[dreg:$0x4] =	wrdreg $0xC0  }
0x23: {  	_ =	task [dreg:s7], $0x5FFFF  }
0x24: {  	[dreg:$0x1] =	wrdreg $0xFFFFFFFF  }
0x25: {  	[dreg:$0x0] =	wrdreg $0x60  }
0x26: {  	[dreg:$0x2] =	wrdreg s2  }
0x27: {  	[dreg:$0x3] =	wrdreg s25  }
0x28: {  	[dreg:$0x4] =	wrdreg $0x9  }
0x29: {  	_ =	task.clear_ibuf [dreg:s7], $0x5FFFF;
	_ =	strace $0x90000046  }
0x2a: {  	s29 =	simm.s32 $0x9;
	_ =	strace $0x80000048  }
0x2b: {  	_ =	swait.ge [sflag:s29], $0x1  }
0x2c: {  	[sflag:s29] =	ssyncadd.s32 $0xFFFFFFFF  }
0x2d: {  	_ =	strace $0x90000048  }
0x2e: {  	_ =	sfence  }
0x2f: {  	s30 =	sld [smem:$0x0];
	_ =	sdelay $0x2  }
0x30: {  	s31 =	sshll.u32 s1, $0xD;
	s1 =	sshrl.u32 s1, $0x2  }
0x31: {  	s3 =	sand.u32 $0x4000, s31;
	s1 =	sadd.s32 s1, s30  }
0x32: {  	s0 =	sor.u32 s3, s0;
	s1 =	sshll.u32 s1, $0x11  }
0x33: {  	s0 =	sor.u32 s1, s0  }
0x34: {  	s0 =	sadd.s32 $0x8F2B, s0  }
0x35: {  	[sflag:s0] =	ssyncadd.remote.s32 $0x1  }
0x36: {  	_ =	sfence.sel $0xFFFF  }
0x37: {  	[dreg:$0x0] =	wrdreg $0xFFFFFFFF;
	(pc) =	sbr.abs _section_cstart, $3  }
0x38: {  	[dreg:$0x1] =	wrdreg $0xFFFFFFFF  }
0x39: {  	_ =	task.clear_ibuf [dreg:s7], $0x2FFFF;
	_ =	strace $0x9FFFFFFF  }
0x3a: {  	(tm) =	ssettm $0x7FFFFFFF  }
0x3b: {  	_ =	shalt  }
tec
execute0_lowered:
.L_overlay_start_1:
0x0: {  	(tag) =	ssettag $0x1  }
0x1: {  	s0 =	srdreg.scid;
	s2 =	rddreg [dreg:$0x0]  }
0x2: {  	s6 =	rddreg [dreg:$0x1];
	s1 =	sshll.u32 s0, $0x4  }
0x3: {  	s7 =	simm.s32 $0x1;
	s0 =	stileid.u32;
	s1 =	sand.u32 $0x10, s1  }
0x4: {  	s8 =	simm.s32 $0x2;
	s13 =	simm.s32 $0x0;
	s1 =	sor.u32 s0, s1  }
0x5: {  	s12 =	simm.s32 $0x0;
	s10 =	simm.s32 $0x0;
	s3 =	sshll.u32 s1, $0x8  }
0x6: {  	s11 =	simm.s32 $0x0;
	s6 =	sadd.s32 $0x5000, s6;
	s5 =	ssub.s32 $0xC3500, s3  }
.Ltmp0:
0x7: {  	s1 =	rddreg [dreg:$0x2];
	s4 =	sand.u32 $0x1F00, s5;
	(pc) =	sbr.rel .LBB1_1-.Ltmp0, $4  }
0x8: {  	_ =	strace $0x80000047;
	s9 =	smov.u32 s3;
	p0 =	sne.s32 s4, $0x0  }
0x9: {  	s5 =	sshrl.u32 s5, $0xD;
	s4 =	simm.s32 $0x1;
	s7 =	simm.s32 @!p0 $0x0  }
0xa: {  	[sflag:s4] =	ssyncpa.u1 $0x0;
	p0 =	por $0x0, $0x0;
	s5 =	sadd.s32 s7, s5  }
0xb: {  	[sflag:s8] =	ssyncpa.u1 $0x0;
	s8 =	simm.s32 $0x80;
	s7 =	sadd.s32 $0x1, s5  }
.LBB1_4:
0xc: {  	_ =	sdelay $0x3  }
0xd: {  	s21 =	sor.u32 s24, s23;
	v47 =	vld.idx.msk [tilespmem:v0+s16+$0x470 ss:$0x1], $0xffff  }
0xe: {  	v57 =	vld.idx.msk [tilespmem:v0+s21+$0x410 ss:$0x1], $0xffff  }
0xf: {  	v58 =	vld.idx.msk [tilespmem:v0+s21+$0x420 ss:$0x1], $0xffff  }
0x10: {  	[tilespmem:s18+$0x660 ss:$0x11] =	vst.msk $0xffff, v8;
	v59 =	vld.idx.msk [tilespmem:v0+s21+$0x430 ss:$0x1], $0xffff  }
0x11: {  	[tilespmem:s18+$0x770 ss:$0x11] =	vst.msk $0xffff, v7;
	v60 =	vld.idx.msk [tilespmem:v0+s21+$0x440 ss:$0x1], $0xffff  }
0x12: {  	[tilespmem:s18+$0x990 ss:$0x11] =	vst.msk $0xffff, v1;
	s22 =	sand.u32 $0xB00, s21;
	v61 =	vld.idx.msk [tilespmem:v0+s21+$0x450 ss:$0x1], $0xffff  }
0x13: {  	s20 =	sand.u32 $0x80, s20;
	[tilespmem:s18+$0xAA0 ss:$0x11] =	vst.msk $0xffff, v2;
	v62 =	vld.idx.msk [tilespmem:v0+s21+$0x460 ss:$0x1], $0xffff;
	s15 =	sadd.s32 s22, s15  }
0x14: {  	[tilespmem:s18+$0xBB0 ss:$0x11] =	vst.msk $0xffff, v3;
	v63 =	vld.idx.msk [tilespmem:v0+s21+$0x470 ss:$0x1], $0xffff;
	s15 =	sadd.s32 s20, s15  }
0x15: {  	[tilespmem:s18+$0xCC0 ss:$0x11] =	vst.msk $0xffff, v4;
	v48 =	vld [tilespmem:s15+$0x400]  }
0x16: {  	[tilespmem:s18+$0xDD0 ss:$0x11] =	vst.msk $0xffff, v5;
	v49 =	vld [tilespmem:s15+$0x0]  }
0x17: {  	s25 =	sshra.s32 s19, $0x2;
	[tilespmem:s18+$0xEE0 ss:$0x11] =	vst.msk $0xffff, v6;
	v50 =	vld [tilespmem:s15+$0x10]  }
0x18: {  	s16 =	sadd.s32 s25, s17;
	v51 =	vld [tilespmem:s15+$0x20];
	[tilespmem:s18+$0xFF0 ss:$0x11] =	vst.msk $0xffff, v47  }
0x19: {  	v52 =	vld [tilespmem:s15+$0x30];
	[tilespmem:s16+$0x990 ss:$0x11] =	vst.msk $0xffff, v57  }
0x1a: {  	v53 =	vld [tilespmem:s15+$0x40];
	[tilespmem:s16+$0xAA0 ss:$0x11] =	vst.msk $0xffff, v58  }
0x1b: {  	v54 =	vld [tilespmem:s15+$0x50];
	[tilespmem:s16+$0xBB0 ss:$0x11] =	vst.msk $0xffff, v59  }
0x1c: {  	s13 =	sshll.u32 s13, $0x7;
	s26 =	sshll.u32 s12, $0x3;
	v55 =	vld [tilespmem:s15+$0x60];
	[tilespmem:s16+$0xCC0 ss:$0x11] =	vst.msk $0xffff, v60  }
0x1d: {  	s27 =	sand.u32 $0xFFFFFC00, s13;
	v56 =	vld [tilespmem:s15+$0x70];
	s15 =	sand.u32 $0xFFFFFC00, s26;
	[tilespmem:s16+$0xDD0 ss:$0x11] =	vst.msk $0xffff, v61  }
0x1e: {  	s13 =	sand.u32 $0x380, s13;
	s15 =	sadd.s32 s15, s27;
	[tilespmem:s16+$0xEE0 ss:$0x11] =	vst.msk $0xffff, v62  }
0x1f: {  	s13 =	sor.u32 s13, s15;
	[tilespmem:s16+$0xFF0 ss:$0x11] =	vst.msk $0xffff, v63  }
0x20: {  	s13 =	sshrl.u32 s13, $0x7;
	[tilespmem:s16+$0x880 ss:$0x11] =	vst.msk $0xffff, v48  }
0x21: {  	s28 =	smulhi.u32 $0x14F8B59, s13;
	[tilespmem:s16+$0x0 ss:$0x11] =	vst.msk $0xffff, v49  }
0x22: {  	[tilespmem:s16+$0x110 ss:$0x11] =	vst.msk $0xffff, v50  }
0x23: {  	[tilespmem:s16+$0x220 ss:$0x11] =	vst.msk $0xffff, v51;
	s15 =	sshrl.u32 s28, $0xC  }
0x24: {  	[tilespmem:s16+$0x330 ss:$0x11] =	vst.msk $0xffff, v52;
	s15 =	smul.u32 $0xC3500, s15  }
0x25: {  	s29 =	sshrl.u32 s12, $0x3;
	[tilespmem:s16+$0x440 ss:$0x11] =	vst.msk $0xffff, v53  }
0x26: {  	s31 =	sand.u32 $0x7, s12;
	s30 =	sand.u32 $0xF, s29;
	[tilespmem:s16+$0x550 ss:$0x11] =	vst.msk $0xffff, v54;
	s13 =	ssub.s32 s13, s15  }
0x27: {  	s12 =	sshll.u32 s31, $0x12;
	[tilespmem:s16+$0x660 ss:$0x11] =	vst.msk $0xffff, v55;
	s15 =	sadd.s32 s6, s30;
	s13 =	sshll.u32 s13, $0x4  }
0x28: {  	s12 =	sor.u32 $0x10, s12;
	[tilespmem:s16+$0x770 ss:$0x11] =	vst.msk $0xffff, v56;
	s13 =	sadd.s32 s13, s15  }
0x29: {  	[hbm4b:s13+s12] =	stream.strided.scatter [tilespmem:s14], [sflag:$0x2], $0x1000, s8, s12, $0x8;
	[tilespmem:$0x4200] =	vst v63  }
.LBB1_5:
0x2a: {  	s14 =	sadd.s32 $0x2000, s9  }
0x2b: {  	s12 =	sadd.s32 $0x10, s10;
	s16 =	smov.u32 s10;
	p2 =	sgt.s32 s14, $0xC34FF  }
0x2c: {  	s16 =	smov.u32 @p2 s12  }
0x2d: {  	s14 =	smov.u32 @p2 s3;
	p2 =	sgt.s32 s16, $0xF  }
0x2e: {  	s16 =	simm.s32 @p2 $0x0;
	p2 =	sne.s32 s11, s7  }
.Ltmp1:
0x2f: {  	p1 =	slt.u32 s11, $0x2;
	(pc) =	sbr.rel @!p2 .LBB1_6-.Ltmp1, $4  }
0x30: {  	s15 =	simm.s32 @!p1 $0x2  }
0x31: {  	s13 =	smov.u32 s9;
	p0 =	por !p0, !p0;
	_ =	swait.ge @!p1 [sflag:s15], $0x1000  }
0x32: {  	s12 =	smov.u32 s10;
	[sflag:s15] =	ssyncset.done @!p1 $0x0;
	s9 =	smov.u32 s14  }
0x33: {  	s11 =	sadd.s32 $0x1, s11;
	[sflag:s15] =	ssyncadd.s32 @!p1 $0xFFFFF000;
	s10 =	smov.u32 s16  }
.LBB1_1:
0x34: {  	p1 =	sge.u32 s11, s5  }
0x35: {  	s14 =	sshrl.u32 @!p1 s10, $0x3  }
0x36: {  	s15 =	sshll.u32 @!p1 s9, $0x3;
	s14 =	smul.u32 @!p1 $0x61A800, s14  }
0x37: {  	s16 =	sshll.u32 @!p1 s10, $0x7;
	s15 =	sand.u32 @!p1 $0xFFFFFC00, s15  }
0x38: {  	s14 =	sadd.s32 @!p1 s14, s15;
	s15 =	sand.u32 @!p1 $0x380, s16  }
0x39: {  	s14 =	sor.u32 @!p1 s15, s14  }
0x3a: {  	s15 =	sshrl.u32 @!p1 s14, $0x8  }
0x3b: {  	s15 =	smulhi.u32 @!p1 $0x14F8B59, s15;
	_ =	sdelay $0x1  }
0x3c: {  	s15 =	sshrl.u32 @!p1 s15, $0x4  }
0x3d: {  	s16 =	sand.u32 @!p1 $0x7F, s9;
	s17 =	smul.u32 @!p1 $0xC3500, s15  }
0x3e: {  	s31 =	sadd.s32 $0xFFFFFFFF, s11;
	s14 =	sor.u32 @!p1 s16, s14;
	s16 =	sxor.u32 @!p1 $0xFFFFFFFF, s11  }
0x3f: {  	s16 =	sshll.u32 @!p1 s16, $0xC;
	s15 =	sand.u32 @!p1 $0xF, s15;
	s14 =	ssub.s32 @!p1 s14, s17  }
0x40: {  	s15 =	smul.u32 @!p1 $0x186A0, s15;
	s17 =	sshrl.u32 @!p1 s14, $0x3;
	s14 =	sand.u32 @!p1 $0x7, s14  }
0x41: {  	s16 =	sand.u32 @!p1 $0x1000, s16;
	s17 =	sadd.s32 @!p1 s2, s17;
	s14 =	sshll.u32 @!p1 s14, $0x12  }
0x42: {  	s15 =	sadd.s32 @!p1 s15, s17;
	s14 =	sor.u32 @!p1 $0x800, s14;
	s17 =	simm.s32 @!p1 $0x61A800  }
0x43: {  	[tilespmem:s16], [sflag:$0x1] =	stream.strided.gather @!p1 [hbm4b:s15+s14], $0x1000, s17, s14, $0x38;
	[tilespmem:$0x4200] =	vst v63  }
0x44: {  	p1 =	sge.u32 s31, s5  }
.Ltmp2:
0x45: {  	_ = 	snop;
	(pc) =	sbr.rel @p1 .LBB1_5-.Ltmp2, $1  }
0x46: {  	_ =	sdelay $0x3  }
0x47: {  	s17 =	simm.s32 $0x0  }
0x48: {  	s16 =	sand.u32 $0x800, s17;
	s18 =	sand.u32 $0x380, s17  }
0x49: {  	s14 =	sand.u32 $0x1, s11;
	s16 =	sor.u32 s18, s16  }
0x4a: {  	_ =	swait.ge [sflag:s4], $0x1000;
	s15 =	sshll.u32 s14, $0xC;
	s18 =	sand.u32 $0xB00, s16  }
0x4b: {  	[sflag:s4] =	ssyncset.done $0x0;
	s17 =	sand.u32 $0x80, s17;
	s18 =	sadd.s32 s18, s15  }
0x4c: {  	[sflag:s4] =	ssyncadd.s32 $0xFFFFF000;
	s20 =	sadd.s32 s17, s18  }
0x4d: {  	v4 =	vld [tilespmem:s20+$0x400]  }
0x4e: {  	s19 =	simm.s32 $0x1;
	v5 =	vld [tilespmem:s20+$0x0]  }
0x4f: {  	s19 =	simm.s32 @!p0 $0x0;
	v6 =	vld [tilespmem:s20+$0x10]  }
0x50: {  	v0 =	vmov s15;
	s31 =	smul.u32 $0x4400, s19;
	v7 =	vld [tilespmem:s20+$0x20]  }
0x51: {  	v9 =	vld [tilespmem:s20+$0x30]  }
0x52: {  	s17 =	sshrl.u32 s31, $0x2;
	v10 =	vld [tilespmem:s20+$0x40]  }
0x53: {  	s17 =	sor.u32 $0x2000, s17;
	v11 =	vld [tilespmem:s20+$0x50]  }
0x54: {  	v8 =	vld [tilespmem:s20+$0x60];
	s18 =	sadd.s32 $0x0, s17  }
0x55: {  	v1 =	vld.idx.msk [tilespmem:v0+s16+$0x410 ss:$0x1], $0xffff;
	[tilespmem:s18+$0x880 ss:$0x11] =	vst.msk $0xffff, v4  }
0x56: {  	v2 =	vld.idx.msk [tilespmem:v0+s16+$0x420 ss:$0x1], $0xffff;
	[tilespmem:s18+$0x0 ss:$0x11] =	vst.msk $0xffff, v5  }
0x57: {  	v3 =	vld.idx.msk [tilespmem:v0+s16+$0x430 ss:$0x1], $0xffff;
	[tilespmem:s18+$0x110 ss:$0x11] =	vst.msk $0xffff, v6  }
0x58: {  	s14 =	smul.u32 $0x4400, s14;
	[tilespmem:s18+$0x220 ss:$0x11] =	vst.msk $0xffff, v7;
	v7 =	vld [tilespmem:s20+$0x70]  }
0x59: {  	s21 =	simm.s32 $0x100;
	s22 =	simm.s32 $0x8;
	[tilespmem:s18+$0x330 ss:$0x11] =	vst.msk $0xffff, v9;
	v4 =	vld.idx.msk [tilespmem:v0+s16+$0x440 ss:$0x1], $0xffff  }
0x5a: {  	s23 =	sand.u32 $0x800, s21;
	s14 =	sshrl.u32 s14, $0x2;
	[tilespmem:s18+$0x440 ss:$0x11] =	vst.msk $0xffff, v10;
	v5 =	vld.idx.msk [tilespmem:v0+s16+$0x450 ss:$0x1], $0xffff;
	s20 =	simm.s32 $0x80  }
0x5b: {  	s19 =	simm.s32 $0x4;
	s14 =	sor.u32 $0x2000, s14;
	[tilespmem:s18+$0x550 ss:$0x11] =	vst.msk $0xffff, v11;
	v6 =	vld.idx.msk [tilespmem:v0+s16+$0x460 ss:$0x1], $0xffff;
	s24 =	sand.u32 $0x380, s20  }
.LBB1_3:
0x5c: {  	p1 =	sne.s32 s22, $0x3C;
	[tilespmem:s18+$0x660 ss:$0x11] =	vst.msk $0xffff, v8;
	v8 =	vld.idx.msk [tilespmem:v0+s16+$0x470 ss:$0x1], $0xffff;
	s16 =	sor.u32 s24, s23  }
0x5d: {  	s23 =	sand.u32 $0xB00, s16;
	v9 =	vld.idx.msk [tilespmem:v0+s16+$0x410 ss:$0x1], $0xffff;
	[tilespmem:s18+$0x770 ss:$0x11] =	vst.msk $0xffff, v7  }
0x5e: {  	s24 =	sand.u32 $0x80, s20;
	s23 =	sadd.s32 s23, s15;
	v7 =	vld.idx.msk [tilespmem:v0+s16+$0x420 ss:$0x1], $0xffff;
	[tilespmem:s18+$0x990 ss:$0x11] =	vst.msk $0xffff, v1  }
0x5f: {  	s23 =	sadd.s32 s24, s23;
	v10 =	vld.idx.msk [tilespmem:v0+s16+$0x430 ss:$0x1], $0xffff;
	[tilespmem:s18+$0xAA0 ss:$0x11] =	vst.msk $0xffff, v2  }
0x60: {  	v11 =	vld [tilespmem:s23+$0x400];
	[tilespmem:s18+$0xBB0 ss:$0x11] =	vst.msk $0xffff, v3  }
0x61: {  	v12 =	vld [tilespmem:s23+$0x0];
	[tilespmem:s18+$0xCC0 ss:$0x11] =	vst.msk $0xffff, v4  }
0x62: {  	v4 =	vld [tilespmem:s23+$0x10];
	[tilespmem:s18+$0xDD0 ss:$0x11] =	vst.msk $0xffff, v5  }
0x63: {  	s24 =	sshra.s32 s19, $0x2;
	s19 =	smov.u32 s22;
	v1 =	vmov v9;
	v5 =	vld [tilespmem:s23+$0x20];
	[tilespmem:s18+$0xEE0 ss:$0x11] =	vst.msk $0xffff, v6  }
0x64: {  	v2 =	vmov v7;
	v6 =	vld [tilespmem:s23+$0x30];
	[tilespmem:s18+$0xFF0 ss:$0x11] =	vst.msk $0xffff, v8;
	s18 =	sadd.s32 s24, s17  }
0x65: {  	v3 =	vmov v10;
	v9 =	vld [tilespmem:s23+$0x40];
	[tilespmem:s18+$0x880 ss:$0x11] =	vst.msk $0xffff, v11  }
0x66: {  	[tilespmem:s18+$0x0 ss:$0x11] =	vst.msk $0xffff, v12;
	v10 =	vld [tilespmem:s23+$0x50]  }
.Ltmp3:
0x67: {  	[tilespmem:s18+$0x110 ss:$0x11] =	vst.msk $0xffff, v4;
	v8 =	vld [tilespmem:s23+$0x60];
	(pc) =	sbr.rel @p1 .LBB1_3-.Ltmp3, $4  }
0x68: {  	[tilespmem:s18+$0x220 ss:$0x11] =	vst.msk $0xffff, v5;
	v7 =	vld [tilespmem:s23+$0x70]  }
0x69: {  	[tilespmem:s18+$0x330 ss:$0x11] =	vst.msk $0xffff, v6;
	v4 =	vld.idx.msk [tilespmem:v0+s16+$0x440 ss:$0x1], $0xffff  }
0x6a: {  	s20 =	sadd.s32 $0x80, s20;
	s21 =	sadd.s32 $0x100, s21;
	[tilespmem:s18+$0x440 ss:$0x11] =	vst.msk $0xffff, v9;
	v5 =	vld.idx.msk [tilespmem:v0+s16+$0x450 ss:$0x1], $0xffff  }
0x6b: {  	s22 =	sadd.s32 $0x4, s22;
	s24 =	sand.u32 $0x380, s20;
	s23 =	sand.u32 $0x800, s21;
	[tilespmem:s18+$0x550 ss:$0x11] =	vst.msk $0xffff, v10;
	v6 =	vld.idx.msk [tilespmem:v0+s16+$0x460 ss:$0x1], $0xffff  }
.Ltmp4:
0x6c: {  	_ = 	snop;
	(pc) =	sbr.rel .LBB1_4-.Ltmp4, $1  }
0x6d: {  	_ =	sdelay $0x3  }
.LBB1_6:
0x6e: {  	_ =	sfence.sel $0x180000  }
0x6f: {  	s2 =	simm.s32 $0x1;
	[bflag:$0x0] =	sbarrier.arrive $0xFFFF  }
0x70: {  	s31 =	simm.s32 $0x2;
	[sflag:s2] =	ssyncpa.u1 $0x1  }
0x71: {  	[sflag:s31] =	ssyncpa.u1 $0x1  }
0x72: {  	p0 =	sne.s32 s0, $0x0;
	_ =	strace $0x90000047  }
0x73: {  	s0 =	sadd.s32 @!p0 $0x100000, s1;
	[bflag:$0x2] =	sbarrier.arrive $0xFFFF  }
0x74: {  	[sflag:s0] =	ssyncadd.tile.s32 @!p0 $0x1;
	_ =	shalt  }
.Lfunc_end1:
_tile_overlayer_lowered:
.L_overlay_start_2:
0x75: {  	(tag) =	ssettag $0x2  }
0x76: {  	s0 =	rddreg [dreg:$0x0];
	s2 =	stileid.u32  }
0x77: {  	s1 =	rddreg [dreg:$0x1];
	p0 =	sne.s32 s2, $0x0  }
0x78: {  	s3 =	rddreg [dreg:$0x2];
	[bflag:$0x3] =	sbarrier.arrive $0xFFFF;
	s2 =	simm.s32 @!p0 $0x1C01  }
0x79: {  	[timem:s3], [sflag:s2] =	dma.local @!p0 [hbm:s0], s1  }
0x7a: {  	s0 =	simm.s32 @!p0 $0x1  }
0x7b: {  	_ =	swait.ge @!p0 [sflag:s0], s1  }
0x7c: {  	s1 =	ssub.s32 @!p0 $0x0, s1;
	[sflag:s0] =	ssyncset.done @!p0 $0x0  }
0x7d: {  	[sflag:s0] =	ssyncadd.s32 @!p0 s1  }
0x7e: {  	[bflag:$0x3] =	sbarrier.arrive $0xFFFF  }
0x7f: {  	_ =	shalt  }

</sc_bundles>
